<compile_context>
chip_gen: v7x
topology: tpu7x:2x2x1
jax: 0.10.2.dev20260603
libtpu: 0.0.44.dev20260713+nightly
codegen_flags: <defaults>
</compile_context>

<pallas_src>
import functools

import jax
import jax.numpy as jnp
from jax.experimental import pallas as pl
from jax.experimental.pallas import tpu as pltpu
from jax.experimental.pallas import tpu_sc as plsc

K_NN = 20
N_PAD = 10240
TM = 256
KP = 32
NWORK = 32
DPAD = 48



def _sc_gather(table, idx, ch=128):
    b_total = idx.shape[0]
    d = table.shape[1]
    per_w = b_total // NWORK
    nch = per_w // ch
    assert nch % 2 == 0 and nch * ch == per_w
    idx3 = idx.reshape(NWORK, nch, ch)
    mesh = plsc.VectorSubcoreMesh(core_axis_name="c", subcore_axis_name="s")

    @functools.partial(
        pl.kernel, mesh=mesh,
        out_type=jax.ShapeDtypeStruct((b_total, d), jnp.float32),
        compiler_params=pltpu.CompilerParams(use_tc_tiling_on_sc=False),
        scratch_types=[
            pltpu.VMEM((nch, ch), jnp.int32),
            pltpu.VMEM((ch, d), jnp.float32),
            pltpu.VMEM((ch, d), jnp.float32),
            pltpu.SemaphoreType.DMA,
            pltpu.SemaphoreType.DMA,
            pltpu.SemaphoreType.DMA,
        ],
    )
    def k(table_hbm, idx_hbm, out_hbm, idx_v, buf0, buf1, gsem0, gsem1, wsem):
        wid = jax.lax.axis_index("s") * 2 + jax.lax.axis_index("c")
        base = wid * per_w
        pltpu.sync_copy(idx_hbm.at[wid], idx_v)

        @pl.loop(0, nch, step=2)
        def _(c):
            g0 = pltpu.async_copy(table_hbm.at[idx_v.at[c]], buf0, gsem0)
            g1 = pltpu.async_copy(table_hbm.at[idx_v.at[c + 1]], buf1, gsem1)
            g0.wait()
            w0 = pltpu.async_copy(buf0, out_hbm.at[pl.ds(base + c * ch, ch)], wsem)
            g1.wait()
            w0.wait()
            w1 = pltpu.async_copy(
                buf1, out_hbm.at[pl.ds(base + (c + 1) * ch, ch)], wsem)
            w1.wait()

    return k(table, idx3)



NCH = N_PAD // 128
INF = float("inf")


def _knn_kernel(pos_ref, post_ref, mask_ref, out_ref, d2_ref):
    pr = pos_ref[...]
    pt = post_ref[...]
    sq_r = jnp.sum(pr * pr, axis=1)
    sq_c = jnp.sum(pt * pt, axis=0)
    dot = jax.lax.dot_general(pr, pt, (((1,), (0,)), ((), ())),
                              preferred_element_type=jnp.float32)
    d2 = sq_r[:, None] + sq_c[None, :] + mask_ref[...] - 2.0 * dot
    for c in range(NCH):
        d2_ref[c] = d2[:, 128 * c:128 * (c + 1)]

    laneio2 = jax.lax.broadcasted_iota(jnp.int32, (TM, 128), 1)
    kio = jax.lax.broadcasted_iota(jnp.int32, (TM, KP), 1)

    def refold(v_last, c_last):
        d2c = d2_ref[...]
        chunkio = jax.lax.broadcasted_iota(jnp.int32, (NCH, TM, 128), 0)
        laneio3 = jax.lax.broadcasted_iota(jnp.int32, (NCH, TM, 128), 2)
        colio = chunkio * 128 + laneio3
        ok = (d2c > v_last) | ((d2c == v_last) & (colio > c_last))
        f = jnp.where(ok, d2c, INF)
        m1 = jnp.min(f, axis=0)
        a1 = jnp.min(jnp.where(f == m1, chunkio, NCH), axis=0)
        f = jnp.where(chunkio == a1, INF, f)
        m2 = jnp.min(f, axis=0)
        a2 = jnp.min(jnp.where(f == m2, chunkio, NCH), axis=0)
        f = jnp.where(chunkio == a2, INF, f)
        m3 = jnp.min(f, axis=0)
        a3 = jnp.min(jnp.where(f == m3, chunkio, NCH), axis=0)
        return m1, m2, m3, a1, a2, a3

    def pop_cond(pc):
        n_done, need = pc[6], pc[10]
        return jnp.any((need == 0) & (n_done < K_NN))

    def pop_body(pc):
        m1, m2, m3, a1, a2, a3, n_done, v_last, c_last, acc, need = pc
        val = jnp.min(m1, axis=1, keepdims=True)
        col1 = a1 * 128 + laneio2
        colstar = jnp.min(jnp.where(m1 == val, col1, N_PAD * 2),
                          axis=1, keepdims=True)
        act = (n_done < K_NN) & (need == 0) & (val < INF)
        upd = act & (m1 == val) & (col1 == colstar)
        m1n = jnp.where(upd, m2, m1)
        a1n = jnp.where(upd, a2, a1)
        m2n = jnp.where(upd, m3, m2)
        a2n = jnp.where(upd, a3, a2)
        m3n = jnp.where(upd, INF, m3)
        a3n = jnp.where(upd, NCH, a3)
        newexh = jnp.max(jnp.where(upd & (m1n == INF), 1, 0),
                         axis=1, keepdims=True)
        acc = jnp.where(act & (kio == n_done), colstar, acc)
        v_last = jnp.where(act, val, v_last)
        c_last = jnp.where(act, colstar, c_last)
        n_done = n_done + act.astype(jnp.int32)
        need = jnp.maximum(need, newexh)
        return (m1n, m2n, m3n, a1n, a2n, a3n, n_done, v_last, c_last, acc, need)

    def round_cond(rc):
        return jnp.any(rc[0] < K_NN)

    def round_body(rc):
        n_done, v_last, c_last, acc = rc
        folds = refold(v_last, c_last)
        need = jnp.zeros((TM, 1), jnp.int32)
        pc = folds + (n_done, v_last, c_last, acc, need)
        pc = jax.lax.while_loop(pop_cond, pop_body, pc)
        return (pc[6], pc[7], pc[8], pc[9])

    rc = (jnp.zeros((TM, 1), jnp.int32),
          jnp.full((TM, 1), -INF, jnp.float32),
          jnp.full((TM, 1), -1, jnp.int32),
          jnp.zeros((TM, KP), jnp.int32))
    rc = jax.lax.while_loop(round_cond, round_body, rc)
    out_ref[...] = rc[3]


def _knn_idx(pos, n):
    posp = jnp.zeros((N_PAD, 3), jnp.float32).at[:n].set(pos)
    post = posp.T
    mask = jnp.where(jnp.arange(N_PAD) < n, 0.0, jnp.inf).astype(jnp.float32)[None]
    out = pl.pallas_call(
        _knn_kernel,
        grid=(N_PAD // TM,),
        in_specs=[
            pl.BlockSpec((TM, 3), lambda i: (i, 0)),
            pl.BlockSpec((3, N_PAD), lambda i: (0, 0)),
            pl.BlockSpec((1, N_PAD), lambda i: (0, 0)),
        ],
        out_specs=pl.BlockSpec((TM, KP), lambda i: (i, 0)),
        out_shape=jax.ShapeDtypeStruct((N_PAD, KP), jnp.int32),
        scratch_shapes=[pltpu.VMEM((NCH, TM, 128), jnp.float32)],
        compiler_params=pltpu.CompilerParams(
            dimension_semantics=("arbitrary",)),
    )(posp, post, mask)
    return out[:n, :K_NN]



def _lin(p, x):
    return x @ p["w"] + p["b"]


def _mlp_f(p, x):
    return _lin(p["l2"], jax.nn.relu(_lin(p["l1"], x)))


def _mlp1_zero(p):
    return _lin(p["l2"], jax.nn.relu(p["l1"]["b"]))


def _pad_mat(w):
    return jnp.zeros((DPAD, DPAD), jnp.float32).at[:w.shape[0], :w.shape[1]].set(w)


def _pad_vec(v):
    return jnp.zeros((DPAD,), jnp.float32).at[:v.shape[0]].set(v)


def _dot(a, b):
    return jax.lax.dot_general(a, b, (((1,), (0,)), ((), ())),
                               preferred_element_type=jnp.float32)



def _embed_kernel(atoms_ref, emb_ref, posp_ref, o_ref):
    a = atoms_ref[...]
    tio = jax.lax.broadcasted_iota(jnp.int32, (a.shape[0], emb_ref.shape[0]), 1)
    oh = (a == tio).astype(jnp.float32)
    o_ref[...] = _dot(oh, emb_ref[...]) + posp_ref[...]


def _matmul_kernel(x_ref, w_ref, o_ref):
    o_ref[...] = _dot(x_ref[...], w_ref[...])


def _tc_matmul(x, w):
    return pl.pallas_call(
        _matmul_kernel,
        out_shape=jax.ShapeDtypeStruct((x.shape[0], w.shape[1]), jnp.float32),
    )(x, w)


def _bondmsg_kernel(n_edges, uc_ref, ur_ref, b1_ref, o_ref):
    m = jax.nn.relu(uc_ref[...] - ur_ref[...] + b1_ref[...])
    eio = jax.lax.broadcasted_iota(jnp.int32, m.shape, 0)
    lio = jax.lax.broadcasted_iota(jnp.int32, m.shape, 1)
    valid = eio < n_edges
    m = jnp.where(valid, m, 0.0)
    o_ref[...] = m + jnp.where(valid & (lio == DPAD - 1), 1.0, 0.0)


def _bondpost_kernel(s0_ref, s1_ref, w2_ref, b2_ref, cc_ref,
                     wm1_ref, bm1_ref, wm2_ref, bm2_ref, o_ref):
    s = s0_ref[0] + s1_ref[0]
    deg = s[:, DPAD - 1:DPAD]
    agg = _dot(s, w2_ref[...]) + deg * b2_ref[...] + cc_ref[...]
    t = jax.nn.relu(_dot(agg, wm1_ref[...]) + bm1_ref[...])
    o_ref[...] = jax.nn.relu(_dot(t, wm2_ref[...]) + bm2_ref[...])


def _knnagg_kernel(ug_ref, u_ref, b1_ref, w2_ref, cc_ref,
                   wm1_ref, bm1_ref, wm2_ref, bm2_ref, o_ref):
    u = u_ref[...]
    b1 = b1_ref[...]
    s = jax.nn.relu(ug_ref[0] - u + b1)
    for j in range(1, K_NN):
        s = s + jax.nn.relu(ug_ref[j] - u + b1)
    agg = _dot(s, w2_ref[...]) + cc_ref[...]
    t = jax.nn.relu(_dot(agg, wm1_ref[...]) + bm1_ref[...])
    o_ref[...] = jax.nn.relu(_dot(t, wm2_ref[...]) + bm2_ref[...])


def _final_kernel(xy_ref, wy_ref, xz_ref, wz_ref, bb_ref, o_ref):
    o_ref[...] = (_dot(xy_ref[...], wy_ref[...])
                  + _dot(xz_ref[...], wz_ref[...]) + bb_ref[...])



def _sc_scatter_add(vals, rows3, zeros_pad):
    e3 = vals.shape[0]
    per_w = e3 // NWORK
    nchs = rows3.shape[1]
    rows_half = N_PAD // 16
    mesh = plsc.VectorSubcoreMesh(core_axis_name="c", subcore_axis_name="s")

    @functools.partial(
        pl.kernel, mesh=mesh,
        out_type=jax.ShapeDtypeStruct((2, N_PAD, DPAD), jnp.float32),
        compiler_params=pltpu.CompilerParams(use_tc_tiling_on_sc=False),
        scratch_types=[
            pltpu.VMEM((nchs, 128), jnp.int32),
            pltpu.VMEM((per_w, DPAD), jnp.float32),
            pltpu.VMEM_SHARED((N_PAD, DPAD), jnp.float32),
            pltpu.SemaphoreType.DMA,
        ],
    )
    def k(vals_hbm, rows_hbm, zeros_hbm, out_hbm, idx_v, vals_v, shared, sem):
        core = jax.lax.axis_index("c")
        sid = jax.lax.axis_index("s")
        wid = sid * 2 + core
        pltpu.async_copy(zeros_hbm.at[pl.ds(sid * rows_half, rows_half)],
                         shared.at[pl.ds(sid * rows_half, rows_half)], sem).wait()
        plsc.subcore_barrier()
        pltpu.sync_copy(rows_hbm.at[wid], idx_v)
        pltpu.sync_copy(vals_hbm.at[pl.ds(wid * per_w, per_w)], vals_v)
        for c in range(nchs):
            pltpu.sync_copy(vals_v.at[pl.ds(c * 128, 128)],
                            shared.at[idx_v.at[c]], add=True)
        plsc.subcore_barrier()
        pltpu.sync_copy(shared.at[pl.ds(sid * rows_half, rows_half)],
                        out_hbm.at[core].at[pl.ds(sid * rows_half, rows_half)])

    return k(vals, rows3, zeros_pad)



def _layer_params(lp, k_extra):
    m1, m2 = lp["mlp1"], lp["mlp2"]
    return dict(
        w1=_pad_mat(m1["l1"]["w"]), b1=_pad_vec(m1["l1"]["b"])[None],
        w2=_pad_mat(m1["l2"]["w"]), b2=_pad_vec(m1["l2"]["b"])[None],
        cc=_pad_vec(k_extra * m1["l2"]["b"] + _mlp1_zero(m1))[None],
        wm1=_pad_mat(m2["l1"]["w"]), bm1=_pad_vec(m2["l1"]["b"])[None],
        wm2=_pad_mat(m2["l2"]["w"]), bm2=_pad_vec(m2["l2"]["b"])[None],
    )


E_PAD = 12288
TMB = 1024


def _gin_bonds_pallas(p, x48, colrow_idx, rows3, zeros_pad, n):
    for lp in p["layers"]:
        q = _layer_params(lp, 0)
        u = _tc_matmul(x48, q["w1"])
        g = _sc_gather(u, colrow_idx)
        m = pl.pallas_call(
            functools.partial(_bondmsg_kernel, n),
            grid=(1,),
            in_specs=[
                pl.BlockSpec((E_PAD, DPAD), lambda i: (0, 0)),
                pl.BlockSpec((E_PAD, DPAD), lambda i: (1, 0)),
                pl.BlockSpec((1, DPAD), lambda i: (0, 0)),
            ],
            out_specs=pl.BlockSpec((E_PAD, DPAD), lambda i: (0, 0)),
            out_shape=jax.ShapeDtypeStruct((E_PAD, DPAD), jnp.float32),
        )(g, g, q["b1"])
        s2 = _sc_scatter_add(m, rows3, zeros_pad)
        x48 = pl.pallas_call(
            _bondpost_kernel,
            grid=(1,),
            in_specs=[
                pl.BlockSpec((1, N_PAD, DPAD), lambda i: (0, 0, 0)),
                pl.BlockSpec((1, N_PAD, DPAD), lambda i: (1, 0, 0)),
                pl.BlockSpec((DPAD, DPAD), lambda i: (0, 0)),
                pl.BlockSpec((1, DPAD), lambda i: (0, 0)),
                pl.BlockSpec((1, DPAD), lambda i: (0, 0)),
                pl.BlockSpec((DPAD, DPAD), lambda i: (0, 0)),
                pl.BlockSpec((1, DPAD), lambda i: (0, 0)),
                pl.BlockSpec((DPAD, DPAD), lambda i: (0, 0)),
                pl.BlockSpec((1, DPAD), lambda i: (0, 0)),
            ],
            out_specs=pl.BlockSpec((N_PAD, DPAD), lambda i: (0, 0)),
            out_shape=jax.ShapeDtypeStruct((N_PAD, DPAD), jnp.float32),
        )(s2, s2, q["w2"], q["b2"], q["cc"], q["wm1"], q["bm1"], q["wm2"], q["bm2"])
    return x48


def _gin_knn_pallas(p, x48, idx_jmajor):
    for lp in p["layers"]:
        q = _layer_params(lp, K_NN)
        u = _tc_matmul(x48, q["w1"])
        ug = _sc_gather(u, idx_jmajor).reshape(K_NN, N_PAD, DPAD)
        x48 = pl.pallas_call(
            _knnagg_kernel,
            grid=(N_PAD // TMB,),
            in_specs=[
                pl.BlockSpec((K_NN, TMB, DPAD), lambda i: (0, i, 0)),
                pl.BlockSpec((TMB, DPAD), lambda i: (i, 0)),
                pl.BlockSpec((1, DPAD), lambda i: (0, 0)),
                pl.BlockSpec((DPAD, DPAD), lambda i: (0, 0)),
                pl.BlockSpec((1, DPAD), lambda i: (0, 0)),
                pl.BlockSpec((DPAD, DPAD), lambda i: (0, 0)),
                pl.BlockSpec((1, DPAD), lambda i: (0, 0)),
                pl.BlockSpec((DPAD, DPAD), lambda i: (0, 0)),
                pl.BlockSpec((1, DPAD), lambda i: (0, 0)),
            ],
            out_specs=pl.BlockSpec((TMB, DPAD), lambda i: (i, 0)),
            out_shape=jax.ShapeDtypeStruct((N_PAD, DPAD), jnp.float32),
        )(ug, u, q["b1"], q["w2"], q["cc"], q["wm1"], q["bm1"], q["wm2"], q["bm2"])
    return x48


def kernel(positions, atoms, bonds, params):
    b, n, _ = positions.shape
    pos = positions[0]

    atoms2d = jnp.zeros((N_PAD, 1), jnp.int32).at[:n, 0].set(atoms)
    embp = jnp.zeros((8, DPAD), jnp.float32).at[:, :32].set(params["embedding"])
    posp48 = jnp.zeros((N_PAD, DPAD), jnp.float32).at[:n, 32:35].set(pos)
    e = bonds.shape[0]
    colpad = jnp.zeros((E_PAD,), jnp.int32).at[:e].set(bonds[:, 1])
    rowpad = jnp.zeros((E_PAD,), jnp.int32).at[:e].set(bonds[:, 0])
    colrow_idx = jnp.concatenate([colpad, rowpad])
    rows3 = rowpad.reshape(NWORK, E_PAD // NWORK // 128, 128)
    zeros_pad = jnp.zeros((N_PAD, DPAD), jnp.float32)

    x48 = pl.pallas_call(
        _embed_kernel,
        out_shape=jax.ShapeDtypeStruct((N_PAD, DPAD), jnp.float32),
    )(atoms2d, embp, posp48)

    xy = _gin_bonds_pallas(params["gin1"], x48, colrow_idx, rows3, zeros_pad, e)

    idx = _knn_idx(pos, n)
    idx_jmajor = jnp.zeros((K_NN, N_PAD), jnp.int32).at[:, :n].set(idx.T).reshape(-1)
    xz = _gin_knn_pallas(params["gin2"], x48, idx_jmajor)

    fcwy = jnp.zeros((DPAD, 3), jnp.float32).at[:32].set(params["gin1"]["fc"]["w"])
    fcwz = jnp.zeros((DPAD, 3), jnp.float32).at[:32].set(params["gin2"]["fc"]["w"])
    bb = (params["gin1"]["fc"]["b"] + params["gin2"]["fc"]["b"])[None]
    out = pl.pallas_call(
        _final_kernel,
        out_shape=jax.ShapeDtypeStruct((N_PAD, 3), jnp.float32),
    )(xy, fcwy, xz, fcwz, bb)
    return out[:n][None]

# --- scband reference (transcript-rebuilt; emitter-appended) ---
"""Pipeline reference for scband-calculate-forces-6571299963157 (READ-ONLY COPY).

The authoritative reference and input builder live on the scoring server;
editing this copy changes nothing except your own understanding.
"""

import jax, jax.numpy as jnp
import numpy as np

N_ATOM_TYPES = 8
DIM = 32
LAYERS = 2
K_NN = 20
B, N = 1, 10000


def _linear_params(key, din, dout):
    k1, k2 = jax.random.split(key)
    s = 1.0 / np.sqrt(din)
    return {"w": jax.random.uniform(k1, (din, dout), minval=-s, maxval=s, dtype=jnp.float32),
            "b": jax.random.uniform(k2, (dout,), minval=-s, maxval=s, dtype=jnp.float32)}


def _mlp_params(key, din, dh, dout):
    k1, k2 = jax.random.split(key)
    return {"l1": _linear_params(k1, din, dh), "l2": _linear_params(k2, dh, dout)}


def _gin_params(key, din, dh, nl):
    keys = jax.random.split(key, nl + 1)
    layers = []
    d = din
    for i in range(nl):
        ka, kb = jax.random.split(keys[i])
        layers.append({"mlp1": _mlp_params(ka, d, d, d), "mlp2": _mlp_params(kb, d, dh, dh)})
        d = dh
    return {"layers": layers, "fc": _linear_params(keys[-1], dh, 3)}


def setup_inputs(seed: int = 0):
    key = jax.random.key(seed)
    ks = jax.random.split(key, 6)
    positions = jax.random.normal(ks[0], (B, N, 3), dtype=jnp.float32) * 10.0
    atoms = jax.random.randint(ks[1], (N,), 0, 4, dtype=jnp.int32)
    bonds = jax.random.randint(ks[2], (N, 2), 0, N, dtype=jnp.int32)
    params = {
        "embedding": jax.random.normal(ks[3], (N_ATOM_TYPES, DIM), dtype=jnp.float32) * 0.1,
        "gin1": _gin_params(ks[4], DIM + 3, 32, LAYERS),
        "gin2": _gin_params(ks[5], DIM + 3, 32, LAYERS),
    }
    return {"positions": positions, "atoms": atoms, "bonds": bonds, "params": params}


def _linear(p, x):
    return x @ p["w"] + p["b"]


def _mlp(p, x):
    return _linear(p["l2"], jax.nn.relu(_linear(p["l1"], x)))


def _gin_layer(p, x, edges):
    # x: [B, N, D], edges: [B, E, 2]
    b, n, d = x.shape
    self_loop = jnp.stack([jnp.arange(n), jnp.arange(n)], axis=1)
    self_loop = jnp.broadcast_to(self_loop[None], (b, n, 2))
    e = jnp.concatenate([edges, self_loop], axis=1)

    def per(xb, eb):
        row = eb[:, 0]
        col = eb[:, 1]
        msgs = _mlp(p["mlp1"], xb[col] - xb[row])
        agg = jnp.zeros_like(xb).at[row].add(msgs)
        return _mlp(p["mlp2"], agg)

    return jax.vmap(per)(x, e)


def _gin(p, x, edges):
    for lp in p["layers"]:
        x = jax.nn.relu(_gin_layer(lp, x, edges))
        # F.dropout(p=0.5, training=False) -> identity in eval mode
    return _linear(p["fc"], x)


def _knn_edges(pos, k):
    def per(pb):
        sq = jnp.sum(pb * pb, axis=1)
        d2 = sq[:, None] + sq[None, :] - 2.0 * (pb @ pb.T)
        _, idx = jax.lax.top_k(-d2, k)
        src = jnp.repeat(jnp.arange(pb.shape[0]), k)
        return jnp.stack([src, idx.reshape(-1)], axis=1)

    return jax.vmap(per)(pos)


def reference(positions, atoms, bonds, params):
    b = positions.shape[0]
    emb = params["embedding"][atoms]  # [N, 32]
    x = jnp.concatenate([jnp.broadcast_to(emb[None], (b,) + emb.shape), positions], axis=2)
    bonds_b = jnp.broadcast_to(bonds[None], (b,) + bonds.shape)
    y = _gin(params["gin1"], x, bonds_b)
    knn = _knn_edges(jax.lax.stop_gradient(positions), K_NN)
    z = _gin(params["gin2"], x, knn)
    return y + z

if __name__ == "__main__":
    import jax
    _d = setup_inputs()
    print(jax.jit(kernel)(*tuple(_d.values())))

</pallas_src>

<mosaic_0001>
#map = affine_map<(d0, d1) -> (0, 0)>
#map1 = affine_map<(d0, d1) -> (0, 0, 0)>
module attributes {stable_mosaic.version = 14 : i64} {
  func.func @k(%arg0: i32, %arg1: i32, %arg2: memref<10240x48xf32, #tpu.memory_space<hbm>>, %arg3: memref<32x6x128xi32, #tpu.memory_space<hbm>>, %arg4: memref<24576x48xf32, #tpu.memory_space<hbm>>, %arg5: memref<6x128xi32, #tpu.memory_space<vmem>>, %arg6: memref<128x48xf32, #tpu.memory_space<vmem>>, %arg7: memref<128x48xf32, #tpu.memory_space<vmem>>, %arg8: memref<!tpu.dma_semaphore, #tpu.memory_space<semaphore_mem>>, %arg9: memref<!tpu.dma_semaphore, #tpu.memory_space<semaphore_mem>>, %arg10: memref<!tpu.dma_semaphore, #tpu.memory_space<semaphore_mem>>) attributes {dimension_semantics = [#tpu.dimension_semantics<core_parallel>, #tpu.dimension_semantics<subcore_parallel>], iteration_bounds = array<i64: 2, 16>, scalar_prefetch = 0 : i64, scratch_operands = 6 : i64, tpu.core_type = #tpu.core_type<sc_vector_subcore>, window_params = [{transform_indices = #map}, {transform_indices = #map1}, {transform_indices = #map}]} {
    %mul3A = arith.constant 2 : i32
    %mul3A_0 = arith.muli %arg1, %mul3A : i32
    %add3A = arith.addi %mul3A_0, %arg0 : i32
    %mul3A_1 = arith.constant 768 : i32
    %mul3A_2 = arith.muli %add3A, %mul3A_1 : i32
    "tpu.region"() ({
      %run_scoped3A = tpu.sem_alloc : memref<!tpu.dma_semaphore, #tpu.memory_space<semaphore_mem>>
      %dma_start3A = arith.constant 0 : i32
      %dma_start3A_7 = arith.constant 0 : i32
      %dma_start3A_8 = tpu.memref_slice %arg3[%add3A, %dma_start3A, %dma_start3A_7] : memref<32x6x128xi32, #tpu.memory_space<hbm>> -> memref<1x6x128xi32, #tpu.memory_space<hbm>>
      %dma_start3A_9 = tpu.memref_squeeze %dma_start3A_8 : memref<1x6x128xi32, #tpu.memory_space<hbm>> -> memref<6x128xi32, #tpu.memory_space<hbm>>
      %dma_start3A_10 = arith.constant 0 : i32
      %dma_start3A_11 = arith.constant 0 : i32
      %dma_start3A_12 = tpu.memref_slice %arg3[%add3A, %dma_start3A_10, %dma_start3A_11] : memref<32x6x128xi32, #tpu.memory_space<hbm>> -> memref<1x6x128xi32, #tpu.memory_space<hbm>>
      %dma_start3A_13 = tpu.memref_squeeze %dma_start3A_12 : memref<1x6x128xi32, #tpu.memory_space<hbm>> -> memref<6x128xi32, #tpu.memory_space<hbm>>
      tpu.enqueue_dma source(%dma_start3A_13 : memref<6x128xi32, #tpu.memory_space<hbm>>) target(%arg5 : memref<6x128xi32, #tpu.memory_space<vmem>>) target_semaphore(%run_scoped3A : memref<!tpu.dma_semaphore, #tpu.memory_space<semaphore_mem>>)
      %dma_wait3A = arith.constant 0 : i32
      %dma_wait3A_14 = arith.constant 0 : i32
      %dma_wait3A_15 = tpu.memref_slice %arg3[%add3A, %dma_wait3A, %dma_wait3A_14] : memref<32x6x128xi32, #tpu.memory_space<hbm>> -> memref<1x6x128xi32, #tpu.memory_space<hbm>>
      %dma_wait3A_16 = tpu.memref_squeeze %dma_wait3A_15 : memref<1x6x128xi32, #tpu.memory_space<hbm>> -> memref<6x128xi32, #tpu.memory_space<hbm>>
      %dma_wait3A_17 = arith.constant 0 : i32
      %dma_wait3A_18 = arith.constant 0 : i32
      %dma_wait3A_19 = tpu.memref_slice %arg3[%add3A, %dma_wait3A_17, %dma_wait3A_18] : memref<32x6x128xi32, #tpu.memory_space<hbm>> -> memref<1x6x128xi32, #tpu.memory_space<hbm>>
      %dma_wait3A_20 = tpu.memref_squeeze %dma_wait3A_19 : memref<1x6x128xi32, #tpu.memory_space<hbm>> -> memref<6x128xi32, #tpu.memory_space<hbm>>
      tpu.wait_dma2 semaphore(%run_scoped3A : memref<!tpu.dma_semaphore, #tpu.memory_space<semaphore_mem>>) src(%dma_wait3A_20 : memref<6x128xi32, #tpu.memory_space<hbm>>) dst(%arg5 : memref<6x128xi32, #tpu.memory_space<vmem>>)
      tpu.yield
    }) : () -> ()
    %scan3A = arith.constant 0 : i32
    %scan3A_3 = arith.constant 3 : i32
    %scan3A_4 = arith.addi %scan3A, %scan3A_3 : i32
    %scan3A_5 = arith.constant 1 : i32
    scf.for %scan3A_7 = %scan3A to %scan3A_4 step %scan3A_5  : i32 {
      %mul3A_8 = arith.constant 2 : i32
      %mul3A_9 = arith.muli %scan3A_7, %mul3A_8 : i32
      %add3A_10 = arith.constant 0 : i32
      %add3A_11 = arith.addi %add3A_10, %mul3A_9 : i32
      %dma_start3A = arith.constant 0 : i32
      %dma_start3A_12 = tpu.memref_slice %arg5[%add3A_11, %dma_start3A] : memref<6x128xi32, #tpu.memory_space<vmem>> -> memref<1x128xi32, #tpu.memory_space<vmem>>
      %dma_start3A_13 = tpu.memref_squeeze %dma_start3A_12 : memref<1x128xi32, #tpu.memory_space<vmem>> -> memref<128xi32, #tpu.memory_space<vmem>>
      %dma_start3A_14 = arith.constant 0 : i32
      %dma_start3A_15 = arith.constant 0 : i32
      %dma_start3A_16 = tpu.memref_slice %arg2[%dma_start3A_14, %dma_start3A_15] : memref<10240x48xf32, #tpu.memory_space<hbm>> -> memref<10240x48xf32, #tpu.memory_space<hbm>>
      tpu.enqueue_indirect_dma source(%dma_start3A_16 : memref<10240x48xf32, #tpu.memory_space<hbm>>) target(%arg6 : memref<128x48xf32, #tpu.memory_space<vmem>>) offsets(%dma_start3A_13 : memref<128xi32, #tpu.memory_space<vmem>>) semaphore(%arg8 : memref<!tpu.dma_semaphore, #tpu.memory_space<semaphore_mem>>)
      %add3A_17 = arith.constant 1 : i32
      %add3A_18 = arith.addi %add3A_11, %add3A_17 : i32
      %dma_start3A_19 = arith.constant 0 : i32
      %dma_start3A_20 = tpu.memref_slice %arg5[%add3A_18, %dma_start3A_19] : memref<6x128xi32, #tpu.memory_space<vmem>> -> memref<1x128xi32, #tpu.memory_space<vmem>>
      %dma_start3A_21 = tpu.memref_squeeze %dma_start3A_20 : memref<1x128xi32, #tpu.memory_space<vmem>> -> memref<128xi32, #tpu.memory_space<vmem>>
      %dma_start3A_22 = arith.constant 0 : i32
      %dma_start3A_23 = arith.constant 0 : i32
      %dma_start3A_24 = tpu.memref_slice %arg2[%dma_start3A_22, %dma_start3A_23] : memref<10240x48xf32, #tpu.memory_space<hbm>> -> memref<10240x48xf32, #tpu.memory_space<hbm>>
      tpu.enqueue_indirect_dma source(%dma_start3A_24 : memref<10240x48xf32, #tpu.memory_space<hbm>>) target(%arg7 : memref<128x48xf32, #tpu.memory_space<vmem>>) offsets(%dma_start3A_21 : memref<128xi32, #tpu.memory_space<vmem>>) semaphore(%arg9 : memref<!tpu.dma_semaphore, #tpu.memory_space<semaphore_mem>>)
      %dma_wait3A = arith.constant 0 : i32
      %dma_wait3A_25 = tpu.memref_slice %arg5[%add3A_11, %dma_wait3A] : memref<6x128xi32, #tpu.memory_space<vmem>> -> memref<1x128xi32, #tpu.memory_space<vmem>>
      %dma_wait3A_26 = tpu.memref_squeeze %dma_wait3A_25 : memref<1x128xi32, #tpu.memory_space<vmem>> -> memref<128xi32, #tpu.memory_space<vmem>>
      %dma_wait3A_27 = arith.constant 0 : i32
      %dma_wait3A_28 = arith.constant 0 : i32
      %dma_wait3A_29 = tpu.memref_slice %arg2[%dma_wait3A_27, %dma_wait3A_28] : memref<10240x48xf32, #tpu.memory_space<hbm>> -> memref<10240x48xf32, #tpu.memory_space<hbm>>
      tpu.wait_indirect_dma semaphore(%arg8 : memref<!tpu.dma_semaphore, #tpu.memory_space<semaphore_mem>>) src(%dma_wait3A_29 : memref<10240x48xf32, #tpu.memory_space<hbm>>) dst(%arg6 : memref<128x48xf32, #tpu.memory_space<vmem>>)
      %mul3A_30 = arith.constant 128 : i32
      %mul3A_31 = arith.muli %add3A_11, %mul3A_30 : i32
      %add3A_32 = arith.addi %mul3A_2, %mul3A_31 : i32
      %dma_start3A_33 = arith.constant 0 : i32
      %dma_start3A_34 = tpu.memref_slice %arg4[%add3A_32, %dma_start3A_33] : memref<24576x48xf32, #tpu.memory_space<hbm>> -> memref<128x48xf32, #tpu.memory_space<hbm>>
      %dma_start3A_35 = arith.constant 0 : i32
      %dma_start3A_36 = tpu.memref_slice %arg4[%add3A_32, %dma_start3A_35] : memref<24576x48xf32, #tpu.memory_space<hbm>> -> memref<128x48xf32, #tpu.memory_space<hbm>>
      tpu.enqueue_dma source(%arg6 : memref<128x48xf32, #tpu.memory_space<vmem>>) target(%dma_start3A_36 : memref<128x48xf32, #tpu.memory_space<hbm>>) target_semaphore(%arg10 : memref<!tpu.dma_semaphore, #tpu.memory_space<semaphore_mem>>)
      %dma_wait3A_37 = arith.constant 0 : i32
      %dma_wait3A_38 = tpu.memref_slice %arg5[%add3A_18, %dma_wait3A_37] : memref<6x128xi32, #tpu.memory_space<vmem>> -> memref<1x128xi32, #tpu.memory_space<vmem>>
      %dma_wait3A_39 = tpu.memref_squeeze %dma_wait3A_38 : memref<1x128xi32, #tpu.memory_space<vmem>> -> memref<128xi32, #tpu.memory_space<vmem>>
      %dma_wait3A_40 = arith.constant 0 : i32
      %dma_wait3A_41 = arith.constant 0 : i32
      %dma_wait3A_42 = tpu.memref_slice %arg2[%dma_wait3A_40, %dma_wait3A_41] : memref<10240x48xf32, #tpu.memory_space<hbm>> -> memref<10240x48xf32, #tpu.memory_space<hbm>>
      tpu.wait_indirect_dma semaphore(%arg9 : memref<!tpu.dma_semaphore, #tpu.memory_space<semaphore_mem>>) src(%dma_wait3A_42 : memref<10240x48xf32, #tpu.memory_space<hbm>>) dst(%arg7 : memref<128x48xf32, #tpu.memory_space<vmem>>)
      %dma_wait3A_43 = arith.constant 0 : i32
      %dma_wait3A_44 = tpu.memref_slice %arg4[%add3A_32, %dma_wait3A_43] : memref<24576x48xf32, #tpu.memory_space<hbm>> -> memref<128x48xf32, #tpu.memory_space<hbm>>
      %dma_wait3A_45 = arith.constant 0 : i32
      %dma_wait3A_46 = tpu.memref_slice %arg4[%add3A_32, %dma_wait3A_45] : memref<24576x48xf32, #tpu.memory_space<hbm>> -> memref<128x48xf32, #tpu.memory_space<hbm>>
      tpu.wait_dma2 semaphore(%arg10 : memref<!tpu.dma_semaphore, #tpu.memory_space<semaphore_mem>>) src(%arg6 : memref<128x48xf32, #tpu.memory_space<vmem>>) dst(%dma_wait3A_46 : memref<128x48xf32, #tpu.memory_space<hbm>>)
      %add3A_47 = arith.constant 1 : i32
      %add3A_48 = arith.addi %add3A_11, %add3A_47 : i32
      %mul3A_49 = arith.constant 128 : i32
      %mul3A_50 = arith.muli %add3A_48, %mul3A_49 : i32
      %add3A_51 = arith.addi %mul3A_2, %mul3A_50 : i32
      %dma_start3A_52 = arith.constant 0 : i32
      %dma_start3A_53 = tpu.memref_slice %arg4[%add3A_51, %dma_start3A_52] : memref<24576x48xf32, #tpu.memory_space<hbm>> -> memref<128x48xf32, #tpu.memory_space<hbm>>
      %dma_start3A_54 = arith.constant 0 : i32
      %dma_start3A_55 = tpu.memref_slice %arg4[%add3A_51, %dma_start3A_54] : memref<24576x48xf32, #tpu.memory_space<hbm>> -> memref<128x48xf32, #tpu.memory_space<hbm>>
      tpu.enqueue_dma source(%arg7 : memref<128x48xf32, #tpu.memory_space<vmem>>) target(%dma_start3A_55 : memref<128x48xf32, #tpu.memory_space<hbm>>) target_semaphore(%arg10 : memref<!tpu.dma_semaphore, #tpu.memory_space<semaphore_mem>>)
      %dma_wait3A_56 = arith.constant 0 : i32
      %dma_wait3A_57 = tpu.memref_slice %arg4[%add3A_51, %dma_wait3A_56] : memref<24576x48xf32, #tpu.memory_space<hbm>> -> memref<128x48xf32, #tpu.memory_space<hbm>>
      %dma_wait3A_58 = arith.constant 0 : i32
      %dma_wait3A_59 = tpu.memref_slice %arg4[%add3A_51, %dma_wait3A_58] : memref<24576x48xf32, #tpu.memory_space<hbm>> -> memref<128x48xf32, #tpu.memory_space<hbm>>
      tpu.wait_dma2 semaphore(%arg10 : memref<!tpu.dma_semaphore, #tpu.memory_space<semaphore_mem>>) src(%arg7 : memref<128x48xf32, #tpu.memory_space<vmem>>) dst(%dma_wait3A_59 : memref<128x48xf32, #tpu.memory_space<hbm>>)
    }
    %scan3A_6 = arith.constant 3 : i32
    return
  }
}

#map = affine_map<(d0, d1) -> (0, 0)>
#map1 = affine_map<(d0, d1) -> (0, 0, 0)>
module attributes {stable_mosaic.version = 14 : i64} {
  func.func @k(%arg0: i32, %arg1: i32, %arg2: memref<10240x48xf32, #tpu.memory_space<hbm>>, %arg3: memref<32x6x128xi32, #tpu.memory_space<hbm>>, %arg4: memref<24576x48xf32, #tpu.memory_space<hbm>>, %arg5: memref<6x128xi32, #tpu.memory_space<vmem>>, %arg6: memref<128x48xf32, #tpu.memory_space<vmem>>, %arg7: memref<128x48xf32, #tpu.memory_space<vmem>>, %arg8: memref<!tpu.dma_semaphore, #tpu.memory_space<semaphore_mem>>, %arg9: memref<!tpu.dma_semaphore, #tpu.memory_space<semaphore_mem>>, %arg10: memref<!tpu.dma_semaphore, #tpu.memory_space<semaphore_mem>>) attributes {dimension_semantics = [#tpu.dimension_semantics<core_parallel>, #tpu.dimension_semantics<subcore_parallel>], iteration_bounds = array<i64: 2, 16>, scalar_prefetch = 0 : i64, scratch_operands = 6 : i64, tpu.core_type = #tpu.core_type<sc_vector_subcore>, window_params = [{transform_indices = #map}, {transform_indices = #map1}, {transform_indices = #map}]} {
    %mul3A = arith.constant 2 : i32
    %mul3A_0 = arith.muli %arg1, %mul3A : i32
    %add3A = arith.addi %mul3A_0, %arg0 : i32
    %mul3A_1 = arith.constant 768 : i32
    %mul3A_2 = arith.muli %add3A, %mul3A_1 : i32
    "tpu.region"() ({
      %run_scoped3A = tpu.sem_alloc : memref<!tpu.dma_semaphore, #tpu.memory_space<semaphore_mem>>
      %dma_start3A = arith.constant 0 : i32
      %dma_start3A_7 = arith.constant 0 : i32
      %dma_start3A_8 = tpu.memref_slice %arg3[%add3A, %dma_start3A, %dma_start3A_7] : memref<32x6x128xi32, #tpu.memory_space<hbm>> -> memref<1x6x128xi32, #tpu.memory_space<hbm>>
      %dma_start3A_9 = tpu.memref_squeeze %dma_start3A_8 : memref<1x6x128xi32, #tpu.memory_space<hbm>> -> memref<6x128xi32, #tpu.memory_space<hbm>>
      %dma_start3A_10 = arith.constant 0 : i32
      %dma_start3A_11 = arith.constant 0 : i32
      %dma_start3A_12 = tpu.memref_slice %arg3[%add3A, %dma_start3A_10, %dma_start3A_11] : memref<32x6x128xi32, #tpu.memory_space<hbm>> -> memref<1x6x128xi32, #tpu.memory_space<hbm>>
      %dma_start3A_13 = tpu.memref_squeeze %dma_start3A_12 : memref<1x6x128xi32, #tpu.memory_space<hbm>> -> memref<6x128xi32, #tpu.memory_space<hbm>>
      tpu.enqueue_dma source(%dma_start3A_13 : memref<6x128xi32, #tpu.memory_space<hbm>>) target(%arg5 : memref<6x128xi32, #tpu.memory_space<vmem>>) target_semaphore(%run_scoped3A : memref<!tpu.dma_semaphore, #tpu.memory_space<semaphore_mem>>)
      %dma_wait3A = arith.constant 0 : i32
      %dma_wait3A_14 = arith.constant 0 : i32
      %dma_wait3A_15 = tpu.memref_slice %arg3[%add3A, %dma_wait3A, %dma_wait3A_14] : memref<32x6x128xi32, #tpu.memory_space<hbm>> -> memref<1x6x128xi32, #tpu.memory_space<hbm>>
      %dma_wait3A_16 = tpu.memref_squeeze %dma_wait3A_15 : memref<1x6x128xi32, #tpu.memory_space<hbm>> -> memref<6x128xi32, #tpu.memory_space<hbm>>
      %dma_wait3A_17 = arith.constant 0 : i32
      %dma_wait3A_18 = arith.constant 0 : i32
      %dma_wait3A_19 = tpu.memref_slice %arg3[%add3A, %dma_wait3A_17, %dma_wait3A_18] : memref<32x6x128xi32, #tpu.memory_space<hbm>> -> memref<1x6x128xi32, #tpu.memory_space<hbm>>
      %dma_wait3A_20 = tpu.memref_squeeze %dma_wait3A_19 : memref<1x6x128xi32, #tpu.memory_space<hbm>> -> memref<6x128xi32, #tpu.memory_space<hbm>>
      tpu.wait_dma2 semaphore(%run_scoped3A : memref<!tpu.dma_semaphore, #tpu.memory_space<semaphore_mem>>) src(%dma_wait3A_20 : memref<6x128xi32, #tpu.memory_space<hbm>>) dst(%arg5 : memref<6x128xi32, #tpu.memory_space<vmem>>)
      tpu.yield
    }) : () -> ()
    %scan3A = arith.constant 0 : i32
    %scan3A_3 = arith.constant 3 : i32
    %scan3A_4 = arith.addi %scan3A, %scan3A_3 : i32
    %scan3A_5 = arith.constant 1 : i32
    scf.for %scan3A_7 = %scan3A to %scan3A_4 step %scan3A_5  : i32 {
      %mul3A_8 = arith.constant 2 : i32
      %mul3A_9 = arith.muli %scan3A_7, %mul3A_8 : i32
      %add3A_10 = arith.constant 0 : i32
      %add3A_11 = arith.addi %add3A_10, %mul3A_9 : i32
      %dma_start3A = arith.constant 0 : i32
      %dma_start3A_12 = tpu.memref_slice %arg5[%add3A_11, %dma_start3A] : memref<6x128xi32, #tpu.memory_space<vmem>> -> memref<1x128xi32, #tpu.memory_space<vmem>>
      %dma_start3A_13 = tpu.memref_squeeze %dma_start3A_12 : memref<1x128xi32, #tpu.memory_space<vmem>> -> memref<128xi32, #tpu.memory_space<vmem>>
      %dma_start3A_14 = arith.constant 0 : i32
      %dma_start3A_15 = arith.constant 0 : i32
      %dma_start3A_16 = tpu.memref_slice %arg2[%dma_start3A_14, %dma_start3A_15] : memref<10240x48xf32, #tpu.memory_space<hbm>> -> memref<10240x48xf32, #tpu.memory_space<hbm>>
      tpu.enqueue_indirect_dma source(%dma_start3A_16 : memref<10240x48xf32, #tpu.memory_space<hbm>>) target(%arg6 : memref<128x48xf32, #tpu.memory_space<vmem>>) offsets(%dma_start3A_13 : memref<128xi32, #tpu.memory_space<vmem>>) semaphore(%arg8 : memref<!tpu.dma_semaphore, #tpu.memory_space<semaphore_mem>>)
      %add3A_17 = arith.constant 1 : i32
      %add3A_18 = arith.addi %add3A_11, %add3A_17 : i32
      %dma_start3A_19 = arith.constant 0 : i32
      %dma_start3A_20 = tpu.memref_slice %arg5[%add3A_18, %dma_start3A_19] : memref<6x128xi32, #tpu.memory_space<vmem>> -> memref<1x128xi32, #tpu.memory_space<vmem>>
      %dma_start3A_21 = tpu.memref_squeeze %dma_start3A_20 : memref<1x128xi32, #tpu.memory_space<vmem>> -> memref<128xi32, #tpu.memory_space<vmem>>
      %dma_start3A_22 = arith.constant 0 : i32
      %dma_start3A_23 = arith.constant 0 : i32
      %dma_start3A_24 = tpu.memref_slice %arg2[%dma_start3A_22, %dma_start3A_23] : memref<10240x48xf32, #tpu.memory_space<hbm>> -> memref<10240x48xf32, #tpu.memory_space<hbm>>
      tpu.enqueue_indirect_dma source(%dma_start3A_24 : memref<10240x48xf32, #tpu.memory_space<hbm>>) target(%arg7 : memref<128x48xf32, #tpu.memory_space<vmem>>) offsets(%dma_start3A_21 : memref<128xi32, #tpu.memory_space<vmem>>) semaphore(%arg9 : memref<!tpu.dma_semaphore, #tpu.memory_space<semaphore_mem>>)
      %dma_wait3A = arith.constant 0 : i32
      %dma_wait3A_25 = tpu.memref_slice %arg5[%add3A_11, %dma_wait3A] : memref<6x128xi32, #tpu.memory_space<vmem>> -> memref<1x128xi32, #tpu.memory_space<vmem>>
      %dma_wait3A_26 = tpu.memref_squeeze %dma_wait3A_25 : memref<1x128xi32, #tpu.memory_space<vmem>> -> memref<128xi32, #tpu.memory_space<vmem>>
      %dma_wait3A_27 = arith.constant 0 : i32
      %dma_wait3A_28 = arith.constant 0 : i32
      %dma_wait3A_29 = tpu.memref_slice %arg2[%dma_wait3A_27, %dma_wait3A_28] : memref<10240x48xf32, #tpu.memory_space<hbm>> -> memref<10240x48xf32, #tpu.memory_space<hbm>>
      tpu.wait_indirect_dma semaphore(%arg8 : memref<!tpu.dma_semaphore, #tpu.memory_space<semaphore_mem>>) src(%dma_wait3A_29 : memref<10240x48xf32, #tpu.memory_space<hbm>>) dst(%arg6 : memref<128x48xf32, #tpu.memory_space<vmem>>)
      %mul3A_30 = arith.constant 128 : i32
      %mul3A_31 = arith.muli %add3A_11, %mul3A_30 : i32
      %add3A_32 = arith.addi %mul3A_2, %mul3A_31 : i32
      %dma_start3A_33 = arith.constant 0 : i32
      %dma_start3A_34 = tpu.memref_slice %arg4[%add3A_32, %dma_start3A_33] : memref<24576x48xf32, #tpu.memory_space<hbm>> -> memref<128x48xf32, #tpu.memory_space<hbm>>
      %dma_start3A_35 = arith.constant 0 : i32
      %dma_start3A_36 = tpu.memref_slice %arg4[%add3A_32, %dma_start3A_35] : memref<24576x48xf32, #tpu.memory_space<hbm>> -> memref<128x48xf32, #tpu.memory_space<hbm>>
      tpu.enqueue_dma source(%arg6 : memref<128x48xf32, #tpu.memory_space<vmem>>) target(%dma_start3A_36 : memref<128x48xf32, #tpu.memory_space<hbm>>) target_semaphore(%arg10 : memref<!tpu.dma_semaphore, #tpu.memory_space<semaphore_mem>>)
      %dma_wait3A_37 = arith.constant 0 : i32
      %dma_wait3A_38 = tpu.memref_slice %arg5[%add3A_18, %dma_wait3A_37] : memref<6x128xi32, #tpu.memory_space<vmem>> -> memref<1x128xi32, #tpu.memory_space<vmem>>
      %dma_wait3A_39 = tpu.memref_squeeze %dma_wait3A_38 : memref<1x128xi32, #tpu.memory_space<vmem>> -> memref<128xi32, #tpu.memory_space<vmem>>
      %dma_wait3A_40 = arith.constant 0 : i32
      %dma_wait3A_41 = arith.constant 0 : i32
      %dma_wait3A_42 = tpu.memref_slice %arg2[%dma_wait3A_40, %dma_wait3A_41] : memref<10240x48xf32, #tpu.memory_space<hbm>> -> memref<10240x48xf32, #tpu.memory_space<hbm>>
      tpu.wait_indirect_dma semaphore(%arg9 : memref<!tpu.dma_semaphore, #tpu.memory_space<semaphore_mem>>) src(%dma_wait3A_42 : memref<10240x48xf32, #tpu.memory_space<hbm>>) dst(%arg7 : memref<128x48xf32, #tpu.memory_space<vmem>>)
      %dma_wait3A_43 = arith.constant 0 : i32
      %dma_wait3A_44 = tpu.memref_slice %arg4[%add3A_32, %dma_wait3A_43] : memref<24576x48xf32, #tpu.memory_space<hbm>> -> memref<128x48xf32, #tpu.memory_space<hbm>>
      %dma_wait3A_45 = arith.constant 0 : i32
      %dma_wait3A_46 = tpu.memref_slice %arg4[%add3A_32, %dma_wait3A_45] : memref<24576x48xf32, #tpu.memory_space<hbm>> -> memref<128x48xf32, #tpu.memory_space<hbm>>
      tpu.wait_dma2 semaphore(%arg10 : memref<!tpu.dma_semaphore, #tpu.memory_space<semaphore_mem>>) src(%arg6 : memref<128x48xf32, #tpu.memory_space<vmem>>) dst(%dma_wait3A_46 : memref<128x48xf32, #tpu.memory_space<hbm>>)
      %add3A_47 = arith.constant 1 : i32
      %add3A_48 = arith.addi %add3A_11, %add3A_47 : i32
      %mul3A_49 = arith.constant 128 : i32
      %mul3A_50 = arith.muli %add3A_48, %mul3A_49 : i32
      %add3A_51 = arith.addi %mul3A_2, %mul3A_50 : i32
      %dma_start3A_52 = arith.constant 0 : i32
      %dma_start3A_53 = tpu.memref_slice %arg4[%add3A_51, %dma_start3A_52] : memref<24576x48xf32, #tpu.memory_space<hbm>> -> memref<128x48xf32, #tpu.memory_space<hbm>>
      %dma_start3A_54 = arith.constant 0 : i32
      %dma_start3A_55 = tpu.memref_slice %arg4[%add3A_51, %dma_start3A_54] : memref<24576x48xf32, #tpu.memory_space<hbm>> -> memref<128x48xf32, #tpu.memory_space<hbm>>
      tpu.enqueue_dma source(%arg7 : memref<128x48xf32, #tpu.memory_space<vmem>>) target(%dma_start3A_55 : memref<128x48xf32, #tpu.memory_space<hbm>>) target_semaphore(%arg10 : memref<!tpu.dma_semaphore, #tpu.memory_space<semaphore_mem>>)
      %dma_wait3A_56 = arith.constant 0 : i32
      %dma_wait3A_57 = tpu.memref_slice %arg4[%add3A_51, %dma_wait3A_56] : memref<24576x48xf32, #tpu.memory_space<hbm>> -> memref<128x48xf32, #tpu.memory_space<hbm>>
      %dma_wait3A_58 = arith.constant 0 : i32
      %dma_wait3A_59 = tpu.memref_slice %arg4[%add3A_51, %dma_wait3A_58] : memref<24576x48xf32, #tpu.memory_space<hbm>> -> memref<128x48xf32, #tpu.memory_space<hbm>>
      tpu.wait_dma2 semaphore(%arg10 : memref<!tpu.dma_semaphore, #tpu.memory_space<semaphore_mem>>) src(%arg7 : memref<128x48xf32, #tpu.memory_space<vmem>>) dst(%dma_wait3A_59 : memref<128x48xf32, #tpu.memory_space<hbm>>)
    }
    %scan3A_6 = arith.constant 3 : i32
    return
  }
}

#map = affine_map<(d0, d1) -> (0, 0)>
#map1 = affine_map<(d0, d1) -> (0, 0, 0)>
module attributes {stable_mosaic.version = 14 : i64} {
  func.func @k(%arg0: i32, %arg1: i32, %arg2: memref<10240x48xf32, #tpu.memory_space<hbm>>, %arg3: memref<32x50x128xi32, #tpu.memory_space<hbm>>, %arg4: memref<204800x48xf32, #tpu.memory_space<hbm>>, %arg5: memref<50x128xi32, #tpu.memory_space<vmem>>, %arg6: memref<128x48xf32, #tpu.memory_space<vmem>>, %arg7: memref<128x48xf32, #tpu.memory_space<vmem>>, %arg8: memref<!tpu.dma_semaphore, #tpu.memory_space<semaphore_mem>>, %arg9: memref<!tpu.dma_semaphore, #tpu.memory_space<semaphore_mem>>, %arg10: memref<!tpu.dma_semaphore, #tpu.memory_space<semaphore_mem>>) attributes {dimension_semantics = [#tpu.dimension_semantics<core_parallel>, #tpu.dimension_semantics<subcore_parallel>], iteration_bounds = array<i64: 2, 16>, scalar_prefetch = 0 : i64, scratch_operands = 6 : i64, tpu.core_type = #tpu.core_type<sc_vector_subcore>, window_params = [{transform_indices = #map}, {transform_indices = #map1}, {transform_indices = #map}]} {
    %mul3A = arith.constant 2 : i32
    %mul3A_0 = arith.muli %arg1, %mul3A : i32
    %add3A = arith.addi %mul3A_0, %arg0 : i32
    %mul3A_1 = arith.constant 6400 : i32
    %mul3A_2 = arith.muli %add3A, %mul3A_1 : i32
    "tpu.region"() ({
      %run_scoped3A = tpu.sem_alloc : memref<!tpu.dma_semaphore, #tpu.memory_space<semaphore_mem>>
      %dma_start3A = arith.constant 0 : i32
      %dma_start3A_7 = arith.constant 0 : i32
      %dma_start3A_8 = tpu.memref_slice %arg3[%add3A, %dma_start3A, %dma_start3A_7] : memref<32x50x128xi32, #tpu.memory_space<hbm>> -> memref<1x50x128xi32, #tpu.memory_space<hbm>>
      %dma_start3A_9 = tpu.memref_squeeze %dma_start3A_8 : memref<1x50x128xi32, #tpu.memory_space<hbm>> -> memref<50x128xi32, #tpu.memory_space<hbm>>
      %dma_start3A_10 = arith.constant 0 : i32
      %dma_start3A_11 = arith.constant 0 : i32
      %dma_start3A_12 = tpu.memref_slice %arg3[%add3A, %dma_start3A_10, %dma_start3A_11] : memref<32x50x128xi32, #tpu.memory_space<hbm>> -> memref<1x50x128xi32, #tpu.memory_space<hbm>>
      %dma_start3A_13 = tpu.memref_squeeze %dma_start3A_12 : memref<1x50x128xi32, #tpu.memory_space<hbm>> -> memref<50x128xi32, #tpu.memory_space<hbm>>
      tpu.enqueue_dma source(%dma_start3A_13 : memref<50x128xi32, #tpu.memory_space<hbm>>) target(%arg5 : memref<50x128xi32, #tpu.memory_space<vmem>>) target_semaphore(%run_scoped3A : memref<!tpu.dma_semaphore, #tpu.memory_space<semaphore_mem>>)
      %dma_wait3A = arith.constant 0 : i32
      %dma_wait3A_14 = arith.constant 0 : i32
      %dma_wait3A_15 = tpu.memref_slice %arg3[%add3A, %dma_wait3A, %dma_wait3A_14] : memref<32x50x128xi32, #tpu.memory_space<hbm>> -> memref<1x50x128xi32, #tpu.memory_space<hbm>>
      %dma_wait3A_16 = tpu.memref_squeeze %dma_wait3A_15 : memref<1x50x128xi32, #tpu.memory_space<hbm>> -> memref<50x128xi32, #tpu.memory_space<hbm>>
      %dma_wait3A_17 = arith.constant 0 : i32
      %dma_wait3A_18 = arith.constant 0 : i32
      %dma_wait3A_19 = tpu.memref_slice %arg3[%add3A, %dma_wait3A_17, %dma_wait3A_18] : memref<32x50x128xi32, #tpu.memory_space<hbm>> -> memref<1x50x128xi32, #tpu.memory_space<hbm>>
      %dma_wait3A_20 = tpu.memref_squeeze %dma_wait3A_19 : memref<1x50x128xi32, #tpu.memory_space<hbm>> -> memref<50x128xi32, #tpu.memory_space<hbm>>
      tpu.wait_dma2 semaphore(%run_scoped3A : memref<!tpu.dma_semaphore, #tpu.memory_space<semaphore_mem>>) src(%dma_wait3A_20 : memref<50x128xi32, #tpu.memory_space<hbm>>) dst(%arg5 : memref<50x128xi32, #tpu.memory_space<vmem>>)
      tpu.yield
    }) : () -> ()
    %scan3A = arith.constant 0 : i32
    %scan3A_3 = arith.constant 25 : i32
    %scan3A_4 = arith.addi %scan3A, %scan3A_3 : i32
    %scan3A_5 = arith.constant 1 : i32
    scf.for %scan3A_7 = %scan3A to %scan3A_4 step %scan3A_5  : i32 {
      %mul3A_8 = arith.constant 2 : i32
      %mul3A_9 = arith.muli %scan3A_7, %mul3A_8 : i32
      %add3A_10 = arith.constant 0 : i32
      %add3A_11 = arith.addi %add3A_10, %mul3A_9 : i32
      %dma_start3A = arith.constant 0 : i32
      %dma_start3A_12 = tpu.memref_slice %arg5[%add3A_11, %dma_start3A] : memref<50x128xi32, #tpu.memory_space<vmem>> -> memref<1x128xi32, #tpu.memory_space<vmem>>
      %dma_start3A_13 = tpu.memref_squeeze %dma_start3A_12 : memref<1x128xi32, #tpu.memory_space<vmem>> -> memref<128xi32, #tpu.memory_space<vmem>>
      %dma_start3A_14 = arith.constant 0 : i32
      %dma_start3A_15 = arith.constant 0 : i32
      %dma_start3A_16 = tpu.memref_slice %arg2[%dma_start3A_14, %dma_start3A_15] : memref<10240x48xf32, #tpu.memory_space<hbm>> -> memref<10240x48xf32, #tpu.memory_space<hbm>>
      tpu.enqueue_indirect_dma source(%dma_start3A_16 : memref<10240x48xf32, #tpu.memory_space<hbm>>) target(%arg6 : memref<128x48xf32, #tpu.memory_space<vmem>>) offsets(%dma_start3A_13 : memref<128xi32, #tpu.memory_space<vmem>>) semaphore(%arg8 : memref<!tpu.dma_semaphore, #tpu.memory_space<semaphore_mem>>)
      %add3A_17 = arith.constant 1 : i32
      %add3A_18 = arith.addi %add3A_11, %add3A_17 : i32
      %dma_start3A_19 = arith.constant 0 : i32
      %dma_start3A_20 = tpu.memref_slice %arg5[%add3A_18, %dma_start3A_19] : memref<50x128xi32, #tpu.memory_space<vmem>> -> memref<1x128xi32, #tpu.memory_space<vmem>>
      %dma_start3A_21 = tpu.memref_squeeze %dma_start3A_20 : memref<1x128xi32, #tpu.memory_space<vmem>> -> memref<128xi32, #tpu.memory_space<vmem>>
      %dma_start3A_22 = arith.constant 0 : i32
      %dma_start3A_23 = arith.constant 0 : i32
      %dma_start3A_24 = tpu.memref_slice %arg2[%dma_start3A_22, %dma_start3A_23] : memref<10240x48xf32, #tpu.memory_space<hbm>> -> memref<10240x48xf32, #tpu.memory_space<hbm>>
      tpu.enqueue_indirect_dma source(%dma_start3A_24 : memref<10240x48xf32, #tpu.memory_space<hbm>>) target(%arg7 : memref<128x48xf32, #tpu.memory_space<vmem>>) offsets(%dma_start3A_21 : memref<128xi32, #tpu.memory_space<vmem>>) semaphore(%arg9 : memref<!tpu.dma_semaphore, #tpu.memory_space<semaphore_mem>>)
      %dma_wait3A = arith.constant 0 : i32
      %dma_wait3A_25 = tpu.memref_slice %arg5[%add3A_11, %dma_wait3A] : memref<50x128xi32, #tpu.memory_space<vmem>> -> memref<1x128xi32, #tpu.memory_space<vmem>>
      %dma_wait3A_26 = tpu.memref_squeeze %dma_wait3A_25 : memref<1x128xi32, #tpu.memory_space<vmem>> -> memref<128xi32, #tpu.memory_space<vmem>>
      %dma_wait3A_27 = arith.constant 0 : i32
      %dma_wait3A_28 = arith.constant 0 : i32
      %dma_wait3A_29 = tpu.memref_slice %arg2[%dma_wait3A_27, %dma_wait3A_28] : memref<10240x48xf32, #tpu.memory_space<hbm>> -> memref<10240x48xf32, #tpu.memory_space<hbm>>
      tpu.wait_indirect_dma semaphore(%arg8 : memref<!tpu.dma_semaphore, #tpu.memory_space<semaphore_mem>>) src(%dma_wait3A_29 : memref<10240x48xf32, #tpu.memory_space<hbm>>) dst(%arg6 : memref<128x48xf32, #tpu.memory_space<vmem>>)
      %mul3A_30 = arith.constant 128 : i32
      %mul3A_31 = arith.muli %add3A_11, %mul3A_30 : i32
      %add3A_32 = arith.addi %mul3A_2, %mul3A_31 : i32
      %dma_start3A_33 = arith.constant 0 : i32
      %dma_start3A_34 = tpu.memref_slice %arg4[%add3A_32, %dma_start3A_33] : memref<204800x48xf32, #tpu.memory_space<hbm>> -> memref<128x48xf32, #tpu.memory_space<hbm>>
      %dma_start3A_35 = arith.constant 0 : i32
      %dma_start3A_36 = tpu.memref_slice %arg4[%add3A_32, %dma_start3A_35] : memref<204800x48xf32, #tpu.memory_space<hbm>> -> memref<128x48xf32, #tpu.memory_space<hbm>>
      tpu.enqueue_dma source(%arg6 : memref<128x48xf32, #tpu.memory_space<vmem>>) target(%dma_start3A_36 : memref<128x48xf32, #tpu.memory_space<hbm>>) target_semaphore(%arg10 : memref<!tpu.dma_semaphore, #tpu.memory_space<semaphore_mem>>)
      %dma_wait3A_37 = arith.constant 0 : i32
      %dma_wait3A_38 = tpu.memref_slice %arg5[%add3A_18, %dma_wait3A_37] : memref<50x128xi32, #tpu.memory_space<vmem>> -> memref<1x128xi32, #tpu.memory_space<vmem>>
      %dma_wait3A_39 = tpu.memref_squeeze %dma_wait3A_38 : memref<1x128xi32, #tpu.memory_space<vmem>> -> memref<128xi32, #tpu.memory_space<vmem>>
      %dma_wait3A_40 = arith.constant 0 : i32
      %dma_wait3A_41 = arith.constant 0 : i32
      %dma_wait3A_42 = tpu.memref_slice %arg2[%dma_wait3A_40, %dma_wait3A_41] : memref<10240x48xf32, #tpu.memory_space<hbm>> -> memref<10240x48xf32, #tpu.memory_space<hbm>>
      tpu.wait_indirect_dma semaphore(%arg9 : memref<!tpu.dma_semaphore, #tpu.memory_space<semaphore_mem>>) src(%dma_wait3A_42 : memref<10240x48xf32, #tpu.memory_space<hbm>>) dst(%arg7 : memref<128x48xf32, #tpu.memory_space<vmem>>)
      %dma_wait3A_43 = arith.constant 0 : i32
      %dma_wait3A_44 = tpu.memref_slice %arg4[%add3A_32, %dma_wait3A_43] : memref<204800x48xf32, #tpu.memory_space<hbm>> -> memref<128x48xf32, #tpu.memory_space<hbm>>
      %dma_wait3A_45 = arith.constant 0 : i32
      %dma_wait3A_46 = tpu.memref_slice %arg4[%add3A_32, %dma_wait3A_45] : memref<204800x48xf32, #tpu.memory_space<hbm>> -> memref<128x48xf32, #tpu.memory_space<hbm>>
      tpu.wait_dma2 semaphore(%arg10 : memref<!tpu.dma_semaphore, #tpu.memory_space<semaphore_mem>>) src(%arg6 : memref<128x48xf32, #tpu.memory_space<vmem>>) dst(%dma_wait3A_46 : memref<128x48xf32, #tpu.memory_space<hbm>>)
      %add3A_47 = arith.constant 1 : i32
      %add3A_48 = arith.addi %add3A_11, %add3A_47 : i32
      %mul3A_49 = arith.constant 128 : i32
      %mul3A_50 = arith.muli %add3A_48, %mul3A_49 : i32
      %add3A_51 = arith.addi %mul3A_2, %mul3A_50 : i32
      %dma_start3A_52 = arith.constant 0 : i32
      %dma_start3A_53 = tpu.memref_slice %arg4[%add3A_51, %dma_start3A_52] : memref<204800x48xf32, #tpu.memory_space<hbm>> -> memref<128x48xf32, #tpu.memory_space<hbm>>
      %dma_start3A_54 = arith.constant 0 : i32
      %dma_start3A_55 = tpu.memref_slice %arg4[%add3A_51, %dma_start3A_54] : memref<204800x48xf32, #tpu.memory_space<hbm>> -> memref<128x48xf32, #tpu.memory_space<hbm>>
      tpu.enqueue_dma source(%arg7 : memref<128x48xf32, #tpu.memory_space<vmem>>) target(%dma_start3A_55 : memref<128x48xf32, #tpu.memory_space<hbm>>) target_semaphore(%arg10 : memref<!tpu.dma_semaphore, #tpu.memory_space<semaphore_mem>>)
      %dma_wait3A_56 = arith.constant 0 : i32
      %dma_wait3A_57 = tpu.memref_slice %arg4[%add3A_51, %dma_wait3A_56] : memref<204800x48xf32, #tpu.memory_space<hbm>> -> memref<128x48xf32, #tpu.memory_space<hbm>>
      %dma_wait3A_58 = arith.constant 0 : i32
      %dma_wait3A_59 = tpu.memref_slice %arg4[%add3A_51, %dma_wait3A_58] : memref<204800x48xf32, #tpu.memory_space<hbm>> -> memref<128x48xf32, #tpu.memory_space<hbm>>
      tpu.wait_dma2 semaphore(%arg10 : memref<!tpu.dma_semaphore, #tpu.memory_space<semaphore_mem>>) src(%arg7 : memref<128x48xf32, #tpu.memory_space<vmem>>) dst(%dma_wait3A_59 : memref<128x48xf32, #tpu.memory_space<hbm>>)
    }
    %scan3A_6 = arith.constant 25 : i32
    return
  }
}

#map = affine_map<(d0, d1) -> (0, 0)>
#map1 = affine_map<(d0, d1) -> (0, 0, 0)>
module attributes {stable_mosaic.version = 14 : i64} {
  func.func @k(%arg0: i32, %arg1: i32, %arg2: memref<12288x48xf32, #tpu.memory_space<hbm>>, %arg3: memref<32x3x128xi32, #tpu.memory_space<hbm>>, %arg4: memref<10240x48xf32, #tpu.memory_space<hbm>>, %arg5: memref<2x10240x48xf32, #tpu.memory_space<hbm>>, %arg6: memref<3x128xi32, #tpu.memory_space<vmem>>, %arg7: memref<384x48xf32, #tpu.memory_space<vmem>>, %arg8: memref<10240x48xf32, #tpu.memory_space<vmem_shared>>, %arg9: memref<!tpu.dma_semaphore, #tpu.memory_space<semaphore_mem>>) attributes {dimension_semantics = [#tpu.dimension_semantics<core_parallel>, #tpu.dimension_semantics<subcore_parallel>], iteration_bounds = array<i64: 2, 16>, scalar_prefetch = 0 : i64, scratch_operands = 4 : i64, tpu.core_type = #tpu.core_type<sc_vector_subcore>, window_params = [{transform_indices = #map}, {transform_indices = #map1}, {transform_indices = #map}, {transform_indices = #map1}]} {
    %mul3A = arith.constant 2 : i32
    %mul3A_0 = arith.muli %arg1, %mul3A : i32
    %add3A = arith.addi %mul3A_0, %arg0 : i32
    %mul3A_1 = arith.constant 640 : i32
    %mul3A_2 = arith.muli %arg1, %mul3A_1 : i32
    %mul3A_3 = arith.constant 640 : i32
    %mul3A_4 = arith.muli %arg1, %mul3A_3 : i32
    %dma_start3A = arith.constant 0 : i32
    %dma_start3A_5 = tpu.memref_slice %arg8[%mul3A_4, %dma_start3A] : memref<10240x48xf32, #tpu.memory_space<vmem_shared>> -> memref<640x48xf32, #tpu.memory_space<vmem_shared>>
    %dma_start3A_6 = arith.constant 0 : i32
    %dma_start3A_7 = tpu.memref_slice %arg4[%mul3A_2, %dma_start3A_6] : memref<10240x48xf32, #tpu.memory_space<hbm>> -> memref<640x48xf32, #tpu.memory_space<hbm>>
    tpu.enqueue_dma source(%dma_start3A_7 : memref<640x48xf32, #tpu.memory_space<hbm>>) target(%dma_start3A_5 : memref<640x48xf32, #tpu.memory_space<vmem_shared>>) target_semaphore(%arg9 : memref<!tpu.dma_semaphore, #tpu.memory_space<semaphore_mem>>)
    %dma_wait3A = arith.constant 0 : i32
    %dma_wait3A_8 = tpu.memref_slice %arg8[%mul3A_4, %dma_wait3A] : memref<10240x48xf32, #tpu.memory_space<vmem_shared>> -> memref<640x48xf32, #tpu.memory_space<vmem_shared>>
    %dma_wait3A_9 = arith.constant 0 : i32
    %dma_wait3A_10 = tpu.memref_slice %arg4[%mul3A_2, %dma_wait3A_9] : memref<10240x48xf32, #tpu.memory_space<hbm>> -> memref<640x48xf32, #tpu.memory_space<hbm>>
    tpu.wait_dma2 semaphore(%arg9 : memref<!tpu.dma_semaphore, #tpu.memory_space<semaphore_mem>>) src(%dma_wait3A_10 : memref<640x48xf32, #tpu.memory_space<hbm>>) dst(%dma_wait3A_8 : memref<640x48xf32, #tpu.memory_space<vmem_shared>>)
    %barrier3A = arith.constant 0 : index
    tpu.barrier barrier_id(%barrier3A)
    "tpu.region"() ({
      %run_scoped3A_20 = tpu.sem_alloc : memref<!tpu.dma_semaphore, #tpu.memory_space<semaphore_mem>>
      %dma_start3A_21 = arith.constant 0 : i32
      %dma_start3A_22 = arith.constant 0 : i32
      %dma_start3A_23 = tpu.memref_slice %arg3[%add3A, %dma_start3A_21, %dma_start3A_22] : memref<32x3x128xi32, #tpu.memory_space<hbm>> -> memref<1x3x128xi32, #tpu.memory_space<hbm>>
      %dma_start3A_24 = tpu.memref_squeeze %dma_start3A_23 : memref<1x3x128xi32, #tpu.memory_space<hbm>> -> memref<3x128xi32, #tpu.memory_space<hbm>>
      %dma_start3A_25 = arith.constant 0 : i32
      %dma_start3A_26 = arith.constant 0 : i32
      %dma_start3A_27 = tpu.memref_slice %arg3[%add3A, %dma_start3A_25, %dma_start3A_26] : memref<32x3x128xi32, #tpu.memory_space<hbm>> -> memref<1x3x128xi32, #tpu.memory_space<hbm>>
      %dma_start3A_28 = tpu.memref_squeeze %dma_start3A_27 : memref<1x3x128xi32, #tpu.memory_space<hbm>> -> memref<3x128xi32, #tpu.memory_space<hbm>>
      tpu.enqueue_dma source(%dma_start3A_28 : memref<3x128xi32, #tpu.memory_space<hbm>>) target(%arg6 : memref<3x128xi32, #tpu.memory_space<vmem>>) target_semaphore(%run_scoped3A_20 : memref<!tpu.dma_semaphore, #tpu.memory_space<semaphore_mem>>)
      %dma_wait3A_29 = arith.constant 0 : i32
      %dma_wait3A_30 = arith.constant 0 : i32
      %dma_wait3A_31 = tpu.memref_slice %arg3[%add3A, %dma_wait3A_29, %dma_wait3A_30] : memref<32x3x128xi32, #tpu.memory_space<hbm>> -> memref<1x3x128xi32, #tpu.memory_space<hbm>>
      %dma_wait3A_32 = tpu.memref_squeeze %dma_wait3A_31 : memref<1x3x128xi32, #tpu.memory_space<hbm>> -> memref<3x128xi32, #tpu.memory_space<hbm>>
      %dma_wait3A_33 = arith.constant 0 : i32
      %dma_wait3A_34 = arith.constant 0 : i32
      %dma_wait3A_35 = tpu.memref_slice %arg3[%add3A, %dma_wait3A_33, %dma_wait3A_34] : memref<32x3x128xi32, #tpu.memory_space<hbm>> -> memref<1x3x128xi32, #tpu.memory_space<hbm>>
      %dma_wait3A_36 = tpu.memref_squeeze %dma_wait3A_35 : memref<1x3x128xi32, #tpu.memory_space<hbm>> -> memref<3x128xi32, #tpu.memory_space<hbm>>
      tpu.wait_dma2 semaphore(%run_scoped3A_20 : memref<!tpu.dma_semaphore, #tpu.memory_space<semaphore_mem>>) src(%dma_wait3A_36 : memref<3x128xi32, #tpu.memory_space<hbm>>) dst(%arg6 : memref<3x128xi32, #tpu.memory_space<vmem>>)
      tpu.yield
    }) : () -> ()
    %mul3A_11 = arith.constant 384 : i32
    %mul3A_12 = arith.muli %add3A, %mul3A_11 : i32
    "tpu.region"() ({
      %run_scoped3A_20 = tpu.sem_alloc : memref<!tpu.dma_semaphore, #tpu.memory_space<semaphore_mem>>
      %dma_start3A_21 = arith.constant 0 : i32
      %dma_start3A_22 = tpu.memref_slice %arg2[%mul3A_12, %dma_start3A_21] : memref<12288x48xf32, #tpu.memory_space<hbm>> -> memref<384x48xf32, #tpu.memory_space<hbm>>
      %dma_start3A_23 = arith.constant 0 : i32
      %dma_start3A_24 = tpu.memref_slice %arg2[%mul3A_12, %dma_start3A_23] : memref<12288x48xf32, #tpu.memory_space<hbm>> -> memref<384x48xf32, #tpu.memory_space<hbm>>
      tpu.enqueue_dma source(%dma_start3A_24 : memref<384x48xf32, #tpu.memory_space<hbm>>) target(%arg7 : memref<384x48xf32, #tpu.memory_space<vmem>>) target_semaphore(%run_scoped3A_20 : memref<!tpu.dma_semaphore, #tpu.memory_space<semaphore_mem>>)
      %dma_wait3A_25 = arith.constant 0 : i32
      %dma_wait3A_26 = tpu.memref_slice %arg2[%mul3A_12, %dma_wait3A_25] : memref<12288x48xf32, #tpu.memory_space<hbm>> -> memref<384x48xf32, #tpu.memory_space<hbm>>
      %dma_wait3A_27 = arith.constant 0 : i32
      %dma_wait3A_28 = tpu.memref_slice %arg2[%mul3A_12, %dma_wait3A_27] : memref<12288x48xf32, #tpu.memory_space<hbm>> -> memref<384x48xf32, #tpu.memory_space<hbm>>
      tpu.wait_dma2 semaphore(%run_scoped3A_20 : memref<!tpu.dma_semaphore, #tpu.memory_space<semaphore_mem>>) src(%dma_wait3A_28 : memref<384x48xf32, #tpu.memory_space<hbm>>) dst(%arg7 : memref<384x48xf32, #tpu.memory_space<vmem>>)
      tpu.yield
    }) : () -> ()
    %run_scoped3A = arith.constant 0 : i32
    "tpu.region"() ({
      %run_scoped3A_20 = tpu.sem_alloc : memref<!tpu.dma_semaphore, #tpu.memory_space<semaphore_mem>>
      %dma_start3A_21 = arith.constant 0 : i32
      %dma_start3A_22 = arith.constant 0 : i32
      %dma_start3A_23 = tpu.memref_slice %arg7[%dma_start3A_21, %dma_start3A_22] : memref<384x48xf32, #tpu.memory_space<vmem>> -> memref<128x48xf32, #tpu.memory_space<vmem>>
      %dma_start3A_24 = arith.constant 0 : i32
      %dma_start3A_25 = tpu.memref_slice %arg6[%run_scoped3A, %dma_start3A_24] : memref<3x128xi32, #tpu.memory_space<vmem>> -> memref<1x128xi32, #tpu.memory_space<vmem>>
      %dma_start3A_26 = tpu.memref_squeeze %dma_start3A_25 : memref<1x128xi32, #tpu.memory_space<vmem>> -> memref<128xi32, #tpu.memory_space<vmem>>
      %dma_start3A_27 = arith.constant 0 : i32
      %dma_start3A_28 = arith.constant 0 : i32
      %dma_start3A_29 = tpu.memref_slice %arg8[%dma_start3A_27, %dma_start3A_28] : memref<10240x48xf32, #tpu.memory_space<vmem_shared>> -> memref<10240x48xf32, #tpu.memory_space<vmem_shared>>
      tpu.enqueue_indirect_dma source(%dma_start3A_23 : memref<128x48xf32, #tpu.memory_space<vmem>>) target(%dma_start3A_29 : memref<10240x48xf32, #tpu.memory_space<vmem_shared>>) offsets(%dma_start3A_26 : memref<128xi32, #tpu.memory_space<vmem>>) semaphore(%run_scoped3A_20 : memref<!tpu.dma_semaphore, #tpu.memory_space<semaphore_mem>>) {add = true}
      %dma_wait3A_30 = arith.constant 0 : i32
      %dma_wait3A_31 = arith.constant 0 : i32
      %dma_wait3A_32 = tpu.memref_slice %arg7[%dma_wait3A_30, %dma_wait3A_31] : memref<384x48xf32, #tpu.memory_space<vmem>> -> memref<128x48xf32, #tpu.memory_space<vmem>>
      %dma_wait3A_33 = arith.constant 0 : i32
      %dma_wait3A_34 = tpu.memref_slice %arg6[%run_scoped3A, %dma_wait3A_33] : memref<3x128xi32, #tpu.memory_space<vmem>> -> memref<1x128xi32, #tpu.memory_space<vmem>>
      %dma_wait3A_35 = tpu.memref_squeeze %dma_wait3A_34 : memref<1x128xi32, #tpu.memory_space<vmem>> -> memref<128xi32, #tpu.memory_space<vmem>>
      %dma_wait3A_36 = arith.constant 0 : i32
      %dma_wait3A_37 = arith.constant 0 : i32
      %dma_wait3A_38 = tpu.memref_slice %arg8[%dma_wait3A_36, %dma_wait3A_37] : memref<10240x48xf32, #tpu.memory_space<vmem_shared>> -> memref<10240x48xf32, #tpu.memory_space<vmem_shared>>
      tpu.wait_indirect_dma semaphore(%run_scoped3A_20 : memref<!tpu.dma_semaphore, #tpu.memory_space<semaphore_mem>>) src(%dma_wait3A_32 : memref<128x48xf32, #tpu.memory_space<vmem>>) dst(%dma_wait3A_38 : memref<10240x48xf32, #tpu.memory_space<vmem_shared>>)
      tpu.yield
    }) : () -> ()
    %run_scoped3A_13 = arith.constant 1 : i32
    "tpu.region"() ({
      %run_scoped3A_20 = tpu.sem_alloc : memref<!tpu.dma_semaphore, #tpu.memory_space<semaphore_mem>>
      %dma_start3A_21 = arith.constant 128 : i32
      %dma_start3A_22 = arith.constant 0 : i32
      %dma_start3A_23 = tpu.memref_slice %arg7[%dma_start3A_21, %dma_start3A_22] : memref<384x48xf32, #tpu.memory_space<vmem>> -> memref<128x48xf32, #tpu.memory_space<vmem>>
      %dma_start3A_24 = arith.constant 0 : i32
      %dma_start3A_25 = tpu.memref_slice %arg6[%run_scoped3A_13, %dma_start3A_24] : memref<3x128xi32, #tpu.memory_space<vmem>> -> memref<1x128xi32, #tpu.memory_space<vmem>>
      %dma_start3A_26 = tpu.memref_squeeze %dma_start3A_25 : memref<1x128xi32, #tpu.memory_space<vmem>> -> memref<128xi32, #tpu.memory_space<vmem>>
      %dma_start3A_27 = arith.constant 0 : i32
      %dma_start3A_28 = arith.constant 0 : i32
      %dma_start3A_29 = tpu.memref_slice %arg8[%dma_start3A_27, %dma_start3A_28] : memref<10240x48xf32, #tpu.memory_space<vmem_shared>> -> memref<10240x48xf32, #tpu.memory_space<vmem_shared>>
      tpu.enqueue_indirect_dma source(%dma_start3A_23 : memref<128x48xf32, #tpu.memory_space<vmem>>) target(%dma_start3A_29 : memref<10240x48xf32, #tpu.memory_space<vmem_shared>>) offsets(%dma_start3A_26 : memref<128xi32, #tpu.memory_space<vmem>>) semaphore(%run_scoped3A_20 : memref<!tpu.dma_semaphore, #tpu.memory_space<semaphore_mem>>) {add = true}
      %dma_wait3A_30 = arith.constant 128 : i32
      %dma_wait3A_31 = arith.constant 0 : i32
      %dma_wait3A_32 = tpu.memref_slice %arg7[%dma_wait3A_30, %dma_wait3A_31] : memref<384x48xf32, #tpu.memory_space<vmem>> -> memref<128x48xf32, #tpu.memory_space<vmem>>
      %dma_wait3A_33 = arith.constant 0 : i32
      %dma_wait3A_34 = tpu.memref_slice %arg6[%run_scoped3A_13, %dma_wait3A_33] : memref<3x128xi32, #tpu.memory_space<vmem>> -> memref<1x128xi32, #tpu.memory_space<vmem>>
      %dma_wait3A_35 = tpu.memref_squeeze %dma_wait3A_34 : memref<1x128xi32, #tpu.memory_space<vmem>> -> memref<128xi32, #tpu.memory_space<vmem>>
      %dma_wait3A_36 = arith.constant 0 : i32
      %dma_wait3A_37 = arith.constant 0 : i32
      %dma_wait3A_38 = tpu.memref_slice %arg8[%dma_wait3A_36, %dma_wait3A_37] : memref<10240x48xf32, #tpu.memory_space<vmem_shared>> -> memref<10240x48xf32, #tpu.memory_space<vmem_shared>>
      tpu.wait_indirect_dma semaphore(%run_scoped3A_20 : memref<!tpu.dma_semaphore, #tpu.memory_space<semaphore_mem>>) src(%dma_wait3A_32 : memref<128x48xf32, #tpu.memory_space<vmem>>) dst(%dma_wait3A_38 : memref<10240x48xf32, #tpu.memory_space<vmem_shared>>)
      tpu.yield
    }) : () -> ()
    %run_scoped3A_14 = arith.constant 2 : i32
    "tpu.region"() ({
      %run_scoped3A_20 = tpu.sem_alloc : memref<!tpu.dma_semaphore, #tpu.memory_space<semaphore_mem>>
      %dma_start3A_21 = arith.constant 256 : i32
      %dma_start3A_22 = arith.constant 0 : i32
      %dma_start3A_23 = tpu.memref_slice %arg7[%dma_start3A_21, %dma_start3A_22] : memref<384x48xf32, #tpu.memory_space<vmem>> -> memref<128x48xf32, #tpu.memory_space<vmem>>
      %dma_start3A_24 = arith.constant 0 : i32
      %dma_start3A_25 = tpu.memref_slice %arg6[%run_scoped3A_14, %dma_start3A_24] : memref<3x128xi32, #tpu.memory_space<vmem>> -> memref<1x128xi32, #tpu.memory_space<vmem>>
      %dma_start3A_26 = tpu.memref_squeeze %dma_start3A_25 : memref<1x128xi32, #tpu.memory_space<vmem>> -> memref<128xi32, #tpu.memory_space<vmem>>
      %dma_start3A_27 = arith.constant 0 : i32
      %dma_start3A_28 = arith.constant 0 : i32
      %dma_start3A_29 = tpu.memref_slice %arg8[%dma_start3A_27, %dma_start3A_28] : memref<10240x48xf32, #tpu.memory_space<vmem_shared>> -> memref<10240x48xf32, #tpu.memory_space<vmem_shared>>
      tpu.enqueue_indirect_dma source(%dma_start3A_23 : memref<128x48xf32, #tpu.memory_space<vmem>>) target(%dma_start3A_29 : memref<10240x48xf32, #tpu.memory_space<vmem_shared>>) offsets(%dma_start3A_26 : memref<128xi32, #tpu.memory_space<vmem>>) semaphore(%run_scoped3A_20 : memref<!tpu.dma_semaphore, #tpu.memory_space<semaphore_mem>>) {add = true}
      %dma_wait3A_30 = arith.constant 256 : i32
      %dma_wait3A_31 = arith.constant 0 : i32
      %dma_wait3A_32 = tpu.memref_slice %arg7[%dma_wait3A_30, %dma_wait3A_31] : memref<384x48xf32, #tpu.memory_space<vmem>> -> memref<128x48xf32, #tpu.memory_space<vmem>>
      %dma_wait3A_33 = arith.constant 0 : i32
      %dma_wait3A_34 = tpu.memref_slice %arg6[%run_scoped3A_14, %dma_wait3A_33] : memref<3x128xi32, #tpu.memory_space<vmem>> -> memref<1x128xi32, #tpu.memory_space<vmem>>
      %dma_wait3A_35 = tpu.memref_squeeze %dma_wait3A_34 : memref<1x128xi32, #tpu.memory_space<vmem>> -> memref<128xi32, #tpu.memory_space<vmem>>
      %dma_wait3A_36 = arith.constant 0 : i32
      %dma_wait3A_37 = arith.constant 0 : i32
      %dma_wait3A_38 = tpu.memref_slice %arg8[%dma_wait3A_36, %dma_wait3A_37] : memref<10240x48xf32, #tpu.memory_space<vmem_shared>> -> memref<10240x48xf32, #tpu.memory_space<vmem_shared>>
      tpu.wait_indirect_dma semaphore(%run_scoped3A_20 : memref<!tpu.dma_semaphore, #tpu.memory_space<semaphore_mem>>) src(%dma_wait3A_32 : memref<128x48xf32, #tpu.memory_space<vmem>>) dst(%dma_wait3A_38 : memref<10240x48xf32, #tpu.memory_space<vmem_shared>>)
      tpu.yield
    }) : () -> ()
    %barrier3A_15 = arith.constant 0 : index
    tpu.barrier barrier_id(%barrier3A_15)
    %mul3A_16 = arith.constant 640 : i32
    %mul3A_17 = arith.muli %arg1, %mul3A_16 : i32
    %mul3A_18 = arith.constant 640 : i32
    %mul3A_19 = arith.muli %arg1, %mul3A_18 : i32
    "tpu.region"() ({
      %run_scoped3A_20 = tpu.sem_alloc : memref<!tpu.dma_semaphore, #tpu.memory_space<semaphore_mem>>
      %dma_start3A_21 = arith.constant 0 : i32
      %dma_start3A_22 = arith.constant 0 : i32
      %dma_start3A_23 = tpu.memref_slice %arg5[%arg0, %dma_start3A_21, %dma_start3A_22] : memref<2x10240x48xf32, #tpu.memory_space<hbm>> -> memref<1x10240x48xf32, #tpu.memory_space<hbm>>
      %dma_start3A_24 = tpu.memref_squeeze %dma_start3A_23 : memref<1x10240x48xf32, #tpu.memory_space<hbm>> -> memref<10240x48xf32, #tpu.memory_space<hbm>>
      %dma_start3A_25 = arith.constant 0 : i32
      %dma_start3A_26 = tpu.memref_slice %dma_start3A_24[%mul3A_19, %dma_start3A_25] : memref<10240x48xf32, #tpu.memory_space<hbm>> -> memref<640x48xf32, #tpu.memory_space<hbm>>
      %dma_start3A_27 = arith.constant 0 : i32
      %dma_start3A_28 = tpu.memref_slice %arg8[%mul3A_17, %dma_start3A_27] : memref<10240x48xf32, #tpu.memory_space<vmem_shared>> -> memref<640x48xf32, #tpu.memory_space<vmem_shared>>
      tpu.enqueue_dma source(%dma_start3A_28 : memref<640x48xf32, #tpu.memory_space<vmem_shared>>) target(%dma_start3A_26 : memref<640x48xf32, #tpu.memory_space<hbm>>) target_semaphore(%run_scoped3A_20 : memref<!tpu.dma_semaphore, #tpu.memory_space<semaphore_mem>>)
      %dma_wait3A_29 = arith.constant 0 : i32
      %dma_wait3A_30 = arith.constant 0 : i32
      %dma_wait3A_31 = tpu.memref_slice %arg5[%arg0, %dma_wait3A_29, %dma_wait3A_30] : memref<2x10240x48xf32, #tpu.memory_space<hbm>> -> memref<1x10240x48xf32, #tpu.memory_space<hbm>>
      %dma_wait3A_32 = tpu.memref_squeeze %dma_wait3A_31 : memref<1x10240x48xf32, #tpu.memory_space<hbm>> -> memref<10240x48xf32, #tpu.memory_space<hbm>>
      %dma_wait3A_33 = arith.constant 0 : i32
      %dma_wait3A_34 = tpu.memref_slice %dma_wait3A_32[%mul3A_19, %dma_wait3A_33] : memref<10240x48xf32, #tpu.memory_space<hbm>> -> memref<640x48xf32, #tpu.memory_space<hbm>>
      %dma_wait3A_35 = arith.constant 0 : i32
      %dma_wait3A_36 = tpu.memref_slice %arg8[%mul3A_17, %dma_wait3A_35] : memref<10240x48xf32, #tpu.memory_space<vmem_shared>> -> memref<640x48xf32, #tpu.memory_space<vmem_shared>>
      tpu.wait_dma2 semaphore(%run_scoped3A_20 : memref<!tpu.dma_semaphore, #tpu.memory_space<semaphore_mem>>) src(%dma_wait3A_36 : memref<640x48xf32, #tpu.memory_space<vmem_shared>>) dst(%dma_wait3A_34 : memref<640x48xf32, #tpu.memory_space<hbm>>)
      tpu.yield
    }) : () -> ()
    return
  }
}

#map = affine_map<(d0, d1) -> (0, 0)>
#map1 = affine_map<(d0, d1) -> (0, 0, 0)>
module attributes {stable_mosaic.version = 14 : i64} {
  func.func @k(%arg0: i32, %arg1: i32, %arg2: memref<10240x48xf32, #tpu.memory_space<hbm>>, %arg3: memref<32x50x128xi32, #tpu.memory_space<hbm>>, %arg4: memref<204800x48xf32, #tpu.memory_space<hbm>>, %arg5: memref<50x128xi32, #tpu.memory_space<vmem>>, %arg6: memref<128x48xf32, #tpu.memory_space<vmem>>, %arg7: memref<128x48xf32, #tpu.memory_space<vmem>>, %arg8: memref<!tpu.dma_semaphore, #tpu.memory_space<semaphore_mem>>, %arg9: memref<!tpu.dma_semaphore, #tpu.memory_space<semaphore_mem>>, %arg10: memref<!tpu.dma_semaphore, #tpu.memory_space<semaphore_mem>>) attributes {dimension_semantics = [#tpu.dimension_semantics<core_parallel>, #tpu.dimension_semantics<subcore_parallel>], iteration_bounds = array<i64: 2, 16>, scalar_prefetch = 0 : i64, scratch_operands = 6 : i64, tpu.core_type = #tpu.core_type<sc_vector_subcore>, window_params = [{transform_indices = #map}, {transform_indices = #map1}, {transform_indices = #map}]} {
    %mul3A = arith.constant 2 : i32
    %mul3A_0 = arith.muli %arg1, %mul3A : i32
    %add3A = arith.addi %mul3A_0, %arg0 : i32
    %mul3A_1 = arith.constant 6400 : i32
    %mul3A_2 = arith.muli %add3A, %mul3A_1 : i32
    "tpu.region"() ({
      %run_scoped3A = tpu.sem_alloc : memref<!tpu.dma_semaphore, #tpu.memory_space<semaphore_mem>>
      %dma_start3A = arith.constant 0 : i32
      %dma_start3A_7 = arith.constant 0 : i32
      %dma_start3A_8 = tpu.memref_slice %arg3[%add3A, %dma_start3A, %dma_start3A_7] : memref<32x50x128xi32, #tpu.memory_space<hbm>> -> memref<1x50x128xi32, #tpu.memory_space<hbm>>
      %dma_start3A_9 = tpu.memref_squeeze %dma_start3A_8 : memref<1x50x128xi32, #tpu.memory_space<hbm>> -> memref<50x128xi32, #tpu.memory_space<hbm>>
      %dma_start3A_10 = arith.constant 0 : i32
      %dma_start3A_11 = arith.constant 0 : i32
      %dma_start3A_12 = tpu.memref_slice %arg3[%add3A, %dma_start3A_10, %dma_start3A_11] : memref<32x50x128xi32, #tpu.memory_space<hbm>> -> memref<1x50x128xi32, #tpu.memory_space<hbm>>
      %dma_start3A_13 = tpu.memref_squeeze %dma_start3A_12 : memref<1x50x128xi32, #tpu.memory_space<hbm>> -> memref<50x128xi32, #tpu.memory_space<hbm>>
      tpu.enqueue_dma source(%dma_start3A_13 : memref<50x128xi32, #tpu.memory_space<hbm>>) target(%arg5 : memref<50x128xi32, #tpu.memory_space<vmem>>) target_semaphore(%run_scoped3A : memref<!tpu.dma_semaphore, #tpu.memory_space<semaphore_mem>>)
      %dma_wait3A = arith.constant 0 : i32
      %dma_wait3A_14 = arith.constant 0 : i32
      %dma_wait3A_15 = tpu.memref_slice %arg3[%add3A, %dma_wait3A, %dma_wait3A_14] : memref<32x50x128xi32, #tpu.memory_space<hbm>> -> memref<1x50x128xi32, #tpu.memory_space<hbm>>
      %dma_wait3A_16 = tpu.memref_squeeze %dma_wait3A_15 : memref<1x50x128xi32, #tpu.memory_space<hbm>> -> memref<50x128xi32, #tpu.memory_space<hbm>>
      %dma_wait3A_17 = arith.constant 0 : i32
      %dma_wait3A_18 = arith.constant 0 : i32
      %dma_wait3A_19 = tpu.memref_slice %arg3[%add3A, %dma_wait3A_17, %dma_wait3A_18] : memref<32x50x128xi32, #tpu.memory_space<hbm>> -> memref<1x50x128xi32, #tpu.memory_space<hbm>>
      %dma_wait3A_20 = tpu.memref_squeeze %dma_wait3A_19 : memref<1x50x128xi32, #tpu.memory_space<hbm>> -> memref<50x128xi32, #tpu.memory_space<hbm>>
      tpu.wait_dma2 semaphore(%run_scoped3A : memref<!tpu.dma_semaphore, #tpu.memory_space<semaphore_mem>>) src(%dma_wait3A_20 : memref<50x128xi32, #tpu.memory_space<hbm>>) dst(%arg5 : memref<50x128xi32, #tpu.memory_space<vmem>>)
      tpu.yield
    }) : () -> ()
    %scan3A = arith.constant 0 : i32
    %scan3A_3 = arith.constant 25 : i32
    %scan3A_4 = arith.addi %scan3A, %scan3A_3 : i32
    %scan3A_5 = arith.constant 1 : i32
    scf.for %scan3A_7 = %scan3A to %scan3A_4 step %scan3A_5  : i32 {
      %mul3A_8 = arith.constant 2 : i32
      %mul3A_9 = arith.muli %scan3A_7, %mul3A_8 : i32
      %add3A_10 = arith.constant 0 : i32
      %add3A_11 = arith.addi %add3A_10, %mul3A_9 : i32
      %dma_start3A = arith.constant 0 : i32
      %dma_start3A_12 = tpu.memref_slice %arg5[%add3A_11, %dma_start3A] : memref<50x128xi32, #tpu.memory_space<vmem>> -> memref<1x128xi32, #tpu.memory_space<vmem>>
      %dma_start3A_13 = tpu.memref_squeeze %dma_start3A_12 : memref<1x128xi32, #tpu.memory_space<vmem>> -> memref<128xi32, #tpu.memory_space<vmem>>
      %dma_start3A_14 = arith.constant 0 : i32
      %dma_start3A_15 = arith.constant 0 : i32
      %dma_start3A_16 = tpu.memref_slice %arg2[%dma_start3A_14, %dma_start3A_15] : memref<10240x48xf32, #tpu.memory_space<hbm>> -> memref<10240x48xf32, #tpu.memory_space<hbm>>
      tpu.enqueue_indirect_dma source(%dma_start3A_16 : memref<10240x48xf32, #tpu.memory_space<hbm>>) target(%arg6 : memref<128x48xf32, #tpu.memory_space<vmem>>) offsets(%dma_start3A_13 : memref<128xi32, #tpu.memory_space<vmem>>) semaphore(%arg8 : memref<!tpu.dma_semaphore, #tpu.memory_space<semaphore_mem>>)
      %add3A_17 = arith.constant 1 : i32
      %add3A_18 = arith.addi %add3A_11, %add3A_17 : i32
      %dma_start3A_19 = arith.constant 0 : i32
      %dma_start3A_20 = tpu.memref_slice %arg5[%add3A_18, %dma_start3A_19] : memref<50x128xi32, #tpu.memory_space<vmem>> -> memref<1x128xi32, #tpu.memory_space<vmem>>
      %dma_start3A_21 = tpu.memref_squeeze %dma_start3A_20 : memref<1x128xi32, #tpu.memory_space<vmem>> -> memref<128xi32, #tpu.memory_space<vmem>>
      %dma_start3A_22 = arith.constant 0 : i32
      %dma_start3A_23 = arith.constant 0 : i32
      %dma_start3A_24 = tpu.memref_slice %arg2[%dma_start3A_22, %dma_start3A_23] : memref<10240x48xf32, #tpu.memory_space<hbm>> -> memref<10240x48xf32, #tpu.memory_space<hbm>>
      tpu.enqueue_indirect_dma source(%dma_start3A_24 : memref<10240x48xf32, #tpu.memory_space<hbm>>) target(%arg7 : memref<128x48xf32, #tpu.memory_space<vmem>>) offsets(%dma_start3A_21 : memref<128xi32, #tpu.memory_space<vmem>>) semaphore(%arg9 : memref<!tpu.dma_semaphore, #tpu.memory_space<semaphore_mem>>)
      %dma_wait3A = arith.constant 0 : i32
      %dma_wait3A_25 = tpu.memref_slice %arg5[%add3A_11, %dma_wait3A] : memref<50x128xi32, #tpu.memory_space<vmem>> -> memref<1x128xi32, #tpu.memory_space<vmem>>
      %dma_wait3A_26 = tpu.memref_squeeze %dma_wait3A_25 : memref<1x128xi32, #tpu.memory_space<vmem>> -> memref<128xi32, #tpu.memory_space<vmem>>
      %dma_wait3A_27 = arith.constant 0 : i32
      %dma_wait3A_28 = arith.constant 0 : i32
      %dma_wait3A_29 = tpu.memref_slice %arg2[%dma_wait3A_27, %dma_wait3A_28] : memref<10240x48xf32, #tpu.memory_space<hbm>> -> memref<10240x48xf32, #tpu.memory_space<hbm>>
      tpu.wait_indirect_dma semaphore(%arg8 : memref<!tpu.dma_semaphore, #tpu.memory_space<semaphore_mem>>) src(%dma_wait3A_29 : memref<10240x48xf32, #tpu.memory_space<hbm>>) dst(%arg6 : memref<128x48xf32, #tpu.memory_space<vmem>>)
      %mul3A_30 = arith.constant 128 : i32
      %mul3A_31 = arith.muli %add3A_11, %mul3A_30 : i32
      %add3A_32 = arith.addi %mul3A_2, %mul3A_31 : i32
      %dma_start3A_33 = arith.constant 0 : i32
      %dma_start3A_34 = tpu.memref_slice %arg4[%add3A_32, %dma_start3A_33] : memref<204800x48xf32, #tpu.memory_space<hbm>> -> memref<128x48xf32, #tpu.memory_space<hbm>>
      %dma_start3A_35 = arith.constant 0 : i32
      %dma_start3A_36 = tpu.memref_slice %arg4[%add3A_32, %dma_start3A_35] : memref<204800x48xf32, #tpu.memory_space<hbm>> -> memref<128x48xf32, #tpu.memory_space<hbm>>
      tpu.enqueue_dma source(%arg6 : memref<128x48xf32, #tpu.memory_space<vmem>>) target(%dma_start3A_36 : memref<128x48xf32, #tpu.memory_space<hbm>>) target_semaphore(%arg10 : memref<!tpu.dma_semaphore, #tpu.memory_space<semaphore_mem>>)
      %dma_wait3A_37 = arith.constant 0 : i32
      %dma_wait3A_38 = tpu.memref_slice %arg5[%add3A_18, %dma_wait3A_37] : memref<50x128xi32, #tpu.memory_space<vmem>> -> memref<1x128xi32, #tpu.memory_space<vmem>>
      %dma_wait3A_39 = tpu.memref_squeeze %dma_wait3A_38 : memref<1x128xi32, #tpu.memory_space<vmem>> -> memref<128xi32, #tpu.memory_space<vmem>>
      %dma_wait3A_40 = arith.constant 0 : i32
      %dma_wait3A_41 = arith.constant 0 : i32
      %dma_wait3A_42 = tpu.memref_slice %arg2[%dma_wait3A_40, %dma_wait3A_41] : memref<10240x48xf32, #tpu.memory_space<hbm>> -> memref<10240x48xf32, #tpu.memory_space<hbm>>
      tpu.wait_indirect_dma semaphore(%arg9 : memref<!tpu.dma_semaphore, #tpu.memory_space<semaphore_mem>>) src(%dma_wait3A_42 : memref<10240x48xf32, #tpu.memory_space<hbm>>) dst(%arg7 : memref<128x48xf32, #tpu.memory_space<vmem>>)
      %dma_wait3A_43 = arith.constant 0 : i32
      %dma_wait3A_44 = tpu.memref_slice %arg4[%add3A_32, %dma_wait3A_43] : memref<204800x48xf32, #tpu.memory_space<hbm>> -> memref<128x48xf32, #tpu.memory_space<hbm>>
      %dma_wait3A_45 = arith.constant 0 : i32
      %dma_wait3A_46 = tpu.memref_slice %arg4[%add3A_32, %dma_wait3A_45] : memref<204800x48xf32, #tpu.memory_space<hbm>> -> memref<128x48xf32, #tpu.memory_space<hbm>>
      tpu.wait_dma2 semaphore(%arg10 : memref<!tpu.dma_semaphore, #tpu.memory_space<semaphore_mem>>) src(%arg6 : memref<128x48xf32, #tpu.memory_space<vmem>>) dst(%dma_wait3A_46 : memref<128x48xf32, #tpu.memory_space<hbm>>)
      %add3A_47 = arith.constant 1 : i32
      %add3A_48 = arith.addi %add3A_11, %add3A_47 : i32
      %mul3A_49 = arith.constant 128 : i32
      %mul3A_50 = arith.muli %add3A_48, %mul3A_49 : i32
      %add3A_51 = arith.addi %mul3A_2, %mul3A_50 : i32
      %dma_start3A_52 = arith.constant 0 : i32
      %dma_start3A_53 = tpu.memref_slice %arg4[%add3A_51, %dma_start3A_52] : memref<204800x48xf32, #tpu.memory_space<hbm>> -> memref<128x48xf32, #tpu.memory_space<hbm>>
      %dma_start3A_54 = arith.constant 0 : i32
      %dma_start3A_55 = tpu.memref_slice %arg4[%add3A_51, %dma_start3A_54] : memref<204800x48xf32, #tpu.memory_space<hbm>> -> memref<128x48xf32, #tpu.memory_space<hbm>>
      tpu.enqueue_dma source(%arg7 : memref<128x48xf32, #tpu.memory_space<vmem>>) target(%dma_start3A_55 : memref<128x48xf32, #tpu.memory_space<hbm>>) target_semaphore(%arg10 : memref<!tpu.dma_semaphore, #tpu.memory_space<semaphore_mem>>)
      %dma_wait3A_56 = arith.constant 0 : i32
      %dma_wait3A_57 = tpu.memref_slice %arg4[%add3A_51, %dma_wait3A_56] : memref<204800x48xf32, #tpu.memory_space<hbm>> -> memref<128x48xf32, #tpu.memory_space<hbm>>
      %dma_wait3A_58 = arith.constant 0 : i32
      %dma_wait3A_59 = tpu.memref_slice %arg4[%add3A_51, %dma_wait3A_58] : memref<204800x48xf32, #tpu.memory_space<hbm>> -> memref<128x48xf32, #tpu.memory_space<hbm>>
      tpu.wait_dma2 semaphore(%arg10 : memref<!tpu.dma_semaphore, #tpu.memory_space<semaphore_mem>>) src(%arg7 : memref<128x48xf32, #tpu.memory_space<vmem>>) dst(%dma_wait3A_59 : memref<128x48xf32, #tpu.memory_space<hbm>>)
    }
    %scan3A_6 = arith.constant 25 : i32
    return
  }
}

#map = affine_map<(d0, d1) -> (0, 0)>
#map1 = affine_map<(d0, d1) -> (0, 0, 0)>
module attributes {stable_mosaic.version = 14 : i64} {
  func.func @k(%arg0: i32, %arg1: i32, %arg2: memref<12288x48xf32, #tpu.memory_space<hbm>>, %arg3: memref<32x3x128xi32, #tpu.memory_space<hbm>>, %arg4: memref<10240x48xf32, #tpu.memory_space<hbm>>, %arg5: memref<2x10240x48xf32, #tpu.memory_space<hbm>>, %arg6: memref<3x128xi32, #tpu.memory_space<vmem>>, %arg7: memref<384x48xf32, #tpu.memory_space<vmem>>, %arg8: memref<10240x48xf32, #tpu.memory_space<vmem_shared>>, %arg9: memref<!tpu.dma_semaphore, #tpu.memory_space<semaphore_mem>>) attributes {dimension_semantics = [#tpu.dimension_semantics<core_parallel>, #tpu.dimension_semantics<subcore_parallel>], iteration_bounds = array<i64: 2, 16>, scalar_prefetch = 0 : i64, scratch_operands = 4 : i64, tpu.core_type = #tpu.core_type<sc_vector_subcore>, window_params = [{transform_indices = #map}, {transform_indices = #map1}, {transform_indices = #map}, {transform_indices = #map1}]} {
    %mul3A = arith.constant 2 : i32
    %mul3A_0 = arith.muli %arg1, %mul3A : i32
    %add3A = arith.addi %mul3A_0, %arg0 : i32
    %mul3A_1 = arith.constant 640 : i32
    %mul3A_2 = arith.muli %arg1, %mul3A_1 : i32
    %mul3A_3 = arith.constant 640 : i32
    %mul3A_4 = arith.muli %arg1, %mul3A_3 : i32
    %dma_start3A = arith.constant 0 : i32
    %dma_start3A_5 = tpu.memref_slice %arg8[%mul3A_4, %dma_start3A] : memref<10240x48xf32, #tpu.memory_space<vmem_shared>> -> memref<640x48xf32, #tpu.memory_space<vmem_shared>>
    %dma_start3A_6 = arith.constant 0 : i32
    %dma_start3A_7 = tpu.memref_slice %arg4[%mul3A_2, %dma_start3A_6] : memref<10240x48xf32, #tpu.memory_space<hbm>> -> memref<640x48xf32, #tpu.memory_space<hbm>>
    tpu.enqueue_dma source(%dma_start3A_7 : memref<640x48xf32, #tpu.memory_space<hbm>>) target(%dma_start3A_5 : memref<640x48xf32, #tpu.memory_space<vmem_shared>>) target_semaphore(%arg9 : memref<!tpu.dma_semaphore, #tpu.memory_space<semaphore_mem>>)
    %dma_wait3A = arith.constant 0 : i32
    %dma_wait3A_8 = tpu.memref_slice %arg8[%mul3A_4, %dma_wait3A] : memref<10240x48xf32, #tpu.memory_space<vmem_shared>> -> memref<640x48xf32, #tpu.memory_space<vmem_shared>>
    %dma_wait3A_9 = arith.constant 0 : i32
    %dma_wait3A_10 = tpu.memref_slice %arg4[%mul3A_2, %dma_wait3A_9] : memref<10240x48xf32, #tpu.memory_space<hbm>> -> memref<640x48xf32, #tpu.memory_space<hbm>>
    tpu.wait_dma2 semaphore(%arg9 : memref<!tpu.dma_semaphore, #tpu.memory_space<semaphore_mem>>) src(%dma_wait3A_10 : memref<640x48xf32, #tpu.memory_space<hbm>>) dst(%dma_wait3A_8 : memref<640x48xf32, #tpu.memory_space<vmem_shared>>)
    %barrier3A = arith.constant 0 : index
    tpu.barrier barrier_id(%barrier3A)
    "tpu.region"() ({
      %run_scoped3A_20 = tpu.sem_alloc : memref<!tpu.dma_semaphore, #tpu.memory_space<semaphore_mem>>
      %dma_start3A_21 = arith.constant 0 : i32
      %dma_start3A_22 = arith.constant 0 : i32
      %dma_start3A_23 = tpu.memref_slice %arg3[%add3A, %dma_start3A_21, %dma_start3A_22] : memref<32x3x128xi32, #tpu.memory_space<hbm>> -> memref<1x3x128xi32, #tpu.memory_space<hbm>>
      %dma_start3A_24 = tpu.memref_squeeze %dma_start3A_23 : memref<1x3x128xi32, #tpu.memory_space<hbm>> -> memref<3x128xi32, #tpu.memory_space<hbm>>
      %dma_start3A_25 = arith.constant 0 : i32
      %dma_start3A_26 = arith.constant 0 : i32
      %dma_start3A_27 = tpu.memref_slice %arg3[%add3A, %dma_start3A_25, %dma_start3A_26] : memref<32x3x128xi32, #tpu.memory_space<hbm>> -> memref<1x3x128xi32, #tpu.memory_space<hbm>>
      %dma_start3A_28 = tpu.memref_squeeze %dma_start3A_27 : memref<1x3x128xi32, #tpu.memory_space<hbm>> -> memref<3x128xi32, #tpu.memory_space<hbm>>
      tpu.enqueue_dma source(%dma_start3A_28 : memref<3x128xi32, #tpu.memory_space<hbm>>) target(%arg6 : memref<3x128xi32, #tpu.memory_space<vmem>>) target_semaphore(%run_scoped3A_20 : memref<!tpu.dma_semaphore, #tpu.memory_space<semaphore_mem>>)
      %dma_wait3A_29 = arith.constant 0 : i32
      %dma_wait3A_30 = arith.constant 0 : i32
      %dma_wait3A_31 = tpu.memref_slice %arg3[%add3A, %dma_wait3A_29, %dma_wait3A_30] : memref<32x3x128xi32, #tpu.memory_space<hbm>> -> memref<1x3x128xi32, #tpu.memory_space<hbm>>
      %dma_wait3A_32 = tpu.memref_squeeze %dma_wait3A_31 : memref<1x3x128xi32, #tpu.memory_space<hbm>> -> memref<3x128xi32, #tpu.memory_space<hbm>>
      %dma_wait3A_33 = arith.constant 0 : i32
      %dma_wait3A_34 = arith.constant 0 : i32
      %dma_wait3A_35 = tpu.memref_slice %arg3[%add3A, %dma_wait3A_33, %dma_wait3A_34] : memref<32x3x128xi32, #tpu.memory_space<hbm>> -> memref<1x3x128xi32, #tpu.memory_space<hbm>>
      %dma_wait3A_36 = tpu.memref_squeeze %dma_wait3A_35 : memref<1x3x128xi32, #tpu.memory_space<hbm>> -> memref<3x128xi32, #tpu.memory_space<hbm>>
      tpu.wait_dma2 semaphore(%run_scoped3A_20 : memref<!tpu.dma_semaphore, #tpu.memory_space<semaphore_mem>>) src(%dma_wait3A_36 : memref<3x128xi32, #tpu.memory_space<hbm>>) dst(%arg6 : memref<3x128xi32, #tpu.memory_space<vmem>>)
      tpu.yield
    }) : () -> ()
    %mul3A_11 = arith.constant 384 : i32
    %mul3A_12 = arith.muli %add3A, %mul3A_11 : i32
    "tpu.region"() ({
      %run_scoped3A_20 = tpu.sem_alloc : memref<!tpu.dma_semaphore, #tpu.memory_space<semaphore_mem>>
      %dma_start3A_21 = arith.constant 0 : i32
      %dma_start3A_22 = tpu.memref_slice %arg2[%mul3A_12, %dma_start3A_21] : memref<12288x48xf32, #tpu.memory_space<hbm>> -> memref<384x48xf32, #tpu.memory_space<hbm>>
      %dma_start3A_23 = arith.constant 0 : i32
      %dma_start3A_24 = tpu.memref_slice %arg2[%mul3A_12, %dma_start3A_23] : memref<12288x48xf32, #tpu.memory_space<hbm>> -> memref<384x48xf32, #tpu.memory_space<hbm>>
      tpu.enqueue_dma source(%dma_start3A_24 : memref<384x48xf32, #tpu.memory_space<hbm>>) target(%arg7 : memref<384x48xf32, #tpu.memory_space<vmem>>) target_semaphore(%run_scoped3A_20 : memref<!tpu.dma_semaphore, #tpu.memory_space<semaphore_mem>>)
      %dma_wait3A_25 = arith.constant 0 : i32
      %dma_wait3A_26 = tpu.memref_slice %arg2[%mul3A_12, %dma_wait3A_25] : memref<12288x48xf32, #tpu.memory_space<hbm>> -> memref<384x48xf32, #tpu.memory_space<hbm>>
      %dma_wait3A_27 = arith.constant 0 : i32
      %dma_wait3A_28 = tpu.memref_slice %arg2[%mul3A_12, %dma_wait3A_27] : memref<12288x48xf32, #tpu.memory_space<hbm>> -> memref<384x48xf32, #tpu.memory_space<hbm>>
      tpu.wait_dma2 semaphore(%run_scoped3A_20 : memref<!tpu.dma_semaphore, #tpu.memory_space<semaphore_mem>>) src(%dma_wait3A_28 : memref<384x48xf32, #tpu.memory_space<hbm>>) dst(%arg7 : memref<384x48xf32, #tpu.memory_space<vmem>>)
      tpu.yield
    }) : () -> ()
    %run_scoped3A = arith.constant 0 : i32
    "tpu.region"() ({
      %run_scoped3A_20 = tpu.sem_alloc : memref<!tpu.dma_semaphore, #tpu.memory_space<semaphore_mem>>
      %dma_start3A_21 = arith.constant 0 : i32
      %dma_start3A_22 = arith.constant 0 : i32
      %dma_start3A_23 = tpu.memref_slice %arg7[%dma_start3A_21, %dma_start3A_22] : memref<384x48xf32, #tpu.memory_space<vmem>> -> memref<128x48xf32, #tpu.memory_space<vmem>>
      %dma_start3A_24 = arith.constant 0 : i32
      %dma_start3A_25 = tpu.memref_slice %arg6[%run_scoped3A, %dma_start3A_24] : memref<3x128xi32, #tpu.memory_space<vmem>> -> memref<1x128xi32, #tpu.memory_space<vmem>>
      %dma_start3A_26 = tpu.memref_squeeze %dma_start3A_25 : memref<1x128xi32, #tpu.memory_space<vmem>> -> memref<128xi32, #tpu.memory_space<vmem>>
      %dma_start3A_27 = arith.constant 0 : i32
      %dma_start3A_28 = arith.constant 0 : i32
      %dma_start3A_29 = tpu.memref_slice %arg8[%dma_start3A_27, %dma_start3A_28] : memref<10240x48xf32, #tpu.memory_space<vmem_shared>> -> memref<10240x48xf32, #tpu.memory_space<vmem_shared>>
      tpu.enqueue_indirect_dma source(%dma_start3A_23 : memref<128x48xf32, #tpu.memory_space<vmem>>) target(%dma_start3A_29 : memref<10240x48xf32, #tpu.memory_space<vmem_shared>>) offsets(%dma_start3A_26 : memref<128xi32, #tpu.memory_space<vmem>>) semaphore(%run_scoped3A_20 : memref<!tpu.dma_semaphore, #tpu.memory_space<semaphore_mem>>) {add = true}
      %dma_wait3A_30 = arith.constant 0 : i32
      %dma_wait3A_31 = arith.constant 0 : i32
      %dma_wait3A_32 = tpu.memref_slice %arg7[%dma_wait3A_30, %dma_wait3A_31] : memref<384x48xf32, #tpu.memory_space<vmem>> -> memref<128x48xf32, #tpu.memory_space<vmem>>
      %dma_wait3A_33 = arith.constant 0 : i32
      %dma_wait3A_34 = tpu.memref_slice %arg6[%run_scoped3A, %dma_wait3A_33] : memref<3x128xi32, #tpu.memory_space<vmem>> -> memref<1x128xi32, #tpu.memory_space<vmem>>
      %dma_wait3A_35 = tpu.memref_squeeze %dma_wait3A_34 : memref<1x128xi32, #tpu.memory_space<vmem>> -> memref<128xi32, #tpu.memory_space<vmem>>
      %dma_wait3A_36 = arith.constant 0 : i32
      %dma_wait3A_37 = arith.constant 0 : i32
      %dma_wait3A_38 = tpu.memref_slice %arg8[%dma_wait3A_36, %dma_wait3A_37] : memref<10240x48xf32, #tpu.memory_space<vmem_shared>> -> memref<10240x48xf32, #tpu.memory_space<vmem_shared>>
      tpu.wait_indirect_dma semaphore(%run_scoped3A_20 : memref<!tpu.dma_semaphore, #tpu.memory_space<semaphore_mem>>) src(%dma_wait3A_32 : memref<128x48xf32, #tpu.memory_space<vmem>>) dst(%dma_wait3A_38 : memref<10240x48xf32, #tpu.memory_space<vmem_shared>>)
      tpu.yield
    }) : () -> ()
    %run_scoped3A_13 = arith.constant 1 : i32
    "tpu.region"() ({
      %run_scoped3A_20 = tpu.sem_alloc : memref<!tpu.dma_semaphore, #tpu.memory_space<semaphore_mem>>
      %dma_start3A_21 = arith.constant 128 : i32
      %dma_start3A_22 = arith.constant 0 : i32
      %dma_start3A_23 = tpu.memref_slice %arg7[%dma_start3A_21, %dma_start3A_22] : memref<384x48xf32, #tpu.memory_space<vmem>> -> memref<128x48xf32, #tpu.memory_space<vmem>>
      %dma_start3A_24 = arith.constant 0 : i32
      %dma_start3A_25 = tpu.memref_slice %arg6[%run_scoped3A_13, %dma_start3A_24] : memref<3x128xi32, #tpu.memory_space<vmem>> -> memref<1x128xi32, #tpu.memory_space<vmem>>
      %dma_start3A_26 = tpu.memref_squeeze %dma_start3A_25 : memref<1x128xi32, #tpu.memory_space<vmem>> -> memref<128xi32, #tpu.memory_space<vmem>>
      %dma_start3A_27 = arith.constant 0 : i32
      %dma_start3A_28 = arith.constant 0 : i32
      %dma_start3A_29 = tpu.memref_slice %arg8[%dma_start3A_27, %dma_start3A_28] : memref<10240x48xf32, #tpu.memory_space<vmem_shared>> -> memref<10240x48xf32, #tpu.memory_space<vmem_shared>>
      tpu.enqueue_indirect_dma source(%dma_start3A_23 : memref<128x48xf32, #tpu.memory_space<vmem>>) target(%dma_start3A_29 : memref<10240x48xf32, #tpu.memory_space<vmem_shared>>) offsets(%dma_start3A_26 : memref<128xi32, #tpu.memory_space<vmem>>) semaphore(%run_scoped3A_20 : memref<!tpu.dma_semaphore, #tpu.memory_space<semaphore_mem>>) {add = true}
      %dma_wait3A_30 = arith.constant 128 : i32
      %dma_wait3A_31 = arith.constant 0 : i32
      %dma_wait3A_32 = tpu.memref_slice %arg7[%dma_wait3A_30, %dma_wait3A_31] : memref<384x48xf32, #tpu.memory_space<vmem>> -> memref<128x48xf32, #tpu.memory_space<vmem>>
      %dma_wait3A_33 = arith.constant 0 : i32
      %dma_wait3A_34 = tpu.memref_slice %arg6[%run_scoped3A_13, %dma_wait3A_33] : memref<3x128xi32, #tpu.memory_space<vmem>> -> memref<1x128xi32, #tpu.memory_space<vmem>>
      %dma_wait3A_35 = tpu.memref_squeeze %dma_wait3A_34 : memref<1x128xi32, #tpu.memory_space<vmem>> -> memref<128xi32, #tpu.memory_space<vmem>>
      %dma_wait3A_36 = arith.constant 0 : i32
      %dma_wait3A_37 = arith.constant 0 : i32
      %dma_wait3A_38 = tpu.memref_slice %arg8[%dma_wait3A_36, %dma_wait3A_37] : memref<10240x48xf32, #tpu.memory_space<vmem_shared>> -> memref<10240x48xf32, #tpu.memory_space<vmem_shared>>
      tpu.wait_indirect_dma semaphore(%run_scoped3A_20 : memref<!tpu.dma_semaphore, #tpu.memory_space<semaphore_mem>>) src(%dma_wait3A_32 : memref<128x48xf32, #tpu.memory_space<vmem>>) dst(%dma_wait3A_38 : memref<10240x48xf32, #tpu.memory_space<vmem_shared>>)
      tpu.yield
    }) : () -> ()
    %run_scoped3A_14 = arith.constant 2 : i32
    "tpu.region"() ({
      %run_scoped3A_20 = tpu.sem_alloc : memref<!tpu.dma_semaphore, #tpu.memory_space<semaphore_mem>>
      %dma_start3A_21 = arith.constant 256 : i32
      %dma_start3A_22 = arith.constant 0 : i32
      %dma_start3A_23 = tpu.memref_slice %arg7[%dma_start3A_21, %dma_start3A_22] : memref<384x48xf32, #tpu.memory_space<vmem>> -> memref<128x48xf32, #tpu.memory_space<vmem>>
      %dma_start3A_24 = arith.constant 0 : i32
      %dma_start3A_25 = tpu.memref_slice %arg6[%run_scoped3A_14, %dma_start3A_24] : memref<3x128xi32, #tpu.memory_space<vmem>> -> memref<1x128xi32, #tpu.memory_space<vmem>>
      %dma_start3A_26 = tpu.memref_squeeze %dma_start3A_25 : memref<1x128xi32, #tpu.memory_space<vmem>> -> memref<128xi32, #tpu.memory_space<vmem>>
      %dma_start3A_27 = arith.constant 0 : i32
      %dma_start3A_28 = arith.constant 0 : i32
      %dma_start3A_29 = tpu.memref_slice %arg8[%dma_start3A_27, %dma_start3A_28] : memref<10240x48xf32, #tpu.memory_space<vmem_shared>> -> memref<10240x48xf32, #tpu.memory_space<vmem_shared>>
      tpu.enqueue_indirect_dma source(%dma_start3A_23 : memref<128x48xf32, #tpu.memory_space<vmem>>) target(%dma_start3A_29 : memref<10240x48xf32, #tpu.memory_space<vmem_shared>>) offsets(%dma_start3A_26 : memref<128xi32, #tpu.memory_space<vmem>>) semaphore(%run_scoped3A_20 : memref<!tpu.dma_semaphore, #tpu.memory_space<semaphore_mem>>) {add = true}
      %dma_wait3A_30 = arith.constant 256 : i32
      %dma_wait3A_31 = arith.constant 0 : i32
      %dma_wait3A_32 = tpu.memref_slice %arg7[%dma_wait3A_30, %dma_wait3A_31] : memref<384x48xf32, #tpu.memory_space<vmem>> -> memref<128x48xf32, #tpu.memory_space<vmem>>
      %dma_wait3A_33 = arith.constant 0 : i32
      %dma_wait3A_34 = tpu.memref_slice %arg6[%run_scoped3A_14, %dma_wait3A_33] : memref<3x128xi32, #tpu.memory_space<vmem>> -> memref<1x128xi32, #tpu.memory_space<vmem>>
      %dma_wait3A_35 = tpu.memref_squeeze %dma_wait3A_34 : memref<1x128xi32, #tpu.memory_space<vmem>> -> memref<128xi32, #tpu.memory_space<vmem>>
      %dma_wait3A_36 = arith.constant 0 : i32
      %dma_wait3A_37 = arith.constant 0 : i32
      %dma_wait3A_38 = tpu.memref_slice %arg8[%dma_wait3A_36, %dma_wait3A_37] : memref<10240x48xf32, #tpu.memory_space<vmem_shared>> -> memref<10240x48xf32, #tpu.memory_space<vmem_shared>>
      tpu.wait_indirect_dma semaphore(%run_scoped3A_20 : memref<!tpu.dma_semaphore, #tpu.memory_space<semaphore_mem>>) src(%dma_wait3A_32 : memref<128x48xf32, #tpu.memory_space<vmem>>) dst(%dma_wait3A_38 : memref<10240x48xf32, #tpu.memory_space<vmem_shared>>)
      tpu.yield
    }) : () -> ()
    %barrier3A_15 = arith.constant 0 : index
    tpu.barrier barrier_id(%barrier3A_15)
    %mul3A_16 = arith.constant 640 : i32
    %mul3A_17 = arith.muli %arg1, %mul3A_16 : i32
    %mul3A_18 = arith.constant 640 : i32
    %mul3A_19 = arith.muli %arg1, %mul3A_18 : i32
    "tpu.region"() ({
      %run_scoped3A_20 = tpu.sem_alloc : memref<!tpu.dma_semaphore, #tpu.memory_space<semaphore_mem>>
      %dma_start3A_21 = arith.constant 0 : i32
      %dma_start3A_22 = arith.constant 0 : i32
      %dma_start3A_23 = tpu.memref_slice %arg5[%arg0, %dma_start3A_21, %dma_start3A_22] : memref<2x10240x48xf32, #tpu.memory_space<hbm>> -> memref<1x10240x48xf32, #tpu.memory_space<hbm>>
      %dma_start3A_24 = tpu.memref_squeeze %dma_start3A_23 : memref<1x10240x48xf32, #tpu.memory_space<hbm>> -> memref<10240x48xf32, #tpu.memory_space<hbm>>
      %dma_start3A_25 = arith.constant 0 : i32
      %dma_start3A_26 = tpu.memref_slice %dma_start3A_24[%mul3A_19, %dma_start3A_25] : memref<10240x48xf32, #tpu.memory_space<hbm>> -> memref<640x48xf32, #tpu.memory_space<hbm>>
      %dma_start3A_27 = arith.constant 0 : i32
      %dma_start3A_28 = tpu.memref_slice %arg8[%mul3A_17, %dma_start3A_27] : memref<10240x48xf32, #tpu.memory_space<vmem_shared>> -> memref<640x48xf32, #tpu.memory_space<vmem_shared>>
      tpu.enqueue_dma source(%dma_start3A_28 : memref<640x48xf32, #tpu.memory_space<vmem_shared>>) target(%dma_start3A_26 : memref<640x48xf32, #tpu.memory_space<hbm>>) target_semaphore(%run_scoped3A_20 : memref<!tpu.dma_semaphore, #tpu.memory_space<semaphore_mem>>)
      %dma_wait3A_29 = arith.constant 0 : i32
      %dma_wait3A_30 = arith.constant 0 : i32
      %dma_wait3A_31 = tpu.memref_slice %arg5[%arg0, %dma_wait3A_29, %dma_wait3A_30] : memref<2x10240x48xf32, #tpu.memory_space<hbm>> -> memref<1x10240x48xf32, #tpu.memory_space<hbm>>
      %dma_wait3A_32 = tpu.memref_squeeze %dma_wait3A_31 : memref<1x10240x48xf32, #tpu.memory_space<hbm>> -> memref<10240x48xf32, #tpu.memory_space<hbm>>
      %dma_wait3A_33 = arith.constant 0 : i32
      %dma_wait3A_34 = tpu.memref_slice %dma_wait3A_32[%mul3A_19, %dma_wait3A_33] : memref<10240x48xf32, #tpu.memory_space<hbm>> -> memref<640x48xf32, #tpu.memory_space<hbm>>
      %dma_wait3A_35 = arith.constant 0 : i32
      %dma_wait3A_36 = tpu.memref_slice %arg8[%mul3A_17, %dma_wait3A_35] : memref<10240x48xf32, #tpu.memory_space<vmem_shared>> -> memref<640x48xf32, #tpu.memory_space<vmem_shared>>
      tpu.wait_dma2 semaphore(%run_scoped3A_20 : memref<!tpu.dma_semaphore, #tpu.memory_space<semaphore_mem>>) src(%dma_wait3A_36 : memref<640x48xf32, #tpu.memory_space<vmem_shared>>) dst(%dma_wait3A_34 : memref<640x48xf32, #tpu.memory_space<hbm>>)
      tpu.yield
    }) : () -> ()
    return
  }
}

module attributes {stable_mosaic.version = 14 : i64} {
  func.func @_embed_kernel(%arg0: memref<10240x1xi32, #tpu.memory_space<vmem>>, %arg1: memref<8x48xf32, #tpu.memory_space<vmem>>, %arg2: memref<10240x48xf32, #tpu.memory_space<vmem>>, %arg3: memref<10240x48xf32, #tpu.memory_space<vmem>>) attributes {dimension_semantics = [], scalar_prefetch = 0 : i64, scratch_operands = 0 : i64, tpu.core_type = #tpu.core_type<tc>} {
    %get3A = arith.constant 0 : index
    %get3A_0 = arith.constant 0 : index
    %get3A_1 = vector.load %arg0[%get3A, %get3A_0] : memref<10240x1xi32, #tpu.memory_space<vmem>>, vector<10240x1xi32>
    %iota3A = tpu.iota {dimensions = array<i32: 1>} : vector<10240x8xi32>
    %eq3A = vector.broadcast %get3A_1 : vector<10240x1xi32> to vector<10240x8xi32>
    %eq3A_2 = arith.cmpi eq, %eq3A, %iota3A : vector<10240x8xi32>
    %convert_element_type3A = arith.extui %eq3A_2 : vector<10240x8xi1> to vector<10240x8xi32>
    %convert_element_type3A_3 = arith.sitofp %convert_element_type3A : vector<10240x8xi32> to vector<10240x8xf32>
    %get3A_4 = arith.constant 0 : index
    %get3A_5 = arith.constant 0 : index
    %get3A_6 = vector.load %arg1[%get3A_4, %get3A_5] : memref<8x48xf32, #tpu.memory_space<vmem>>, vector<8x48xf32>
    %dot_general3A = arith.constant dense<0.000000e+00> : vector<10240x48xf32>
    %dot_general3A_7 = tpu.matmul %convert_element_type3A_3, %get3A_6, %dot_general3A {dimension_numbers = #tpu.dot_dimension_numbers<[1], [0], [0], [1], [0, 0, 1, 1], [], []>, transpose_lhs_hint = false} : vector<10240x8xf32>, vector<8x48xf32>, vector<10240x48xf32> -> vector<10240x48xf32>
    %get3A_8 = arith.constant 0 : index
    %get3A_9 = arith.constant 0 : index
    %get3A_10 = vector.load %arg2[%get3A_8, %get3A_9] : memref<10240x48xf32, #tpu.memory_space<vmem>>, vector<10240x48xf32>
    %add3A = arith.addf %dot_general3A_7, %get3A_10 : vector<10240x48xf32>
    %swap3A = arith.constant 0 : index
    %swap3A_11 = arith.constant 0 : index
    %swap3A_12 = vector.load %arg3[%swap3A, %swap3A_11] : memref<10240x48xf32, #tpu.memory_space<vmem>>, vector<10240x48xf32>
    tpu.vector_store %arg3[%swap3A, %swap3A_11], %add3A {strides = array<i32>} : memref<10240x48xf32, #tpu.memory_space<vmem>>, vector<10240x48xf32>,
    return
  }
}

module attributes {stable_mosaic.version = 14 : i64} {
  func.func @_matmul_kernel(%arg0: memref<10240x48xf32, #tpu.memory_space<vmem>>, %arg1: memref<48x48xf32, #tpu.memory_space<vmem>>, %arg2: memref<10240x48xf32, #tpu.memory_space<vmem>>) attributes {dimension_semantics = [], scalar_prefetch = 0 : i64, scratch_operands = 0 : i64, tpu.core_type = #tpu.core_type<tc>} {
    %get3A = arith.constant 0 : index
    %get3A_0 = arith.constant 0 : index
    %get3A_1 = vector.load %arg0[%get3A, %get3A_0] : memref<10240x48xf32, #tpu.memory_space<vmem>>, vector<10240x48xf32>
    %get3A_2 = arith.constant 0 : index
    %get3A_3 = arith.constant 0 : index
    %get3A_4 = vector.load %arg1[%get3A_2, %get3A_3] : memref<48x48xf32, #tpu.memory_space<vmem>>, vector<48x48xf32>
    %dot_general3A = arith.constant dense<0.000000e+00> : vector<10240x48xf32>
    %dot_general3A_5 = tpu.matmul %get3A_1, %get3A_4, %dot_general3A {dimension_numbers = #tpu.dot_dimension_numbers<[1], [0], [0], [1], [0, 0, 1, 1], [], []>, transpose_lhs_hint = false} : vector<10240x48xf32>, vector<48x48xf32>, vector<10240x48xf32> -> vector<10240x48xf32>
    %swap3A = arith.constant 0 : index
    %swap3A_6 = arith.constant 0 : index
    %swap3A_7 = vector.load %arg2[%swap3A, %swap3A_6] : memref<10240x48xf32, #tpu.memory_space<vmem>>, vector<10240x48xf32>
    tpu.vector_store %arg2[%swap3A, %swap3A_6], %dot_general3A_5 {strides = array<i32>} : memref<10240x48xf32, #tpu.memory_space<vmem>>, vector<10240x48xf32>,
    return
  }
}

module attributes {stable_mosaic.version = 14 : i64} {
  func.func @_bondmsg_kernel(%arg0: i32, %arg1: memref<12288x48xf32, #tpu.memory_space<vmem>>, %arg2: memref<12288x48xf32, #tpu.memory_space<vmem>>, %arg3: memref<1x48xf32, #tpu.memory_space<vmem>>, %arg4: memref<12288x48xf32, #tpu.memory_space<vmem>>) attributes {dimension_semantics = [#tpu.dimension_semantics<arbitrary>], iteration_bounds = array<i64: 1>, scalar_prefetch = 0 : i64, scratch_operands = 0 : i64, tpu.core_type = #tpu.core_type<tc>, window_params = [{transform_indices = @transform_0, window_bounds = array<i64: 12288, 48>}, {transform_indices = @transform_1, window_bounds = array<i64: 12288, 48>}, {pipeline_mode = #tpu.pipeline_mode<synchronous>, transform_indices = @transform_2, window_bounds = array<i64: 1, 48>}, {pipeline_mode = #tpu.pipeline_mode<synchronous>, transform_indices = @transform_3, window_bounds = array<i64: 12288, 48>}]} {
    %get3A = arith.constant 0 : index
    %get3A_0 = arith.constant 0 : index
    %get3A_1 = vector.load %arg1[%get3A, %get3A_0] : memref<12288x48xf32, #tpu.memory_space<vmem>>, vector<12288x48xf32>
    %get3A_2 = arith.constant 0 : index
    %get3A_3 = arith.constant 0 : index
    %get3A_4 = vector.load %arg2[%get3A_2, %get3A_3] : memref<12288x48xf32, #tpu.memory_space<vmem>>, vector<12288x48xf32>
    %sub3A = arith.subf %get3A_1, %get3A_4 : vector<12288x48xf32>
    %get3A_5 = arith.constant 0 : index
    %get3A_6 = arith.constant 0 : index
    %get3A_7 = vector.load %arg3[%get3A_5, %get3A_6] : memref<1x48xf32, #tpu.memory_space<vmem>>, vector<1x48xf32>
    %add3A = vector.broadcast %get3A_7 : vector<1x48xf32> to vector<12288x48xf32>
    %add3A_8 = arith.addf %sub3A, %add3A : vector<12288x48xf32>
    %max3A = arith.constant 0.000000e+00 : f32
    %max3A_9 = vector.broadcast %max3A : f32 to vector<12288x48xf32>
    %max3A_10 = arith.maximumf %add3A_8, %max3A_9 : vector<12288x48xf32>
    %iota3A = tpu.iota {dimensions = array<i32: 0>} : vector<12288x48xi32>
    %iota3A_11 = tpu.iota {dimensions = array<i32: 1>} : vector<12288x48xi32>
    %lt3A = arith.constant 10000 : i32
    %lt3A_12 = vector.broadcast %lt3A : i32 to vector<12288x48xi32>
    %lt3A_13 = arith.cmpi slt, %iota3A, %lt3A_12 : vector<12288x48xi32>
    %jit3A = arith.constant 0.000000e+00 : f32
    %broadcast_in_dim3A = vector.broadcast %jit3A : f32 to vector<12288x48xf32>
    %select_n3A = arith.select %lt3A_13, %max3A_10, %broadcast_in_dim3A : vector<12288x48xi1>, vector<12288x48xf32>
    %eq3A = arith.constant 47 : i32
    %eq3A_14 = vector.broadcast %eq3A : i32 to vector<12288x48xi32>
    %eq3A_15 = arith.cmpi eq, %iota3A_11, %eq3A_14 : vector<12288x48xi32>
    %and3A = arith.andi %lt3A_13, %eq3A_15 : vector<12288x48xi1>
    %jit3A_16 = arith.constant 1.000000e+00 : f32
    %jit3A_17 = arith.constant 0.000000e+00 : f32
    %broadcast_in_dim3A_18 = vector.broadcast %jit3A_16 : f32 to vector<12288x48xf32>
    %broadcast_in_dim3A_19 = vector.broadcast %jit3A_17 : f32 to vector<12288x48xf32>
    %select_n3A_20 = arith.select %and3A, %broadcast_in_dim3A_18, %broadcast_in_dim3A_19 : vector<12288x48xi1>, vector<12288x48xf32>
    %add3A_21 = arith.addf %select_n3A, %select_n3A_20 : vector<12288x48xf32>
    %swap3A = arith.constant 0 : index
    %swap3A_22 = arith.constant 0 : index
    %swap3A_23 = vector.load %arg4[%swap3A, %swap3A_22] : memref<12288x48xf32, #tpu.memory_space<vmem>>, vector<12288x48xf32>
    tpu.vector_store %arg4[%swap3A, %swap3A_22], %add3A_21 {strides = array<i32>} : memref<12288x48xf32, #tpu.memory_space<vmem>>, vector<12288x48xf32>,
    return
  }
  func.func @transform_0(%arg0: i32) -> (i32, i32) {
    %c0_i32 = arith.constant 0 : i32
    %c0_i32_0 = arith.constant 0 : i32
    %c0_i32_1 = arith.constant 0 : i32
    return %c0_i32, %c0_i32_0 : i32, i32
  }
  func.func @transform_1(%arg0: i32) -> (i32, i32) {
    %c1_i32 = arith.constant 1 : i32
    %c0_i32 = arith.constant 0 : i32
    %c0_i32_0 = arith.constant 0 : i32
    return %c1_i32, %c0_i32 : i32, i32
  }
  func.func @transform_2(%arg0: i32) -> (i32, i32) {
    %c0_i32 = arith.constant 0 : i32
    %c0_i32_0 = arith.constant 0 : i32
    %c0_i32_1 = arith.constant 0 : i32
    return %c0_i32, %c0_i32_0 : i32, i32
  }
  func.func @transform_3(%arg0: i32) -> (i32, i32) {
    %c0_i32 = arith.constant 0 : i32
    %c0_i32_0 = arith.constant 0 : i32
    %c0_i32_1 = arith.constant 0 : i32
    return %c0_i32, %c0_i32_0 : i32, i32
  }
}

module attributes {stable_mosaic.version = 14 : i64} {
  func.func @_knn_kernel(%arg0: i32, %arg1: memref<256x3xf32, #tpu.memory_space<vmem>>, %arg2: memref<3x10240xf32, #tpu.memory_space<vmem>>, %arg3: memref<1x10240xf32, #tpu.memory_space<vmem>>, %arg4: memref<256x32xi32, #tpu.memory_space<vmem>>, %arg5: memref<80x256x128xf32, #tpu.memory_space<vmem>>) attributes {dimension_semantics = [#tpu.dimension_semantics<arbitrary>], iteration_bounds = array<i64: 40>, scalar_prefetch = 0 : i64, scratch_operands = 1 : i64, tpu.core_type = #tpu.core_type<tc>, window_params = [{transform_indices = @transform_0, window_bounds = array<i64: 256, 3>}, {pipeline_mode = #tpu.pipeline_mode<synchronous>, transform_indices = @transform_1, window_bounds = array<i64: 3, 10240>}, {pipeline_mode = #tpu.pipeline_mode<synchronous>, transform_indices = @transform_2, window_bounds = array<i64: 1, 10240>}, {transform_indices = @transform_3, window_bounds = array<i64: 256, 32>}]} {
    %get3A = arith.constant 0 : index
    %get3A_0 = arith.constant 0 : index
    %get3A_1 = vector.load %arg1[%get3A, %get3A_0] : memref<256x3xf32, #tpu.memory_space<vmem>>, vector<256x3xf32>
    %get3A_2 = arith.constant 0 : index
    %get3A_3 = arith.constant 0 : index
    %get3A_4 = vector.load %arg2[%get3A_2, %get3A_3] : memref<3x10240xf32, #tpu.memory_space<vmem>>, vector<3x10240xf32>
    %mul3A = arith.mulf %get3A_1, %get3A_1 : vector<256x3xf32>
    %reduce_sum3A = arith.constant dense<0.000000e+00> : vector<256xf32>
    %reduce_sum3A_5 = vector.multi_reduction <add>, %mul3A, %reduce_sum3A [1] : vector<256x3xf32> to vector<256xf32>
    %mul3A_6 = arith.mulf %get3A_4, %get3A_4 : vector<3x10240xf32>
    %reduce_sum3A_7 = arith.constant dense<0.000000e+00> : vector<10240xf32>
    %reduce_sum3A_8 = vector.multi_reduction <add>, %mul3A_6, %reduce_sum3A_7 [0] : vector<3x10240xf32> to vector<10240xf32>
    %dot_general3A = arith.constant dense<0.000000e+00> : vector<256x10240xf32>
    %dot_general3A_9 = tpu.matmul %get3A_1, %get3A_4, %dot_general3A {dimension_numbers = #tpu.dot_dimension_numbers<[1], [0], [0], [1], [0, 0, 1, 1], [], []>, transpose_lhs_hint = false} : vector<256x3xf32>, vector<3x10240xf32>, vector<256x10240xf32> -> vector<256x10240xf32>
    %broadcast_in_dim3A = vector.shape_cast %reduce_sum3A_5 : vector<256xf32> to vector<256x1xf32>
    %broadcast_in_dim3A_10 = vector.shape_cast %reduce_sum3A_8 : vector<10240xf32> to vector<1x10240xf32>
    %add3A = vector.broadcast %broadcast_in_dim3A : vector<256x1xf32> to vector<256x10240xf32>
    %add3A_11 = vector.broadcast %broadcast_in_dim3A_10 : vector<1x10240xf32> to vector<256x10240xf32>
    %add3A_12 = arith.addf %add3A, %add3A_11 : vector<256x10240xf32>
    %get3A_13 = arith.constant 0 : index
    %get3A_14 = arith.constant 0 : index
    %get3A_15 = vector.load %arg3[%get3A_13, %get3A_14] : memref<1x10240xf32, #tpu.memory_space<vmem>>, vector<1x10240xf32>
    %add3A_16 = vector.broadcast %get3A_15 : vector<1x10240xf32> to vector<256x10240xf32>
    %add3A_17 = arith.addf %add3A_12, %add3A_16 : vector<256x10240xf32>
    %mul3A_18 = arith.constant 2.000000e+00 : f32
    %mul3A_19 = vector.broadcast %mul3A_18 : f32 to vector<256x10240xf32>
    %mul3A_20 = arith.mulf %mul3A_19, %dot_general3A_9 : vector<256x10240xf32>
    %sub3A = arith.subf %add3A_17, %mul3A_20 : vector<256x10240xf32>
    %slice3A = vector.extract_strided_slice %sub3A {offsets = [0, 0], sizes = [256, 128], strides = [1, 1]} : vector<256x10240xf32> to vector<256x128xf32>
    %swap3A = arith.constant 0 : index
    %swap3A_21 = arith.constant 0 : index
    %swap3A_22 = arith.constant 0 : index
    %swap3A_23 = vector.load %arg5[%swap3A, %swap3A_21, %swap3A_22] : memref<80x256x128xf32, #tpu.memory_space<vmem>>, vector<1x256x128xf32>
    %swap3A_24 = vector.shape_cast %swap3A_23 : vector<1x256x128xf32> to vector<256x128xf32>
    %swap3A_25 = vector.shape_cast %slice3A : vector<256x128xf32> to vector<1x256x128xf32>
    tpu.vector_store %arg5[%swap3A, %swap3A_21, %swap3A_22], %swap3A_25 {strides = array<i32>} : memref<80x256x128xf32, #tpu.memory_space<vmem>>, vector<1x256x128xf32>,
    %slice3A_26 = vector.extract_strided_slice %sub3A {offsets = [0, 128], sizes = [256, 128], strides = [1, 1]} : vector<256x10240xf32> to vector<256x128xf32>
    %swap3A_27 = arith.constant 1 : index
    %swap3A_28 = arith.constant 0 : index
    %swap3A_29 = arith.constant 0 : index
    %swap3A_30 = vector.load %arg5[%swap3A_27, %swap3A_28, %swap3A_29] : memref<80x256x128xf32, #tpu.memory_space<vmem>>, vector<1x256x128xf32>
    %swap3A_31 = vector.shape_cast %swap3A_30 : vector<1x256x128xf32> to vector<256x128xf32>
    %swap3A_32 = vector.shape_cast %slice3A_26 : vector<256x128xf32> to vector<1x256x128xf32>
    tpu.vector_store %arg5[%swap3A_27, %swap3A_28, %swap3A_29], %swap3A_32 {strides = array<i32>} : memref<80x256x128xf32, #tpu.memory_space<vmem>>, vector<1x256x128xf32>,
    %slice3A_33 = vector.extract_strided_slice %sub3A {offsets = [0, 256], sizes = [256, 128], strides = [1, 1]} : vector<256x10240xf32> to vector<256x128xf32>
    %swap3A_34 = arith.constant 2 : index
    %swap3A_35 = arith.constant 0 : index
    %swap3A_36 = arith.constant 0 : index
    %swap3A_37 = vector.load %arg5[%swap3A_34, %swap3A_35, %swap3A_36] : memref<80x256x128xf32, #tpu.memory_space<vmem>>, vector<1x256x128xf32>
    %swap3A_38 = vector.shape_cast %swap3A_37 : vector<1x256x128xf32> to vector<256x128xf32>
    %swap3A_39 = vector.shape_cast %slice3A_33 : vector<256x128xf32> to vector<1x256x128xf32>
    tpu.vector_store %arg5[%swap3A_34, %swap3A_35, %swap3A_36], %swap3A_39 {strides = array<i32>} : memref<80x256x128xf32, #tpu.memory_space<vmem>>, vector<1x256x128xf32>,
    %slice3A_40 = vector.extract_strided_slice %sub3A {offsets = [0, 384], sizes = [256, 128], strides = [1, 1]} : vector<256x10240xf32> to vector<256x128xf32>
    %swap3A_41 = arith.constant 3 : index
    %swap3A_42 = arith.constant 0 : index
    %swap3A_43 = arith.constant 0 : index
    %swap3A_44 = vector.load %arg5[%swap3A_41, %swap3A_42, %swap3A_43] : memref<80x256x128xf32, #tpu.memory_space<vmem>>, vector<1x256x128xf32>
    %swap3A_45 = vector.shape_cast %swap3A_44 : vector<1x256x128xf32> to vector<256x128xf32>
    %swap3A_46 = vector.shape_cast %slice3A_40 : vector<256x128xf32> to vector<1x256x128xf32>
    tpu.vector_store %arg5[%swap3A_41, %swap3A_42, %swap3A_43], %swap3A_46 {strides = array<i32>} : memref<80x256x128xf32, #tpu.memory_space<vmem>>, vector<1x256x128xf32>,
    %slice3A_47 = vector.extract_strided_slice %sub3A {offsets = [0, 512], sizes = [256, 128], strides = [1, 1]} : vector<256x10240xf32> to vector<256x128xf32>
    %swap3A_48 = arith.constant 4 : index
    %swap3A_49 = arith.constant 0 : index
    %swap3A_50 = arith.constant 0 : index
    %swap3A_51 = vector.load %arg5[%swap3A_48, %swap3A_49, %swap3A_50] : memref<80x256x128xf32, #tpu.memory_space<vmem>>, vector<1x256x128xf32>
    %swap3A_52 = vector.shape_cast %swap3A_51 : vector<1x256x128xf32> to vector<256x128xf32>
    %swap3A_53 = vector.shape_cast %slice3A_47 : vector<256x128xf32> to vector<1x256x128xf32>
    tpu.vector_store %arg5[%swap3A_48, %swap3A_49, %swap3A_50], %swap3A_53 {strides = array<i32>} : memref<80x256x128xf32, #tpu.memory_space<vmem>>, vector<1x256x128xf32>,
    %slice3A_54 = vector.extract_strided_slice %sub3A {offsets = [0, 640], sizes = [256, 128], strides = [1, 1]} : vector<256x10240xf32> to vector<256x128xf32>
    %swap3A_55 = arith.constant 5 : index
    %swap3A_56 = arith.constant 0 : index
    %swap3A_57 = arith.constant 0 : index
    %swap3A_58 = vector.load %arg5[%swap3A_55, %swap3A_56, %swap3A_57] : memref<80x256x128xf32, #tpu.memory_space<vmem>>, vector<1x256x128xf32>
    %swap3A_59 = vector.shape_cast %swap3A_58 : vector<1x256x128xf32> to vector<256x128xf32>
    %swap3A_60 = vector.shape_cast %slice3A_54 : vector<256x128xf32> to vector<1x256x128xf32>
    tpu.vector_store %arg5[%swap3A_55, %swap3A_56, %swap3A_57], %swap3A_60 {strides = array<i32>} : memref<80x256x128xf32, #tpu.memory_space<vmem>>, vector<1x256x128xf32>,
    %slice3A_61 = vector.extract_strided_slice %sub3A {offsets = [0, 768], sizes = [256, 128], strides = [1, 1]} : vector<256x10240xf32> to vector<256x128xf32>
    %swap3A_62 = arith.constant 6 : index
    %swap3A_63 = arith.constant 0 : index
    %swap3A_64 = arith.constant 0 : index
    %swap3A_65 = vector.load %arg5[%swap3A_62, %swap3A_63, %swap3A_64] : memref<80x256x128xf32, #tpu.memory_space<vmem>>, vector<1x256x128xf32>
    %swap3A_66 = vector.shape_cast %swap3A_65 : vector<1x256x128xf32> to vector<256x128xf32>
    %swap3A_67 = vector.shape_cast %slice3A_61 : vector<256x128xf32> to vector<1x256x128xf32>
    tpu.vector_store %arg5[%swap3A_62, %swap3A_63, %swap3A_64], %swap3A_67 {strides = array<i32>} : memref<80x256x128xf32, #tpu.memory_space<vmem>>, vector<1x256x128xf32>,
    %slice3A_68 = vector.extract_strided_slice %sub3A {offsets = [0, 896], sizes = [256, 128], strides = [1, 1]} : vector<256x10240xf32> to vector<256x128xf32>
    %swap3A_69 = arith.constant 7 : index
    %swap3A_70 = arith.constant 0 : index
    %swap3A_71 = arith.constant 0 : index
    %swap3A_72 = vector.load %arg5[%swap3A_69, %swap3A_70, %swap3A_71] : memref<80x256x128xf32, #tpu.memory_space<vmem>>, vector<1x256x128xf32>
    %swap3A_73 = vector.shape_cast %swap3A_72 : vector<1x256x128xf32> to vector<256x128xf32>
    %swap3A_74 = vector.shape_cast %slice3A_68 : vector<256x128xf32> to vector<1x256x128xf32>
    tpu.vector_store %arg5[%swap3A_69, %swap3A_70, %swap3A_71], %swap3A_74 {strides = array<i32>} : memref<80x256x128xf32, #tpu.memory_space<vmem>>, vector<1x256x128xf32>,
    %slice3A_75 = vector.extract_strided_slice %sub3A {offsets = [0, 1024], sizes = [256, 128], strides = [1, 1]} : vector<256x10240xf32> to vector<256x128xf32>
    %swap3A_76 = arith.constant 8 : index
    %swap3A_77 = arith.constant 0 : index
    %swap3A_78 = arith.constant 0 : index
    %swap3A_79 = vector.load %arg5[%swap3A_76, %swap3A_77, %swap3A_78] : memref<80x256x128xf32, #tpu.memory_space<vmem>>, vector<1x256x128xf32>
    %swap3A_80 = vector.shape_cast %swap3A_79 : vector<1x256x128xf32> to vector<256x128xf32>
    %swap3A_81 = vector.shape_cast %slice3A_75 : vector<256x128xf32> to vector<1x256x128xf32>
    tpu.vector_store %arg5[%swap3A_76, %swap3A_77, %swap3A_78], %swap3A_81 {strides = array<i32>} : memref<80x256x128xf32, #tpu.memory_space<vmem>>, vector<1x256x128xf32>,
    %slice3A_82 = vector.extract_strided_slice %sub3A {offsets = [0, 1152], sizes = [256, 128], strides = [1, 1]} : vector<256x10240xf32> to vector<256x128xf32>
    %swap3A_83 = arith.constant 9 : index
    %swap3A_84 = arith.constant 0 : index
    %swap3A_85 = arith.constant 0 : index
    %swap3A_86 = vector.load %arg5[%swap3A_83, %swap3A_84, %swap3A_85] : memref<80x256x128xf32, #tpu.memory_space<vmem>>, vector<1x256x128xf32>
    %swap3A_87 = vector.shape_cast %swap3A_86 : vector<1x256x128xf32> to vector<256x128xf32>
    %swap3A_88 = vector.shape_cast %slice3A_82 : vector<256x128xf32> to vector<1x256x128xf32>
    tpu.vector_store %arg5[%swap3A_83, %swap3A_84, %swap3A_85], %swap3A_88 {strides = array<i32>} : memref<80x256x128xf32, #tpu.memory_space<vmem>>, vector<1x256x128xf32>,
    %slice3A_89 = vector.extract_strided_slice %sub3A {offsets = [0, 1280], sizes = [256, 128], strides = [1, 1]} : vector<256x10240xf32> to vector<256x128xf32>
    %swap3A_90 = arith.constant 10 : index
    %swap3A_91 = arith.constant 0 : index
    %swap3A_92 = arith.constant 0 : index
    %swap3A_93 = vector.load %arg5[%swap3A_90, %swap3A_91, %swap3A_92] : memref<80x256x128xf32, #tpu.memory_space<vmem>>, vector<1x256x128xf32>
    %swap3A_94 = vector.shape_cast %swap3A_93 : vector<1x256x128xf32> to vector<256x128xf32>
    %swap3A_95 = vector.shape_cast %slice3A_89 : vector<256x128xf32> to vector<1x256x128xf32>
    tpu.vector_store %arg5[%swap3A_90, %swap3A_91, %swap3A_92], %swap3A_95 {strides = array<i32>} : memref<80x256x128xf32, #tpu.memory_space<vmem>>, vector<1x256x128xf32>,
    %slice3A_96 = vector.extract_strided_slice %sub3A {offsets = [0, 1408], sizes = [256, 128], strides = [1, 1]} : vector<256x10240xf32> to vector<256x128xf32>
    %swap3A_97 = arith.constant 11 : index
    %swap3A_98 = arith.constant 0 : index
    %swap3A_99 = arith.constant 0 : index
    %swap3A_100 = vector.load %arg5[%swap3A_97, %swap3A_98, %swap3A_99] : memref<80x256x128xf32, #tpu.memory_space<vmem>>, vector<1x256x128xf32>
    %swap3A_101 = vector.shape_cast %swap3A_100 : vector<1x256x128xf32> to vector<256x128xf32>
    %swap3A_102 = vector.shape_cast %slice3A_96 : vector<256x128xf32> to vector<1x256x128xf32>
    tpu.vector_store %arg5[%swap3A_97, %swap3A_98, %swap3A_99], %swap3A_102 {strides = array<i32>} : memref<80x256x128xf32, #tpu.memory_space<vmem>>, vector<1x256x128xf32>,
    %slice3A_103 = vector.extract_strided_slice %sub3A {offsets = [0, 1536], sizes = [256, 128], strides = [1, 1]} : vector<256x10240xf32> to vector<256x128xf32>
    %swap3A_104 = arith.constant 12 : index
    %swap3A_105 = arith.constant 0 : index
    %swap3A_106 = arith.constant 0 : index
    %swap3A_107 = vector.load %arg5[%swap3A_104, %swap3A_105, %swap3A_106] : memref<80x256x128xf32, #tpu.memory_space<vmem>>, vector<1x256x128xf32>
    %swap3A_108 = vector.shape_cast %swap3A_107 : vector<1x256x128xf32> to vector<256x128xf32>
    %swap3A_109 = vector.shape_cast %slice3A_103 : vector<256x128xf32> to vector<1x256x128xf32>
    tpu.vector_store %arg5[%swap3A_104, %swap3A_105, %swap3A_106], %swap3A_109 {strides = array<i32>} : memref<80x256x128xf32, #tpu.memory_space<vmem>>, vector<1x256x128xf32>,
    %slice3A_110 = vector.extract_strided_slice %sub3A {offsets = [0, 1664], sizes = [256, 128], strides = [1, 1]} : vector<256x10240xf32> to vector<256x128xf32>
    %swap3A_111 = arith.constant 13 : index
    %swap3A_112 = arith.constant 0 : index
    %swap3A_113 = arith.constant 0 : index
    %swap3A_114 = vector.load %arg5[%swap3A_111, %swap3A_112, %swap3A_113] : memref<80x256x128xf32, #tpu.memory_space<vmem>>, vector<1x256x128xf32>
    %swap3A_115 = vector.shape_cast %swap3A_114 : vector<1x256x128xf32> to vector<256x128xf32>
    %swap3A_116 = vector.shape_cast %slice3A_110 : vector<256x128xf32> to vector<1x256x128xf32>
    tpu.vector_store %arg5[%swap3A_111, %swap3A_112, %swap3A_113], %swap3A_116 {strides = array<i32>} : memref<80x256x128xf32, #tpu.memory_space<vmem>>, vector<1x256x128xf32>,
    %slice3A_117 = vector.extract_strided_slice %sub3A {offsets = [0, 1792], sizes = [256, 128], strides = [1, 1]} : vector<256x10240xf32> to vector<256x128xf32>
    %swap3A_118 = arith.constant 14 : index
    %swap3A_119 = arith.constant 0 : index
    %swap3A_120 = arith.constant 0 : index
    %swap3A_121 = vector.load %arg5[%swap3A_118, %swap3A_119, %swap3A_120] : memref<80x256x128xf32, #tpu.memory_space<vmem>>, vector<1x256x128xf32>
    %swap3A_122 = vector.shape_cast %swap3A_121 : vector<1x256x128xf32> to vector<256x128xf32>
    %swap3A_123 = vector.shape_cast %slice3A_117 : vector<256x128xf32> to vector<1x256x128xf32>
    tpu.vector_store %arg5[%swap3A_118, %swap3A_119, %swap3A_120], %swap3A_123 {strides = array<i32>} : memref<80x256x128xf32, #tpu.memory_space<vmem>>, vector<1x256x128xf32>,
    %slice3A_124 = vector.extract_strided_slice %sub3A {offsets = [0, 1920], sizes = [256, 128], strides = [1, 1]} : vector<256x10240xf32> to vector<256x128xf32>
    %swap3A_125 = arith.constant 15 : index
    %swap3A_126 = arith.constant 0 : index
    %swap3A_127 = arith.constant 0 : index
    %swap3A_128 = vector.load %arg5[%swap3A_125, %swap3A_126, %swap3A_127] : memref<80x256x128xf32, #tpu.memory_space<vmem>>, vector<1x256x128xf32>
    %swap3A_129 = vector.shape_cast %swap3A_128 : vector<1x256x128xf32> to vector<256x128xf32>
    %swap3A_130 = vector.shape_cast %slice3A_124 : vector<256x128xf32> to vector<1x256x128xf32>
    tpu.vector_store %arg5[%swap3A_125, %swap3A_126, %swap3A_127], %swap3A_130 {strides = array<i32>} : memref<80x256x128xf32, #tpu.memory_space<vmem>>, vector<1x256x128xf32>,
    %slice3A_131 = vector.extract_strided_slice %sub3A {offsets = [0, 2048], sizes = [256, 128], strides = [1, 1]} : vector<256x10240xf32> to vector<256x128xf32>
    %swap3A_132 = arith.constant 16 : index
    %swap3A_133 = arith.constant 0 : index
    %swap3A_134 = arith.constant 0 : index
    %swap3A_135 = vector.load %arg5[%swap3A_132, %swap3A_133, %swap3A_134] : memref<80x256x128xf32, #tpu.memory_space<vmem>>, vector<1x256x128xf32>
    %swap3A_136 = vector.shape_cast %swap3A_135 : vector<1x256x128xf32> to vector<256x128xf32>
    %swap3A_137 = vector.shape_cast %slice3A_131 : vector<256x128xf32> to vector<1x256x128xf32>
    tpu.vector_store %arg5[%swap3A_132, %swap3A_133, %swap3A_134], %swap3A_137 {strides = array<i32>} : memref<80x256x128xf32, #tpu.memory_space<vmem>>, vector<1x256x128xf32>,
    %slice3A_138 = vector.extract_strided_slice %sub3A {offsets = [0, 2176], sizes = [256, 128], strides = [1, 1]} : vector<256x10240xf32> to vector<256x128xf32>
    %swap3A_139 = arith.constant 17 : index
    %swap3A_140 = arith.constant 0 : index
    %swap3A_141 = arith.constant 0 : index
    %swap3A_142 = vector.load %arg5[%swap3A_139, %swap3A_140, %swap3A_141] : memref<80x256x128xf32, #tpu.memory_space<vmem>>, vector<1x256x128xf32>
    %swap3A_143 = vector.shape_cast %swap3A_142 : vector<1x256x128xf32> to vector<256x128xf32>
    %swap3A_144 = vector.shape_cast %slice3A_138 : vector<256x128xf32> to vector<1x256x128xf32>
    tpu.vector_store %arg5[%swap3A_139, %swap3A_140, %swap3A_141], %swap3A_144 {strides = array<i32>} : memref<80x256x128xf32, #tpu.memory_space<vmem>>, vector<1x256x128xf32>,
    %slice3A_145 = vector.extract_strided_slice %sub3A {offsets = [0, 2304], sizes = [256, 128], strides = [1, 1]} : vector<256x10240xf32> to vector<256x128xf32>
    %swap3A_146 = arith.constant 18 : index
    %swap3A_147 = arith.constant 0 : index
    %swap3A_148 = arith.constant 0 : index
    %swap3A_149 = vector.load %arg5[%swap3A_146, %swap3A_147, %swap3A_148] : memref<80x256x128xf32, #tpu.memory_space<vmem>>, vector<1x256x128xf32>
    %swap3A_150 = vector.shape_cast %swap3A_149 : vector<1x256x128xf32> to vector<256x128xf32>
    %swap3A_151 = vector.shape_cast %slice3A_145 : vector<256x128xf32> to vector<1x256x128xf32>
    tpu.vector_store %arg5[%swap3A_146, %swap3A_147, %swap3A_148], %swap3A_151 {strides = array<i32>} : memref<80x256x128xf32, #tpu.memory_space<vmem>>, vector<1x256x128xf32>,
    %slice3A_152 = vector.extract_strided_slice %sub3A {offsets = [0, 2432], sizes = [256, 128], strides = [1, 1]} : vector<256x10240xf32> to vector<256x128xf32>
    %swap3A_153 = arith.constant 19 : index
    %swap3A_154 = arith.constant 0 : index
    %swap3A_155 = arith.constant 0 : index
    %swap3A_156 = vector.load %arg5[%swap3A_153, %swap3A_154, %swap3A_155] : memref<80x256x128xf32, #tpu.memory_space<vmem>>, vector<1x256x128xf32>
    %swap3A_157 = vector.shape_cast %swap3A_156 : vector<1x256x128xf32> to vector<256x128xf32>
    %swap3A_158 = vector.shape_cast %slice3A_152 : vector<256x128xf32> to vector<1x256x128xf32>
    tpu.vector_store %arg5[%swap3A_153, %swap3A_154, %swap3A_155], %swap3A_158 {strides = array<i32>} : memref<80x256x128xf32, #tpu.memory_space<vmem>>, vector<1x256x128xf32>,
    %slice3A_159 = vector.extract_strided_slice %sub3A {offsets = [0, 2560], sizes = [256, 128], strides = [1, 1]} : vector<256x10240xf32> to vector<256x128xf32>
    %swap3A_160 = arith.constant 20 : index
    %swap3A_161 = arith.constant 0 : index
    %swap3A_162 = arith.constant 0 : index
    %swap3A_163 = vector.load %arg5[%swap3A_160, %swap3A_161, %swap3A_162] : memref<80x256x128xf32, #tpu.memory_space<vmem>>, vector<1x256x128xf32>
    %swap3A_164 = vector.shape_cast %swap3A_163 : vector<1x256x128xf32> to vector<256x128xf32>
    %swap3A_165 = vector.shape_cast %slice3A_159 : vector<256x128xf32> to vector<1x256x128xf32>
    tpu.vector_store %arg5[%swap3A_160, %swap3A_161, %swap3A_162], %swap3A_165 {strides = array<i32>} : memref<80x256x128xf32, #tpu.memory_space<vmem>>, vector<1x256x128xf32>,
    %slice3A_166 = vector.extract_strided_slice %sub3A {offsets = [0, 2688], sizes = [256, 128], strides = [1, 1]} : vector<256x10240xf32> to vector<256x128xf32>
    %swap3A_167 = arith.constant 21 : index
    %swap3A_168 = arith.constant 0 : index
    %swap3A_169 = arith.constant 0 : index
    %swap3A_170 = vector.load %arg5[%swap3A_167, %swap3A_168, %swap3A_169] : memref<80x256x128xf32, #tpu.memory_space<vmem>>, vector<1x256x128xf32>
    %swap3A_171 = vector.shape_cast %swap3A_170 : vector<1x256x128xf32> to vector<256x128xf32>
    %swap3A_172 = vector.shape_cast %slice3A_166 : vector<256x128xf32> to vector<1x256x128xf32>
    tpu.vector_store %arg5[%swap3A_167, %swap3A_168, %swap3A_169], %swap3A_172 {strides = array<i32>} : memref<80x256x128xf32, #tpu.memory_space<vmem>>, vector<1x256x128xf32>,
    %slice3A_173 = vector.extract_strided_slice %sub3A {offsets = [0, 2816], sizes = [256, 128], strides = [1, 1]} : vector<256x10240xf32> to vector<256x128xf32>
    %swap3A_174 = arith.constant 22 : index
    %swap3A_175 = arith.constant 0 : index
    %swap3A_176 = arith.constant 0 : index
    %swap3A_177 = vector.load %arg5[%swap3A_174, %swap3A_175, %swap3A_176] : memref<80x256x128xf32, #tpu.memory_space<vmem>>, vector<1x256x128xf32>
    %swap3A_178 = vector.shape_cast %swap3A_177 : vector<1x256x128xf32> to vector<256x128xf32>
    %swap3A_179 = vector.shape_cast %slice3A_173 : vector<256x128xf32> to vector<1x256x128xf32>
    tpu.vector_store %arg5[%swap3A_174, %swap3A_175, %swap3A_176], %swap3A_179 {strides = array<i32>} : memref<80x256x128xf32, #tpu.memory_space<vmem>>, vector<1x256x128xf32>,
    %slice3A_180 = vector.extract_strided_slice %sub3A {offsets = [0, 2944], sizes = [256, 128], strides = [1, 1]} : vector<256x10240xf32> to vector<256x128xf32>
    %swap3A_181 = arith.constant 23 : index
    %swap3A_182 = arith.constant 0 : index
    %swap3A_183 = arith.constant 0 : index
    %swap3A_184 = vector.load %arg5[%swap3A_181, %swap3A_182, %swap3A_183] : memref<80x256x128xf32, #tpu.memory_space<vmem>>, vector<1x256x128xf32>
    %swap3A_185 = vector.shape_cast %swap3A_184 : vector<1x256x128xf32> to vector<256x128xf32>
    %swap3A_186 = vector.shape_cast %slice3A_180 : vector<256x128xf32> to vector<1x256x128xf32>
    tpu.vector_store %arg5[%swap3A_181, %swap3A_182, %swap3A_183], %swap3A_186 {strides = array<i32>} : memref<80x256x128xf32, #tpu.memory_space<vmem>>, vector<1x256x128xf32>,
    %slice3A_187 = vector.extract_strided_slice %sub3A {offsets = [0, 3072], sizes = [256, 128], strides = [1, 1]} : vector<256x10240xf32> to vector<256x128xf32>
    %swap3A_188 = arith.constant 24 : index
    %swap3A_189 = arith.constant 0 : index
    %swap3A_190 = arith.constant 0 : index
    %swap3A_191 = vector.load %arg5[%swap3A_188, %swap3A_189, %swap3A_190] : memref<80x256x128xf32, #tpu.memory_space<vmem>>, vector<1x256x128xf32>
    %swap3A_192 = vector.shape_cast %swap3A_191 : vector<1x256x128xf32> to vector<256x128xf32>
    %swap3A_193 = vector.shape_cast %slice3A_187 : vector<256x128xf32> to vector<1x256x128xf32>
    tpu.vector_store %arg5[%swap3A_188, %swap3A_189, %swap3A_190], %swap3A_193 {strides = array<i32>} : memref<80x256x128xf32, #tpu.memory_space<vmem>>, vector<1x256x128xf32>,
    %slice3A_194 = vector.extract_strided_slice %sub3A {offsets = [0, 3200], sizes = [256, 128], strides = [1, 1]} : vector<256x10240xf32> to vector<256x128xf32>
    %swap3A_195 = arith.constant 25 : index
    %swap3A_196 = arith.constant 0 : index
    %swap3A_197 = arith.constant 0 : index
    %swap3A_198 = vector.load %arg5[%swap3A_195, %swap3A_196, %swap3A_197] : memref<80x256x128xf32, #tpu.memory_space<vmem>>, vector<1x256x128xf32>
    %swap3A_199 = vector.shape_cast %swap3A_198 : vector<1x256x128xf32> to vector<256x128xf32>
    %swap3A_200 = vector.shape_cast %slice3A_194 : vector<256x128xf32> to vector<1x256x128xf32>
    tpu.vector_store %arg5[%swap3A_195, %swap3A_196, %swap3A_197], %swap3A_200 {strides = array<i32>} : memref<80x256x128xf32, #tpu.memory_space<vmem>>, vector<1x256x128xf32>,
    %slice3A_201 = vector.extract_strided_slice %sub3A {offsets = [0, 3328], sizes = [256, 128], strides = [1, 1]} : vector<256x10240xf32> to vector<256x128xf32>
    %swap3A_202 = arith.constant 26 : index
    %swap3A_203 = arith.constant 0 : index
    %swap3A_204 = arith.constant 0 : index
    %swap3A_205 = vector.load %arg5[%swap3A_202, %swap3A_203, %swap3A_204] : memref<80x256x128xf32, #tpu.memory_space<vmem>>, vector<1x256x128xf32>
    %swap3A_206 = vector.shape_cast %swap3A_205 : vector<1x256x128xf32> to vector<256x128xf32>
    %swap3A_207 = vector.shape_cast %slice3A_201 : vector<256x128xf32> to vector<1x256x128xf32>
    tpu.vector_store %arg5[%swap3A_202, %swap3A_203, %swap3A_204], %swap3A_207 {strides = array<i32>} : memref<80x256x128xf32, #tpu.memory_space<vmem>>, vector<1x256x128xf32>,
    %slice3A_208 = vector.extract_strided_slice %sub3A {offsets = [0, 3456], sizes = [256, 128], strides = [1, 1]} : vector<256x10240xf32> to vector<256x128xf32>
    %swap3A_209 = arith.constant 27 : index
    %swap3A_210 = arith.constant 0 : index
    %swap3A_211 = arith.constant 0 : index
    %swap3A_212 = vector.load %arg5[%swap3A_209, %swap3A_210, %swap3A_211] : memref<80x256x128xf32, #tpu.memory_space<vmem>>, vector<1x256x128xf32>
    %swap3A_213 = vector.shape_cast %swap3A_212 : vector<1x256x128xf32> to vector<256x128xf32>
    %swap3A_214 = vector.shape_cast %slice3A_208 : vector<256x128xf32> to vector<1x256x128xf32>
    tpu.vector_store %arg5[%swap3A_209, %swap3A_210, %swap3A_211], %swap3A_214 {strides = array<i32>} : memref<80x256x128xf32, #tpu.memory_space<vmem>>, vector<1x256x128xf32>,
    %slice3A_215 = vector.extract_strided_slice %sub3A {offsets = [0, 3584], sizes = [256, 128], strides = [1, 1]} : vector<256x10240xf32> to vector<256x128xf32>
    %swap3A_216 = arith.constant 28 : index
    %swap3A_217 = arith.constant 0 : index
    %swap3A_218 = arith.constant 0 : index
    %swap3A_219 = vector.load %arg5[%swap3A_216, %swap3A_217, %swap3A_218] : memref<80x256x128xf32, #tpu.memory_space<vmem>>, vector<1x256x128xf32>
    %swap3A_220 = vector.shape_cast %swap3A_219 : vector<1x256x128xf32> to vector<256x128xf32>
    %swap3A_221 = vector.shape_cast %slice3A_215 : vector<256x128xf32> to vector<1x256x128xf32>
    tpu.vector_store %arg5[%swap3A_216, %swap3A_217, %swap3A_218], %swap3A_221 {strides = array<i32>} : memref<80x256x128xf32, #tpu.memory_space<vmem>>, vector<1x256x128xf32>,
    %slice3A_222 = vector.extract_strided_slice %sub3A {offsets = [0, 3712], sizes = [256, 128], strides = [1, 1]} : vector<256x10240xf32> to vector<256x128xf32>
    %swap3A_223 = arith.constant 29 : index
    %swap3A_224 = arith.constant 0 : index
    %swap3A_225 = arith.constant 0 : index
    %swap3A_226 = vector.load %arg5[%swap3A_223, %swap3A_224, %swap3A_225] : memref<80x256x128xf32, #tpu.memory_space<vmem>>, vector<1x256x128xf32>
    %swap3A_227 = vector.shape_cast %swap3A_226 : vector<1x256x128xf32> to vector<256x128xf32>
    %swap3A_228 = vector.shape_cast %slice3A_222 : vector<256x128xf32> to vector<1x256x128xf32>
    tpu.vector_store %arg5[%swap3A_223, %swap3A_224, %swap3A_225], %swap3A_228 {strides = array<i32>} : memref<80x256x128xf32, #tpu.memory_space<vmem>>, vector<1x256x128xf32>,
    %slice3A_229 = vector.extract_strided_slice %sub3A {offsets = [0, 3840], sizes = [256, 128], strides = [1, 1]} : vector<256x10240xf32> to vector<256x128xf32>
    %swap3A_230 = arith.constant 30 : index
    %swap3A_231 = arith.constant 0 : index
    %swap3A_232 = arith.constant 0 : index
    %swap3A_233 = vector.load %arg5[%swap3A_230, %swap3A_231, %swap3A_232] : memref<80x256x128xf32, #tpu.memory_space<vmem>>, vector<1x256x128xf32>
    %swap3A_234 = vector.shape_cast %swap3A_233 : vector<1x256x128xf32> to vector<256x128xf32>
    %swap3A_235 = vector.shape_cast %slice3A_229 : vector<256x128xf32> to vector<1x256x128xf32>
    tpu.vector_store %arg5[%swap3A_230, %swap3A_231, %swap3A_232], %swap3A_235 {strides = array<i32>} : memref<80x256x128xf32, #tpu.memory_space<vmem>>, vector<1x256x128xf32>,
    %slice3A_236 = vector.extract_strided_slice %sub3A {offsets = [0, 3968], sizes = [256, 128], strides = [1, 1]} : vector<256x10240xf32> to vector<256x128xf32>
    %swap3A_237 = arith.constant 31 : index
    %swap3A_238 = arith.constant 0 : index
    %swap3A_239 = arith.constant 0 : index
    %swap3A_240 = vector.load %arg5[%swap3A_237, %swap3A_238, %swap3A_239] : memref<80x256x128xf32, #tpu.memory_space<vmem>>, vector<1x256x128xf32>
    %swap3A_241 = vector.shape_cast %swap3A_240 : vector<1x256x128xf32> to vector<256x128xf32>
    %swap3A_242 = vector.shape_cast %slice3A_236 : vector<256x128xf32> to vector<1x256x128xf32>
    tpu.vector_store %arg5[%swap3A_237, %swap3A_238, %swap3A_239], %swap3A_242 {strides = array<i32>} : memref<80x256x128xf32, #tpu.memory_space<vmem>>, vector<1x256x128xf32>,
    %slice3A_243 = vector.extract_strided_slice %sub3A {offsets = [0, 4096], sizes = [256, 128], strides = [1, 1]} : vector<256x10240xf32> to vector<256x128xf32>
    %swap3A_244 = arith.constant 32 : index
    %swap3A_245 = arith.constant 0 : index
    %swap3A_246 = arith.constant 0 : index
    %swap3A_247 = vector.load %arg5[%swap3A_244, %swap3A_245, %swap3A_246] : memref<80x256x128xf32, #tpu.memory_space<vmem>>, vector<1x256x128xf32>
    %swap3A_248 = vector.shape_cast %swap3A_247 : vector<1x256x128xf32> to vector<256x128xf32>
    %swap3A_249 = vector.shape_cast %slice3A_243 : vector<256x128xf32> to vector<1x256x128xf32>
    tpu.vector_store %arg5[%swap3A_244, %swap3A_245, %swap3A_246], %swap3A_249 {strides = array<i32>} : memref<80x256x128xf32, #tpu.memory_space<vmem>>, vector<1x256x128xf32>,
    %slice3A_250 = vector.extract_strided_slice %sub3A {offsets = [0, 4224], sizes = [256, 128], strides = [1, 1]} : vector<256x10240xf32> to vector<256x128xf32>
    %swap3A_251 = arith.constant 33 : index
    %swap3A_252 = arith.constant 0 : index
    %swap3A_253 = arith.constant 0 : index
    %swap3A_254 = vector.load %arg5[%swap3A_251, %swap3A_252, %swap3A_253] : memref<80x256x128xf32, #tpu.memory_space<vmem>>, vector<1x256x128xf32>
    %swap3A_255 = vector.shape_cast %swap3A_254 : vector<1x256x128xf32> to vector<256x128xf32>
    %swap3A_256 = vector.shape_cast %slice3A_250 : vector<256x128xf32> to vector<1x256x128xf32>
    tpu.vector_store %arg5[%swap3A_251, %swap3A_252, %swap3A_253], %swap3A_256 {strides = array<i32>} : memref<80x256x128xf32, #tpu.memory_space<vmem>>, vector<1x256x128xf32>,
    %slice3A_257 = vector.extract_strided_slice %sub3A {offsets = [0, 4352], sizes = [256, 128], strides = [1, 1]} : vector<256x10240xf32> to vector<256x128xf32>
    %swap3A_258 = arith.constant 34 : index
    %swap3A_259 = arith.constant 0 : index
    %swap3A_260 = arith.constant 0 : index
    %swap3A_261 = vector.load %arg5[%swap3A_258, %swap3A_259, %swap3A_260] : memref<80x256x128xf32, #tpu.memory_space<vmem>>, vector<1x256x128xf32>
    %swap3A_262 = vector.shape_cast %swap3A_261 : vector<1x256x128xf32> to vector<256x128xf32>
    %swap3A_263 = vector.shape_cast %slice3A_257 : vector<256x128xf32> to vector<1x256x128xf32>
    tpu.vector_store %arg5[%swap3A_258, %swap3A_259, %swap3A_260], %swap3A_263 {strides = array<i32>} : memref<80x256x128xf32, #tpu.memory_space<vmem>>, vector<1x256x128xf32>,
    %slice3A_264 = vector.extract_strided_slice %sub3A {offsets = [0, 4480], sizes = [256, 128], strides = [1, 1]} : vector<256x10240xf32> to vector<256x128xf32>
    %swap3A_265 = arith.constant 35 : index
    %swap3A_266 = arith.constant 0 : index
    %swap3A_267 = arith.constant 0 : index
    %swap3A_268 = vector.load %arg5[%swap3A_265, %swap3A_266, %swap3A_267] : memref<80x256x128xf32, #tpu.memory_space<vmem>>, vector<1x256x128xf32>
    %swap3A_269 = vector.shape_cast %swap3A_268 : vector<1x256x128xf32> to vector<256x128xf32>
    %swap3A_270 = vector.shape_cast %slice3A_264 : vector<256x128xf32> to vector<1x256x128xf32>
    tpu.vector_store %arg5[%swap3A_265, %swap3A_266, %swap3A_267], %swap3A_270 {strides = array<i32>} : memref<80x256x128xf32, #tpu.memory_space<vmem>>, vector<1x256x128xf32>,
    %slice3A_271 = vector.extract_strided_slice %sub3A {offsets = [0, 4608], sizes = [256, 128], strides = [1, 1]} : vector<256x10240xf32> to vector<256x128xf32>
    %swap3A_272 = arith.constant 36 : index
    %swap3A_273 = arith.constant 0 : index
    %swap3A_274 = arith.constant 0 : index
    %swap3A_275 = vector.load %arg5[%swap3A_272, %swap3A_273, %swap3A_274] : memref<80x256x128xf32, #tpu.memory_space<vmem>>, vector<1x256x128xf32>
    %swap3A_276 = vector.shape_cast %swap3A_275 : vector<1x256x128xf32> to vector<256x128xf32>
    %swap3A_277 = vector.shape_cast %slice3A_271 : vector<256x128xf32> to vector<1x256x128xf32>
    tpu.vector_store %arg5[%swap3A_272, %swap3A_273, %swap3A_274], %swap3A_277 {strides = array<i32>} : memref<80x256x128xf32, #tpu.memory_space<vmem>>, vector<1x256x128xf32>,
    %slice3A_278 = vector.extract_strided_slice %sub3A {offsets = [0, 4736], sizes = [256, 128], strides = [1, 1]} : vector<256x10240xf32> to vector<256x128xf32>
    %swap3A_279 = arith.constant 37 : index
    %swap3A_280 = arith.constant 0 : index
    %swap3A_281 = arith.constant 0 : index
    %swap3A_282 = vector.load %arg5[%swap3A_279, %swap3A_280, %swap3A_281] : memref<80x256x128xf32, #tpu.memory_space<vmem>>, vector<1x256x128xf32>
    %swap3A_283 = vector.shape_cast %swap3A_282 : vector<1x256x128xf32> to vector<256x128xf32>
    %swap3A_284 = vector.shape_cast %slice3A_278 : vector<256x128xf32> to vector<1x256x128xf32>
    tpu.vector_store %arg5[%swap3A_279, %swap3A_280, %swap3A_281], %swap3A_284 {strides = array<i32>} : memref<80x256x128xf32, #tpu.memory_space<vmem>>, vector<1x256x128xf32>,
    %slice3A_285 = vector.extract_strided_slice %sub3A {offsets = [0, 4864], sizes = [256, 128], strides = [1, 1]} : vector<256x10240xf32> to vector<256x128xf32>
    %swap3A_286 = arith.constant 38 : index
    %swap3A_287 = arith.constant 0 : index
    %swap3A_288 = arith.constant 0 : index
    %swap3A_289 = vector.load %arg5[%swap3A_286, %swap3A_287, %swap3A_288] : memref<80x256x128xf32, #tpu.memory_space<vmem>>, vector<1x256x128xf32>
    %swap3A_290 = vector.shape_cast %swap3A_289 : vector<1x256x128xf32> to vector<256x128xf32>
    %swap3A_291 = vector.shape_cast %slice3A_285 : vector<256x128xf32> to vector<1x256x128xf32>
    tpu.vector_store %arg5[%swap3A_286, %swap3A_287, %swap3A_288], %swap3A_291 {strides = array<i32>} : memref<80x256x128xf32, #tpu.memory_space<vmem>>, vector<1x256x128xf32>,
    %slice3A_292 = vector.extract_strided_slice %sub3A {offsets = [0, 4992], sizes = [256, 128], strides = [1, 1]} : vector<256x10240xf32> to vector<256x128xf32>
    %swap3A_293 = arith.constant 39 : index
    %swap3A_294 = arith.constant 0 : index
    %swap3A_295 = arith.constant 0 : index
    %swap3A_296 = vector.load %arg5[%swap3A_293, %swap3A_294, %swap3A_295] : memref<80x256x128xf32, #tpu.memory_space<vmem>>, vector<1x256x128xf32>
    %swap3A_297 = vector.shape_cast %swap3A_296 : vector<1x256x128xf32> to vector<256x128xf32>
    %swap3A_298 = vector.shape_cast %slice3A_292 : vector<256x128xf32> to vector<1x256x128xf32>
    tpu.vector_store %arg5[%swap3A_293, %swap3A_294, %swap3A_295], %swap3A_298 {strides = array<i32>} : memref<80x256x128xf32, #tpu.memory_space<vmem>>, vector<1x256x128xf32>,
    %slice3A_299 = vector.extract_strided_slice %sub3A {offsets = [0, 5120], sizes = [256, 128], strides = [1, 1]} : vector<256x10240xf32> to vector<256x128xf32>
    %swap3A_300 = arith.constant 40 : index
    %swap3A_301 = arith.constant 0 : index
    %swap3A_302 = arith.constant 0 : index
    %swap3A_303 = vector.load %arg5[%swap3A_300, %swap3A_301, %swap3A_302] : memref<80x256x128xf32, #tpu.memory_space<vmem>>, vector<1x256x128xf32>
    %swap3A_304 = vector.shape_cast %swap3A_303 : vector<1x256x128xf32> to vector<256x128xf32>
    %swap3A_305 = vector.shape_cast %slice3A_299 : vector<256x128xf32> to vector<1x256x128xf32>
    tpu.vector_store %arg5[%swap3A_300, %swap3A_301, %swap3A_302], %swap3A_305 {strides = array<i32>} : memref<80x256x128xf32, #tpu.memory_space<vmem>>, vector<1x256x128xf32>,
    %slice3A_306 = vector.extract_strided_slice %sub3A {offsets = [0, 5248], sizes = [256, 128], strides = [1, 1]} : vector<256x10240xf32> to vector<256x128xf32>
    %swap3A_307 = arith.constant 41 : index
    %swap3A_308 = arith.constant 0 : index
    %swap3A_309 = arith.constant 0 : index
    %swap3A_310 = vector.load %arg5[%swap3A_307, %swap3A_308, %swap3A_309] : memref<80x256x128xf32, #tpu.memory_space<vmem>>, vector<1x256x128xf32>
    %swap3A_311 = vector.shape_cast %swap3A_310 : vector<1x256x128xf32> to vector<256x128xf32>
    %swap3A_312 = vector.shape_cast %slice3A_306 : vector<256x128xf32> to vector<1x256x128xf32>
    tpu.vector_store %arg5[%swap3A_307, %swap3A_308, %swap3A_309], %swap3A_312 {strides = array<i32>} : memref<80x256x128xf32, #tpu.memory_space<vmem>>, vector<1x256x128xf32>,
    %slice3A_313 = vector.extract_strided_slice %sub3A {offsets = [0, 5376], sizes = [256, 128], strides = [1, 1]} : vector<256x10240xf32> to vector<256x128xf32>
    %swap3A_314 = arith.constant 42 : index
    %swap3A_315 = arith.constant 0 : index
    %swap3A_316 = arith.constant 0 : index
    %swap3A_317 = vector.load %arg5[%swap3A_314, %swap3A_315, %swap3A_316] : memref<80x256x128xf32, #tpu.memory_space<vmem>>, vector<1x256x128xf32>
    %swap3A_318 = vector.shape_cast %swap3A_317 : vector<1x256x128xf32> to vector<256x128xf32>
    %swap3A_319 = vector.shape_cast %slice3A_313 : vector<256x128xf32> to vector<1x256x128xf32>
    tpu.vector_store %arg5[%swap3A_314, %swap3A_315, %swap3A_316], %swap3A_319 {strides = array<i32>} : memref<80x256x128xf32, #tpu.memory_space<vmem>>, vector<1x256x128xf32>,
    %slice3A_320 = vector.extract_strided_slice %sub3A {offsets = [0, 5504], sizes = [256, 128], strides = [1, 1]} : vector<256x10240xf32> to vector<256x128xf32>
    %swap3A_321 = arith.constant 43 : index
    %swap3A_322 = arith.constant 0 : index
    %swap3A_323 = arith.constant 0 : index
    %swap3A_324 = vector.load %arg5[%swap3A_321, %swap3A_322, %swap3A_323] : memref<80x256x128xf32, #tpu.memory_space<vmem>>, vector<1x256x128xf32>
    %swap3A_325 = vector.shape_cast %swap3A_324 : vector<1x256x128xf32> to vector<256x128xf32>
    %swap3A_326 = vector.shape_cast %slice3A_320 : vector<256x128xf32> to vector<1x256x128xf32>
    tpu.vector_store %arg5[%swap3A_321, %swap3A_322, %swap3A_323], %swap3A_326 {strides = array<i32>} : memref<80x256x128xf32, #tpu.memory_space<vmem>>, vector<1x256x128xf32>,
    %slice3A_327 = vector.extract_strided_slice %sub3A {offsets = [0, 5632], sizes = [256, 128], strides = [1, 1]} : vector<256x10240xf32> to vector<256x128xf32>
    %swap3A_328 = arith.constant 44 : index
    %swap3A_329 = arith.constant 0 : index
    %swap3A_330 = arith.constant 0 : index
    %swap3A_331 = vector.load %arg5[%swap3A_328, %swap3A_329, %swap3A_330] : memref<80x256x128xf32, #tpu.memory_space<vmem>>, vector<1x256x128xf32>
    %swap3A_332 = vector.shape_cast %swap3A_331 : vector<1x256x128xf32> to vector<256x128xf32>
    %swap3A_333 = vector.shape_cast %slice3A_327 : vector<256x128xf32> to vector<1x256x128xf32>
    tpu.vector_store %arg5[%swap3A_328, %swap3A_329, %swap3A_330], %swap3A_333 {strides = array<i32>} : memref<80x256x128xf32, #tpu.memory_space<vmem>>, vector<1x256x128xf32>,
    %slice3A_334 = vector.extract_strided_slice %sub3A {offsets = [0, 5760], sizes = [256, 128], strides = [1, 1]} : vector<256x10240xf32> to vector<256x128xf32>
    %swap3A_335 = arith.constant 45 : index
    %swap3A_336 = arith.constant 0 : index
    %swap3A_337 = arith.constant 0 : index
    %swap3A_338 = vector.load %arg5[%swap3A_335, %swap3A_336, %swap3A_337] : memref<80x256x128xf32, #tpu.memory_space<vmem>>, vector<1x256x128xf32>
    %swap3A_339 = vector.shape_cast %swap3A_338 : vector<1x256x128xf32> to vector<256x128xf32>
    %swap3A_340 = vector.shape_cast %slice3A_334 : vector<256x128xf32> to vector<1x256x128xf32>
    tpu.vector_store %arg5[%swap3A_335, %swap3A_336, %swap3A_337], %swap3A_340 {strides = array<i32>} : memref<80x256x128xf32, #tpu.memory_space<vmem>>, vector<1x256x128xf32>,
    %slice3A_341 = vector.extract_strided_slice %sub3A {offsets = [0, 5888], sizes = [256, 128], strides = [1, 1]} : vector<256x10240xf32> to vector<256x128xf32>
    %swap3A_342 = arith.constant 46 : index
    %swap3A_343 = arith.constant 0 : index
    %swap3A_344 = arith.constant 0 : index
    %swap3A_345 = vector.load %arg5[%swap3A_342, %swap3A_343, %swap3A_344] : memref<80x256x128xf32, #tpu.memory_space<vmem>>, vector<1x256x128xf32>
    %swap3A_346 = vector.shape_cast %swap3A_345 : vector<1x256x128xf32> to vector<256x128xf32>
    %swap3A_347 = vector.shape_cast %slice3A_341 : vector<256x128xf32> to vector<1x256x128xf32>
    tpu.vector_store %arg5[%swap3A_342, %swap3A_343, %swap3A_344], %swap3A_347 {strides = array<i32>} : memref<80x256x128xf32, #tpu.memory_space<vmem>>, vector<1x256x128xf32>,
    %slice3A_348 = vector.extract_strided_slice %sub3A {offsets = [0, 6016], sizes = [256, 128], strides = [1, 1]} : vector<256x10240xf32> to vector<256x128xf32>
    %swap3A_349 = arith.constant 47 : index
    %swap3A_350 = arith.constant 0 : index
    %swap3A_351 = arith.constant 0 : index
    %swap3A_352 = vector.load %arg5[%swap3A_349, %swap3A_350, %swap3A_351] : memref<80x256x128xf32, #tpu.memory_space<vmem>>, vector<1x256x128xf32>
    %swap3A_353 = vector.shape_cast %swap3A_352 : vector<1x256x128xf32> to vector<256x128xf32>
    %swap3A_354 = vector.shape_cast %slice3A_348 : vector<256x128xf32> to vector<1x256x128xf32>
    tpu.vector_store %arg5[%swap3A_349, %swap3A_350, %swap3A_351], %swap3A_354 {strides = array<i32>} : memref<80x256x128xf32, #tpu.memory_space<vmem>>, vector<1x256x128xf32>,
    %slice3A_355 = vector.extract_strided_slice %sub3A {offsets = [0, 6144], sizes = [256, 128], strides = [1, 1]} : vector<256x10240xf32> to vector<256x128xf32>
    %swap3A_356 = arith.constant 48 : index
    %swap3A_357 = arith.constant 0 : index
    %swap3A_358 = arith.constant 0 : index
    %swap3A_359 = vector.load %arg5[%swap3A_356, %swap3A_357, %swap3A_358] : memref<80x256x128xf32, #tpu.memory_space<vmem>>, vector<1x256x128xf32>
    %swap3A_360 = vector.shape_cast %swap3A_359 : vector<1x256x128xf32> to vector<256x128xf32>
    %swap3A_361 = vector.shape_cast %slice3A_355 : vector<256x128xf32> to vector<1x256x128xf32>
    tpu.vector_store %arg5[%swap3A_356, %swap3A_357, %swap3A_358], %swap3A_361 {strides = array<i32>} : memref<80x256x128xf32, #tpu.memory_space<vmem>>, vector<1x256x128xf32>,
    %slice3A_362 = vector.extract_strided_slice %sub3A {offsets = [0, 6272], sizes = [256, 128], strides = [1, 1]} : vector<256x10240xf32> to vector<256x128xf32>
    %swap3A_363 = arith.constant 49 : index
    %swap3A_364 = arith.constant 0 : index
    %swap3A_365 = arith.constant 0 : index
    %swap3A_366 = vector.load %arg5[%swap3A_363, %swap3A_364, %swap3A_365] : memref<80x256x128xf32, #tpu.memory_space<vmem>>, vector<1x256x128xf32>
    %swap3A_367 = vector.shape_cast %swap3A_366 : vector<1x256x128xf32> to vector<256x128xf32>
    %swap3A_368 = vector.shape_cast %slice3A_362 : vector<256x128xf32> to vector<1x256x128xf32>
    tpu.vector_store %arg5[%swap3A_363, %swap3A_364, %swap3A_365], %swap3A_368 {strides = array<i32>} : memref<80x256x128xf32, #tpu.memory_space<vmem>>, vector<1x256x128xf32>,
    %slice3A_369 = vector.extract_strided_slice %sub3A {offsets = [0, 6400], sizes = [256, 128], strides = [1, 1]} : vector<256x10240xf32> to vector<256x128xf32>
    %swap3A_370 = arith.constant 50 : index
    %swap3A_371 = arith.constant 0 : index
    %swap3A_372 = arith.constant 0 : index
    %swap3A_373 = vector.load %arg5[%swap3A_370, %swap3A_371, %swap3A_372] : memref<80x256x128xf32, #tpu.memory_space<vmem>>, vector<1x256x128xf32>
    %swap3A_374 = vector.shape_cast %swap3A_373 : vector<1x256x128xf32> to vector<256x128xf32>
    %swap3A_375 = vector.shape_cast %slice3A_369 : vector<256x128xf32> to vector<1x256x128xf32>
    tpu.vector_store %arg5[%swap3A_370, %swap3A_371, %swap3A_372], %swap3A_375 {strides = array<i32>} : memref<80x256x128xf32, #tpu.memory_space<vmem>>, vector<1x256x128xf32>,
    %slice3A_376 = vector.extract_strided_slice %sub3A {offsets = [0, 6528], sizes = [256, 128], strides = [1, 1]} : vector<256x10240xf32> to vector<256x128xf32>
    %swap3A_377 = arith.constant 51 : index
    %swap3A_378 = arith.constant 0 : index
    %swap3A_379 = arith.constant 0 : index
    %swap3A_380 = vector.load %arg5[%swap3A_377, %swap3A_378, %swap3A_379] : memref<80x256x128xf32, #tpu.memory_space<vmem>>, vector<1x256x128xf32>
    %swap3A_381 = vector.shape_cast %swap3A_380 : vector<1x256x128xf32> to vector<256x128xf32>
    %swap3A_382 = vector.shape_cast %slice3A_376 : vector<256x128xf32> to vector<1x256x128xf32>
    tpu.vector_store %arg5[%swap3A_377, %swap3A_378, %swap3A_379], %swap3A_382 {strides = array<i32>} : memref<80x256x128xf32, #tpu.memory_space<vmem>>, vector<1x256x128xf32>,
    %slice3A_383 = vector.extract_strided_slice %sub3A {offsets = [0, 6656], sizes = [256, 128], strides = [1, 1]} : vector<256x10240xf32> to vector<256x128xf32>
    %swap3A_384 = arith.constant 52 : index
    %swap3A_385 = arith.constant 0 : index
    %swap3A_386 = arith.constant 0 : index
    %swap3A_387 = vector.load %arg5[%swap3A_384, %swap3A_385, %swap3A_386] : memref<80x256x128xf32, #tpu.memory_space<vmem>>, vector<1x256x128xf32>
    %swap3A_388 = vector.shape_cast %swap3A_387 : vector<1x256x128xf32> to vector<256x128xf32>
    %swap3A_389 = vector.shape_cast %slice3A_383 : vector<256x128xf32> to vector<1x256x128xf32>
    tpu.vector_store %arg5[%swap3A_384, %swap3A_385, %swap3A_386], %swap3A_389 {strides = array<i32>} : memref<80x256x128xf32, #tpu.memory_space<vmem>>, vector<1x256x128xf32>,
    %slice3A_390 = vector.extract_strided_slice %sub3A {offsets = [0, 6784], sizes = [256, 128], strides = [1, 1]} : vector<256x10240xf32> to vector<256x128xf32>
    %swap3A_391 = arith.constant 53 : index
    %swap3A_392 = arith.constant 0 : index
    %swap3A_393 = arith.constant 0 : index
    %swap3A_394 = vector.load %arg5[%swap3A_391, %swap3A_392, %swap3A_393] : memref<80x256x128xf32, #tpu.memory_space<vmem>>, vector<1x256x128xf32>
    %swap3A_395 = vector.shape_cast %swap3A_394 : vector<1x256x128xf32> to vector<256x128xf32>
    %swap3A_396 = vector.shape_cast %slice3A_390 : vector<256x128xf32> to vector<1x256x128xf32>
    tpu.vector_store %arg5[%swap3A_391, %swap3A_392, %swap3A_393], %swap3A_396 {strides = array<i32>} : memref<80x256x128xf32, #tpu.memory_space<vmem>>, vector<1x256x128xf32>,
    %slice3A_397 = vector.extract_strided_slice %sub3A {offsets = [0, 6912], sizes = [256, 128], strides = [1, 1]} : vector<256x10240xf32> to vector<256x128xf32>
    %swap3A_398 = arith.constant 54 : index
    %swap3A_399 = arith.constant 0 : index
    %swap3A_400 = arith.constant 0 : index
    %swap3A_401 = vector.load %arg5[%swap3A_398, %swap3A_399, %swap3A_400] : memref<80x256x128xf32, #tpu.memory_space<vmem>>, vector<1x256x128xf32>
    %swap3A_402 = vector.shape_cast %swap3A_401 : vector<1x256x128xf32> to vector<256x128xf32>
    %swap3A_403 = vector.shape_cast %slice3A_397 : vector<256x128xf32> to vector<1x256x128xf32>
    tpu.vector_store %arg5[%swap3A_398, %swap3A_399, %swap3A_400], %swap3A_403 {strides = array<i32>} : memref<80x256x128xf32, #tpu.memory_space<vmem>>, vector<1x256x128xf32>,
    %slice3A_404 = vector.extract_strided_slice %sub3A {offsets = [0, 7040], sizes = [256, 128], strides = [1, 1]} : vector<256x10240xf32> to vector<256x128xf32>
    %swap3A_405 = arith.constant 55 : index
    %swap3A_406 = arith.constant 0 : index
    %swap3A_407 = arith.constant 0 : index
    %swap3A_408 = vector.load %arg5[%swap3A_405, %swap3A_406, %swap3A_407] : memref<80x256x128xf32, #tpu.memory_space<vmem>>, vector<1x256x128xf32>
    %swap3A_409 = vector.shape_cast %swap3A_408 : vector<1x256x128xf32> to vector<256x128xf32>
    %swap3A_410 = vector.shape_cast %slice3A_404 : vector<256x128xf32> to vector<1x256x128xf32>
    tpu.vector_store %arg5[%swap3A_405, %swap3A_406, %swap3A_407], %swap3A_410 {strides = array<i32>} : memref<80x256x128xf32, #tpu.memory_space<vmem>>, vector<1x256x128xf32>,
    %slice3A_411 = vector.extract_strided_slice %sub3A {offsets = [0, 7168], sizes = [256, 128], strides = [1, 1]} : vector<256x10240xf32> to vector<256x128xf32>
    %swap3A_412 = arith.constant 56 : index
    %swap3A_413 = arith.constant 0 : index
    %swap3A_414 = arith.constant 0 : index
    %swap3A_415 = vector.load %arg5[%swap3A_412, %swap3A_413, %swap3A_414] : memref<80x256x128xf32, #tpu.memory_space<vmem>>, vector<1x256x128xf32>
    %swap3A_416 = vector.shape_cast %swap3A_415 : vector<1x256x128xf32> to vector<256x128xf32>
    %swap3A_417 = vector.shape_cast %slice3A_411 : vector<256x128xf32> to vector<1x256x128xf32>
    tpu.vector_store %arg5[%swap3A_412, %swap3A_413, %swap3A_414], %swap3A_417 {strides = array<i32>} : memref<80x256x128xf32, #tpu.memory_space<vmem>>, vector<1x256x128xf32>,
    %slice3A_418 = vector.extract_strided_slice %sub3A {offsets = [0, 7296], sizes = [256, 128], strides = [1, 1]} : vector<256x10240xf32> to vector<256x128xf32>
    %swap3A_419 = arith.constant 57 : index
    %swap3A_420 = arith.constant 0 : index
    %swap3A_421 = arith.constant 0 : index
    %swap3A_422 = vector.load %arg5[%swap3A_419, %swap3A_420, %swap3A_421] : memref<80x256x128xf32, #tpu.memory_space<vmem>>, vector<1x256x128xf32>
    %swap3A_423 = vector.shape_cast %swap3A_422 : vector<1x256x128xf32> to vector<256x128xf32>
    %swap3A_424 = vector.shape_cast %slice3A_418 : vector<256x128xf32> to vector<1x256x128xf32>
    tpu.vector_store %arg5[%swap3A_419, %swap3A_420, %swap3A_421], %swap3A_424 {strides = array<i32>} : memref<80x256x128xf32, #tpu.memory_space<vmem>>, vector<1x256x128xf32>,
    %slice3A_425 = vector.extract_strided_slice %sub3A {offsets = [0, 7424], sizes = [256, 128], strides = [1, 1]} : vector<256x10240xf32> to vector<256x128xf32>
    %swap3A_426 = arith.constant 58 : index
    %swap3A_427 = arith.constant 0 : index
    %swap3A_428 = arith.constant 0 : index
    %swap3A_429 = vector.load %arg5[%swap3A_426, %swap3A_427, %swap3A_428] : memref<80x256x128xf32, #tpu.memory_space<vmem>>, vector<1x256x128xf32>
    %swap3A_430 = vector.shape_cast %swap3A_429 : vector<1x256x128xf32> to vector<256x128xf32>
    %swap3A_431 = vector.shape_cast %slice3A_425 : vector<256x128xf32> to vector<1x256x128xf32>
    tpu.vector_store %arg5[%swap3A_426, %swap3A_427, %swap3A_428], %swap3A_431 {strides = array<i32>} : memref<80x256x128xf32, #tpu.memory_space<vmem>>, vector<1x256x128xf32>,
    %slice3A_432 = vector.extract_strided_slice %sub3A {offsets = [0, 7552], sizes = [256, 128], strides = [1, 1]} : vector<256x10240xf32> to vector<256x128xf32>
    %swap3A_433 = arith.constant 59 : index
    %swap3A_434 = arith.constant 0 : index
    %swap3A_435 = arith.constant 0 : index
    %swap3A_436 = vector.load %arg5[%swap3A_433, %swap3A_434, %swap3A_435] : memref<80x256x128xf32, #tpu.memory_space<vmem>>, vector<1x256x128xf32>
    %swap3A_437 = vector.shape_cast %swap3A_436 : vector<1x256x128xf32> to vector<256x128xf32>
    %swap3A_438 = vector.shape_cast %slice3A_432 : vector<256x128xf32> to vector<1x256x128xf32>
    tpu.vector_store %arg5[%swap3A_433, %swap3A_434, %swap3A_435], %swap3A_438 {strides = array<i32>} : memref<80x256x128xf32, #tpu.memory_space<vmem>>, vector<1x256x128xf32>,
    %slice3A_439 = vector.extract_strided_slice %sub3A {offsets = [0, 7680], sizes = [256, 128], strides = [1, 1]} : vector<256x10240xf32> to vector<256x128xf32>
    %swap3A_440 = arith.constant 60 : index
    %swap3A_441 = arith.constant 0 : index
    %swap3A_442 = arith.constant 0 : index
    %swap3A_443 = vector.load %arg5[%swap3A_440, %swap3A_441, %swap3A_442] : memref<80x256x128xf32, #tpu.memory_space<vmem>>, vector<1x256x128xf32>
    %swap3A_444 = vector.shape_cast %swap3A_443 : vector<1x256x128xf32> to vector<256x128xf32>
    %swap3A_445 = vector.shape_cast %slice3A_439 : vector<256x128xf32> to vector<1x256x128xf32>
    tpu.vector_store %arg5[%swap3A_440, %swap3A_441, %swap3A_442], %swap3A_445 {strides = array<i32>} : memref<80x256x128xf32, #tpu.memory_space<vmem>>, vector<1x256x128xf32>,
    %slice3A_446 = vector.extract_strided_slice %sub3A {offsets = [0, 7808], sizes = [256, 128], strides = [1, 1]} : vector<256x10240xf32> to vector<256x128xf32>
    %swap3A_447 = arith.constant 61 : index
    %swap3A_448 = arith.constant 0 : index
    %swap3A_449 = arith.constant 0 : index
    %swap3A_450 = vector.load %arg5[%swap3A_447, %swap3A_448, %swap3A_449] : memref<80x256x128xf32, #tpu.memory_space<vmem>>, vector<1x256x128xf32>
    %swap3A_451 = vector.shape_cast %swap3A_450 : vector<1x256x128xf32> to vector<256x128xf32>
    %swap3A_452 = vector.shape_cast %slice3A_446 : vector<256x128xf32> to vector<1x256x128xf32>
    tpu.vector_store %arg5[%swap3A_447, %swap3A_448, %swap3A_449], %swap3A_452 {strides = array<i32>} : memref<80x256x128xf32, #tpu.memory_space<vmem>>, vector<1x256x128xf32>,
    %slice3A_453 = vector.extract_strided_slice %sub3A {offsets = [0, 7936], sizes = [256, 128], strides = [1, 1]} : vector<256x10240xf32> to vector<256x128xf32>
    %swap3A_454 = arith.constant 62 : index
    %swap3A_455 = arith.constant 0 : index
    %swap3A_456 = arith.constant 0 : index
    %swap3A_457 = vector.load %arg5[%swap3A_454, %swap3A_455, %swap3A_456] : memref<80x256x128xf32, #tpu.memory_space<vmem>>, vector<1x256x128xf32>
    %swap3A_458 = vector.shape_cast %swap3A_457 : vector<1x256x128xf32> to vector<256x128xf32>
    %swap3A_459 = vector.shape_cast %slice3A_453 : vector<256x128xf32> to vector<1x256x128xf32>
    tpu.vector_store %arg5[%swap3A_454, %swap3A_455, %swap3A_456], %swap3A_459 {strides = array<i32>} : memref<80x256x128xf32, #tpu.memory_space<vmem>>, vector<1x256x128xf32>,
    %slice3A_460 = vector.extract_strided_slice %sub3A {offsets = [0, 8064], sizes = [256, 128], strides = [1, 1]} : vector<256x10240xf32> to vector<256x128xf32>
    %swap3A_461 = arith.constant 63 : index
    %swap3A_462 = arith.constant 0 : index
    %swap3A_463 = arith.constant 0 : index
    %swap3A_464 = vector.load %arg5[%swap3A_461, %swap3A_462, %swap3A_463] : memref<80x256x128xf32, #tpu.memory_space<vmem>>, vector<1x256x128xf32>
    %swap3A_465 = vector.shape_cast %swap3A_464 : vector<1x256x128xf32> to vector<256x128xf32>
    %swap3A_466 = vector.shape_cast %slice3A_460 : vector<256x128xf32> to vector<1x256x128xf32>
    tpu.vector_store %arg5[%swap3A_461, %swap3A_462, %swap3A_463], %swap3A_466 {strides = array<i32>} : memref<80x256x128xf32, #tpu.memory_space<vmem>>, vector<1x256x128xf32>,
    %slice3A_467 = vector.extract_strided_slice %sub3A {offsets = [0, 8192], sizes = [256, 128], strides = [1, 1]} : vector<256x10240xf32> to vector<256x128xf32>
    %swap3A_468 = arith.constant 64 : index
    %swap3A_469 = arith.constant 0 : index
    %swap3A_470 = arith.constant 0 : index
    %swap3A_471 = vector.load %arg5[%swap3A_468, %swap3A_469, %swap3A_470] : memref<80x256x128xf32, #tpu.memory_space<vmem>>, vector<1x256x128xf32>
    %swap3A_472 = vector.shape_cast %swap3A_471 : vector<1x256x128xf32> to vector<256x128xf32>
    %swap3A_473 = vector.shape_cast %slice3A_467 : vector<256x128xf32> to vector<1x256x128xf32>
    tpu.vector_store %arg5[%swap3A_468, %swap3A_469, %swap3A_470], %swap3A_473 {strides = array<i32>} : memref<80x256x128xf32, #tpu.memory_space<vmem>>, vector<1x256x128xf32>,
    %slice3A_474 = vector.extract_strided_slice %sub3A {offsets = [0, 8320], sizes = [256, 128], strides = [1, 1]} : vector<256x10240xf32> to vector<256x128xf32>
    %swap3A_475 = arith.constant 65 : index
    %swap3A_476 = arith.constant 0 : index
    %swap3A_477 = arith.constant 0 : index
    %swap3A_478 = vector.load %arg5[%swap3A_475, %swap3A_476, %swap3A_477] : memref<80x256x128xf32, #tpu.memory_space<vmem>>, vector<1x256x128xf32>
    %swap3A_479 = vector.shape_cast %swap3A_478 : vector<1x256x128xf32> to vector<256x128xf32>
    %swap3A_480 = vector.shape_cast %slice3A_474 : vector<256x128xf32> to vector<1x256x128xf32>
    tpu.vector_store %arg5[%swap3A_475, %swap3A_476, %swap3A_477], %swap3A_480 {strides = array<i32>} : memref<80x256x128xf32, #tpu.memory_space<vmem>>, vector<1x256x128xf32>,
    %slice3A_481 = vector.extract_strided_slice %sub3A {offsets = [0, 8448], sizes = [256, 128], strides = [1, 1]} : vector<256x10240xf32> to vector<256x128xf32>
    %swap3A_482 = arith.constant 66 : index
    %swap3A_483 = arith.constant 0 : index
    %swap3A_484 = arith.constant 0 : index
    %swap3A_485 = vector.load %arg5[%swap3A_482, %swap3A_483, %swap3A_484] : memref<80x256x128xf32, #tpu.memory_space<vmem>>, vector<1x256x128xf32>
    %swap3A_486 = vector.shape_cast %swap3A_485 : vector<1x256x128xf32> to vector<256x128xf32>
    %swap3A_487 = vector.shape_cast %slice3A_481 : vector<256x128xf32> to vector<1x256x128xf32>
    tpu.vector_store %arg5[%swap3A_482, %swap3A_483, %swap3A_484], %swap3A_487 {strides = array<i32>} : memref<80x256x128xf32, #tpu.memory_space<vmem>>, vector<1x256x128xf32>,
    %slice3A_488 = vector.extract_strided_slice %sub3A {offsets = [0, 8576], sizes = [256, 128], strides = [1, 1]} : vector<256x10240xf32> to vector<256x128xf32>
    %swap3A_489 = arith.constant 67 : index
    %swap3A_490 = arith.constant 0 : index
    %swap3A_491 = arith.constant 0 : index
    %swap3A_492 = vector.load %arg5[%swap3A_489, %swap3A_490, %swap3A_491] : memref<80x256x128xf32, #tpu.memory_space<vmem>>, vector<1x256x128xf32>
    %swap3A_493 = vector.shape_cast %swap3A_492 : vector<1x256x128xf32> to vector<256x128xf32>
    %swap3A_494 = vector.shape_cast %slice3A_488 : vector<256x128xf32> to vector<1x256x128xf32>
    tpu.vector_store %arg5[%swap3A_489, %swap3A_490, %swap3A_491], %swap3A_494 {strides = array<i32>} : memref<80x256x128xf32, #tpu.memory_space<vmem>>, vector<1x256x128xf32>,
    %slice3A_495 = vector.extract_strided_slice %sub3A {offsets = [0, 8704], sizes = [256, 128], strides = [1, 1]} : vector<256x10240xf32> to vector<256x128xf32>
    %swap3A_496 = arith.constant 68 : index
    %swap3A_497 = arith.constant 0 : index
    %swap3A_498 = arith.constant 0 : index
    %swap3A_499 = vector.load %arg5[%swap3A_496, %swap3A_497, %swap3A_498] : memref<80x256x128xf32, #tpu.memory_space<vmem>>, vector<1x256x128xf32>
    %swap3A_500 = vector.shape_cast %swap3A_499 : vector<1x256x128xf32> to vector<256x128xf32>
    %swap3A_501 = vector.shape_cast %slice3A_495 : vector<256x128xf32> to vector<1x256x128xf32>
    tpu.vector_store %arg5[%swap3A_496, %swap3A_497, %swap3A_498], %swap3A_501 {strides = array<i32>} : memref<80x256x128xf32, #tpu.memory_space<vmem>>, vector<1x256x128xf32>,
    %slice3A_502 = vector.extract_strided_slice %sub3A {offsets = [0, 8832], sizes = [256, 128], strides = [1, 1]} : vector<256x10240xf32> to vector<256x128xf32>
    %swap3A_503 = arith.constant 69 : index
    %swap3A_504 = arith.constant 0 : index
    %swap3A_505 = arith.constant 0 : index
    %swap3A_506 = vector.load %arg5[%swap3A_503, %swap3A_504, %swap3A_505] : memref<80x256x128xf32, #tpu.memory_space<vmem>>, vector<1x256x128xf32>
    %swap3A_507 = vector.shape_cast %swap3A_506 : vector<1x256x128xf32> to vector<256x128xf32>
    %swap3A_508 = vector.shape_cast %slice3A_502 : vector<256x128xf32> to vector<1x256x128xf32>
    tpu.vector_store %arg5[%swap3A_503, %swap3A_504, %swap3A_505], %swap3A_508 {strides = array<i32>} : memref<80x256x128xf32, #tpu.memory_space<vmem>>, vector<1x256x128xf32>,
    %slice3A_509 = vector.extract_strided_slice %sub3A {offsets = [0, 8960], sizes = [256, 128], strides = [1, 1]} : vector<256x10240xf32> to vector<256x128xf32>
    %swap3A_510 = arith.constant 70 : index
    %swap3A_511 = arith.constant 0 : index
    %swap3A_512 = arith.constant 0 : index
    %swap3A_513 = vector.load %arg5[%swap3A_510, %swap3A_511, %swap3A_512] : memref<80x256x128xf32, #tpu.memory_space<vmem>>, vector<1x256x128xf32>
    %swap3A_514 = vector.shape_cast %swap3A_513 : vector<1x256x128xf32> to vector<256x128xf32>
    %swap3A_515 = vector.shape_cast %slice3A_509 : vector<256x128xf32> to vector<1x256x128xf32>
    tpu.vector_store %arg5[%swap3A_510, %swap3A_511, %swap3A_512], %swap3A_515 {strides = array<i32>} : memref<80x256x128xf32, #tpu.memory_space<vmem>>, vector<1x256x128xf32>,
    %slice3A_516 = vector.extract_strided_slice %sub3A {offsets = [0, 9088], sizes = [256, 128], strides = [1, 1]} : vector<256x10240xf32> to vector<256x128xf32>
    %swap3A_517 = arith.constant 71 : index
    %swap3A_518 = arith.constant 0 : index
    %swap3A_519 = arith.constant 0 : index
    %swap3A_520 = vector.load %arg5[%swap3A_517, %swap3A_518, %swap3A_519] : memref<80x256x128xf32, #tpu.memory_space<vmem>>, vector<1x256x128xf32>
    %swap3A_521 = vector.shape_cast %swap3A_520 : vector<1x256x128xf32> to vector<256x128xf32>
    %swap3A_522 = vector.shape_cast %slice3A_516 : vector<256x128xf32> to vector<1x256x128xf32>
    tpu.vector_store %arg5[%swap3A_517, %swap3A_518, %swap3A_519], %swap3A_522 {strides = array<i32>} : memref<80x256x128xf32, #tpu.memory_space<vmem>>, vector<1x256x128xf32>,
    %slice3A_523 = vector.extract_strided_slice %sub3A {offsets = [0, 9216], sizes = [256, 128], strides = [1, 1]} : vector<256x10240xf32> to vector<256x128xf32>
    %swap3A_524 = arith.constant 72 : index
    %swap3A_525 = arith.constant 0 : index
    %swap3A_526 = arith.constant 0 : index
    %swap3A_527 = vector.load %arg5[%swap3A_524, %swap3A_525, %swap3A_526] : memref<80x256x128xf32, #tpu.memory_space<vmem>>, vector<1x256x128xf32>
    %swap3A_528 = vector.shape_cast %swap3A_527 : vector<1x256x128xf32> to vector<256x128xf32>
    %swap3A_529 = vector.shape_cast %slice3A_523 : vector<256x128xf32> to vector<1x256x128xf32>
    tpu.vector_store %arg5[%swap3A_524, %swap3A_525, %swap3A_526], %swap3A_529 {strides = array<i32>} : memref<80x256x128xf32, #tpu.memory_space<vmem>>, vector<1x256x128xf32>,
    %slice3A_530 = vector.extract_strided_slice %sub3A {offsets = [0, 9344], sizes = [256, 128], strides = [1, 1]} : vector<256x10240xf32> to vector<256x128xf32>
    %swap3A_531 = arith.constant 73 : index
    %swap3A_532 = arith.constant 0 : index
    %swap3A_533 = arith.constant 0 : index
    %swap3A_534 = vector.load %arg5[%swap3A_531, %swap3A_532, %swap3A_533] : memref<80x256x128xf32, #tpu.memory_space<vmem>>, vector<1x256x128xf32>
    %swap3A_535 = vector.shape_cast %swap3A_534 : vector<1x256x128xf32> to vector<256x128xf32>
    %swap3A_536 = vector.shape_cast %slice3A_530 : vector<256x128xf32> to vector<1x256x128xf32>
    tpu.vector_store %arg5[%swap3A_531, %swap3A_532, %swap3A_533], %swap3A_536 {strides = array<i32>} : memref<80x256x128xf32, #tpu.memory_space<vmem>>, vector<1x256x128xf32>,
    %slice3A_537 = vector.extract_strided_slice %sub3A {offsets = [0, 9472], sizes = [256, 128], strides = [1, 1]} : vector<256x10240xf32> to vector<256x128xf32>
    %swap3A_538 = arith.constant 74 : index
    %swap3A_539 = arith.constant 0 : index
    %swap3A_540 = arith.constant 0 : index
    %swap3A_541 = vector.load %arg5[%swap3A_538, %swap3A_539, %swap3A_540] : memref<80x256x128xf32, #tpu.memory_space<vmem>>, vector<1x256x128xf32>
    %swap3A_542 = vector.shape_cast %swap3A_541 : vector<1x256x128xf32> to vector<256x128xf32>
    %swap3A_543 = vector.shape_cast %slice3A_537 : vector<256x128xf32> to vector<1x256x128xf32>
    tpu.vector_store %arg5[%swap3A_538, %swap3A_539, %swap3A_540], %swap3A_543 {strides = array<i32>} : memref<80x256x128xf32, #tpu.memory_space<vmem>>, vector<1x256x128xf32>,
    %slice3A_544 = vector.extract_strided_slice %sub3A {offsets = [0, 9600], sizes = [256, 128], strides = [1, 1]} : vector<256x10240xf32> to vector<256x128xf32>
    %swap3A_545 = arith.constant 75 : index
    %swap3A_546 = arith.constant 0 : index
    %swap3A_547 = arith.constant 0 : index
    %swap3A_548 = vector.load %arg5[%swap3A_545, %swap3A_546, %swap3A_547] : memref<80x256x128xf32, #tpu.memory_space<vmem>>, vector<1x256x128xf32>
    %swap3A_549 = vector.shape_cast %swap3A_548 : vector<1x256x128xf32> to vector<256x128xf32>
    %swap3A_550 = vector.shape_cast %slice3A_544 : vector<256x128xf32> to vector<1x256x128xf32>
    tpu.vector_store %arg5[%swap3A_545, %swap3A_546, %swap3A_547], %swap3A_550 {strides = array<i32>} : memref<80x256x128xf32, #tpu.memory_space<vmem>>, vector<1x256x128xf32>,
    %slice3A_551 = vector.extract_strided_slice %sub3A {offsets = [0, 9728], sizes = [256, 128], strides = [1, 1]} : vector<256x10240xf32> to vector<256x128xf32>
    %swap3A_552 = arith.constant 76 : index
    %swap3A_553 = arith.constant 0 : index
    %swap3A_554 = arith.constant 0 : index
    %swap3A_555 = vector.load %arg5[%swap3A_552, %swap3A_553, %swap3A_554] : memref<80x256x128xf32, #tpu.memory_space<vmem>>, vector<1x256x128xf32>
    %swap3A_556 = vector.shape_cast %swap3A_555 : vector<1x256x128xf32> to vector<256x128xf32>
    %swap3A_557 = vector.shape_cast %slice3A_551 : vector<256x128xf32> to vector<1x256x128xf32>
    tpu.vector_store %arg5[%swap3A_552, %swap3A_553, %swap3A_554], %swap3A_557 {strides = array<i32>} : memref<80x256x128xf32, #tpu.memory_space<vmem>>, vector<1x256x128xf32>,
    %slice3A_558 = vector.extract_strided_slice %sub3A {offsets = [0, 9856], sizes = [256, 128], strides = [1, 1]} : vector<256x10240xf32> to vector<256x128xf32>
    %swap3A_559 = arith.constant 77 : index
    %swap3A_560 = arith.constant 0 : index
    %swap3A_561 = arith.constant 0 : index
    %swap3A_562 = vector.load %arg5[%swap3A_559, %swap3A_560, %swap3A_561] : memref<80x256x128xf32, #tpu.memory_space<vmem>>, vector<1x256x128xf32>
    %swap3A_563 = vector.shape_cast %swap3A_562 : vector<1x256x128xf32> to vector<256x128xf32>
    %swap3A_564 = vector.shape_cast %slice3A_558 : vector<256x128xf32> to vector<1x256x128xf32>
    tpu.vector_store %arg5[%swap3A_559, %swap3A_560, %swap3A_561], %swap3A_564 {strides = array<i32>} : memref<80x256x128xf32, #tpu.memory_space<vmem>>, vector<1x256x128xf32>,
    %slice3A_565 = vector.extract_strided_slice %sub3A {offsets = [0, 9984], sizes = [256, 128], strides = [1, 1]} : vector<256x10240xf32> to vector<256x128xf32>
    %swap3A_566 = arith.constant 78 : index
    %swap3A_567 = arith.constant 0 : index
    %swap3A_568 = arith.constant 0 : index
    %swap3A_569 = vector.load %arg5[%swap3A_566, %swap3A_567, %swap3A_568] : memref<80x256x128xf32, #tpu.memory_space<vmem>>, vector<1x256x128xf32>
    %swap3A_570 = vector.shape_cast %swap3A_569 : vector<1x256x128xf32> to vector<256x128xf32>
    %swap3A_571 = vector.shape_cast %slice3A_565 : vector<256x128xf32> to vector<1x256x128xf32>
    tpu.vector_store %arg5[%swap3A_566, %swap3A_567, %swap3A_568], %swap3A_571 {strides = array<i32>} : memref<80x256x128xf32, #tpu.memory_space<vmem>>, vector<1x256x128xf32>,
    %slice3A_572 = vector.extract_strided_slice %sub3A {offsets = [0, 10112], sizes = [256, 128], strides = [1, 1]} : vector<256x10240xf32> to vector<256x128xf32>
    %swap3A_573 = arith.constant 79 : index
    %swap3A_574 = arith.constant 0 : index
    %swap3A_575 = arith.constant 0 : index
    %swap3A_576 = vector.load %arg5[%swap3A_573, %swap3A_574, %swap3A_575] : memref<80x256x128xf32, #tpu.memory_space<vmem>>, vector<1x256x128xf32>
    %swap3A_577 = vector.shape_cast %swap3A_576 : vector<1x256x128xf32> to vector<256x128xf32>
    %swap3A_578 = vector.shape_cast %slice3A_572 : vector<256x128xf32> to vector<1x256x128xf32>
    tpu.vector_store %arg5[%swap3A_573, %swap3A_574, %swap3A_575], %swap3A_578 {strides = array<i32>} : memref<80x256x128xf32, #tpu.memory_space<vmem>>, vector<1x256x128xf32>,
    %iota3A = tpu.iota {dimensions = array<i32: 1>} : vector<256x128xi32>
    %iota3A_579 = tpu.iota {dimensions = array<i32: 1>} : vector<256x32xi32>
    %broadcast_in_dim3A_580 = arith.constant 0 : i32
    %broadcast_in_dim3A_581 = vector.broadcast %broadcast_in_dim3A_580 : i32 to vector<256x1xi32>
    %broadcast_in_dim3A_582 = arith.constant 0xFF800000 : f32
    %broadcast_in_dim3A_583 = vector.broadcast %broadcast_in_dim3A_582 : f32 to vector<256x1xf32>
    %broadcast_in_dim3A_584 = arith.constant -1 : i32
    %broadcast_in_dim3A_585 = vector.broadcast %broadcast_in_dim3A_584 : i32 to vector<256x1xi32>
    %broadcast_in_dim3A_586 = arith.constant 0 : i32
    %broadcast_in_dim3A_587 = vector.broadcast %broadcast_in_dim3A_586 : i32 to vector<256x32xi32>
    %while3A:4 = scf.while (%while3A_591 = %broadcast_in_dim3A_581, %while3A_592 = %broadcast_in_dim3A_583, %while3A_593 = %broadcast_in_dim3A_585, %while3A_594 = %broadcast_in_dim3A_587) : (vector<256x1xi32>, vector<256x1xf32>, vector<256x1xi32>, vector<256x32xi32>) -> (vector<256x1xi32>, vector<256x1xf32>, vector<256x1xi32>, vector<256x32xi32>) {
      %lt3A = arith.constant 20 : i32
      %lt3A_595 = vector.broadcast %lt3A : i32 to vector<256x1xi32>
      %lt3A_596 = arith.cmpi slt, %while3A_591, %lt3A_595 : vector<256x1xi32>
      %reduce_or3A = arith.constant 1.000000e+00 : f32
      %reduce_or3A_597 = arith.constant 0.000000e+00 : f32
      %reduce_or3A_598 = vector.broadcast %reduce_or3A : f32 to vector<256x1xf32>
      %reduce_or3A_599 = vector.broadcast %reduce_or3A_597 : f32 to vector<256x1xf32>
      %reduce_or3A_600 = arith.select %lt3A_596, %reduce_or3A_598, %reduce_or3A_599 : vector<256x1xi1>, vector<256x1xf32>
      %reduce_or3A_601 = vector.shape_cast %reduce_or3A_600 : vector<256x1xf32> to vector<1x256x1xf32>
      %reduce_or3A_602 = arith.constant dense<0xFF800000> : vector<1xf32>
      %reduce_or3A_603 = vector.multi_reduction <maximumf>, %reduce_or3A_601, %reduce_or3A_602 [1, 2] : vector<1x256x1xf32> to vector<1xf32>
      %reduce_or3A_604 = vector.shape_cast %reduce_or3A_603 : vector<1xf32> to vector<1x1x1xf32>
      %reduce_or3A_605 = vector.extract %reduce_or3A_604[0, 0, 0] : f32 from vector<1x1x1xf32>
      %reduce_or3A_606 = arith.constant 0.000000e+00 : f32
      %reduce_or3A_607 = arith.cmpf ogt, %reduce_or3A_605, %reduce_or3A_606 : f32
      scf.condition(%reduce_or3A_607) %while3A_591, %while3A_592, %while3A_593, %while3A_594 : vector<256x1xi32>, vector<256x1xf32>, vector<256x1xi32>, vector<256x32xi32>
    } do {
    ^bb0(%while3A_591: vector<256x1xi32>, %while3A_592: vector<256x1xf32>, %while3A_593: vector<256x1xi32>, %while3A_594: vector<256x32xi32>):
      %get3A_595 = arith.constant 0 : index
      %get3A_596 = arith.constant 0 : index
      %get3A_597 = arith.constant 0 : index
      %get3A_598 = vector.load %arg5[%get3A_595, %get3A_596, %get3A_597] : memref<80x256x128xf32, #tpu.memory_space<vmem>>, vector<80x256x128xf32>
      %iota3A_599 = tpu.iota {dimensions = array<i32: 0>} : vector<80x256x128xi32>
      %iota3A_600 = tpu.iota {dimensions = array<i32: 2>} : vector<80x256x128xi32>
      %mul3A_601 = arith.constant 128 : i32
      %mul3A_602 = vector.broadcast %mul3A_601 : i32 to vector<80x256x128xi32>
      %mul3A_603 = arith.muli %iota3A_599, %mul3A_602 : vector<80x256x128xi32>
      %add3A_604 = arith.addi %mul3A_603, %iota3A_600 : vector<80x256x128xi32>
      %broadcast_in_dim3A_605 = vector.shape_cast %while3A_592 : vector<256x1xf32> to vector<1x256x1xf32>
      %gt3A = vector.broadcast %broadcast_in_dim3A_605 : vector<1x256x1xf32> to vector<80x256x128xf32>
      %gt3A_606 = arith.cmpf ogt, %get3A_598, %gt3A : vector<80x256x128xf32>
      %broadcast_in_dim3A_607 = vector.shape_cast %while3A_592 : vector<256x1xf32> to vector<1x256x1xf32>
      %eq3A = vector.broadcast %broadcast_in_dim3A_607 : vector<1x256x1xf32> to vector<80x256x128xf32>
      %eq3A_608 = arith.cmpf oeq, %get3A_598, %eq3A : vector<80x256x128xf32>
      %broadcast_in_dim3A_609 = vector.shape_cast %while3A_593 : vector<256x1xi32> to vector<1x256x1xi32>
      %gt3A_610 = vector.broadcast %broadcast_in_dim3A_609 : vector<1x256x1xi32> to vector<80x256x128xi32>
      %gt3A_611 = arith.cmpi sgt, %add3A_604, %gt3A_610 : vector<80x256x128xi32>
      %and3A = arith.andi %eq3A_608, %gt3A_611 : vector<80x256x128xi1>
      %or3A = arith.ori %gt3A_606, %and3A : vector<80x256x128xi1>
      %jit3A = arith.constant 0x7F800000 : f32
      %broadcast_in_dim3A_612 = vector.broadcast %jit3A : f32 to vector<80x256x128xf32>
      %select_n3A = arith.select %or3A, %get3A_598, %broadcast_in_dim3A_612 : vector<80x256x128xi1>, vector<80x256x128xf32>
      %reduce_min3A = arith.constant dense<0x7F800000> : vector<256x128xf32>
      %reduce_min3A_613 = vector.multi_reduction <minimumf>, %select_n3A, %reduce_min3A [0] : vector<80x256x128xf32> to vector<256x128xf32>
      %broadcast_in_dim3A_614 = vector.shape_cast %reduce_min3A_613 : vector<256x128xf32> to vector<1x256x128xf32>
      %eq3A_615 = vector.broadcast %broadcast_in_dim3A_614 : vector<1x256x128xf32> to vector<80x256x128xf32>
      %eq3A_616 = arith.cmpf oeq, %select_n3A, %eq3A_615 : vector<80x256x128xf32>
      %jit3A_617 = arith.constant 80 : i32
      %broadcast_in_dim3A_618 = vector.broadcast %jit3A_617 : i32 to vector<80x256x128xi32>
      %select_n3A_619 = arith.select %eq3A_616, %iota3A_599, %broadcast_in_dim3A_618 : vector<80x256x128xi1>, vector<80x256x128xi32>
      %reduce_min3A_620 = arith.constant dense<2147483647> : vector<256x128xi32>
      %reduce_min3A_621 = vector.multi_reduction <minsi>, %select_n3A_619, %reduce_min3A_620 [0] : vector<80x256x128xi32> to vector<256x128xi32>
      %broadcast_in_dim3A_622 = vector.shape_cast %reduce_min3A_621 : vector<256x128xi32> to vector<1x256x128xi32>
      %eq3A_623 = vector.broadcast %broadcast_in_dim3A_622 : vector<1x256x128xi32> to vector<80x256x128xi32>
      %eq3A_624 = arith.cmpi eq, %iota3A_599, %eq3A_623 : vector<80x256x128xi32>
      %jit3A_625 = arith.constant 0x7F800000 : f32
      %broadcast_in_dim3A_626 = vector.broadcast %jit3A_625 : f32 to vector<80x256x128xf32>
      %select_n3A_627 = arith.select %eq3A_624, %broadcast_in_dim3A_626, %select_n3A : vector<80x256x128xi1>, vector<80x256x128xf32>
      %reduce_min3A_628 = arith.constant dense<0x7F800000> : vector<256x128xf32>
      %reduce_min3A_629 = vector.multi_reduction <minimumf>, %select_n3A_627, %reduce_min3A_628 [0] : vector<80x256x128xf32> to vector<256x128xf32>
      %broadcast_in_dim3A_630 = vector.shape_cast %reduce_min3A_629 : vector<256x128xf32> to vector<1x256x128xf32>
      %eq3A_631 = vector.broadcast %broadcast_in_dim3A_630 : vector<1x256x128xf32> to vector<80x256x128xf32>
      %eq3A_632 = arith.cmpf oeq, %select_n3A_627, %eq3A_631 : vector<80x256x128xf32>
      %jit3A_633 = arith.constant 80 : i32
      %broadcast_in_dim3A_634 = vector.broadcast %jit3A_633 : i32 to vector<80x256x128xi32>
      %select_n3A_635 = arith.select %eq3A_632, %iota3A_599, %broadcast_in_dim3A_634 : vector<80x256x128xi1>, vector<80x256x128xi32>
      %reduce_min3A_636 = arith.constant dense<2147483647> : vector<256x128xi32>
      %reduce_min3A_637 = vector.multi_reduction <minsi>, %select_n3A_635, %reduce_min3A_636 [0] : vector<80x256x128xi32> to vector<256x128xi32>
      %broadcast_in_dim3A_638 = vector.shape_cast %reduce_min3A_637 : vector<256x128xi32> to vector<1x256x128xi32>
      %eq3A_639 = vector.broadcast %broadcast_in_dim3A_638 : vector<1x256x128xi32> to vector<80x256x128xi32>
      %eq3A_640 = arith.cmpi eq, %iota3A_599, %eq3A_639 : vector<80x256x128xi32>
      %jit3A_641 = arith.constant 0x7F800000 : f32
      %broadcast_in_dim3A_642 = vector.broadcast %jit3A_641 : f32 to vector<80x256x128xf32>
      %select_n3A_643 = arith.select %eq3A_640, %broadcast_in_dim3A_642, %select_n3A_627 : vector<80x256x128xi1>, vector<80x256x128xf32>
      %reduce_min3A_644 = arith.constant dense<0x7F800000> : vector<256x128xf32>
      %reduce_min3A_645 = vector.multi_reduction <minimumf>, %select_n3A_643, %reduce_min3A_644 [0] : vector<80x256x128xf32> to vector<256x128xf32>
      %broadcast_in_dim3A_646 = vector.shape_cast %reduce_min3A_645 : vector<256x128xf32> to vector<1x256x128xf32>
      %eq3A_647 = vector.broadcast %broadcast_in_dim3A_646 : vector<1x256x128xf32> to vector<80x256x128xf32>
      %eq3A_648 = arith.cmpf oeq, %select_n3A_643, %eq3A_647 : vector<80x256x128xf32>
      %jit3A_649 = arith.constant 80 : i32
      %broadcast_in_dim3A_650 = vector.broadcast %jit3A_649 : i32 to vector<80x256x128xi32>
      %select_n3A_651 = arith.select %eq3A_648, %iota3A_599, %broadcast_in_dim3A_650 : vector<80x256x128xi1>, vector<80x256x128xi32>
      %reduce_min3A_652 = arith.constant dense<2147483647> : vector<256x128xi32>
      %reduce_min3A_653 = vector.multi_reduction <minsi>, %select_n3A_651, %reduce_min3A_652 [0] : vector<80x256x128xi32> to vector<256x128xi32>
      %broadcast_in_dim3A_654 = arith.constant 0 : i32
      %broadcast_in_dim3A_655 = vector.broadcast %broadcast_in_dim3A_654 : i32 to vector<256x1xi32>
      %while3A_656:11 = scf.while (%while3A_657 = %reduce_min3A_613, %while3A_658 = %reduce_min3A_629, %while3A_659 = %reduce_min3A_645, %while3A_660 = %reduce_min3A_621, %while3A_661 = %reduce_min3A_637, %while3A_662 = %reduce_min3A_653, %while3A_663 = %while3A_591, %while3A_664 = %while3A_592, %while3A_665 = %while3A_593, %while3A_666 = %while3A_594, %while3A_667 = %broadcast_in_dim3A_655) : (vector<256x128xf32>, vector<256x128xf32>, vector<256x128xf32>, vector<256x128xi32>, vector<256x128xi32>, vector<256x128xi32>, vector<256x1xi32>, vector<256x1xf32>, vector<256x1xi32>, vector<256x32xi32>, vector<256x1xi32>) -> (vector<256x128xf32>, vector<256x128xf32>, vector<256x128xf32>, vector<256x128xi32>, vector<256x128xi32>, vector<256x128xi32>, vector<256x1xi32>, vector<256x1xf32>, vector<256x1xi32>, vector<256x32xi32>, vector<256x1xi32>) {
        %eq3A_668 = arith.constant 0 : i32
        %eq3A_669 = vector.broadcast %eq3A_668 : i32 to vector<256x1xi32>
        %eq3A_670 = arith.cmpi eq, %while3A_667, %eq3A_669 : vector<256x1xi32>
        %lt3A = arith.constant 20 : i32
        %lt3A_671 = vector.broadcast %lt3A : i32 to vector<256x1xi32>
        %lt3A_672 = arith.cmpi slt, %while3A_663, %lt3A_671 : vector<256x1xi32>
        %and3A_673 = arith.andi %eq3A_670, %lt3A_672 : vector<256x1xi1>
        %reduce_or3A = arith.constant 1.000000e+00 : f32
        %reduce_or3A_674 = arith.constant 0.000000e+00 : f32
        %reduce_or3A_675 = vector.broadcast %reduce_or3A : f32 to vector<256x1xf32>
        %reduce_or3A_676 = vector.broadcast %reduce_or3A_674 : f32 to vector<256x1xf32>
        %reduce_or3A_677 = arith.select %and3A_673, %reduce_or3A_675, %reduce_or3A_676 : vector<256x1xi1>, vector<256x1xf32>
        %reduce_or3A_678 = vector.shape_cast %reduce_or3A_677 : vector<256x1xf32> to vector<1x256x1xf32>
        %reduce_or3A_679 = arith.constant dense<0xFF800000> : vector<1xf32>
        %reduce_or3A_680 = vector.multi_reduction <maximumf>, %reduce_or3A_678, %reduce_or3A_679 [1, 2] : vector<1x256x1xf32> to vector<1xf32>
        %reduce_or3A_681 = vector.shape_cast %reduce_or3A_680 : vector<1xf32> to vector<1x1x1xf32>
        %reduce_or3A_682 = vector.extract %reduce_or3A_681[0, 0, 0] : f32 from vector<1x1x1xf32>
        %reduce_or3A_683 = arith.constant 0.000000e+00 : f32
        %reduce_or3A_684 = arith.cmpf ogt, %reduce_or3A_682, %reduce_or3A_683 : f32
        scf.condition(%reduce_or3A_684) %while3A_657, %while3A_658, %while3A_659, %while3A_660, %while3A_661, %while3A_662, %while3A_663, %while3A_664, %while3A_665, %while3A_666, %while3A_667 : vector<256x128xf32>, vector<256x128xf32>, vector<256x128xf32>, vector<256x128xi32>, vector<256x128xi32>, vector<256x128xi32>, vector<256x1xi32>, vector<256x1xf32>, vector<256x1xi32>, vector<256x32xi32>, vector<256x1xi32>
      } do {
      ^bb0(%while3A_657: vector<256x128xf32>, %while3A_658: vector<256x128xf32>, %while3A_659: vector<256x128xf32>, %while3A_660: vector<256x128xi32>, %while3A_661: vector<256x128xi32>, %while3A_662: vector<256x128xi32>, %while3A_663: vector<256x1xi32>, %while3A_664: vector<256x1xf32>, %while3A_665: vector<256x1xi32>, %while3A_666: vector<256x32xi32>, %while3A_667: vector<256x1xi32>):
        %reduce_min3A_668 = arith.constant dense<0x7F800000> : vector<256xf32>
        %reduce_min3A_669 = vector.multi_reduction <minimumf>, %while3A_657, %reduce_min3A_668 [1] : vector<256x128xf32> to vector<256xf32>
        %broadcast_in_dim3A_670 = vector.shape_cast %reduce_min3A_669 : vector<256xf32> to vector<256x1xf32>
        %mul3A_671 = arith.constant 128 : i32
        %mul3A_672 = vector.broadcast %mul3A_671 : i32 to vector<256x128xi32>
        %mul3A_673 = arith.muli %while3A_660, %mul3A_672 : vector<256x128xi32>
        %add3A_674 = arith.addi %mul3A_673, %iota3A : vector<256x128xi32>
        %eq3A_675 = vector.broadcast %broadcast_in_dim3A_670 : vector<256x1xf32> to vector<256x128xf32>
        %eq3A_676 = arith.cmpf oeq, %while3A_657, %eq3A_675 : vector<256x128xf32>
        %jit3A_677 = arith.constant 20480 : i32
        %broadcast_in_dim3A_678 = vector.broadcast %jit3A_677 : i32 to vector<256x128xi32>
        %select_n3A_679 = arith.select %eq3A_676, %add3A_674, %broadcast_in_dim3A_678 : vector<256x128xi1>, vector<256x128xi32>
        %reduce_min3A_680 = arith.constant dense<2147483647> : vector<256xi32>
        %reduce_min3A_681 = vector.multi_reduction <minsi>, %select_n3A_679, %reduce_min3A_680 [1] : vector<256x128xi32> to vector<256xi32>
        %broadcast_in_dim3A_682 = vector.shape_cast %reduce_min3A_681 : vector<256xi32> to vector<256x1xi32>
        %lt3A = arith.constant 20 : i32
        %lt3A_683 = vector.broadcast %lt3A : i32 to vector<256x1xi32>
        %lt3A_684 = arith.cmpi slt, %while3A_663, %lt3A_683 : vector<256x1xi32>
        %eq3A_685 = arith.constant 0 : i32
        %eq3A_686 = vector.broadcast %eq3A_685 : i32 to vector<256x1xi32>
        %eq3A_687 = arith.cmpi eq, %while3A_667, %eq3A_686 : vector<256x1xi32>
        %and3A_688 = arith.andi %lt3A_684, %eq3A_687 : vector<256x1xi1>
        %lt3A_689 = arith.constant 0x7F800000 : f32
        %lt3A_690 = vector.broadcast %lt3A_689 : f32 to vector<256x1xf32>
        %lt3A_691 = arith.cmpf olt, %broadcast_in_dim3A_670, %lt3A_690 : vector<256x1xf32>
        %and3A_692 = arith.andi %and3A_688, %lt3A_691 : vector<256x1xi1>
        %eq3A_693 = vector.broadcast %broadcast_in_dim3A_670 : vector<256x1xf32> to vector<256x128xf32>
        %eq3A_694 = arith.cmpf oeq, %while3A_657, %eq3A_693 : vector<256x128xf32>
        %and3A_695 = vector.broadcast %and3A_692 : vector<256x1xi1> to vector<256x128xi1>
        %and3A_696 = arith.andi %and3A_695, %eq3A_694 : vector<256x128xi1>
        %eq3A_697 = vector.broadcast %broadcast_in_dim3A_682 : vector<256x1xi32> to vector<256x128xi32>
        %eq3A_698 = arith.cmpi eq, %add3A_674, %eq3A_697 : vector<256x128xi32>
        %and3A_699 = arith.andi %and3A_696, %eq3A_698 : vector<256x128xi1>
        %select_n3A_700 = arith.select %and3A_699, %while3A_658, %while3A_657 : vector<256x128xi1>, vector<256x128xf32>
        %select_n3A_701 = arith.select %and3A_699, %while3A_661, %while3A_660 : vector<256x128xi1>, vector<256x128xi32>
        %select_n3A_702 = arith.select %and3A_699, %while3A_659, %while3A_658 : vector<256x128xi1>, vector<256x128xf32>
        %select_n3A_703 = arith.select %and3A_699, %while3A_662, %while3A_661 : vector<256x128xi1>, vector<256x128xi32>
        %jit3A_704 = arith.constant 0x7F800000 : f32
        %broadcast_in_dim3A_705 = vector.broadcast %jit3A_704 : f32 to vector<256x128xf32>
        %select_n3A_706 = arith.select %and3A_699, %broadcast_in_dim3A_705, %while3A_659 : vector<256x128xi1>, vector<256x128xf32>
        %jit3A_707 = arith.constant 80 : i32
        %broadcast_in_dim3A_708 = vector.broadcast %jit3A_707 : i32 to vector<256x128xi32>
        %select_n3A_709 = arith.select %and3A_699, %broadcast_in_dim3A_708, %while3A_662 : vector<256x128xi1>, vector<256x128xi32>
        %eq3A_710 = arith.constant 0x7F800000 : f32
        %eq3A_711 = vector.broadcast %eq3A_710 : f32 to vector<256x128xf32>
        %eq3A_712 = arith.cmpf oeq, %select_n3A_700, %eq3A_711 : vector<256x128xf32>
        %and3A_713 = arith.andi %and3A_699, %eq3A_712 : vector<256x128xi1>
        %jit3A_714 = arith.constant 1 : i32
        %jit3A_715 = arith.constant 0 : i32
        %broadcast_in_dim3A_716 = vector.broadcast %jit3A_714 : i32 to vector<256x128xi32>
        %broadcast_in_dim3A_717 = vector.broadcast %jit3A_715 : i32 to vector<256x128xi32>
        %select_n3A_718 = arith.select %and3A_713, %broadcast_in_dim3A_716, %broadcast_in_dim3A_717 : vector<256x128xi1>, vector<256x128xi32>
        %reduce_max3A = arith.constant dense<-2147483648> : vector<256xi32>
        %reduce_max3A_719 = vector.multi_reduction <maxsi>, %select_n3A_718, %reduce_max3A [1] : vector<256x128xi32> to vector<256xi32>
        %broadcast_in_dim3A_720 = vector.shape_cast %reduce_max3A_719 : vector<256xi32> to vector<256x1xi32>
        %eq3A_721 = vector.broadcast %while3A_663 : vector<256x1xi32> to vector<256x32xi32>
        %eq3A_722 = arith.cmpi eq, %iota3A_579, %eq3A_721 : vector<256x32xi32>
        %and3A_723 = vector.broadcast %and3A_692 : vector<256x1xi1> to vector<256x32xi1>
        %and3A_724 = arith.andi %and3A_723, %eq3A_722 : vector<256x32xi1>
        %broadcast_in_dim3A_725 = vector.shape_cast %broadcast_in_dim3A_682 : vector<256x1xi32> to vector<256x1xi32>
        %broadcast_in_dim3A_726 = vector.broadcast %broadcast_in_dim3A_725 : vector<256x1xi32> to vector<256x32xi32>
        %select_n3A_727 = arith.select %and3A_724, %broadcast_in_dim3A_726, %while3A_666 : vector<256x32xi1>, vector<256x32xi32>
        %select_n3A_728 = arith.select %and3A_692, %broadcast_in_dim3A_670, %while3A_664 : vector<256x1xi1>, vector<256x1xf32>
        %select_n3A_729 = arith.select %and3A_692, %broadcast_in_dim3A_682, %while3A_665 : vector<256x1xi1>, vector<256x1xi32>
        %convert_element_type3A = arith.extui %and3A_692 : vector<256x1xi1> to vector<256x1xi32>
        %add3A_730 = arith.addi %while3A_663, %convert_element_type3A : vector<256x1xi32>
        %max3A = arith.maxsi %while3A_667, %broadcast_in_dim3A_720 : vector<256x1xi32>
        scf.yield %select_n3A_700, %select_n3A_702, %select_n3A_706, %select_n3A_701, %select_n3A_703, %select_n3A_709, %add3A_730, %select_n3A_728, %select_n3A_729, %select_n3A_727, %max3A : vector<256x128xf32>, vector<256x128xf32>, vector<256x128xf32>, vector<256x128xi32>, vector<256x128xi32>, vector<256x128xi32>, vector<256x1xi32>, vector<256x1xf32>, vector<256x1xi32>, vector<256x32xi32>, vector<256x1xi32>
      }
      scf.yield %while3A_656#6, %while3A_656#7, %while3A_656#8, %while3A_656#9 : vector<256x1xi32>, vector<256x1xf32>, vector<256x1xi32>, vector<256x32xi32>
    }
    %swap3A_588 = arith.constant 0 : index
    %swap3A_589 = arith.constant 0 : index
    %swap3A_590 = vector.load %arg4[%swap3A_588, %swap3A_589] : memref<256x32xi32, #tpu.memory_space<vmem>>, vector<256x32xi32>
    tpu.vector_store %arg4[%swap3A_588, %swap3A_589], %while3A#3 {strides = array<i32>} : memref<256x32xi32, #tpu.memory_space<vmem>>, vector<256x32xi32>,
    return
  }
  func.func @transform_0(%arg0: i32) -> (i32, i32) {
    %c0_i32 = arith.constant 0 : i32
    %c0_i32_0 = arith.constant 0 : i32
    return %arg0, %c0_i32 : i32, i32
  }
  func.func @transform_1(%arg0: i32) -> (i32, i32) {
    %c0_i32 = arith.constant 0 : i32
    %c0_i32_0 = arith.constant 0 : i32
    %c0_i32_1 = arith.constant 0 : i32
    return %c0_i32, %c0_i32_0 : i32, i32
  }
  func.func @transform_2(%arg0: i32) -> (i32, i32) {
    %c0_i32 = arith.constant 0 : i32
    %c0_i32_0 = arith.constant 0 : i32
    %c0_i32_1 = arith.constant 0 : i32
    return %c0_i32, %c0_i32_0 : i32, i32
  }
  func.func @transform_3(%arg0: i32) -> (i32, i32) {
    %c0_i32 = arith.constant 0 : i32
    %c0_i32_0 = arith.constant 0 : i32
    return %arg0, %c0_i32 : i32, i32
  }
}

module attributes {stable_mosaic.version = 14 : i64} {
  func.func @_bondpost_kernel(%arg0: i32, %arg1: memref<1x10240x48xf32, #tpu.memory_space<vmem>>, %arg2: memref<1x10240x48xf32, #tpu.memory_space<vmem>>, %arg3: memref<48x48xf32, #tpu.memory_space<vmem>>, %arg4: memref<1x48xf32, #tpu.memory_space<vmem>>, %arg5: memref<1x48xf32, #tpu.memory_space<vmem>>, %arg6: memref<48x48xf32, #tpu.memory_space<vmem>>, %arg7: memref<1x48xf32, #tpu.memory_space<vmem>>, %arg8: memref<48x48xf32, #tpu.memory_space<vmem>>, %arg9: memref<1x48xf32, #tpu.memory_space<vmem>>, %arg10: memref<10240x48xf32, #tpu.memory_space<vmem>>) attributes {dimension_semantics = [#tpu.dimension_semantics<arbitrary>], iteration_bounds = array<i64: 1>, scalar_prefetch = 0 : i64, scratch_operands = 0 : i64, tpu.core_type = #tpu.core_type<tc>, window_params = [{transform_indices = @transform_0, window_bounds = array<i64: 1, 10240, 48>}, {transform_indices = @transform_1, window_bounds = array<i64: 1, 10240, 48>}, {pipeline_mode = #tpu.pipeline_mode<synchronous>, transform_indices = @transform_2, window_bounds = array<i64: 48, 48>}, {pipeline_mode = #tpu.pipeline_mode<synchronous>, transform_indices = @transform_3, window_bounds = array<i64: 1, 48>}, {pipeline_mode = #tpu.pipeline_mode<synchronous>, transform_indices = @transform_4, window_bounds = array<i64: 1, 48>}, {pipeline_mode = #tpu.pipeline_mode<synchronous>, transform_indices = @transform_5, window_bounds = array<i64: 48, 48>}, {pipeline_mode = #tpu.pipeline_mode<synchronous>, transform_indices = @transform_6, window_bounds = array<i64: 1, 48>}, {pipeline_mode = #tpu.pipeline_mode<synchronous>, transform_indices = @transform_7, window_bounds = array<i64: 48, 48>}, {pipeline_mode = #tpu.pipeline_mode<synchronous>, transform_indices = @transform_8, window_bounds = array<i64: 1, 48>}, {pipeline_mode = #tpu.pipeline_mode<synchronous>, transform_indices = @transform_9, window_bounds = array<i64: 10240, 48>}]} {
    %get3A = arith.constant 0 : index
    %get3A_0 = arith.constant 0 : index
    %get3A_1 = arith.constant 0 : index
    %get3A_2 = vector.load %arg1[%get3A, %get3A_0, %get3A_1] : memref<1x10240x48xf32, #tpu.memory_space<vmem>>, vector<1x10240x48xf32>
    %get3A_3 = vector.shape_cast %get3A_2 : vector<1x10240x48xf32> to vector<10240x48xf32>
    %get3A_4 = arith.constant 0 : index
    %get3A_5 = arith.constant 0 : index
    %get3A_6 = arith.constant 0 : index
    %get3A_7 = vector.load %arg2[%get3A_4, %get3A_5, %get3A_6] : memref<1x10240x48xf32, #tpu.memory_space<vmem>>, vector<1x10240x48xf32>
    %get3A_8 = vector.shape_cast %get3A_7 : vector<1x10240x48xf32> to vector<10240x48xf32>
    %add3A = arith.addf %get3A_3, %get3A_8 : vector<10240x48xf32>
    %slice3A = vector.extract_strided_slice %add3A {offsets = [0, 47], sizes = [10240, 1], strides = [1, 1]} : vector<10240x48xf32> to vector<10240x1xf32>
    %get3A_9 = arith.constant 0 : index
    %get3A_10 = arith.constant 0 : index
    %get3A_11 = vector.load %arg3[%get3A_9, %get3A_10] : memref<48x48xf32, #tpu.memory_space<vmem>>, vector<48x48xf32>
    %dot_general3A = arith.constant dense<0.000000e+00> : vector<10240x48xf32>
    %dot_general3A_12 = tpu.matmul %add3A, %get3A_11, %dot_general3A {dimension_numbers = #tpu.dot_dimension_numbers<[1], [0], [0], [1], [0, 0, 1, 1], [], []>, transpose_lhs_hint = false} : vector<10240x48xf32>, vector<48x48xf32>, vector<10240x48xf32> -> vector<10240x48xf32>
    %get3A_13 = arith.constant 0 : index
    %get3A_14 = arith.constant 0 : index
    %get3A_15 = vector.load %arg4[%get3A_13, %get3A_14] : memref<1x48xf32, #tpu.memory_space<vmem>>, vector<1x48xf32>
    %mul3A = vector.broadcast %slice3A : vector<10240x1xf32> to vector<10240x48xf32>
    %mul3A_16 = vector.broadcast %get3A_15 : vector<1x48xf32> to vector<10240x48xf32>
    %mul3A_17 = arith.mulf %mul3A, %mul3A_16 : vector<10240x48xf32>
    %add3A_18 = arith.addf %dot_general3A_12, %mul3A_17 : vector<10240x48xf32>
    %get3A_19 = arith.constant 0 : index
    %get3A_20 = arith.constant 0 : index
    %get3A_21 = vector.load %arg5[%get3A_19, %get3A_20] : memref<1x48xf32, #tpu.memory_space<vmem>>, vector<1x48xf32>
    %add3A_22 = vector.broadcast %get3A_21 : vector<1x48xf32> to vector<10240x48xf32>
    %add3A_23 = arith.addf %add3A_18, %add3A_22 : vector<10240x48xf32>
    %get3A_24 = arith.constant 0 : index
    %get3A_25 = arith.constant 0 : index
    %get3A_26 = vector.load %arg6[%get3A_24, %get3A_25] : memref<48x48xf32, #tpu.memory_space<vmem>>, vector<48x48xf32>
    %dot_general3A_27 = arith.constant dense<0.000000e+00> : vector<10240x48xf32>
    %dot_general3A_28 = tpu.matmul %add3A_23, %get3A_26, %dot_general3A_27 {dimension_numbers = #tpu.dot_dimension_numbers<[1], [0], [0], [1], [0, 0, 1, 1], [], []>, transpose_lhs_hint = false} : vector<10240x48xf32>, vector<48x48xf32>, vector<10240x48xf32> -> vector<10240x48xf32>
    %get3A_29 = arith.constant 0 : index
    %get3A_30 = arith.constant 0 : index
    %get3A_31 = vector.load %arg7[%get3A_29, %get3A_30] : memref<1x48xf32, #tpu.memory_space<vmem>>, vector<1x48xf32>
    %add3A_32 = vector.broadcast %get3A_31 : vector<1x48xf32> to vector<10240x48xf32>
    %add3A_33 = arith.addf %dot_general3A_28, %add3A_32 : vector<10240x48xf32>
    %max3A = arith.constant 0.000000e+00 : f32
    %max3A_34 = vector.broadcast %max3A : f32 to vector<10240x48xf32>
    %max3A_35 = arith.maximumf %add3A_33, %max3A_34 : vector<10240x48xf32>
    %get3A_36 = arith.constant 0 : index
    %get3A_37 = arith.constant 0 : index
    %get3A_38 = vector.load %arg8[%get3A_36, %get3A_37] : memref<48x48xf32, #tpu.memory_space<vmem>>, vector<48x48xf32>
    %dot_general3A_39 = arith.constant dense<0.000000e+00> : vector<10240x48xf32>
    %dot_general3A_40 = tpu.matmul %max3A_35, %get3A_38, %dot_general3A_39 {dimension_numbers = #tpu.dot_dimension_numbers<[1], [0], [0], [1], [0, 0, 1, 1], [], []>, transpose_lhs_hint = false} : vector<10240x48xf32>, vector<48x48xf32>, vector<10240x48xf32> -> vector<10240x48xf32>
    %get3A_41 = arith.constant 0 : index
    %get3A_42 = arith.constant 0 : index
    %get3A_43 = vector.load %arg9[%get3A_41, %get3A_42] : memref<1x48xf32, #tpu.memory_space<vmem>>, vector<1x48xf32>
    %add3A_44 = vector.broadcast %get3A_43 : vector<1x48xf32> to vector<10240x48xf32>
    %add3A_45 = arith.addf %dot_general3A_40, %add3A_44 : vector<10240x48xf32>
    %max3A_46 = arith.constant 0.000000e+00 : f32
    %max3A_47 = vector.broadcast %max3A_46 : f32 to vector<10240x48xf32>
    %max3A_48 = arith.maximumf %add3A_45, %max3A_47 : vector<10240x48xf32>
    %swap3A = arith.constant 0 : index
    %swap3A_49 = arith.constant 0 : index
    %swap3A_50 = vector.load %arg10[%swap3A, %swap3A_49] : memref<10240x48xf32, #tpu.memory_space<vmem>>, vector<10240x48xf32>
    tpu.vector_store %arg10[%swap3A, %swap3A_49], %max3A_48 {strides = array<i32>} : memref<10240x48xf32, #tpu.memory_space<vmem>>, vector<10240x48xf32>,
    return
  }
  func.func @transform_0(%arg0: i32) -> (i32, i32, i32) {
    %c0_i32 = arith.constant 0 : i32
    %c0_i32_0 = arith.constant 0 : i32
    %c0_i32_1 = arith.constant 0 : i32
    %c0_i32_2 = arith.constant 0 : i32
    return %c0_i32, %c0_i32_0, %c0_i32_1 : i32, i32, i32
  }
  func.func @transform_1(%arg0: i32) -> (i32, i32, i32) {
    %c1_i32 = arith.constant 1 : i32
    %c0_i32 = arith.constant 0 : i32
    %c0_i32_0 = arith.constant 0 : i32
    %c0_i32_1 = arith.constant 0 : i32
    return %c1_i32, %c0_i32, %c0_i32_0 : i32, i32, i32
  }
  func.func @transform_2(%arg0: i32) -> (i32, i32) {
    %c0_i32 = arith.constant 0 : i32
    %c0_i32_0 = arith.constant 0 : i32
    %c0_i32_1 = arith.constant 0 : i32
    return %c0_i32, %c0_i32_0 : i32, i32
  }
  func.func @transform_3(%arg0: i32) -> (i32, i32) {
    %c0_i32 = arith.constant 0 : i32
    %c0_i32_0 = arith.constant 0 : i32
    %c0_i32_1 = arith.constant 0 : i32
    return %c0_i32, %c0_i32_0 : i32, i32
  }
  func.func @transform_4(%arg0: i32) -> (i32, i32) {
    %c0_i32 = arith.constant 0 : i32
    %c0_i32_0 = arith.constant 0 : i32
    %c0_i32_1 = arith.constant 0 : i32
    return %c0_i32, %c0_i32_0 : i32, i32
  }
  func.func @transform_5(%arg0: i32) -> (i32, i32) {
    %c0_i32 = arith.constant 0 : i32
    %c0_i32_0 = arith.constant 0 : i32
    %c0_i32_1 = arith.constant 0 : i32
    return %c0_i32, %c0_i32_0 : i32, i32
  }
  func.func @transform_6(%arg0: i32) -> (i32, i32) {
    %c0_i32 = arith.constant 0 : i32
    %c0_i32_0 = arith.constant 0 : i32
    %c0_i32_1 = arith.constant 0 : i32
    return %c0_i32, %c0_i32_0 : i32, i32
  }
  func.func @transform_7(%arg0: i32) -> (i32, i32) {
    %c0_i32 = arith.constant 0 : i32
    %c0_i32_0 = arith.constant 0 : i32
    %c0_i32_1 = arith.constant 0 : i32
    return %c0_i32, %c0_i32_0 : i32, i32
  }
  func.func @transform_8(%arg0: i32) -> (i32, i32) {
    %c0_i32 = arith.constant 0 : i32
    %c0_i32_0 = arith.constant 0 : i32
    %c0_i32_1 = arith.constant 0 : i32
    return %c0_i32, %c0_i32_0 : i32, i32
  }
  func.func @transform_9(%arg0: i32) -> (i32, i32) {
    %c0_i32 = arith.constant 0 : i32
    %c0_i32_0 = arith.constant 0 : i32
    %c0_i32_1 = arith.constant 0 : i32
    return %c0_i32, %c0_i32_0 : i32, i32
  }
}

module attributes {stable_mosaic.version = 14 : i64} {
  func.func @_knnagg_kernel(%arg0: i32, %arg1: memref<20x1024x48xf32, #tpu.memory_space<vmem>>, %arg2: memref<1024x48xf32, #tpu.memory_space<vmem>>, %arg3: memref<1x48xf32, #tpu.memory_space<vmem>>, %arg4: memref<48x48xf32, #tpu.memory_space<vmem>>, %arg5: memref<1x48xf32, #tpu.memory_space<vmem>>, %arg6: memref<48x48xf32, #tpu.memory_space<vmem>>, %arg7: memref<1x48xf32, #tpu.memory_space<vmem>>, %arg8: memref<48x48xf32, #tpu.memory_space<vmem>>, %arg9: memref<1x48xf32, #tpu.memory_space<vmem>>, %arg10: memref<1024x48xf32, #tpu.memory_space<vmem>>) attributes {dimension_semantics = [#tpu.dimension_semantics<arbitrary>], iteration_bounds = array<i64: 10>, scalar_prefetch = 0 : i64, scratch_operands = 0 : i64, tpu.core_type = #tpu.core_type<tc>, window_params = [{transform_indices = @transform_0, window_bounds = array<i64: 20, 1024, 48>}, {transform_indices = @transform_1, window_bounds = array<i64: 1024, 48>}, {pipeline_mode = #tpu.pipeline_mode<synchronous>, transform_indices = @transform_2, window_bounds = array<i64: 1, 48>}, {pipeline_mode = #tpu.pipeline_mode<synchronous>, transform_indices = @transform_3, window_bounds = array<i64: 48, 48>}, {pipeline_mode = #tpu.pipeline_mode<synchronous>, transform_indices = @transform_4, window_bounds = array<i64: 1, 48>}, {pipeline_mode = #tpu.pipeline_mode<synchronous>, transform_indices = @transform_5, window_bounds = array<i64: 48, 48>}, {pipeline_mode = #tpu.pipeline_mode<synchronous>, transform_indices = @transform_6, window_bounds = array<i64: 1, 48>}, {pipeline_mode = #tpu.pipeline_mode<synchronous>, transform_indices = @transform_7, window_bounds = array<i64: 48, 48>}, {pipeline_mode = #tpu.pipeline_mode<synchronous>, transform_indices = @transform_8, window_bounds = array<i64: 1, 48>}, {transform_indices = @transform_9, window_bounds = array<i64: 1024, 48>}]} {
    %get3A = arith.constant 0 : index
    %get3A_0 = arith.constant 0 : index
    %get3A_1 = vector.load %arg2[%get3A, %get3A_0] : memref<1024x48xf32, #tpu.memory_space<vmem>>, vector<1024x48xf32>
    %get3A_2 = arith.constant 0 : index
    %get3A_3 = arith.constant 0 : index
    %get3A_4 = vector.load %arg3[%get3A_2, %get3A_3] : memref<1x48xf32, #tpu.memory_space<vmem>>, vector<1x48xf32>
    %get3A_5 = arith.constant 0 : index
    %get3A_6 = arith.constant 0 : index
    %get3A_7 = arith.constant 0 : index
    %get3A_8 = vector.load %arg1[%get3A_5, %get3A_6, %get3A_7] : memref<20x1024x48xf32, #tpu.memory_space<vmem>>, vector<1x1024x48xf32>
    %get3A_9 = vector.shape_cast %get3A_8 : vector<1x1024x48xf32> to vector<1024x48xf32>
    %sub3A = arith.subf %get3A_9, %get3A_1 : vector<1024x48xf32>
    %add3A = vector.broadcast %get3A_4 : vector<1x48xf32> to vector<1024x48xf32>
    %add3A_10 = arith.addf %sub3A, %add3A : vector<1024x48xf32>
    %max3A = arith.constant 0.000000e+00 : f32
    %max3A_11 = vector.broadcast %max3A : f32 to vector<1024x48xf32>
    %max3A_12 = arith.maximumf %add3A_10, %max3A_11 : vector<1024x48xf32>
    %get3A_13 = arith.constant 1 : index
    %get3A_14 = arith.constant 0 : index
    %get3A_15 = arith.constant 0 : index
    %get3A_16 = vector.load %arg1[%get3A_13, %get3A_14, %get3A_15] : memref<20x1024x48xf32, #tpu.memory_space<vmem>>, vector<1x1024x48xf32>
    %get3A_17 = vector.shape_cast %get3A_16 : vector<1x1024x48xf32> to vector<1024x48xf32>
    %sub3A_18 = arith.subf %get3A_17, %get3A_1 : vector<1024x48xf32>
    %add3A_19 = vector.broadcast %get3A_4 : vector<1x48xf32> to vector<1024x48xf32>
    %add3A_20 = arith.addf %sub3A_18, %add3A_19 : vector<1024x48xf32>
    %max3A_21 = arith.constant 0.000000e+00 : f32
    %max3A_22 = vector.broadcast %max3A_21 : f32 to vector<1024x48xf32>
    %max3A_23 = arith.maximumf %add3A_20, %max3A_22 : vector<1024x48xf32>
    %add3A_24 = arith.addf %max3A_12, %max3A_23 : vector<1024x48xf32>
    %get3A_25 = arith.constant 2 : index
    %get3A_26 = arith.constant 0 : index
    %get3A_27 = arith.constant 0 : index
    %get3A_28 = vector.load %arg1[%get3A_25, %get3A_26, %get3A_27] : memref<20x1024x48xf32, #tpu.memory_space<vmem>>, vector<1x1024x48xf32>
    %get3A_29 = vector.shape_cast %get3A_28 : vector<1x1024x48xf32> to vector<1024x48xf32>
    %sub3A_30 = arith.subf %get3A_29, %get3A_1 : vector<1024x48xf32>
    %add3A_31 = vector.broadcast %get3A_4 : vector<1x48xf32> to vector<1024x48xf32>
    %add3A_32 = arith.addf %sub3A_30, %add3A_31 : vector<1024x48xf32>
    %max3A_33 = arith.constant 0.000000e+00 : f32
    %max3A_34 = vector.broadcast %max3A_33 : f32 to vector<1024x48xf32>
    %max3A_35 = arith.maximumf %add3A_32, %max3A_34 : vector<1024x48xf32>
    %add3A_36 = arith.addf %add3A_24, %max3A_35 : vector<1024x48xf32>
    %get3A_37 = arith.constant 3 : index
    %get3A_38 = arith.constant 0 : index
    %get3A_39 = arith.constant 0 : index
    %get3A_40 = vector.load %arg1[%get3A_37, %get3A_38, %get3A_39] : memref<20x1024x48xf32, #tpu.memory_space<vmem>>, vector<1x1024x48xf32>
    %get3A_41 = vector.shape_cast %get3A_40 : vector<1x1024x48xf32> to vector<1024x48xf32>
    %sub3A_42 = arith.subf %get3A_41, %get3A_1 : vector<1024x48xf32>
    %add3A_43 = vector.broadcast %get3A_4 : vector<1x48xf32> to vector<1024x48xf32>
    %add3A_44 = arith.addf %sub3A_42, %add3A_43 : vector<1024x48xf32>
    %max3A_45 = arith.constant 0.000000e+00 : f32
    %max3A_46 = vector.broadcast %max3A_45 : f32 to vector<1024x48xf32>
    %max3A_47 = arith.maximumf %add3A_44, %max3A_46 : vector<1024x48xf32>
    %add3A_48 = arith.addf %add3A_36, %max3A_47 : vector<1024x48xf32>
    %get3A_49 = arith.constant 4 : index
    %get3A_50 = arith.constant 0 : index
    %get3A_51 = arith.constant 0 : index
    %get3A_52 = vector.load %arg1[%get3A_49, %get3A_50, %get3A_51] : memref<20x1024x48xf32, #tpu.memory_space<vmem>>, vector<1x1024x48xf32>
    %get3A_53 = vector.shape_cast %get3A_52 : vector<1x1024x48xf32> to vector<1024x48xf32>
    %sub3A_54 = arith.subf %get3A_53, %get3A_1 : vector<1024x48xf32>
    %add3A_55 = vector.broadcast %get3A_4 : vector<1x48xf32> to vector<1024x48xf32>
    %add3A_56 = arith.addf %sub3A_54, %add3A_55 : vector<1024x48xf32>
    %max3A_57 = arith.constant 0.000000e+00 : f32
    %max3A_58 = vector.broadcast %max3A_57 : f32 to vector<1024x48xf32>
    %max3A_59 = arith.maximumf %add3A_56, %max3A_58 : vector<1024x48xf32>
    %add3A_60 = arith.addf %add3A_48, %max3A_59 : vector<1024x48xf32>
    %get3A_61 = arith.constant 5 : index
    %get3A_62 = arith.constant 0 : index
    %get3A_63 = arith.constant 0 : index
    %get3A_64 = vector.load %arg1[%get3A_61, %get3A_62, %get3A_63] : memref<20x1024x48xf32, #tpu.memory_space<vmem>>, vector<1x1024x48xf32>
    %get3A_65 = vector.shape_cast %get3A_64 : vector<1x1024x48xf32> to vector<1024x48xf32>
    %sub3A_66 = arith.subf %get3A_65, %get3A_1 : vector<1024x48xf32>
    %add3A_67 = vector.broadcast %get3A_4 : vector<1x48xf32> to vector<1024x48xf32>
    %add3A_68 = arith.addf %sub3A_66, %add3A_67 : vector<1024x48xf32>
    %max3A_69 = arith.constant 0.000000e+00 : f32
    %max3A_70 = vector.broadcast %max3A_69 : f32 to vector<1024x48xf32>
    %max3A_71 = arith.maximumf %add3A_68, %max3A_70 : vector<1024x48xf32>
    %add3A_72 = arith.addf %add3A_60, %max3A_71 : vector<1024x48xf32>
    %get3A_73 = arith.constant 6 : index
    %get3A_74 = arith.constant 0 : index
    %get3A_75 = arith.constant 0 : index
    %get3A_76 = vector.load %arg1[%get3A_73, %get3A_74, %get3A_75] : memref<20x1024x48xf32, #tpu.memory_space<vmem>>, vector<1x1024x48xf32>
    %get3A_77 = vector.shape_cast %get3A_76 : vector<1x1024x48xf32> to vector<1024x48xf32>
    %sub3A_78 = arith.subf %get3A_77, %get3A_1 : vector<1024x48xf32>
    %add3A_79 = vector.broadcast %get3A_4 : vector<1x48xf32> to vector<1024x48xf32>
    %add3A_80 = arith.addf %sub3A_78, %add3A_79 : vector<1024x48xf32>
    %max3A_81 = arith.constant 0.000000e+00 : f32
    %max3A_82 = vector.broadcast %max3A_81 : f32 to vector<1024x48xf32>
    %max3A_83 = arith.maximumf %add3A_80, %max3A_82 : vector<1024x48xf32>
    %add3A_84 = arith.addf %add3A_72, %max3A_83 : vector<1024x48xf32>
    %get3A_85 = arith.constant 7 : index
    %get3A_86 = arith.constant 0 : index
    %get3A_87 = arith.constant 0 : index
    %get3A_88 = vector.load %arg1[%get3A_85, %get3A_86, %get3A_87] : memref<20x1024x48xf32, #tpu.memory_space<vmem>>, vector<1x1024x48xf32>
    %get3A_89 = vector.shape_cast %get3A_88 : vector<1x1024x48xf32> to vector<1024x48xf32>
    %sub3A_90 = arith.subf %get3A_89, %get3A_1 : vector<1024x48xf32>
    %add3A_91 = vector.broadcast %get3A_4 : vector<1x48xf32> to vector<1024x48xf32>
    %add3A_92 = arith.addf %sub3A_90, %add3A_91 : vector<1024x48xf32>
    %max3A_93 = arith.constant 0.000000e+00 : f32
    %max3A_94 = vector.broadcast %max3A_93 : f32 to vector<1024x48xf32>
    %max3A_95 = arith.maximumf %add3A_92, %max3A_94 : vector<1024x48xf32>
    %add3A_96 = arith.addf %add3A_84, %max3A_95 : vector<1024x48xf32>
    %get3A_97 = arith.constant 8 : index
    %get3A_98 = arith.constant 0 : index
    %get3A_99 = arith.constant 0 : index
    %get3A_100 = vector.load %arg1[%get3A_97, %get3A_98, %get3A_99] : memref<20x1024x48xf32, #tpu.memory_space<vmem>>, vector<1x1024x48xf32>
    %get3A_101 = vector.shape_cast %get3A_100 : vector<1x1024x48xf32> to vector<1024x48xf32>
    %sub3A_102 = arith.subf %get3A_101, %get3A_1 : vector<1024x48xf32>
    %add3A_103 = vector.broadcast %get3A_4 : vector<1x48xf32> to vector<1024x48xf32>
    %add3A_104 = arith.addf %sub3A_102, %add3A_103 : vector<1024x48xf32>
    %max3A_105 = arith.constant 0.000000e+00 : f32
    %max3A_106 = vector.broadcast %max3A_105 : f32 to vector<1024x48xf32>
    %max3A_107 = arith.maximumf %add3A_104, %max3A_106 : vector<1024x48xf32>
    %add3A_108 = arith.addf %add3A_96, %max3A_107 : vector<1024x48xf32>
    %get3A_109 = arith.constant 9 : index
    %get3A_110 = arith.constant 0 : index
    %get3A_111 = arith.constant 0 : index
    %get3A_112 = vector.load %arg1[%get3A_109, %get3A_110, %get3A_111] : memref<20x1024x48xf32, #tpu.memory_space<vmem>>, vector<1x1024x48xf32>
    %get3A_113 = vector.shape_cast %get3A_112 : vector<1x1024x48xf32> to vector<1024x48xf32>
    %sub3A_114 = arith.subf %get3A_113, %get3A_1 : vector<1024x48xf32>
    %add3A_115 = vector.broadcast %get3A_4 : vector<1x48xf32> to vector<1024x48xf32>
    %add3A_116 = arith.addf %sub3A_114, %add3A_115 : vector<1024x48xf32>
    %max3A_117 = arith.constant 0.000000e+00 : f32
    %max3A_118 = vector.broadcast %max3A_117 : f32 to vector<1024x48xf32>
    %max3A_119 = arith.maximumf %add3A_116, %max3A_118 : vector<1024x48xf32>
    %add3A_120 = arith.addf %add3A_108, %max3A_119 : vector<1024x48xf32>
    %get3A_121 = arith.constant 10 : index
    %get3A_122 = arith.constant 0 : index
    %get3A_123 = arith.constant 0 : index
    %get3A_124 = vector.load %arg1[%get3A_121, %get3A_122, %get3A_123] : memref<20x1024x48xf32, #tpu.memory_space<vmem>>, vector<1x1024x48xf32>
    %get3A_125 = vector.shape_cast %get3A_124 : vector<1x1024x48xf32> to vector<1024x48xf32>
    %sub3A_126 = arith.subf %get3A_125, %get3A_1 : vector<1024x48xf32>
    %add3A_127 = vector.broadcast %get3A_4 : vector<1x48xf32> to vector<1024x48xf32>
    %add3A_128 = arith.addf %sub3A_126, %add3A_127 : vector<1024x48xf32>
    %max3A_129 = arith.constant 0.000000e+00 : f32
    %max3A_130 = vector.broadcast %max3A_129 : f32 to vector<1024x48xf32>
    %max3A_131 = arith.maximumf %add3A_128, %max3A_130 : vector<1024x48xf32>
    %add3A_132 = arith.addf %add3A_120, %max3A_131 : vector<1024x48xf32>
    %get3A_133 = arith.constant 11 : index
    %get3A_134 = arith.constant 0 : index
    %get3A_135 = arith.constant 0 : index
    %get3A_136 = vector.load %arg1[%get3A_133, %get3A_134, %get3A_135] : memref<20x1024x48xf32, #tpu.memory_space<vmem>>, vector<1x1024x48xf32>
    %get3A_137 = vector.shape_cast %get3A_136 : vector<1x1024x48xf32> to vector<1024x48xf32>
    %sub3A_138 = arith.subf %get3A_137, %get3A_1 : vector<1024x48xf32>
    %add3A_139 = vector.broadcast %get3A_4 : vector<1x48xf32> to vector<1024x48xf32>
    %add3A_140 = arith.addf %sub3A_138, %add3A_139 : vector<1024x48xf32>
    %max3A_141 = arith.constant 0.000000e+00 : f32
    %max3A_142 = vector.broadcast %max3A_141 : f32 to vector<1024x48xf32>
    %max3A_143 = arith.maximumf %add3A_140, %max3A_142 : vector<1024x48xf32>
    %add3A_144 = arith.addf %add3A_132, %max3A_143 : vector<1024x48xf32>
    %get3A_145 = arith.constant 12 : index
    %get3A_146 = arith.constant 0 : index
    %get3A_147 = arith.constant 0 : index
    %get3A_148 = vector.load %arg1[%get3A_145, %get3A_146, %get3A_147] : memref<20x1024x48xf32, #tpu.memory_space<vmem>>, vector<1x1024x48xf32>
    %get3A_149 = vector.shape_cast %get3A_148 : vector<1x1024x48xf32> to vector<1024x48xf32>
    %sub3A_150 = arith.subf %get3A_149, %get3A_1 : vector<1024x48xf32>
    %add3A_151 = vector.broadcast %get3A_4 : vector<1x48xf32> to vector<1024x48xf32>
    %add3A_152 = arith.addf %sub3A_150, %add3A_151 : vector<1024x48xf32>
    %max3A_153 = arith.constant 0.000000e+00 : f32
    %max3A_154 = vector.broadcast %max3A_153 : f32 to vector<1024x48xf32>
    %max3A_155 = arith.maximumf %add3A_152, %max3A_154 : vector<1024x48xf32>
    %add3A_156 = arith.addf %add3A_144, %max3A_155 : vector<1024x48xf32>
    %get3A_157 = arith.constant 13 : index
    %get3A_158 = arith.constant 0 : index
    %get3A_159 = arith.constant 0 : index
    %get3A_160 = vector.load %arg1[%get3A_157, %get3A_158, %get3A_159] : memref<20x1024x48xf32, #tpu.memory_space<vmem>>, vector<1x1024x48xf32>
    %get3A_161 = vector.shape_cast %get3A_160 : vector<1x1024x48xf32> to vector<1024x48xf32>
    %sub3A_162 = arith.subf %get3A_161, %get3A_1 : vector<1024x48xf32>
    %add3A_163 = vector.broadcast %get3A_4 : vector<1x48xf32> to vector<1024x48xf32>
    %add3A_164 = arith.addf %sub3A_162, %add3A_163 : vector<1024x48xf32>
    %max3A_165 = arith.constant 0.000000e+00 : f32
    %max3A_166 = vector.broadcast %max3A_165 : f32 to vector<1024x48xf32>
    %max3A_167 = arith.maximumf %add3A_164, %max3A_166 : vector<1024x48xf32>
    %add3A_168 = arith.addf %add3A_156, %max3A_167 : vector<1024x48xf32>
    %get3A_169 = arith.constant 14 : index
    %get3A_170 = arith.constant 0 : index
    %get3A_171 = arith.constant 0 : index
    %get3A_172 = vector.load %arg1[%get3A_169, %get3A_170, %get3A_171] : memref<20x1024x48xf32, #tpu.memory_space<vmem>>, vector<1x1024x48xf32>
    %get3A_173 = vector.shape_cast %get3A_172 : vector<1x1024x48xf32> to vector<1024x48xf32>
    %sub3A_174 = arith.subf %get3A_173, %get3A_1 : vector<1024x48xf32>
    %add3A_175 = vector.broadcast %get3A_4 : vector<1x48xf32> to vector<1024x48xf32>
    %add3A_176 = arith.addf %sub3A_174, %add3A_175 : vector<1024x48xf32>
    %max3A_177 = arith.constant 0.000000e+00 : f32
    %max3A_178 = vector.broadcast %max3A_177 : f32 to vector<1024x48xf32>
    %max3A_179 = arith.maximumf %add3A_176, %max3A_178 : vector<1024x48xf32>
    %add3A_180 = arith.addf %add3A_168, %max3A_179 : vector<1024x48xf32>
    %get3A_181 = arith.constant 15 : index
    %get3A_182 = arith.constant 0 : index
    %get3A_183 = arith.constant 0 : index
    %get3A_184 = vector.load %arg1[%get3A_181, %get3A_182, %get3A_183] : memref<20x1024x48xf32, #tpu.memory_space<vmem>>, vector<1x1024x48xf32>
    %get3A_185 = vector.shape_cast %get3A_184 : vector<1x1024x48xf32> to vector<1024x48xf32>
    %sub3A_186 = arith.subf %get3A_185, %get3A_1 : vector<1024x48xf32>
    %add3A_187 = vector.broadcast %get3A_4 : vector<1x48xf32> to vector<1024x48xf32>
    %add3A_188 = arith.addf %sub3A_186, %add3A_187 : vector<1024x48xf32>
    %max3A_189 = arith.constant 0.000000e+00 : f32
    %max3A_190 = vector.broadcast %max3A_189 : f32 to vector<1024x48xf32>
    %max3A_191 = arith.maximumf %add3A_188, %max3A_190 : vector<1024x48xf32>
    %add3A_192 = arith.addf %add3A_180, %max3A_191 : vector<1024x48xf32>
    %get3A_193 = arith.constant 16 : index
    %get3A_194 = arith.constant 0 : index
    %get3A_195 = arith.constant 0 : index
    %get3A_196 = vector.load %arg1[%get3A_193, %get3A_194, %get3A_195] : memref<20x1024x48xf32, #tpu.memory_space<vmem>>, vector<1x1024x48xf32>
    %get3A_197 = vector.shape_cast %get3A_196 : vector<1x1024x48xf32> to vector<1024x48xf32>
    %sub3A_198 = arith.subf %get3A_197, %get3A_1 : vector<1024x48xf32>
    %add3A_199 = vector.broadcast %get3A_4 : vector<1x48xf32> to vector<1024x48xf32>
    %add3A_200 = arith.addf %sub3A_198, %add3A_199 : vector<1024x48xf32>
    %max3A_201 = arith.constant 0.000000e+00 : f32
    %max3A_202 = vector.broadcast %max3A_201 : f32 to vector<1024x48xf32>
    %max3A_203 = arith.maximumf %add3A_200, %max3A_202 : vector<1024x48xf32>
    %add3A_204 = arith.addf %add3A_192, %max3A_203 : vector<1024x48xf32>
    %get3A_205 = arith.constant 17 : index
    %get3A_206 = arith.constant 0 : index
    %get3A_207 = arith.constant 0 : index
    %get3A_208 = vector.load %arg1[%get3A_205, %get3A_206, %get3A_207] : memref<20x1024x48xf32, #tpu.memory_space<vmem>>, vector<1x1024x48xf32>
    %get3A_209 = vector.shape_cast %get3A_208 : vector<1x1024x48xf32> to vector<1024x48xf32>
    %sub3A_210 = arith.subf %get3A_209, %get3A_1 : vector<1024x48xf32>
    %add3A_211 = vector.broadcast %get3A_4 : vector<1x48xf32> to vector<1024x48xf32>
    %add3A_212 = arith.addf %sub3A_210, %add3A_211 : vector<1024x48xf32>
    %max3A_213 = arith.constant 0.000000e+00 : f32
    %max3A_214 = vector.broadcast %max3A_213 : f32 to vector<1024x48xf32>
    %max3A_215 = arith.maximumf %add3A_212, %max3A_214 : vector<1024x48xf32>
    %add3A_216 = arith.addf %add3A_204, %max3A_215 : vector<1024x48xf32>
    %get3A_217 = arith.constant 18 : index
    %get3A_218 = arith.constant 0 : index
    %get3A_219 = arith.constant 0 : index
    %get3A_220 = vector.load %arg1[%get3A_217, %get3A_218, %get3A_219] : memref<20x1024x48xf32, #tpu.memory_space<vmem>>, vector<1x1024x48xf32>
    %get3A_221 = vector.shape_cast %get3A_220 : vector<1x1024x48xf32> to vector<1024x48xf32>
    %sub3A_222 = arith.subf %get3A_221, %get3A_1 : vector<1024x48xf32>
    %add3A_223 = vector.broadcast %get3A_4 : vector<1x48xf32> to vector<1024x48xf32>
    %add3A_224 = arith.addf %sub3A_222, %add3A_223 : vector<1024x48xf32>
    %max3A_225 = arith.constant 0.000000e+00 : f32
    %max3A_226 = vector.broadcast %max3A_225 : f32 to vector<1024x48xf32>
    %max3A_227 = arith.maximumf %add3A_224, %max3A_226 : vector<1024x48xf32>
    %add3A_228 = arith.addf %add3A_216, %max3A_227 : vector<1024x48xf32>
    %get3A_229 = arith.constant 19 : index
    %get3A_230 = arith.constant 0 : index
    %get3A_231 = arith.constant 0 : index
    %get3A_232 = vector.load %arg1[%get3A_229, %get3A_230, %get3A_231] : memref<20x1024x48xf32, #tpu.memory_space<vmem>>, vector<1x1024x48xf32>
    %get3A_233 = vector.shape_cast %get3A_232 : vector<1x1024x48xf32> to vector<1024x48xf32>
    %sub3A_234 = arith.subf %get3A_233, %get3A_1 : vector<1024x48xf32>
    %add3A_235 = vector.broadcast %get3A_4 : vector<1x48xf32> to vector<1024x48xf32>
    %add3A_236 = arith.addf %sub3A_234, %add3A_235 : vector<1024x48xf32>
    %max3A_237 = arith.constant 0.000000e+00 : f32
    %max3A_238 = vector.broadcast %max3A_237 : f32 to vector<1024x48xf32>
    %max3A_239 = arith.maximumf %add3A_236, %max3A_238 : vector<1024x48xf32>
    %add3A_240 = arith.addf %add3A_228, %max3A_239 : vector<1024x48xf32>
    %get3A_241 = arith.constant 0 : index
    %get3A_242 = arith.constant 0 : index
    %get3A_243 = vector.load %arg4[%get3A_241, %get3A_242] : memref<48x48xf32, #tpu.memory_space<vmem>>, vector<48x48xf32>
    %dot_general3A = arith.constant dense<0.000000e+00> : vector<1024x48xf32>
    %dot_general3A_244 = tpu.matmul %add3A_240, %get3A_243, %dot_general3A {dimension_numbers = #tpu.dot_dimension_numbers<[1], [0], [0], [1], [0, 0, 1, 1], [], []>, transpose_lhs_hint = false} : vector<1024x48xf32>, vector<48x48xf32>, vector<1024x48xf32> -> vector<1024x48xf32>
    %get3A_245 = arith.constant 0 : index
    %get3A_246 = arith.constant 0 : index
    %get3A_247 = vector.load %arg5[%get3A_245, %get3A_246] : memref<1x48xf32, #tpu.memory_space<vmem>>, vector<1x48xf32>
    %add3A_248 = vector.broadcast %get3A_247 : vector<1x48xf32> to vector<1024x48xf32>
    %add3A_249 = arith.addf %dot_general3A_244, %add3A_248 : vector<1024x48xf32>
    %get3A_250 = arith.constant 0 : index
    %get3A_251 = arith.constant 0 : index
    %get3A_252 = vector.load %arg6[%get3A_250, %get3A_251] : memref<48x48xf32, #tpu.memory_space<vmem>>, vector<48x48xf32>
    %dot_general3A_253 = arith.constant dense<0.000000e+00> : vector<1024x48xf32>
    %dot_general3A_254 = tpu.matmul %add3A_249, %get3A_252, %dot_general3A_253 {dimension_numbers = #tpu.dot_dimension_numbers<[1], [0], [0], [1], [0, 0, 1, 1], [], []>, transpose_lhs_hint = false} : vector<1024x48xf32>, vector<48x48xf32>, vector<1024x48xf32> -> vector<1024x48xf32>
    %get3A_255 = arith.constant 0 : index
    %get3A_256 = arith.constant 0 : index
    %get3A_257 = vector.load %arg7[%get3A_255, %get3A_256] : memref<1x48xf32, #tpu.memory_space<vmem>>, vector<1x48xf32>
    %add3A_258 = vector.broadcast %get3A_257 : vector<1x48xf32> to vector<1024x48xf32>
    %add3A_259 = arith.addf %dot_general3A_254, %add3A_258 : vector<1024x48xf32>
    %max3A_260 = arith.constant 0.000000e+00 : f32
    %max3A_261 = vector.broadcast %max3A_260 : f32 to vector<1024x48xf32>
    %max3A_262 = arith.maximumf %add3A_259, %max3A_261 : vector<1024x48xf32>
    %get3A_263 = arith.constant 0 : index
    %get3A_264 = arith.constant 0 : index
    %get3A_265 = vector.load %arg8[%get3A_263, %get3A_264] : memref<48x48xf32, #tpu.memory_space<vmem>>, vector<48x48xf32>
    %dot_general3A_266 = arith.constant dense<0.000000e+00> : vector<1024x48xf32>
    %dot_general3A_267 = tpu.matmul %max3A_262, %get3A_265, %dot_general3A_266 {dimension_numbers = #tpu.dot_dimension_numbers<[1], [0], [0], [1], [0, 0, 1, 1], [], []>, transpose_lhs_hint = false} : vector<1024x48xf32>, vector<48x48xf32>, vector<1024x48xf32> -> vector<1024x48xf32>
    %get3A_268 = arith.constant 0 : index
    %get3A_269 = arith.constant 0 : index
    %get3A_270 = vector.load %arg9[%get3A_268, %get3A_269] : memref<1x48xf32, #tpu.memory_space<vmem>>, vector<1x48xf32>
    %add3A_271 = vector.broadcast %get3A_270 : vector<1x48xf32> to vector<1024x48xf32>
    %add3A_272 = arith.addf %dot_general3A_267, %add3A_271 : vector<1024x48xf32>
    %max3A_273 = arith.constant 0.000000e+00 : f32
    %max3A_274 = vector.broadcast %max3A_273 : f32 to vector<1024x48xf32>
    %max3A_275 = arith.maximumf %add3A_272, %max3A_274 : vector<1024x48xf32>
    %swap3A = arith.constant 0 : index
    %swap3A_276 = arith.constant 0 : index
    %swap3A_277 = vector.load %arg10[%swap3A, %swap3A_276] : memref<1024x48xf32, #tpu.memory_space<vmem>>, vector<1024x48xf32>
    tpu.vector_store %arg10[%swap3A, %swap3A_276], %max3A_275 {strides = array<i32>} : memref<1024x48xf32, #tpu.memory_space<vmem>>, vector<1024x48xf32>,
    return
  }
  func.func @transform_0(%arg0: i32) -> (i32, i32, i32) {
    %c0_i32 = arith.constant 0 : i32
    %c0_i32_0 = arith.constant 0 : i32
    %c0_i32_1 = arith.constant 0 : i32
    return %c0_i32, %arg0, %c0_i32_0 : i32, i32, i32
  }
  func.func @transform_1(%arg0: i32) -> (i32, i32) {
    %c0_i32 = arith.constant 0 : i32
    %c0_i32_0 = arith.constant 0 : i32
    return %arg0, %c0_i32 : i32, i32
  }
  func.func @transform_2(%arg0: i32) -> (i32, i32) {
    %c0_i32 = arith.constant 0 : i32
    %c0_i32_0 = arith.constant 0 : i32
    %c0_i32_1 = arith.constant 0 : i32
    return %c0_i32, %c0_i32_0 : i32, i32
  }
  func.func @transform_3(%arg0: i32) -> (i32, i32) {
    %c0_i32 = arith.constant 0 : i32
    %c0_i32_0 = arith.constant 0 : i32
    %c0_i32_1 = arith.constant 0 : i32
    return %c0_i32, %c0_i32_0 : i32, i32
  }
  func.func @transform_4(%arg0: i32) -> (i32, i32) {
    %c0_i32 = arith.constant 0 : i32
    %c0_i32_0 = arith.constant 0 : i32
    %c0_i32_1 = arith.constant 0 : i32
    return %c0_i32, %c0_i32_0 : i32, i32
  }
  func.func @transform_5(%arg0: i32) -> (i32, i32) {
    %c0_i32 = arith.constant 0 : i32
    %c0_i32_0 = arith.constant 0 : i32
    %c0_i32_1 = arith.constant 0 : i32
    return %c0_i32, %c0_i32_0 : i32, i32
  }
  func.func @transform_6(%arg0: i32) -> (i32, i32) {
    %c0_i32 = arith.constant 0 : i32
    %c0_i32_0 = arith.constant 0 : i32
    %c0_i32_1 = arith.constant 0 : i32
    return %c0_i32, %c0_i32_0 : i32, i32
  }
  func.func @transform_7(%arg0: i32) -> (i32, i32) {
    %c0_i32 = arith.constant 0 : i32
    %c0_i32_0 = arith.constant 0 : i32
    %c0_i32_1 = arith.constant 0 : i32
    return %c0_i32, %c0_i32_0 : i32, i32
  }
  func.func @transform_8(%arg0: i32) -> (i32, i32) {
    %c0_i32 = arith.constant 0 : i32
    %c0_i32_0 = arith.constant 0 : i32
    %c0_i32_1 = arith.constant 0 : i32
    return %c0_i32, %c0_i32_0 : i32, i32
  }
  func.func @transform_9(%arg0: i32) -> (i32, i32) {
    %c0_i32 = arith.constant 0 : i32
    %c0_i32_0 = arith.constant 0 : i32
    return %arg0, %c0_i32 : i32, i32
  }
}

module attributes {stable_mosaic.version = 14 : i64} {
  func.func @_final_kernel(%arg0: memref<10240x48xf32, #tpu.memory_space<vmem>>, %arg1: memref<48x3xf32, #tpu.memory_space<vmem>>, %arg2: memref<10240x48xf32, #tpu.memory_space<vmem>>, %arg3: memref<48x3xf32, #tpu.memory_space<vmem>>, %arg4: memref<1x3xf32, #tpu.memory_space<vmem>>, %arg5: memref<10240x3xf32, #tpu.memory_space<vmem>>) attributes {dimension_semantics = [], scalar_prefetch = 0 : i64, scratch_operands = 0 : i64, tpu.core_type = #tpu.core_type<tc>} {
    %get3A = arith.constant 0 : index
    %get3A_0 = arith.constant 0 : index
    %get3A_1 = vector.load %arg0[%get3A, %get3A_0] : memref<10240x48xf32, #tpu.memory_space<vmem>>, vector<10240x48xf32>
    %get3A_2 = arith.constant 0 : index
    %get3A_3 = arith.constant 0 : index
    %get3A_4 = vector.load %arg1[%get3A_2, %get3A_3] : memref<48x3xf32, #tpu.memory_space<vmem>>, vector<48x3xf32>
    %dot_general3A = arith.constant dense<0.000000e+00> : vector<10240x3xf32>
    %dot_general3A_5 = tpu.matmul %get3A_1, %get3A_4, %dot_general3A {dimension_numbers = #tpu.dot_dimension_numbers<[1], [0], [0], [1], [0, 0, 1, 1], [], []>, transpose_lhs_hint = false} : vector<10240x48xf32>, vector<48x3xf32>, vector<10240x3xf32> -> vector<10240x3xf32>
    %get3A_6 = arith.constant 0 : index
    %get3A_7 = arith.constant 0 : index
    %get3A_8 = vector.load %arg2[%get3A_6, %get3A_7] : memref<10240x48xf32, #tpu.memory_space<vmem>>, vector<10240x48xf32>
    %get3A_9 = arith.constant 0 : index
    %get3A_10 = arith.constant 0 : index
    %get3A_11 = vector.load %arg3[%get3A_9, %get3A_10] : memref<48x3xf32, #tpu.memory_space<vmem>>, vector<48x3xf32>
    %dot_general3A_12 = arith.constant dense<0.000000e+00> : vector<10240x3xf32>
    %dot_general3A_13 = tpu.matmul %get3A_8, %get3A_11, %dot_general3A_12 {dimension_numbers = #tpu.dot_dimension_numbers<[1], [0], [0], [1], [0, 0, 1, 1], [], []>, transpose_lhs_hint = false} : vector<10240x48xf32>, vector<48x3xf32>, vector<10240x3xf32> -> vector<10240x3xf32>
    %add3A = arith.addf %dot_general3A_5, %dot_general3A_13 : vector<10240x3xf32>
    %get3A_14 = arith.constant 0 : index
    %get3A_15 = arith.constant 0 : index
    %get3A_16 = vector.load %arg4[%get3A_14, %get3A_15] : memref<1x3xf32, #tpu.memory_space<vmem>>, vector<1x3xf32>
    %add3A_17 = vector.broadcast %get3A_16 : vector<1x3xf32> to vector<10240x3xf32>
    %add3A_18 = arith.addf %add3A, %add3A_17 : vector<10240x3xf32>
    %swap3A = arith.constant 0 : index
    %swap3A_19 = arith.constant 0 : index
    %swap3A_20 = vector.load %arg5[%swap3A, %swap3A_19] : memref<10240x3xf32, #tpu.memory_space<vmem>>, vector<10240x3xf32>
    tpu.vector_store %arg5[%swap3A, %swap3A_19], %add3A_18 {strides = array<i32>} : memref<10240x3xf32, #tpu.memory_space<vmem>>, vector<10240x3xf32>,
    return
  }
}

</mosaic_0001>

<sc_bundles>
// kernel: kernel.21.cloned.1.call-start
scs
__scs_entry_jumppad:
0x0: {  	(pc) =	sbr.rel $0x88, $3  }
0x1: {  	(tag) =	ssettag $0x0;
	lr =	simm.s32 $0x1  }
0x2: {  	[smem:$0x3F79] =	sst lr;
	_ =	strace $0xD0000000  }
0x3: {  	_ = 	snop  }
0x4: {  	_ = 	snop  }
0x5: {  	_ = 	snop  }
0x6: {  	_ = 	snop  }
0x7: {  	_ = 	snop  }
__scs_overlays_trampoline_lowered:
0x8: {  	[smem:$0x3F88] =	sst s0  }
0x9: {  	[smem:$0x3F89] =	sst s1  }
0xa: {  	[smem:$0x3F8A] =	sst s2  }
0xb: {  	[smem:$0x3F8B] =	sst s3  }
0xc: {  	[smem:$0x3F8C] =	sst s4  }
0xd: {  	[smem:$0x3F8D] =	sst s5  }
0xe: {  	[smem:$0x3F8E] =	sst s6  }
0xf: {  	[smem:$0x3F8F] =	sst s7  }
0x10: {  	[smem:$0x3F90] =	sst s8  }
0x11: {  	[smem:$0x3F91] =	sst s9;
	s0 =	simm.s32 @!p0 $0x0  }
0x12: {  	s1 =	sld [smem:$0x3F77];
	s0 =	simm.s32 @p0 $0x1  }
0x13: {  	[smem:$0x3F92] =	sst s0;
	s0 =	simm.s32 @!p1 $0x0  }
0x14: {  	s2 =	sld [smem:$0x3F76];
	s0 =	simm.s32 @p1 $0x1  }
0x15: {  	[smem:$0x3F93] =	sst s0;
	s0 =	simm.s32 @!p2 $0x0  }
0x16: {  	s3 =	sld [smem:$0x3FDB];
	s0 =	simm.s32 @p2 $0x1  }
0x17: {  	s4 =	simm.s32 $0x1BF5;
	[smem:$0x3F95] =	sst s0  }
0x18: {  	s0 =	sld [smem:$0x3F78];
	_ =	swait.ge [sflag:s4], $0x0  }
0x19: {  	s7 =	sld [smem:$0x3F79]  }
0x1a: {  	s8 =	sadd.s32 $0xFFFFE003, lr  }
0x1b: {  	s9 =	sadd.s32 $0xFFFFFEF7, lr;
	s5 =	simm.s32 $0xFFFFFFFF;
	p2 =	slt.u32 s8, $0xFFFFF086  }
0x1c: {  	p1 =	slt.u32 s9, $0xF7A;
	s5 =	simm.s32 @!p2 $0x0  }
0x1d: {  	s5 =	simm.s32 @p1 $0x1;
	p0 =	seq.s32 s7, s2  }
0x1e: {  	s7 =	smul.u32 @!p0 $0xF7A, s2;
	p2 =	seq.s32 @!p0 s5, $0x0  }
0x1f: {  	s9 =	smul.u32 $0xF7A, s1;
	s8 =	simm.s32 @!p0 $0x1BF5;
	p2 =	por !p2, p0  }
0x20: {  	[sflag:s8] =	ssyncset.s32 @!p0 $0xFFFFF086;
	s6 =	sadd.s32 @!p0 s3, s7;
	s7 =	simm.s32 @!p0 $0x108  }
0x21: {  	s3 =	sadd.s32 s3, s9;
	s6 =	sadd.s32 @!p0 $0x88, s6;
	s7 =	simm.s32 @p2 $0x1082  }
0x22: {  	[simem:s7], [sflag:s8] =	dma.local @!p0 [hbm:s6], $0xF7A  }
0x23: {  	s9 =	sor.u32 $0xD0000000, s2;
	s6 =	simm.s32 $0x108;
	_ =	swait.ge @!p0 [sflag:s8], $0x0  }
0x24: {  	s3 =	sadd.s32 $0x88, s3;
	s6 =	simm.s32 @!p1 $0x1082;
	[sflag:s4] =	ssyncset.s32 $0xFFFFF086  }
0x25: {  	[simem:s6], [sflag:s4] =	dma.local [hbm:s3], $0xF7A  }
0x26: {  	[smem:$0x3F79] =	sst s1;
	(tag) =	ssettag s2;
	_ =	strace s9  }
0x27: {  	s1 =	sld [smem:$0x3F89]  }
0x28: {  	s2 =	sld [smem:$0x3F8A]  }
0x29: {  	s4 =	sld [smem:$0x3F8C]  }
0x2a: {  	p0 =	seq.s32 s5, $0x0;
	s5 =	sld [smem:$0x3F8D]  }
0x2b: {  	s6 =	sld [smem:$0x3F8E]  }
0x2c: {  	s7 =	sld [smem:$0x3F8F]  }
0x2d: {  	s3 =	simm.s32 $0x108;
	s8 =	sld [smem:$0x3F90]  }
0x2e: {  	s3 =	simm.s32 @!p0 $0x1082;
	s9 =	sld [smem:$0x3F91]  }
0x2f: {  	lr =	sadd.s32 s0, s3;
	s0 =	sld [smem:$0x3F88]  }
0x30: {  	s3 =	sld [smem:$0x3F8B]  }
0x31: {  	[smem:$0x3F94] =	sst s10  }
0x32: {  	s10 =	sld [smem:$0x3F92];
	_ =	sdelay $0x3  }
0x33: {  	p0 =	seq.s32 s10, $0x1;
	s10 =	sld [smem:$0x3F94];
	_ =	sdelay $0x3  }
0x34: {  	[smem:$0x3F94] =	sst s10  }
0x35: {  	s10 =	sld [smem:$0x3F93];
	_ =	sdelay $0x3  }
0x36: {  	p1 =	seq.s32 s10, $0x1;
	s10 =	sld [smem:$0x3F94];
	_ =	sdelay $0x3  }
0x37: {  	[smem:$0x3F94] =	sst s10  }
0x38: {  	s10 =	sld [smem:$0x3F95]  }
0x39: {  	_ = 	snop;
	(pc) =	sbr.ind lr, $3  }
0x3a: {  	_ = 	snop  }
0x3b: {  	_ = 	snop  }
0x3c: {  	p2 =	seq.s32 s10, $0x1;
	s10 =	sld [smem:$0x3F94]  }
0x3d: {  	_ =	shalt  }
0x3e: {  	_ =	shalt  }
0x3f: {  	_ =	shalt  }
0x40: {  	_ =	shalt  }
0x41: {  	_ =	shalt  }
0x42: {  	_ =	shalt  }
0x43: {  	_ =	shalt  }
0x44: {  	_ =	shalt  }
0x45: {  	_ =	shalt  }
0x46: {  	_ =	shalt  }
0x47: {  	_ =	shalt  }
0x48: {  	_ =	shalt  }
0x49: {  	_ =	shalt  }
0x4a: {  	_ =	shalt  }
0x4b: {  	_ =	shalt  }
0x4c: {  	_ =	shalt  }
0x4d: {  	_ =	shalt  }
0x4e: {  	_ =	shalt  }
0x4f: {  	_ =	shalt  }
0x50: {  	_ =	shalt  }
0x51: {  	_ =	shalt  }
0x52: {  	_ =	shalt  }
0x53: {  	_ =	shalt  }
0x54: {  	_ =	shalt  }
0x55: {  	_ =	shalt  }
0x56: {  	_ =	shalt  }
0x57: {  	_ =	shalt  }
0x58: {  	_ =	shalt  }
0x59: {  	_ =	shalt  }
0x5a: {  	_ =	shalt  }
0x5b: {  	_ =	shalt  }
0x5c: {  	_ =	shalt  }
0x5d: {  	_ =	shalt  }
0x5e: {  	_ =	shalt  }
0x5f: {  	_ =	shalt  }
0x60: {  	_ =	shalt  }
0x61: {  	_ =	shalt  }
0x62: {  	_ =	shalt  }
0x63: {  	_ =	shalt  }
0x64: {  	_ =	shalt  }
0x65: {  	_ =	shalt  }
0x66: {  	_ =	shalt  }
0x67: {  	_ =	shalt  }
0x68: {  	_ =	shalt  }
0x69: {  	_ =	shalt  }
0x6a: {  	_ =	shalt  }
0x6b: {  	_ =	shalt  }
0x6c: {  	_ =	shalt  }
0x6d: {  	_ =	shalt  }
0x6e: {  	_ =	shalt  }
0x6f: {  	_ =	shalt  }
0x70: {  	_ =	shalt  }
0x71: {  	_ =	shalt  }
0x72: {  	_ =	shalt  }
0x73: {  	_ =	shalt  }
0x74: {  	_ =	shalt  }
0x75: {  	_ =	shalt  }
0x76: {  	_ =	shalt  }
0x77: {  	_ =	shalt  }
0x78: {  	_ =	shalt  }
0x79: {  	_ =	shalt  }
0x7a: {  	_ =	shalt  }
0x7b: {  	_ =	shalt  }
0x7c: {  	_ =	shalt  }
0x7d: {  	_ =	shalt  }
0x7e: {  	_ =	shalt  }
0x7f: {  	_ =	shalt  }
0x80: {  	_ =	shalt  }
0x81: {  	_ =	shalt  }
0x82: {  	_ =	shalt  }
0x83: {  	_ =	shalt  }
0x84: {  	_ =	shalt  }
0x85: {  	_ =	shalt  }
0x86: {  	_ =	shalt  }
0x87: {  	_ =	shalt  }
.Lfunc_end0:
.L_simem_size_0:
called_computation_lowered:
.L_overlay_start_0:
0x88: {  	s2 =	sld [smem:$0x3FD9]  }
0x89: {  	s3 =	sld [smem:$0x3FFE];
	_ =	sdelay $0x1  }
0x8a: {  	s1 =	srdreg.scid  }
0x8b: {  	s0 =	sand.u32 $0x1, s1  }
0x8c: {  	s17 =	sshll.u32 s0, $0xA;
	s2 =	sadd.s32 s3, s2  }
0x8d: {  	s2 =	sadd.s32 s2, s17  }
0x8e: {  	[smem:$0x3FA0] =	sst s2  }
0x8f: {  	_ = 	snop  }
0x90: {  	s2 =	sld [smem:$0x3FD0];
	(tm) =	ssettm $0x1  }
0x91: {  	s18 =	sld [smem:$0x3FFB];
	_ =	sdelay $0x3  }
0x92: {  	_ =	strace s18  }
0x93: {  	s3 =	sld [smem:$0x3FFC];
	_ =	sdelay $0x3  }
0x94: {  	_ =	strace s3  }
0x95: {  	s3 =	sld [smem:$0x3FFD];
	_ =	sdelay $0x3  }
0x96: {  	_ =	strace s3  }
0x97: {  	_ =	strace $0x8FFFFFFF  }
0x98: {  	s19 =	sld [smem:$0x3FDB];
	_ =	sdelay $0x1  }
0x99: {  	s4 =	simm.s32 $_scs_section_size  }
0x9a: {  	s5 =	simm.s32 $_size__tile_overlayer_lowered;
	s6 =	simm.s32 $_tile_overlayer_lowered  }
0x9b: {  	s22 =	simm.s32 $0x1BFF;
	s21 =	sshll.u32 s6, $0x1;
	s3 =	sadd.s32 s4, s19  }
0x9c: {  	s7 =	simm.s32 $0x0;
	s20 =	sshll.u32 s5, $0x1;
	s5 =	sadd.s32 s21, s3  }
0x9d: {  	[timem:s7], [sflag:s22] =	dma.local [hbm:s5], s20  }
0x9e: {  	_ =	swait.ge [sflag:s22], s20  }
0x9f: {  	s4 =	ssub.s32 $0x0, s20;
	[sflag:s22] =	ssyncset.done $0x0  }
0xa0: {  	[sflag:s22] =	ssyncadd.s32 s4;
	_ =	sdelay $0x1  }
0xa1: {  	s23 =	simm.s32 $0x1B8B  }
0xa2: {  	_ =	swait.ge [sflag:s23], $0x1  }
0xa3: {  	[sflag:s23] =	ssyncset.done $0x0  }
0xa4: {  	s25 =	simm.s32 $0x1B8E;
	s24 =	sld [smem:$0x3FFE];
	[sflag:s23] =	ssyncadd.s32 $0xFFFFFFFF  }
0xa5: {  	s26 =	simm.s32 $execute0_lowered;
	[smem:$0x3FD2] =	sst s25  }
0xa6: {  	s5 =	sshll.u32 s26, $0x1;
	_ =	strace $0x80000046;
	[dreg:$0x1] =	wrdreg $0xFFFFFFFF  }
0xa7: {  	s28 =	simm.s32 $_size_execute0_lowered;
	s3 =	sadd.s32 s3, s5;
	[dreg:$0x0] =	wrdreg $0x0  }
0xa8: {  	s5 =	sshll.u32 s28, $0x1;
	[dreg:$0x2] =	wrdreg s3  }
0xa9: {  	[dreg:$0x3] =	wrdreg s5  }
0xaa: {  	[dreg:$0x4] =	wrdreg $0xC0  }
0xab: {  	_ =	task [dreg:s7], $0x5FFFF  }
0xac: {  	[dreg:$0x1] =	wrdreg $0xFFFFFFFF  }
0xad: {  	[dreg:$0x0] =	wrdreg $0x60  }
0xae: {  	[dreg:$0x2] =	wrdreg s24  }
0xaf: {  	[dreg:$0x3] =	wrdreg s2  }
0xb0: {  	[dreg:$0x4] =	wrdreg $0x9  }
0xb1: {  	_ =	task.clear_ibuf [dreg:s7], $0x5FFFF;
	_ =	strace $0x90000046  }
0xb2: {  	s29 =	simm.s32 $0x9;
	_ =	strace $0x80000048  }
0xb3: {  	_ =	swait.ge [sflag:s29], $0x1  }
0xb4: {  	[sflag:s29] =	ssyncadd.s32 $0xFFFFFFFF  }
0xb5: {  	_ =	strace $0x90000048  }
0xb6: {  	_ =	sfence  }
0xb7: {  	s30 =	sld [smem:$0x0];
	_ =	sdelay $0x2  }
0xb8: {  	s31 =	sshll.u32 s1, $0xD;
	s1 =	sshrl.u32 s1, $0x2  }
0xb9: {  	s3 =	sand.u32 $0x4000, s31;
	s1 =	sadd.s32 s1, s30  }
0xba: {  	s0 =	sor.u32 s3, s0;
	s1 =	sshll.u32 s1, $0x11  }
0xbb: {  	s0 =	sor.u32 s1, s0  }
0xbc: {  	s0 =	sadd.s32 $0x8F2B, s0  }
0xbd: {  	[sflag:s0] =	ssyncadd.remote.s32 $0x1  }
0xbe: {  	_ =	sfence.sel $0xFFFF  }
0xbf: {  	[dreg:$0x0] =	wrdreg $0xFFFFFFFF;
	(pc) =	sbr.abs _section_cstart, $3  }
0xc0: {  	[dreg:$0x1] =	wrdreg $0xFFFFFFFF  }
0xc1: {  	_ =	task.clear_ibuf [dreg:s7], $0x2FFFF;
	_ =	strace $0x9FFFFFFF  }
0xc2: {  	(tm) =	ssettm $0x7FFFFFFF  }
0xc3: {  	_ =	shalt  }
tec
execute0_lowered:
.L_overlay_start_1:
0x0: {  	(tag) =	ssettag $0x1  }
0x1: {  	s1 =	srdreg.scid;
	s0 =	stileid.u32  }
0x2: {  	s10 =	rddreg [dreg:$0x0];
	s21 =	sand.u32 $0x1, s1;
	s31 =	sshll.u32 s0, $0x1  }
0x3: {  	s3 =	rddreg [dreg:$0x1];
	s8 =	sor.u32 s21, s31  }
0x4: {  	s2 =	simm.s32 $0x0;
	s1 =	rddreg [dreg:$0x2];
	s4 =	smul.u32 $0x60, s8  }
0x5: {  	[smem:$0x7FF] =	sst s2  }
0x6: {  	_ =	strace $0x80000047;
	s3 =	sadd.s32 s3, s4;
	s4 =	simm.s32 $0x4  }
0x7: {  	[tilespmem:s2], [sflag:$0x4] =	stream.linear.gather [hbm4b:s3+s2], $0x300, $0x38;
	[tilespmem:$0x3300] =	vst v63  }
0x8: {  	_ =	swait.ge [sflag:s4], $0x300  }
0x9: {  	s6 =	simm.s32 $0x80;
	[sflag:s4] =	ssyncset.done $0x0  }
0xa: {  	s7 =	simm.s32 $0x300;
	s5 =	sadd.s32 $0x5E00, s10;
	[sflag:s4] =	ssyncadd.s32 $0xFFFFFD00  }
0xb: {  	[tilespmem:s7], [sflag:$0x1] =	stream.indirect.gather [hbm4b:s5+s6], $0x30, s2, s6, $0xb8;
	[tilespmem:$0x3300] =	vst v63  }
0xc: {  	s9 =	simm.s32 $0x1;
	s11 =	smul.u32 $0x1200, s8;
	s8 =	simm.s32 $0x1B00  }
0xd: {  	[tilespmem:s8], [sflag:$0x2] =	stream.indirect.gather [hbm4b:s5+s6], $0x30, s6, s6, $0xb8;
	[tilespmem:$0x3300] =	vst v63  }
0xe: {  	_ =	swait.ge [sflag:s9], $0x1800  }
0xf: {  	s22 =	sadd.s32 s11, s10;
	[sflag:s9] =	ssyncset.done $0x0  }
0x10: {  	s11 =	simm.s32 $0x2;
	s10 =	sadd.s32 $0x14E00, s22;
	[sflag:s9] =	ssyncadd.s32 $0xFFFFE800  }
0x11: {  	[hbm4b:s10+s2] =	stream.linear.scatter [tilespmem:s7], [sflag:$0x3], $0x1800, $0x38;
	[tilespmem:$0x3300] =	vst v63  }
0x12: {  	_ =	swait.ge [sflag:s11], $0x1800  }
0x13: {  	[sflag:s11] =	ssyncset.done $0x0  }
0x14: {  	s12 =	simm.s32 $0x3;
	[sflag:s11] =	ssyncadd.s32 $0xFFFFE800  }
0x15: {  	_ =	swait.ge [sflag:s12], $0x1800  }
0x16: {  	[sflag:s12] =	ssyncset.done $0x0  }
0x17: {  	s13 =	sadd.s32 $0x15100, s22;
	[sflag:s12] =	ssyncadd.s32 $0xFFFFE800  }
0x18: {  	[hbm4b:s13+s2] =	stream.linear.scatter [tilespmem:s8], [sflag:$0x3], $0x1800, $0x38;
	[tilespmem:$0x3300] =	vst v63  }
0x19: {  	_ =	swait.ge [sflag:s12], $0x1800  }
0x1a: {  	[sflag:s12] =	ssyncset.done $0x0  }
0x1b: {  	s14 =	simm.s32 $0x100;
	[sflag:s12] =	ssyncadd.s32 $0xFFFFE800  }
0x1c: {  	[tilespmem:s7], [sflag:$0x1] =	stream.indirect.gather [hbm4b:s5+s6], $0x30, s14, s6, $0xb8;
	[tilespmem:$0x3300] =	vst v63  }
0x1d: {  	s15 =	simm.s32 $0x180  }
0x1e: {  	[tilespmem:s8], [sflag:$0x2] =	stream.indirect.gather [hbm4b:s5+s6], $0x30, s15, s6, $0xb8;
	[tilespmem:$0x3300] =	vst v63  }
0x1f: {  	_ =	swait.ge [sflag:s9], $0x1800  }
0x20: {  	[sflag:s9] =	ssyncset.done $0x0  }
0x21: {  	s16 =	sadd.s32 $0x15400, s22;
	[sflag:s9] =	ssyncadd.s32 $0xFFFFE800  }
0x22: {  	[hbm4b:s16+s2] =	stream.linear.scatter [tilespmem:s7], [sflag:$0x3], $0x1800, $0x38;
	[tilespmem:$0x3300] =	vst v63  }
0x23: {  	_ =	swait.ge [sflag:s11], $0x1800  }
0x24: {  	[sflag:s11] =	ssyncset.done $0x0  }
0x25: {  	[sflag:s11] =	ssyncadd.s32 $0xFFFFE800  }
0x26: {  	_ =	swait.ge [sflag:s12], $0x1800  }
0x27: {  	[sflag:s12] =	ssyncset.done $0x0  }
0x28: {  	s17 =	sadd.s32 $0x15700, s22;
	[sflag:s12] =	ssyncadd.s32 $0xFFFFE800  }
0x29: {  	[hbm4b:s17+s2] =	stream.linear.scatter [tilespmem:s8], [sflag:$0x3], $0x1800, $0x38;
	[tilespmem:$0x3300] =	vst v63  }
0x2a: {  	_ =	swait.ge [sflag:s12], $0x1800  }
0x2b: {  	[sflag:s12] =	ssyncset.done $0x0  }
0x2c: {  	s18 =	simm.s32 $0x200;
	[sflag:s12] =	ssyncadd.s32 $0xFFFFE800  }
0x2d: {  	[tilespmem:s7], [sflag:$0x1] =	stream.indirect.gather [hbm4b:s5+s6], $0x30, s18, s6, $0xb8;
	[tilespmem:$0x3300] =	vst v63  }
0x2e: {  	s19 =	simm.s32 $0x280  }
0x2f: {  	[tilespmem:s8], [sflag:$0x2] =	stream.indirect.gather [hbm4b:s5+s6], $0x30, s19, s6, $0xb8;
	[tilespmem:$0x3300] =	vst v63  }
0x30: {  	_ =	swait.ge [sflag:s9], $0x1800  }
0x31: {  	[sflag:s9] =	ssyncset.done $0x0  }
0x32: {  	s21 =	ssub.s32 $0x2, s21;
	s20 =	sadd.s32 $0x15A00, s22;
	[sflag:s9] =	ssyncadd.s32 $0xFFFFE800  }
0x33: {  	[hbm4b:s20+s2] =	stream.linear.scatter [tilespmem:s7], [sflag:$0x3], $0x1800, $0x38;
	[tilespmem:$0x3300] =	vst v63  }
0x34: {  	s23 =	sshrl.u32 s21, $0x1;
	_ =	swait.ge [sflag:s11], $0x1800  }
0x35: {  	s21 =	ssub.s32 s21, s23;
	[sflag:s11] =	ssyncset.done $0x0  }
0x36: {  	s23 =	smax.u32 s21, $0x1;
	[sflag:s11] =	ssyncadd.s32 $0xFFFFE800  }
0x37: {  	p0 =	sne.s32 s23, $0x1;
	_ =	swait.ge [sflag:s12], $0x1800  }
.Ltmp0:
0x38: {  	[sflag:s12] =	ssyncset.done $0x0;
	(pc) =	sbr.rel @!p0 .LBB2_2-.Ltmp0, $4  }
0x39: {  	s21 =	sadd.s32 $0x15D00, s22;
	[sflag:s12] =	ssyncadd.s32 $0xFFFFE800  }
0x3a: {  	[hbm4b:s21+s2] =	stream.linear.scatter [tilespmem:s8], [sflag:$0x3], $0x1800, $0x38;
	[tilespmem:$0x3300] =	vst v63  }
0x3b: {  	_ =	swait.ge [sflag:s12], $0x1800  }
0x3c: {  	s22 =	sadd.s32 $0xFFFFFFFF, s23;
	[sflag:s12] =	ssyncset.done $0x0  }
.LBB2_1:
0x3d: {  	p0 =	sne.s32 s22, $0x1;
	s22 =	sadd.s32 $0xFFFFFFFF, s22;
	[sflag:s12] =	ssyncadd.s32 $0xFFFFE800  }
0x3e: {  	[tilespmem:s2], [sflag:$0x4] =	stream.linear.gather [hbm4b:s3+s2], $0x300, $0x38;
	[tilespmem:$0x3300] =	vst v63  }
0x3f: {  	_ =	swait.ge [sflag:s4], $0x300  }
0x40: {  	[sflag:s4] =	ssyncset.done $0x0  }
0x41: {  	[sflag:s4] =	ssyncadd.s32 $0xFFFFFD00  }
0x42: {  	[tilespmem:s7], [sflag:$0x1] =	stream.indirect.gather [hbm4b:s5+s6], $0x30, s2, s6, $0xb8;
	[tilespmem:$0x3300] =	vst v63  }
0x43: {  	_ = 	snop  }
0x44: {  	[tilespmem:s8], [sflag:$0x2] =	stream.indirect.gather [hbm4b:s5+s6], $0x30, s6, s6, $0xb8;
	[tilespmem:$0x3300] =	vst v63  }
0x45: {  	_ =	swait.ge [sflag:s9], $0x1800  }
0x46: {  	[sflag:s9] =	ssyncset.done $0x0  }
0x47: {  	[sflag:s9] =	ssyncadd.s32 $0xFFFFE800  }
0x48: {  	[hbm4b:s10+s2] =	stream.linear.scatter [tilespmem:s7], [sflag:$0x3], $0x1800, $0x38;
	[tilespmem:$0x3300] =	vst v63  }
0x49: {  	_ =	swait.ge [sflag:s11], $0x1800  }
0x4a: {  	[sflag:s11] =	ssyncset.done $0x0  }
0x4b: {  	[sflag:s11] =	ssyncadd.s32 $0xFFFFE800  }
0x4c: {  	_ =	swait.ge [sflag:s12], $0x1800  }
0x4d: {  	[sflag:s12] =	ssyncset.done $0x0  }
0x4e: {  	[sflag:s12] =	ssyncadd.s32 $0xFFFFE800  }
0x4f: {  	[hbm4b:s13+s2] =	stream.linear.scatter [tilespmem:s8], [sflag:$0x3], $0x1800, $0x38;
	[tilespmem:$0x3300] =	vst v63  }
0x50: {  	_ =	swait.ge [sflag:s12], $0x1800  }
0x51: {  	[sflag:s12] =	ssyncset.done $0x0  }
0x52: {  	[sflag:s12] =	ssyncadd.s32 $0xFFFFE800  }
0x53: {  	[tilespmem:s7], [sflag:$0x1] =	stream.indirect.gather [hbm4b:s5+s6], $0x30, s14, s6, $0xb8;
	[tilespmem:$0x3300] =	vst v63  }
0x54: {  	_ = 	snop  }
0x55: {  	[tilespmem:s8], [sflag:$0x2] =	stream.indirect.gather [hbm4b:s5+s6], $0x30, s15, s6, $0xb8;
	[tilespmem:$0x3300] =	vst v63  }
0x56: {  	_ =	swait.ge [sflag:s9], $0x1800  }
0x57: {  	[sflag:s9] =	ssyncset.done $0x0  }
0x58: {  	[sflag:s9] =	ssyncadd.s32 $0xFFFFE800  }
0x59: {  	[hbm4b:s16+s2] =	stream.linear.scatter [tilespmem:s7], [sflag:$0x3], $0x1800, $0x38;
	[tilespmem:$0x3300] =	vst v63  }
0x5a: {  	_ =	swait.ge [sflag:s11], $0x1800  }
0x5b: {  	[sflag:s11] =	ssyncset.done $0x0  }
0x5c: {  	[sflag:s11] =	ssyncadd.s32 $0xFFFFE800  }
0x5d: {  	_ =	swait.ge [sflag:s12], $0x1800  }
0x5e: {  	[sflag:s12] =	ssyncset.done $0x0  }
0x5f: {  	[sflag:s12] =	ssyncadd.s32 $0xFFFFE800  }
0x60: {  	[hbm4b:s17+s2] =	stream.linear.scatter [tilespmem:s8], [sflag:$0x3], $0x1800, $0x38;
	[tilespmem:$0x3300] =	vst v63  }
0x61: {  	_ =	swait.ge [sflag:s12], $0x1800  }
0x62: {  	[sflag:s12] =	ssyncset.done $0x0  }
0x63: {  	[sflag:s12] =	ssyncadd.s32 $0xFFFFE800  }
0x64: {  	[tilespmem:s7], [sflag:$0x1] =	stream.indirect.gather [hbm4b:s5+s6], $0x30, s18, s6, $0xb8;
	[tilespmem:$0x3300] =	vst v63  }
0x65: {  	_ = 	snop  }
0x66: {  	[tilespmem:s8], [sflag:$0x2] =	stream.indirect.gather [hbm4b:s5+s6], $0x30, s19, s6, $0xb8;
	[tilespmem:$0x3300] =	vst v63  }
0x67: {  	_ =	swait.ge [sflag:s9], $0x1800  }
0x68: {  	[sflag:s9] =	ssyncset.done $0x0  }
0x69: {  	[sflag:s9] =	ssyncadd.s32 $0xFFFFE800  }
0x6a: {  	[hbm4b:s20+s2] =	stream.linear.scatter [tilespmem:s7], [sflag:$0x3], $0x1800, $0x38;
	[tilespmem:$0x3300] =	vst v63  }
0x6b: {  	_ =	swait.ge [sflag:s11], $0x1800  }
0x6c: {  	[sflag:s11] =	ssyncset.done $0x0  }
0x6d: {  	[sflag:s11] =	ssyncadd.s32 $0xFFFFE800  }
0x6e: {  	_ =	swait.ge [sflag:s12], $0x1800  }
.Ltmp1:
0x6f: {  	[sflag:s12] =	ssyncset.done $0x0;
	(pc) =	sbr.rel @p0 .LBB2_1-.Ltmp1, $4  }
0x70: {  	[sflag:s12] =	ssyncadd.s32 $0xFFFFE800  }
0x71: {  	[hbm4b:s21+s2] =	stream.linear.scatter [tilespmem:s8], [sflag:$0x3], $0x1800, $0x38;
	[tilespmem:$0x3300] =	vst v63  }
0x72: {  	_ =	swait.ge [sflag:s12], $0x1800  }
0x73: {  	[sflag:s12] =	ssyncset.done $0x0  }
.LBB2_2:
0x74: {  	[sflag:s12] =	ssyncadd.s32 $0xFFFFE800  }
0x75: {  	_ =	sfence.sel $0x180000  }
0x76: {  	[bflag:$0x0] =	sbarrier.arrive $0xFFFF  }
0x77: {  	p0 =	sne.s32 s0, $0x0;
	_ =	strace $0x90000047  }
0x78: {  	s0 =	sadd.s32 @!p0 $0x100000, s1;
	[bflag:$0x2] =	sbarrier.arrive $0xFFFF  }
0x79: {  	[sflag:s0] =	ssyncadd.tile.s32 @!p0 $0x1;
	_ =	shalt  }
.Lfunc_end2:
_tile_overlayer_lowered:
.L_overlay_start_2:
0x7a: {  	(tag) =	ssettag $0x2  }
0x7b: {  	s0 =	rddreg [dreg:$0x0];
	s2 =	stileid.u32  }
0x7c: {  	s1 =	rddreg [dreg:$0x1];
	p0 =	sne.s32 s2, $0x0  }
0x7d: {  	s3 =	rddreg [dreg:$0x2];
	[bflag:$0x3] =	sbarrier.arrive $0xFFFF;
	s2 =	simm.s32 @!p0 $0x1C04  }
0x7e: {  	[timem:s3], [sflag:s2] =	dma.local @!p0 [hbm:s0], s1  }
0x7f: {  	s0 =	simm.s32 @!p0 $0x4  }
0x80: {  	_ =	swait.ge @!p0 [sflag:s0], s1  }
0x81: {  	s1 =	ssub.s32 @!p0 $0x0, s1;
	[sflag:s0] =	ssyncset.done @!p0 $0x0  }
0x82: {  	[sflag:s0] =	ssyncadd.s32 @!p0 s1  }
0x83: {  	[bflag:$0x3] =	sbarrier.arrive $0xFFFF  }
0x84: {  	_ =	shalt  }

// kernel: kernel.24.cloned.1.call-start
scs
__scs_entry_jumppad:
0x0: {  	(pc) =	sbr.rel $0x88, $3  }
0x1: {  	(tag) =	ssettag $0x0;
	lr =	simm.s32 $0x1  }
0x2: {  	[smem:$0x3F79] =	sst lr;
	_ =	strace $0xD0000000  }
0x3: {  	_ = 	snop  }
0x4: {  	_ = 	snop  }
0x5: {  	_ = 	snop  }
0x6: {  	_ = 	snop  }
0x7: {  	_ = 	snop  }
__scs_overlays_trampoline_lowered:
0x8: {  	[smem:$0x3F88] =	sst s0  }
0x9: {  	[smem:$0x3F89] =	sst s1  }
0xa: {  	[smem:$0x3F8A] =	sst s2  }
0xb: {  	[smem:$0x3F8B] =	sst s3  }
0xc: {  	[smem:$0x3F8C] =	sst s4  }
0xd: {  	[smem:$0x3F8D] =	sst s5  }
0xe: {  	[smem:$0x3F8E] =	sst s6  }
0xf: {  	[smem:$0x3F8F] =	sst s7  }
0x10: {  	[smem:$0x3F90] =	sst s8  }
0x11: {  	[smem:$0x3F91] =	sst s9;
	s0 =	simm.s32 @!p0 $0x0  }
0x12: {  	s1 =	sld [smem:$0x3F77];
	s0 =	simm.s32 @p0 $0x1  }
0x13: {  	[smem:$0x3F92] =	sst s0;
	s0 =	simm.s32 @!p1 $0x0  }
0x14: {  	s2 =	sld [smem:$0x3F76];
	s0 =	simm.s32 @p1 $0x1  }
0x15: {  	[smem:$0x3F93] =	sst s0;
	s0 =	simm.s32 @!p2 $0x0  }
0x16: {  	s3 =	sld [smem:$0x3FDB];
	s0 =	simm.s32 @p2 $0x1  }
0x17: {  	s4 =	simm.s32 $0x1BF5;
	[smem:$0x3F95] =	sst s0  }
0x18: {  	s0 =	sld [smem:$0x3F78];
	_ =	swait.ge [sflag:s4], $0x0  }
0x19: {  	s7 =	sld [smem:$0x3F79]  }
0x1a: {  	s8 =	sadd.s32 $0xFFFFE003, lr  }
0x1b: {  	s9 =	sadd.s32 $0xFFFFFEF7, lr;
	s5 =	simm.s32 $0xFFFFFFFF;
	p2 =	slt.u32 s8, $0xFFFFF086  }
0x1c: {  	p1 =	slt.u32 s9, $0xF7A;
	s5 =	simm.s32 @!p2 $0x0  }
0x1d: {  	s5 =	simm.s32 @p1 $0x1;
	p0 =	seq.s32 s7, s2  }
0x1e: {  	s7 =	smul.u32 @!p0 $0xF7A, s2;
	p2 =	seq.s32 @!p0 s5, $0x0  }
0x1f: {  	s9 =	smul.u32 $0xF7A, s1;
	s8 =	simm.s32 @!p0 $0x1BF5;
	p2 =	por !p2, p0  }
0x20: {  	[sflag:s8] =	ssyncset.s32 @!p0 $0xFFFFF086;
	s6 =	sadd.s32 @!p0 s3, s7;
	s7 =	simm.s32 @!p0 $0x108  }
0x21: {  	s3 =	sadd.s32 s3, s9;
	s6 =	sadd.s32 @!p0 $0x88, s6;
	s7 =	simm.s32 @p2 $0x1082  }
0x22: {  	[simem:s7], [sflag:s8] =	dma.local @!p0 [hbm:s6], $0xF7A  }
0x23: {  	s9 =	sor.u32 $0xD0000000, s2;
	s6 =	simm.s32 $0x108;
	_ =	swait.ge @!p0 [sflag:s8], $0x0  }
0x24: {  	s3 =	sadd.s32 $0x88, s3;
	s6 =	simm.s32 @!p1 $0x1082;
	[sflag:s4] =	ssyncset.s32 $0xFFFFF086  }
0x25: {  	[simem:s6], [sflag:s4] =	dma.local [hbm:s3], $0xF7A  }
0x26: {  	[smem:$0x3F79] =	sst s1;
	(tag) =	ssettag s2;
	_ =	strace s9  }
0x27: {  	s1 =	sld [smem:$0x3F89]  }
0x28: {  	s2 =	sld [smem:$0x3F8A]  }
0x29: {  	s4 =	sld [smem:$0x3F8C]  }
0x2a: {  	p0 =	seq.s32 s5, $0x0;
	s5 =	sld [smem:$0x3F8D]  }
0x2b: {  	s6 =	sld [smem:$0x3F8E]  }
0x2c: {  	s7 =	sld [smem:$0x3F8F]  }
0x2d: {  	s3 =	simm.s32 $0x108;
	s8 =	sld [smem:$0x3F90]  }
0x2e: {  	s3 =	simm.s32 @!p0 $0x1082;
	s9 =	sld [smem:$0x3F91]  }
0x2f: {  	lr =	sadd.s32 s0, s3;
	s0 =	sld [smem:$0x3F88]  }
0x30: {  	s3 =	sld [smem:$0x3F8B]  }
0x31: {  	[smem:$0x3F94] =	sst s10  }
0x32: {  	s10 =	sld [smem:$0x3F92];
	_ =	sdelay $0x3  }
0x33: {  	p0 =	seq.s32 s10, $0x1;
	s10 =	sld [smem:$0x3F94];
	_ =	sdelay $0x3  }
0x34: {  	[smem:$0x3F94] =	sst s10  }
0x35: {  	s10 =	sld [smem:$0x3F93];
	_ =	sdelay $0x3  }
0x36: {  	p1 =	seq.s32 s10, $0x1;
	s10 =	sld [smem:$0x3F94];
	_ =	sdelay $0x3  }
0x37: {  	[smem:$0x3F94] =	sst s10  }
0x38: {  	s10 =	sld [smem:$0x3F95]  }
0x39: {  	_ = 	snop;
	(pc) =	sbr.ind lr, $3  }
0x3a: {  	_ = 	snop  }
0x3b: {  	_ = 	snop  }
0x3c: {  	p2 =	seq.s32 s10, $0x1;
	s10 =	sld [smem:$0x3F94]  }
0x3d: {  	_ =	shalt  }
0x3e: {  	_ =	shalt  }
0x3f: {  	_ =	shalt  }
0x40: {  	_ =	shalt  }
0x41: {  	_ =	shalt  }
0x42: {  	_ =	shalt  }
0x43: {  	_ =	shalt  }
0x44: {  	_ =	shalt  }
0x45: {  	_ =	shalt  }
0x46: {  	_ =	shalt  }
0x47: {  	_ =	shalt  }
0x48: {  	_ =	shalt  }
0x49: {  	_ =	shalt  }
0x4a: {  	_ =	shalt  }
0x4b: {  	_ =	shalt  }
0x4c: {  	_ =	shalt  }
0x4d: {  	_ =	shalt  }
0x4e: {  	_ =	shalt  }
0x4f: {  	_ =	shalt  }
0x50: {  	_ =	shalt  }
0x51: {  	_ =	shalt  }
0x52: {  	_ =	shalt  }
0x53: {  	_ =	shalt  }
0x54: {  	_ =	shalt  }
0x55: {  	_ =	shalt  }
0x56: {  	_ =	shalt  }
0x57: {  	_ =	shalt  }
0x58: {  	_ =	shalt  }
0x59: {  	_ =	shalt  }
0x5a: {  	_ =	shalt  }
0x5b: {  	_ =	shalt  }
0x5c: {  	_ =	shalt  }
0x5d: {  	_ =	shalt  }
0x5e: {  	_ =	shalt  }
0x5f: {  	_ =	shalt  }
0x60: {  	_ =	shalt  }
0x61: {  	_ =	shalt  }
0x62: {  	_ =	shalt  }
0x63: {  	_ =	shalt  }
0x64: {  	_ =	shalt  }
0x65: {  	_ =	shalt  }
0x66: {  	_ =	shalt  }
0x67: {  	_ =	shalt  }
0x68: {  	_ =	shalt  }
0x69: {  	_ =	shalt  }
0x6a: {  	_ =	shalt  }
0x6b: {  	_ =	shalt  }
0x6c: {  	_ =	shalt  }
0x6d: {  	_ =	shalt  }
0x6e: {  	_ =	shalt  }
0x6f: {  	_ =	shalt  }
0x70: {  	_ =	shalt  }
0x71: {  	_ =	shalt  }
0x72: {  	_ =	shalt  }
0x73: {  	_ =	shalt  }
0x74: {  	_ =	shalt  }
0x75: {  	_ =	shalt  }
0x76: {  	_ =	shalt  }
0x77: {  	_ =	shalt  }
0x78: {  	_ =	shalt  }
0x79: {  	_ =	shalt  }
0x7a: {  	_ =	shalt  }
0x7b: {  	_ =	shalt  }
0x7c: {  	_ =	shalt  }
0x7d: {  	_ =	shalt  }
0x7e: {  	_ =	shalt  }
0x7f: {  	_ =	shalt  }
0x80: {  	_ =	shalt  }
0x81: {  	_ =	shalt  }
0x82: {  	_ =	shalt  }
0x83: {  	_ =	shalt  }
0x84: {  	_ =	shalt  }
0x85: {  	_ =	shalt  }
0x86: {  	_ =	shalt  }
0x87: {  	_ =	shalt  }
.Lfunc_end0:
.L_simem_size_0:
called_computation.1_lowered:
.L_overlay_start_0:
0x88: {  	s2 =	sld [smem:$0x3FD9]  }
0x89: {  	s3 =	sld [smem:$0x3FFE];
	_ =	sdelay $0x1  }
0x8a: {  	s1 =	srdreg.scid  }
0x8b: {  	s0 =	sand.u32 $0x1, s1  }
0x8c: {  	s16 =	sshll.u32 s0, $0xA;
	s2 =	sadd.s32 s3, s2  }
0x8d: {  	s2 =	sadd.s32 s2, s16  }
0x8e: {  	[smem:$0x3FA0] =	sst s2  }
0x8f: {  	_ = 	snop  }
0x90: {  	(tm) =	ssettm $0x1  }
0x91: {  	s17 =	sld [smem:$0x3FFB];
	_ =	sdelay $0x3  }
0x92: {  	_ =	strace s17  }
0x93: {  	s2 =	sld [smem:$0x3FFC];
	_ =	sdelay $0x3  }
0x94: {  	_ =	strace s2  }
0x95: {  	s2 =	sld [smem:$0x3FFD];
	_ =	sdelay $0x3  }
0x96: {  	_ =	strace s2  }
0x97: {  	_ =	strace $0x8FFFFFFF  }
0x98: {  	s18 =	sld [smem:$0x3FDB];
	_ =	sdelay $0x1  }
0x99: {  	s19 =	simm.s32 $_scs_section_size  }
0x9a: {  	s4 =	simm.s32 $_size__tile_overlayer_lowered;
	s5 =	simm.s32 $_tile_overlayer_lowered  }
0x9b: {  	s22 =	simm.s32 $0x1BFF;
	s21 =	sshll.u32 s5, $0x1;
	s2 =	sadd.s32 s19, s18  }
0x9c: {  	s6 =	simm.s32 $0x0;
	s20 =	sshll.u32 s4, $0x1;
	s4 =	sadd.s32 s21, s2  }
0x9d: {  	[timem:s6], [sflag:s22] =	dma.local [hbm:s4], s20  }
0x9e: {  	_ =	swait.ge [sflag:s22], s20  }
0x9f: {  	s3 =	ssub.s32 $0x0, s20;
	[sflag:s22] =	ssyncset.done $0x0  }
0xa0: {  	[sflag:s22] =	ssyncadd.s32 s3;
	_ =	sdelay $0x1  }
0xa1: {  	s23 =	simm.s32 $0x1B8B  }
0xa2: {  	_ =	swait.ge [sflag:s23], $0x1  }
0xa3: {  	[sflag:s23] =	ssyncset.done $0x0  }
0xa4: {  	s25 =	simm.s32 $0x1B8E;
	s24 =	sld [smem:$0x3FFE];
	[sflag:s23] =	ssyncadd.s32 $0xFFFFFFFF  }
0xa5: {  	s26 =	simm.s32 $execute0_lowered;
	[smem:$0x3FD2] =	sst s25  }
0xa6: {  	s4 =	sshll.u32 s26, $0x1;
	_ =	strace $0x80000049;
	[dreg:$0x1] =	wrdreg $0xFFFFFFFF  }
0xa7: {  	s28 =	simm.s32 $_size_execute0_lowered;
	s2 =	sadd.s32 s2, s4;
	[dreg:$0x0] =	wrdreg $0x0  }
0xa8: {  	s4 =	sshll.u32 s28, $0x1;
	[dreg:$0x2] =	wrdreg s2  }
0xa9: {  	[dreg:$0x3] =	wrdreg s4  }
0xaa: {  	[dreg:$0x4] =	wrdreg $0xC0  }
0xab: {  	_ =	task [dreg:s6], $0x5FFFF  }
0xac: {  	[dreg:$0x1] =	wrdreg $0xFFFFFFFF  }
0xad: {  	[dreg:$0x0] =	wrdreg $0x60  }
0xae: {  	[dreg:$0x2] =	wrdreg s24  }
0xaf: {  	[dreg:$0x3] =	wrdreg $0x49800  }
0xb0: {  	[dreg:$0x4] =	wrdreg $0x9  }
0xb1: {  	_ =	task.clear_ibuf [dreg:s6], $0x5FFFF;
	_ =	strace $0x90000049  }
0xb2: {  	s29 =	simm.s32 $0x9;
	_ =	strace $0x8000004B  }
0xb3: {  	_ =	swait.ge [sflag:s29], $0x1  }
0xb4: {  	[sflag:s29] =	ssyncadd.s32 $0xFFFFFFFF  }
0xb5: {  	_ =	strace $0x9000004B  }
0xb6: {  	_ =	sfence  }
0xb7: {  	s30 =	sld [smem:$0x0];
	_ =	sdelay $0x2  }
0xb8: {  	s31 =	sshll.u32 s1, $0xD;
	s1 =	sshrl.u32 s1, $0x2  }
0xb9: {  	s3 =	sand.u32 $0x4000, s31;
	s1 =	sadd.s32 s1, s30  }
0xba: {  	s0 =	sor.u32 s3, s0;
	s1 =	sshll.u32 s1, $0x11  }
0xbb: {  	s0 =	sor.u32 s1, s0  }
0xbc: {  	s0 =	sadd.s32 $0x8F2B, s0  }
0xbd: {  	[sflag:s0] =	ssyncadd.remote.s32 $0x1  }
0xbe: {  	_ =	sfence.sel $0xFFFF  }
0xbf: {  	[dreg:$0x0] =	wrdreg $0xFFFFFFFF;
	(pc) =	sbr.abs _section_cstart, $3  }
0xc0: {  	[dreg:$0x1] =	wrdreg $0xFFFFFFFF  }
0xc1: {  	_ =	task.clear_ibuf [dreg:s6], $0x2FFFF;
	_ =	strace $0x9FFFFFFF  }
0xc2: {  	(tm) =	ssettm $0x7FFFFFFF  }
0xc3: {  	_ =	shalt  }
tec
execute0_lowered:
.L_overlay_start_1:
0x0: {  	(tag) =	ssettag $0x1  }
0x1: {  	s16 =	rddreg [dreg:$0x0]  }
0x2: {  	s2 =	rddreg [dreg:$0x1]  }
0x3: {  	s1 =	stileid.u32;
	s0 =	rddreg [dreg:$0x2];
	s3 =	simm.s32 $0x0  }
0x4: {  	s5 =	srdreg.scid;
	s7 =	simm.s32 $0x1;
	s4 =	smul.u32 $0x7800, s1  }
0x5: {  	[smem:$0x7FF] =	sst s3;
	s14 =	sand.u32 $0x1, s5;
	s28 =	sshll.u32 s1, $0x1  }
0x6: {  	s18 =	sshll.u32 s1, $0x6;
	_ =	strace $0x8000004A;
	s17 =	sshrl.u32 s4, $0x3  }
0x7: {  	s8 =	sor.u32 s14, s28;
	s6 =	sadd.s32 s4, s2;
	s29 =	sadd.s32 s17, s16  }
0x8: {  	s5 =	sor.u32 $0x1C01, s18;
	s6 =	sshrl.u32 s6, $0x3;
	s4 =	sadd.s32 $0x17E00, s29  }
0x9: {  	[spmem:s6], [sflag:s5] =	dma.local [hbm:s4], $0xF00  }
0xa: {  	s9 =	smul.u32 $0x30, s8;
	_ =	swait.ge [sflag:s7], $0xF00  }
0xb: {  	[sflag:s7] =	ssyncset.done $0x0  }
0xc: {  	s10 =	smul.u32 $0x900, s8;
	s30 =	sadd.s32 s9, s16;
	[sflag:s7] =	ssyncadd.s32 $0xFFFFF100  }
0xd: {  	s8 =	simm.s32 $0x2;
	s9 =	sadd.s32 $0x5800, s30;
	[bflag:$0x0] =	sbarrier.arrive $0xFFFF  }
0xe: {  	[tilespmem:s3], [sflag:$0x2] =	stream.linear.gather [hbm4b:s9+s3], $0x180, $0x38;
	[tilespmem:$0xC180] =	vst v63  }
0xf: {  	_ =	swait.ge [sflag:s8], $0x180  }
0x10: {  	s10 =	sadd.s32 s10, s16;
	[sflag:s8] =	ssyncset.done $0x0  }
0x11: {  	s11 =	simm.s32 $0x180;
	s10 =	sadd.s32 $0x5E00, s10;
	[sflag:s8] =	ssyncadd.s32 $0xFFFFFE80  }
0x12: {  	[tilespmem:s11], [sflag:$0x2] =	stream.linear.gather [hbm4b:s10+s3], $0x4800, $0x38;
	[tilespmem:$0xC180] =	vst v63  }
0x13: {  	_ =	swait.ge [sflag:s8], $0x4800  }
0x14: {  	[sflag:s8] =	ssyncset.done $0x0  }
0x15: {  	s12 =	simm.s32 $0x80;
	[sflag:s8] =	ssyncadd.s32 $0xFFFFB800  }
0x16: {  	[spmem:s2] =	stream.indirect.scatter.add.f32 [tilespmem:s11], [sflag:$0x2], $0x30, s3, s12, $0xb8;
	[tilespmem:$0xC180] =	vst v63  }
0x17: {  	_ =	swait.ge [sflag:s8], $0x1800  }
0x18: {  	[sflag:s8] =	ssyncset.done $0x0  }
0x19: {  	s13 =	simm.s32 $0x1980;
	[sflag:s8] =	ssyncadd.s32 $0xFFFFE800  }
0x1a: {  	[spmem:s2] =	stream.indirect.scatter.add.f32 [tilespmem:s13], [sflag:$0x2], $0x30, s12, s12, $0xb8;
	[tilespmem:$0xC180] =	vst v63  }
0x1b: {  	s15 =	simm.s32 $0x3180;
	s20 =	ssub.s32 $0x2, s14;
	_ =	swait.ge [sflag:s8], $0x1800  }
0x1c: {  	s19 =	smul.u32 $0xF000, s14;
	s21 =	sshrl.u32 s20, $0x1;
	[sflag:s8] =	ssyncset.done $0x0  }
0x1d: {  	s14 =	simm.s32 $0x100;
	s31 =	ssub.s32 s20, s21;
	[sflag:s8] =	ssyncadd.s32 $0xFFFFE800  }
0x1e: {  	[spmem:s2] =	stream.indirect.scatter.add.f32 [tilespmem:s15], [sflag:$0x2], $0x30, s14, s12, $0xb8;
	[tilespmem:$0xC180] =	vst v63  }
0x1f: {  	s16 =	sadd.s32 s19, s16;
	s19 =	smax.u32 s31, $0x1;
	_ =	swait.ge [sflag:s8], $0x1800  }
0x20: {  	p0 =	sne.s32 s19, $0x1;
	[sflag:s8] =	ssyncset.done $0x0  }
.Ltmp0:
0x21: {  	s16 =	sadd.s32 $0x26E00, s16;
	[sflag:s8] =	ssyncadd.s32 $0xFFFFE800;
	(pc) =	sbr.rel @!p0 .LBB2_2-.Ltmp0, $4  }
0x22: {  	s16 =	sadd.s32 s17, s16;
	s17 =	sor.u32 $0x1C02, s18;
	[bflag:$0x0] =	sbarrier.arrive $0xFFFF  }
0x23: {  	[hbm:s16], [sflag:s17] =	dma.local [spmem:s6], $0xF00  }
0x24: {  	_ =	swait.ge [sflag:s8], $0xF00  }
0x25: {  	s18 =	sadd.s32 $0xFFFFFFFF, s19;
	[sflag:s8] =	ssyncset.done $0x0  }
.LBB2_1:
0x26: {  	p0 =	sne.s32 s18, $0x1;
	s18 =	sadd.s32 $0xFFFFFFFF, s18;
	[sflag:s8] =	ssyncadd.s32 $0xFFFFF100  }
0x27: {  	[spmem:s6], [sflag:s5] =	dma.local [hbm:s4], $0xF00  }
0x28: {  	_ =	swait.ge [sflag:s7], $0xF00  }
0x29: {  	[sflag:s7] =	ssyncset.done $0x0  }
0x2a: {  	[sflag:s7] =	ssyncadd.s32 $0xFFFFF100  }
0x2b: {  	[bflag:$0x0] =	sbarrier.arrive $0xFFFF  }
0x2c: {  	[tilespmem:s3], [sflag:$0x2] =	stream.linear.gather [hbm4b:s9+s3], $0x180, $0x38;
	[tilespmem:$0xC180] =	vst v63  }
0x2d: {  	_ =	swait.ge [sflag:s8], $0x180  }
0x2e: {  	[sflag:s8] =	ssyncset.done $0x0  }
0x2f: {  	[sflag:s8] =	ssyncadd.s32 $0xFFFFFE80  }
0x30: {  	[tilespmem:s11], [sflag:$0x2] =	stream.linear.gather [hbm4b:s10+s3], $0x4800, $0x38;
	[tilespmem:$0xC180] =	vst v63  }
0x31: {  	_ =	swait.ge [sflag:s8], $0x4800  }
0x32: {  	[sflag:s8] =	ssyncset.done $0x0  }
0x33: {  	[sflag:s8] =	ssyncadd.s32 $0xFFFFB800  }
0x34: {  	[spmem:s2] =	stream.indirect.scatter.add.f32 [tilespmem:s11], [sflag:$0x2], $0x30, s3, s12, $0xb8;
	[tilespmem:$0xC180] =	vst v63  }
0x35: {  	_ =	swait.ge [sflag:s8], $0x1800  }
0x36: {  	[sflag:s8] =	ssyncset.done $0x0  }
0x37: {  	[sflag:s8] =	ssyncadd.s32 $0xFFFFE800  }
0x38: {  	[spmem:s2] =	stream.indirect.scatter.add.f32 [tilespmem:s13], [sflag:$0x2], $0x30, s12, s12, $0xb8;
	[tilespmem:$0xC180] =	vst v63  }
0x39: {  	_ =	swait.ge [sflag:s8], $0x1800  }
0x3a: {  	[sflag:s8] =	ssyncset.done $0x0  }
0x3b: {  	[sflag:s8] =	ssyncadd.s32 $0xFFFFE800  }
0x3c: {  	[spmem:s2] =	stream.indirect.scatter.add.f32 [tilespmem:s15], [sflag:$0x2], $0x30, s14, s12, $0xb8;
	[tilespmem:$0xC180] =	vst v63  }
0x3d: {  	_ =	swait.ge [sflag:s8], $0x1800  }
0x3e: {  	[sflag:s8] =	ssyncset.done $0x0  }
.Ltmp1:
0x3f: {  	[sflag:s8] =	ssyncadd.s32 $0xFFFFE800;
	(pc) =	sbr.rel @p0 .LBB2_1-.Ltmp1, $4  }
0x40: {  	[bflag:$0x0] =	sbarrier.arrive $0xFFFF  }
0x41: {  	[hbm:s16], [sflag:s17] =	dma.local [spmem:s6], $0xF00  }
0x42: {  	_ =	swait.ge [sflag:s8], $0xF00  }
0x43: {  	[sflag:s8] =	ssyncset.done $0x0  }
.LBB2_2:
0x44: {  	[sflag:s8] =	ssyncadd.s32 $0xFFFFF100  }
0x45: {  	_ =	sfence.sel $0x180000  }
0x46: {  	[bflag:$0x0] =	sbarrier.arrive $0xFFFF  }
0x47: {  	p0 =	sne.s32 s1, $0x0;
	_ =	strace $0x9000004A  }
0x48: {  	s0 =	sadd.s32 @!p0 $0x100000, s0;
	[bflag:$0x2] =	sbarrier.arrive $0xFFFF  }
0x49: {  	[sflag:s0] =	ssyncadd.tile.s32 @!p0 $0x1;
	_ =	shalt  }
.Lfunc_end2:
_tile_overlayer_lowered:
.L_overlay_start_2:
0x4a: {  	(tag) =	ssettag $0x2  }
0x4b: {  	s0 =	rddreg [dreg:$0x0];
	s2 =	stileid.u32  }
0x4c: {  	s1 =	rddreg [dreg:$0x1];
	p0 =	sne.s32 s2, $0x0  }
0x4d: {  	s3 =	rddreg [dreg:$0x2];
	[bflag:$0x3] =	sbarrier.arrive $0xFFFF;
	s2 =	simm.s32 @!p0 $0x1C02  }
0x4e: {  	[timem:s3], [sflag:s2] =	dma.local @!p0 [hbm:s0], s1  }
0x4f: {  	s0 =	simm.s32 @!p0 $0x2  }
0x50: {  	_ =	swait.ge @!p0 [sflag:s0], s1  }
0x51: {  	s1 =	ssub.s32 @!p0 $0x0, s1;
	[sflag:s0] =	ssyncset.done @!p0 $0x0  }
0x52: {  	[sflag:s0] =	ssyncadd.s32 @!p0 s1  }
0x53: {  	[bflag:$0x3] =	sbarrier.arrive $0xFFFF  }
0x54: {  	_ =	shalt  }

// kernel: kernel.27.cloned.1.call-start
scs
__scs_entry_jumppad:
0x0: {  	(pc) =	sbr.rel $0x88, $3  }
0x1: {  	(tag) =	ssettag $0x0;
	lr =	simm.s32 $0x1  }
0x2: {  	[smem:$0x3F79] =	sst lr;
	_ =	strace $0xD0000000  }
0x3: {  	_ = 	snop  }
0x4: {  	_ = 	snop  }
0x5: {  	_ = 	snop  }
0x6: {  	_ = 	snop  }
0x7: {  	_ = 	snop  }
__scs_overlays_trampoline_lowered:
0x8: {  	[smem:$0x3F88] =	sst s0  }
0x9: {  	[smem:$0x3F89] =	sst s1  }
0xa: {  	[smem:$0x3F8A] =	sst s2  }
0xb: {  	[smem:$0x3F8B] =	sst s3  }
0xc: {  	[smem:$0x3F8C] =	sst s4  }
0xd: {  	[smem:$0x3F8D] =	sst s5  }
0xe: {  	[smem:$0x3F8E] =	sst s6  }
0xf: {  	[smem:$0x3F8F] =	sst s7  }
0x10: {  	[smem:$0x3F90] =	sst s8  }
0x11: {  	[smem:$0x3F91] =	sst s9;
	s0 =	simm.s32 @!p0 $0x0  }
0x12: {  	s1 =	sld [smem:$0x3F77];
	s0 =	simm.s32 @p0 $0x1  }
0x13: {  	[smem:$0x3F92] =	sst s0;
	s0 =	simm.s32 @!p1 $0x0  }
0x14: {  	s2 =	sld [smem:$0x3F76];
	s0 =	simm.s32 @p1 $0x1  }
0x15: {  	[smem:$0x3F93] =	sst s0;
	s0 =	simm.s32 @!p2 $0x0  }
0x16: {  	s3 =	sld [smem:$0x3FDB];
	s0 =	simm.s32 @p2 $0x1  }
0x17: {  	s4 =	simm.s32 $0x1BF5;
	[smem:$0x3F95] =	sst s0  }
0x18: {  	s0 =	sld [smem:$0x3F78];
	_ =	swait.ge [sflag:s4], $0x0  }
0x19: {  	s7 =	sld [smem:$0x3F79]  }
0x1a: {  	s8 =	sadd.s32 $0xFFFFE003, lr  }
0x1b: {  	s9 =	sadd.s32 $0xFFFFFEF7, lr;
	s5 =	simm.s32 $0xFFFFFFFF;
	p2 =	slt.u32 s8, $0xFFFFF086  }
0x1c: {  	p1 =	slt.u32 s9, $0xF7A;
	s5 =	simm.s32 @!p2 $0x0  }
0x1d: {  	s5 =	simm.s32 @p1 $0x1;
	p0 =	seq.s32 s7, s2  }
0x1e: {  	s7 =	smul.u32 @!p0 $0xF7A, s2;
	p2 =	seq.s32 @!p0 s5, $0x0  }
0x1f: {  	s9 =	smul.u32 $0xF7A, s1;
	s8 =	simm.s32 @!p0 $0x1BF5;
	p2 =	por !p2, p0  }
0x20: {  	[sflag:s8] =	ssyncset.s32 @!p0 $0xFFFFF086;
	s6 =	sadd.s32 @!p0 s3, s7;
	s7 =	simm.s32 @!p0 $0x108  }
0x21: {  	s3 =	sadd.s32 s3, s9;
	s6 =	sadd.s32 @!p0 $0x88, s6;
	s7 =	simm.s32 @p2 $0x1082  }
0x22: {  	[simem:s7], [sflag:s8] =	dma.local @!p0 [hbm:s6], $0xF7A  }
0x23: {  	s9 =	sor.u32 $0xD0000000, s2;
	s6 =	simm.s32 $0x108;
	_ =	swait.ge @!p0 [sflag:s8], $0x0  }
0x24: {  	s3 =	sadd.s32 $0x88, s3;
	s6 =	simm.s32 @!p1 $0x1082;
	[sflag:s4] =	ssyncset.s32 $0xFFFFF086  }
0x25: {  	[simem:s6], [sflag:s4] =	dma.local [hbm:s3], $0xF7A  }
0x26: {  	[smem:$0x3F79] =	sst s1;
	(tag) =	ssettag s2;
	_ =	strace s9  }
0x27: {  	s1 =	sld [smem:$0x3F89]  }
0x28: {  	s2 =	sld [smem:$0x3F8A]  }
0x29: {  	s4 =	sld [smem:$0x3F8C]  }
0x2a: {  	p0 =	seq.s32 s5, $0x0;
	s5 =	sld [smem:$0x3F8D]  }
0x2b: {  	s6 =	sld [smem:$0x3F8E]  }
0x2c: {  	s7 =	sld [smem:$0x3F8F]  }
0x2d: {  	s3 =	simm.s32 $0x108;
	s8 =	sld [smem:$0x3F90]  }
0x2e: {  	s3 =	simm.s32 @!p0 $0x1082;
	s9 =	sld [smem:$0x3F91]  }
0x2f: {  	lr =	sadd.s32 s0, s3;
	s0 =	sld [smem:$0x3F88]  }
0x30: {  	s3 =	sld [smem:$0x3F8B]  }
0x31: {  	[smem:$0x3F94] =	sst s10  }
0x32: {  	s10 =	sld [smem:$0x3F92];
	_ =	sdelay $0x3  }
0x33: {  	p0 =	seq.s32 s10, $0x1;
	s10 =	sld [smem:$0x3F94];
	_ =	sdelay $0x3  }
0x34: {  	[smem:$0x3F94] =	sst s10  }
0x35: {  	s10 =	sld [smem:$0x3F93];
	_ =	sdelay $0x3  }
0x36: {  	p1 =	seq.s32 s10, $0x1;
	s10 =	sld [smem:$0x3F94];
	_ =	sdelay $0x3  }
0x37: {  	[smem:$0x3F94] =	sst s10  }
0x38: {  	s10 =	sld [smem:$0x3F95]  }
0x39: {  	_ = 	snop;
	(pc) =	sbr.ind lr, $3  }
0x3a: {  	_ = 	snop  }
0x3b: {  	_ = 	snop  }
0x3c: {  	p2 =	seq.s32 s10, $0x1;
	s10 =	sld [smem:$0x3F94]  }
0x3d: {  	_ =	shalt  }
0x3e: {  	_ =	shalt  }
0x3f: {  	_ =	shalt  }
0x40: {  	_ =	shalt  }
0x41: {  	_ =	shalt  }
0x42: {  	_ =	shalt  }
0x43: {  	_ =	shalt  }
0x44: {  	_ =	shalt  }
0x45: {  	_ =	shalt  }
0x46: {  	_ =	shalt  }
0x47: {  	_ =	shalt  }
0x48: {  	_ =	shalt  }
0x49: {  	_ =	shalt  }
0x4a: {  	_ =	shalt  }
0x4b: {  	_ =	shalt  }
0x4c: {  	_ =	shalt  }
0x4d: {  	_ =	shalt  }
0x4e: {  	_ =	shalt  }
0x4f: {  	_ =	shalt  }
0x50: {  	_ =	shalt  }
0x51: {  	_ =	shalt  }
0x52: {  	_ =	shalt  }
0x53: {  	_ =	shalt  }
0x54: {  	_ =	shalt  }
0x55: {  	_ =	shalt  }
0x56: {  	_ =	shalt  }
0x57: {  	_ =	shalt  }
0x58: {  	_ =	shalt  }
0x59: {  	_ =	shalt  }
0x5a: {  	_ =	shalt  }
0x5b: {  	_ =	shalt  }
0x5c: {  	_ =	shalt  }
0x5d: {  	_ =	shalt  }
0x5e: {  	_ =	shalt  }
0x5f: {  	_ =	shalt  }
0x60: {  	_ =	shalt  }
0x61: {  	_ =	shalt  }
0x62: {  	_ =	shalt  }
0x63: {  	_ =	shalt  }
0x64: {  	_ =	shalt  }
0x65: {  	_ =	shalt  }
0x66: {  	_ =	shalt  }
0x67: {  	_ =	shalt  }
0x68: {  	_ =	shalt  }
0x69: {  	_ =	shalt  }
0x6a: {  	_ =	shalt  }
0x6b: {  	_ =	shalt  }
0x6c: {  	_ =	shalt  }
0x6d: {  	_ =	shalt  }
0x6e: {  	_ =	shalt  }
0x6f: {  	_ =	shalt  }
0x70: {  	_ =	shalt  }
0x71: {  	_ =	shalt  }
0x72: {  	_ =	shalt  }
0x73: {  	_ =	shalt  }
0x74: {  	_ =	shalt  }
0x75: {  	_ =	shalt  }
0x76: {  	_ =	shalt  }
0x77: {  	_ =	shalt  }
0x78: {  	_ =	shalt  }
0x79: {  	_ =	shalt  }
0x7a: {  	_ =	shalt  }
0x7b: {  	_ =	shalt  }
0x7c: {  	_ =	shalt  }
0x7d: {  	_ =	shalt  }
0x7e: {  	_ =	shalt  }
0x7f: {  	_ =	shalt  }
0x80: {  	_ =	shalt  }
0x81: {  	_ =	shalt  }
0x82: {  	_ =	shalt  }
0x83: {  	_ =	shalt  }
0x84: {  	_ =	shalt  }
0x85: {  	_ =	shalt  }
0x86: {  	_ =	shalt  }
0x87: {  	_ =	shalt  }
.Lfunc_end0:
.L_simem_size_0:
called_computation.2_lowered:
.L_overlay_start_0:
0x88: {  	s2 =	sld [smem:$0x3FD9]  }
0x89: {  	s3 =	sld [smem:$0x3FFE];
	_ =	sdelay $0x1  }
0x8a: {  	s1 =	srdreg.scid  }
0x8b: {  	s0 =	sand.u32 $0x1, s1  }
0x8c: {  	s17 =	sshll.u32 s0, $0xA;
	s2 =	sadd.s32 s3, s2  }
0x8d: {  	s2 =	sadd.s32 s2, s17  }
0x8e: {  	[smem:$0x3FA0] =	sst s2  }
0x8f: {  	_ = 	snop  }
0x90: {  	s18 =	sld [smem:$0x3FD0];
	(tm) =	ssettm $0x1  }
0x91: {  	s19 =	sld [smem:$0x3FFB];
	_ =	sdelay $0x3  }
0x92: {  	_ =	strace s19  }
0x93: {  	s2 =	sld [smem:$0x3FFC];
	_ =	sdelay $0x3  }
0x94: {  	_ =	strace s2  }
0x95: {  	s2 =	sld [smem:$0x3FFD];
	_ =	sdelay $0x3  }
0x96: {  	_ =	strace s2  }
0x97: {  	_ =	strace $0x8FFFFFFF  }
0x98: {  	s20 =	sld [smem:$0x3FDB];
	_ =	sdelay $0x1  }
0x99: {  	s4 =	simm.s32 $_scs_section_size  }
0x9a: {  	s5 =	simm.s32 $_size__tile_overlayer_lowered;
	s6 =	simm.s32 $_tile_overlayer_lowered  }
0x9b: {  	s7 =	simm.s32 $0x1BFF;
	s21 =	sshll.u32 s6, $0x1;
	s4 =	sadd.s32 s4, s20  }
0x9c: {  	s22 =	simm.s32 $0x0;
	s5 =	sshll.u32 s5, $0x1;
	s6 =	sadd.s32 s21, s4  }
0x9d: {  	[timem:s22], [sflag:s7] =	dma.local [hbm:s6], s5  }
0x9e: {  	_ =	swait.ge [sflag:s7], s5  }
0x9f: {  	s5 =	ssub.s32 $0x0, s5;
	[sflag:s7] =	ssyncset.done $0x0  }
0xa0: {  	[sflag:s7] =	ssyncadd.s32 s5;
	_ =	sdelay $0x1  }
0xa1: {  	s23 =	simm.s32 $0x1B8B  }
0xa2: {  	_ =	swait.ge [sflag:s23], $0x1  }
0xa3: {  	[sflag:s23] =	ssyncset.done $0x0  }
0xa4: {  	[sflag:s23] =	ssyncadd.s32 $0xFFFFFFFF  }
0xa5: {  	s5 =	sld [smem:$0x0]  }
0xa6: {  	s6 =	sand.u32 $0xFFFFFFFE, s1  }
0xa7: {  	p0 =	sne.s32 s1, s6  }
0xa8: {  	s6 =	sshll.u32 @p0 s6, $0xE  }
0xa9: {  	s6 =	sadd.s32 @p0 $0x11B8D, s6;
	s7 =	sshll.u32 @p0 s5, $0x11  }
0xaa: {  	s6 =	sor.u32 @p0 s7, s6  }
0xab: {  	[sflag:s6] =	ssyncadd.remote.s32 @p0 $0x1;
	_ =	sdelay $0x1  }
0xac: {  	s6 =	simm.s32 @p0 $0x1B8D  }
0xad: {  	_ =	swait.eq @p0 [sflag:s6], $0x1  }
0xae: {  	[sflag:s6] =	ssyncadd.s32 @p0 $0xFFFFFFFF  }
0xaf: {  	s7 =	sshll.u32 @!p0 s1, $0xE  }
0xb0: {  	s7 =	sor.u32 @!p0 $0x4000, s7;
	s6 =	simm.s32 @!p0 $0x1B8D  }
0xb1: {  	s5 =	sshll.u32 @!p0 s5, $0x11;
	s7 =	sadd.s32 @!p0 $0x11B8D, s7;
	_ =	swait.eq @!p0 [sflag:s6], $0x1  }
0xb2: {  	s5 =	sor.u32 @!p0 s5, s7;
	[sflag:s6] =	ssyncadd.s32 @!p0 $0xFFFFFFFF  }
0xb3: {  	s25 =	simm.s32 $0x1B8E;
	s24 =	sld [smem:$0x3FFE];
	[sflag:s5] =	ssyncadd.remote.s32 @!p0 $0x1  }
0xb4: {  	s26 =	simm.s32 $execute0_lowered;
	[smem:$0x3FD2] =	sst s25  }
0xb5: {  	s6 =	sshll.u32 s26, $0x1;
	_ =	strace $0x8000004F;
	[dreg:$0x1] =	wrdreg $0xFFFFFFFF  }
0xb6: {  	s28 =	simm.s32 $_size_execute0_lowered;
	s4 =	sadd.s32 s4, s6;
	[dreg:$0x0] =	wrdreg $0x0  }
0xb7: {  	s6 =	sshll.u32 s28, $0x1;
	[dreg:$0x2] =	wrdreg s4  }
0xb8: {  	[dreg:$0x3] =	wrdreg s6  }
0xb9: {  	[dreg:$0x4] =	wrdreg $0xC0  }
0xba: {  	_ =	task [dreg:s22], $0x5FFFF  }
0xbb: {  	[dreg:$0x1] =	wrdreg $0xFFFFFFFF  }
0xbc: {  	[dreg:$0x0] =	wrdreg $0x60  }
0xbd: {  	[dreg:$0x2] =	wrdreg s24  }
0xbe: {  	[dreg:$0x3] =	wrdreg s18  }
0xbf: {  	[dreg:$0x4] =	wrdreg $0x9  }
0xc0: {  	_ =	task.clear_ibuf [dreg:s22], $0x5FFFF;
	_ =	strace $0x9000004F  }
0xc1: {  	s29 =	simm.s32 $0x9;
	_ =	strace $0x80000051  }
0xc2: {  	_ =	swait.ge [sflag:s29], $0x1  }
0xc3: {  	[sflag:s29] =	ssyncadd.s32 $0xFFFFFFFF  }
0xc4: {  	_ =	strace $0x90000051  }
0xc5: {  	_ =	sfence  }
0xc6: {  	s30 =	sld [smem:$0x0];
	_ =	sdelay $0x2  }
0xc7: {  	s31 =	sshll.u32 s1, $0xD;
	s1 =	sshrl.u32 s1, $0x2  }
0xc8: {  	s4 =	sand.u32 $0x4000, s31;
	s1 =	sadd.s32 s1, s30  }
0xc9: {  	s0 =	sor.u32 s4, s0;
	s1 =	sshll.u32 s1, $0x11  }
0xca: {  	s0 =	sor.u32 s1, s0  }
0xcb: {  	s0 =	sadd.s32 $0x8F2B, s0  }
0xcc: {  	[sflag:s0] =	ssyncadd.remote.s32 $0x1  }
0xcd: {  	_ =	sfence.sel $0xFFFF  }
0xce: {  	[dreg:$0x0] =	wrdreg $0xFFFFFFFF;
	(pc) =	sbr.abs _section_cstart, $3  }
0xcf: {  	[dreg:$0x1] =	wrdreg $0xFFFFFFFF  }
0xd0: {  	_ =	task.clear_ibuf [dreg:s22], $0x2FFFF;
	_ =	strace $0x9FFFFFFF  }
0xd1: {  	(tm) =	ssettm $0x7FFFFFFF  }
tec
execute0_lowered:
.L_overlay_start_1:
0x0: {  	(tag) =	ssettag $0x1  }
0x1: {  	s1 =	srdreg.scid;
	s0 =	stileid.u32  }
0x2: {  	s10 =	rddreg [dreg:$0x0];
	s21 =	sand.u32 $0x1, s1;
	s31 =	sshll.u32 s0, $0x1  }
0x3: {  	s3 =	rddreg [dreg:$0x1];
	s8 =	sor.u32 s21, s31  }
0x4: {  	s2 =	simm.s32 $0x0;
	s1 =	rddreg [dreg:$0x2];
	s4 =	smul.u32 $0x60, s8  }
0x5: {  	[smem:$0x7FF] =	sst s2  }
0x6: {  	_ =	strace $0x80000050;
	s3 =	sadd.s32 s3, s4;
	s4 =	simm.s32 $0x4  }
0x7: {  	[tilespmem:s2], [sflag:$0x4] =	stream.linear.gather [hbm4b:s3+s2], $0x300, $0x38;
	[tilespmem:$0x3300] =	vst v63  }
0x8: {  	_ =	swait.ge [sflag:s4], $0x300  }
0x9: {  	s6 =	simm.s32 $0x80;
	[sflag:s4] =	ssyncset.done $0x0  }
0xa: {  	s7 =	simm.s32 $0x300;
	s5 =	sadd.s32 $0x5E00, s10;
	[sflag:s4] =	ssyncadd.s32 $0xFFFFFD00  }
0xb: {  	[tilespmem:s7], [sflag:$0x1] =	stream.indirect.gather [hbm4b:s5+s6], $0x30, s2, s6, $0xb8;
	[tilespmem:$0x3300] =	vst v63  }
0xc: {  	s9 =	simm.s32 $0x1;
	s11 =	smul.u32 $0x1200, s8;
	s8 =	simm.s32 $0x1B00  }
0xd: {  	[tilespmem:s8], [sflag:$0x2] =	stream.indirect.gather [hbm4b:s5+s6], $0x30, s6, s6, $0xb8;
	[tilespmem:$0x3300] =	vst v63  }
0xe: {  	_ =	swait.ge [sflag:s9], $0x1800  }
0xf: {  	s22 =	sadd.s32 s11, s10;
	[sflag:s9] =	ssyncset.done $0x0  }
0x10: {  	s11 =	simm.s32 $0x2;
	s10 =	sadd.s32 $0x186200, s22;
	[sflag:s9] =	ssyncadd.s32 $0xFFFFE800  }
0x11: {  	[hbm4b:s10+s2] =	stream.linear.scatter [tilespmem:s7], [sflag:$0x3], $0x1800, $0x38;
	[tilespmem:$0x3300] =	vst v63  }
0x12: {  	_ =	swait.ge [sflag:s11], $0x1800  }
0x13: {  	[sflag:s11] =	ssyncset.done $0x0  }
0x14: {  	s12 =	simm.s32 $0x3;
	[sflag:s11] =	ssyncadd.s32 $0xFFFFE800  }
0x15: {  	_ =	swait.ge [sflag:s12], $0x1800  }
0x16: {  	[sflag:s12] =	ssyncset.done $0x0  }
0x17: {  	s13 =	sadd.s32 $0x186500, s22;
	[sflag:s12] =	ssyncadd.s32 $0xFFFFE800  }
0x18: {  	[hbm4b:s13+s2] =	stream.linear.scatter [tilespmem:s8], [sflag:$0x3], $0x1800, $0x38;
	[tilespmem:$0x3300] =	vst v63  }
0x19: {  	_ =	swait.ge [sflag:s12], $0x1800  }
0x1a: {  	[sflag:s12] =	ssyncset.done $0x0  }
0x1b: {  	s14 =	simm.s32 $0x100;
	[sflag:s12] =	ssyncadd.s32 $0xFFFFE800  }
0x1c: {  	[tilespmem:s7], [sflag:$0x1] =	stream.indirect.gather [hbm4b:s5+s6], $0x30, s14, s6, $0xb8;
	[tilespmem:$0x3300] =	vst v63  }
0x1d: {  	s15 =	simm.s32 $0x180  }
0x1e: {  	[tilespmem:s8], [sflag:$0x2] =	stream.indirect.gather [hbm4b:s5+s6], $0x30, s15, s6, $0xb8;
	[tilespmem:$0x3300] =	vst v63  }
0x1f: {  	_ =	swait.ge [sflag:s9], $0x1800  }
0x20: {  	[sflag:s9] =	ssyncset.done $0x0  }
0x21: {  	s16 =	sadd.s32 $0x186800, s22;
	[sflag:s9] =	ssyncadd.s32 $0xFFFFE800  }
0x22: {  	[hbm4b:s16+s2] =	stream.linear.scatter [tilespmem:s7], [sflag:$0x3], $0x1800, $0x38;
	[tilespmem:$0x3300] =	vst v63  }
0x23: {  	_ =	swait.ge [sflag:s11], $0x1800  }
0x24: {  	[sflag:s11] =	ssyncset.done $0x0  }
0x25: {  	[sflag:s11] =	ssyncadd.s32 $0xFFFFE800  }
0x26: {  	_ =	swait.ge [sflag:s12], $0x1800  }
0x27: {  	[sflag:s12] =	ssyncset.done $0x0  }
0x28: {  	s17 =	sadd.s32 $0x186B00, s22;
	[sflag:s12] =	ssyncadd.s32 $0xFFFFE800  }
0x29: {  	[hbm4b:s17+s2] =	stream.linear.scatter [tilespmem:s8], [sflag:$0x3], $0x1800, $0x38;
	[tilespmem:$0x3300] =	vst v63  }
0x2a: {  	_ =	swait.ge [sflag:s12], $0x1800  }
0x2b: {  	[sflag:s12] =	ssyncset.done $0x0  }
0x2c: {  	s18 =	simm.s32 $0x200;
	[sflag:s12] =	ssyncadd.s32 $0xFFFFE800  }
0x2d: {  	[tilespmem:s7], [sflag:$0x1] =	stream.indirect.gather [hbm4b:s5+s6], $0x30, s18, s6, $0xb8;
	[tilespmem:$0x3300] =	vst v63  }
0x2e: {  	s19 =	simm.s32 $0x280  }
0x2f: {  	[tilespmem:s8], [sflag:$0x2] =	stream.indirect.gather [hbm4b:s5+s6], $0x30, s19, s6, $0xb8;
	[tilespmem:$0x3300] =	vst v63  }
0x30: {  	_ =	swait.ge [sflag:s9], $0x1800  }
0x31: {  	[sflag:s9] =	ssyncset.done $0x0  }
0x32: {  	s21 =	ssub.s32 $0x2, s21;
	s20 =	sadd.s32 $0x186E00, s22;
	[sflag:s9] =	ssyncadd.s32 $0xFFFFE800  }
0x33: {  	[hbm4b:s20+s2] =	stream.linear.scatter [tilespmem:s7], [sflag:$0x3], $0x1800, $0x38;
	[tilespmem:$0x3300] =	vst v63  }
0x34: {  	s23 =	sshrl.u32 s21, $0x1;
	_ =	swait.ge [sflag:s11], $0x1800  }
0x35: {  	s21 =	ssub.s32 s21, s23;
	[sflag:s11] =	ssyncset.done $0x0  }
0x36: {  	s23 =	smax.u32 s21, $0x1;
	[sflag:s11] =	ssyncadd.s32 $0xFFFFE800  }
0x37: {  	p0 =	sne.s32 s23, $0x1;
	_ =	swait.ge [sflag:s12], $0x1800  }
.Ltmp0:
0x38: {  	[sflag:s12] =	ssyncset.done $0x0;
	(pc) =	sbr.rel @!p0 .LBB2_2-.Ltmp0, $4  }
0x39: {  	s21 =	sadd.s32 $0x187100, s22;
	[sflag:s12] =	ssyncadd.s32 $0xFFFFE800  }
0x3a: {  	[hbm4b:s21+s2] =	stream.linear.scatter [tilespmem:s8], [sflag:$0x3], $0x1800, $0x38;
	[tilespmem:$0x3300] =	vst v63  }
0x3b: {  	_ =	swait.ge [sflag:s12], $0x1800  }
0x3c: {  	s22 =	sadd.s32 $0xFFFFFFFF, s23;
	[sflag:s12] =	ssyncset.done $0x0  }
.LBB2_1:
0x3d: {  	p0 =	sne.s32 s22, $0x1;
	s22 =	sadd.s32 $0xFFFFFFFF, s22;
	[sflag:s12] =	ssyncadd.s32 $0xFFFFE800  }
0x3e: {  	[tilespmem:s2], [sflag:$0x4] =	stream.linear.gather [hbm4b:s3+s2], $0x300, $0x38;
	[tilespmem:$0x3300] =	vst v63  }
0x3f: {  	_ =	swait.ge [sflag:s4], $0x300  }
0x40: {  	[sflag:s4] =	ssyncset.done $0x0  }
0x41: {  	[sflag:s4] =	ssyncadd.s32 $0xFFFFFD00  }
0x42: {  	[tilespmem:s7], [sflag:$0x1] =	stream.indirect.gather [hbm4b:s5+s6], $0x30, s2, s6, $0xb8;
	[tilespmem:$0x3300] =	vst v63  }
0x43: {  	_ = 	snop  }
0x44: {  	[tilespmem:s8], [sflag:$0x2] =	stream.indirect.gather [hbm4b:s5+s6], $0x30, s6, s6, $0xb8;
	[tilespmem:$0x3300] =	vst v63  }
0x45: {  	_ =	swait.ge [sflag:s9], $0x1800  }
0x46: {  	[sflag:s9] =	ssyncset.done $0x0  }
0x47: {  	[sflag:s9] =	ssyncadd.s32 $0xFFFFE800  }
0x48: {  	[hbm4b:s10+s2] =	stream.linear.scatter [tilespmem:s7], [sflag:$0x3], $0x1800, $0x38;
	[tilespmem:$0x3300] =	vst v63  }
0x49: {  	_ =	swait.ge [sflag:s11], $0x1800  }
0x4a: {  	[sflag:s11] =	ssyncset.done $0x0  }
0x4b: {  	[sflag:s11] =	ssyncadd.s32 $0xFFFFE800  }
0x4c: {  	_ =	swait.ge [sflag:s12], $0x1800  }
0x4d: {  	[sflag:s12] =	ssyncset.done $0x0  }
0x4e: {  	[sflag:s12] =	ssyncadd.s32 $0xFFFFE800  }
0x4f: {  	[hbm4b:s13+s2] =	stream.linear.scatter [tilespmem:s8], [sflag:$0x3], $0x1800, $0x38;
	[tilespmem:$0x3300] =	vst v63  }
0x50: {  	_ =	swait.ge [sflag:s12], $0x1800  }
0x51: {  	[sflag:s12] =	ssyncset.done $0x0  }
0x52: {  	[sflag:s12] =	ssyncadd.s32 $0xFFFFE800  }
0x53: {  	[tilespmem:s7], [sflag:$0x1] =	stream.indirect.gather [hbm4b:s5+s6], $0x30, s14, s6, $0xb8;
	[tilespmem:$0x3300] =	vst v63  }
0x54: {  	_ = 	snop  }
0x55: {  	[tilespmem:s8], [sflag:$0x2] =	stream.indirect.gather [hbm4b:s5+s6], $0x30, s15, s6, $0xb8;
	[tilespmem:$0x3300] =	vst v63  }
0x56: {  	_ =	swait.ge [sflag:s9], $0x1800  }
0x57: {  	[sflag:s9] =	ssyncset.done $0x0  }
0x58: {  	[sflag:s9] =	ssyncadd.s32 $0xFFFFE800  }
0x59: {  	[hbm4b:s16+s2] =	stream.linear.scatter [tilespmem:s7], [sflag:$0x3], $0x1800, $0x38;
	[tilespmem:$0x3300] =	vst v63  }
0x5a: {  	_ =	swait.ge [sflag:s11], $0x1800  }
0x5b: {  	[sflag:s11] =	ssyncset.done $0x0  }
0x5c: {  	[sflag:s11] =	ssyncadd.s32 $0xFFFFE800  }
0x5d: {  	_ =	swait.ge [sflag:s12], $0x1800  }
0x5e: {  	[sflag:s12] =	ssyncset.done $0x0  }
0x5f: {  	[sflag:s12] =	ssyncadd.s32 $0xFFFFE800  }
0x60: {  	[hbm4b:s17+s2] =	stream.linear.scatter [tilespmem:s8], [sflag:$0x3], $0x1800, $0x38;
	[tilespmem:$0x3300] =	vst v63  }
0x61: {  	_ =	swait.ge [sflag:s12], $0x1800  }
0x62: {  	[sflag:s12] =	ssyncset.done $0x0  }
0x63: {  	[sflag:s12] =	ssyncadd.s32 $0xFFFFE800  }
0x64: {  	[tilespmem:s7], [sflag:$0x1] =	stream.indirect.gather [hbm4b:s5+s6], $0x30, s18, s6, $0xb8;
	[tilespmem:$0x3300] =	vst v63  }
0x65: {  	_ = 	snop  }
0x66: {  	[tilespmem:s8], [sflag:$0x2] =	stream.indirect.gather [hbm4b:s5+s6], $0x30, s19, s6, $0xb8;
	[tilespmem:$0x3300] =	vst v63  }
0x67: {  	_ =	swait.ge [sflag:s9], $0x1800  }
0x68: {  	[sflag:s9] =	ssyncset.done $0x0  }
0x69: {  	[sflag:s9] =	ssyncadd.s32 $0xFFFFE800  }
0x6a: {  	[hbm4b:s20+s2] =	stream.linear.scatter [tilespmem:s7], [sflag:$0x3], $0x1800, $0x38;
	[tilespmem:$0x3300] =	vst v63  }
0x6b: {  	_ =	swait.ge [sflag:s11], $0x1800  }
0x6c: {  	[sflag:s11] =	ssyncset.done $0x0  }
0x6d: {  	[sflag:s11] =	ssyncadd.s32 $0xFFFFE800  }
0x6e: {  	_ =	swait.ge [sflag:s12], $0x1800  }
.Ltmp1:
0x6f: {  	[sflag:s12] =	ssyncset.done $0x0;
	(pc) =	sbr.rel @p0 .LBB2_1-.Ltmp1, $4  }
0x70: {  	[sflag:s12] =	ssyncadd.s32 $0xFFFFE800  }
0x71: {  	[hbm4b:s21+s2] =	stream.linear.scatter [tilespmem:s8], [sflag:$0x3], $0x1800, $0x38;
	[tilespmem:$0x3300] =	vst v63  }
0x72: {  	_ =	swait.ge [sflag:s12], $0x1800  }
0x73: {  	[sflag:s12] =	ssyncset.done $0x0  }
.LBB2_2:
0x74: {  	[sflag:s12] =	ssyncadd.s32 $0xFFFFE800  }
0x75: {  	_ =	sfence.sel $0x180000  }
0x76: {  	[bflag:$0x0] =	sbarrier.arrive $0xFFFF  }
0x77: {  	p0 =	sne.s32 s0, $0x0;
	_ =	strace $0x90000050  }
0x78: {  	s0 =	sadd.s32 @!p0 $0x100000, s1;
	[bflag:$0x2] =	sbarrier.arrive $0xFFFF  }
0x79: {  	[sflag:s0] =	ssyncadd.tile.s32 @!p0 $0x1;
	_ =	shalt  }
.Lfunc_end2:
_tile_overlayer_lowered:
.L_overlay_start_2:
0x7a: {  	(tag) =	ssettag $0x2  }
0x7b: {  	s0 =	rddreg [dreg:$0x0];
	s2 =	stileid.u32  }
0x7c: {  	s1 =	rddreg [dreg:$0x1];
	p0 =	sne.s32 s2, $0x0  }
0x7d: {  	s3 =	rddreg [dreg:$0x2];
	[bflag:$0x3] =	sbarrier.arrive $0xFFFF;
	s2 =	simm.s32 @!p0 $0x1C04  }
0x7e: {  	[timem:s3], [sflag:s2] =	dma.local @!p0 [hbm:s0], s1  }
0x7f: {  	s0 =	simm.s32 @!p0 $0x4  }
0x80: {  	_ =	swait.ge @!p0 [sflag:s0], s1  }
0x81: {  	s1 =	ssub.s32 @!p0 $0x0, s1;
	[sflag:s0] =	ssyncset.done @!p0 $0x0  }
0x82: {  	[sflag:s0] =	ssyncadd.s32 @!p0 s1  }
0x83: {  	[bflag:$0x3] =	sbarrier.arrive $0xFFFF  }
0x84: {  	_ =	shalt  }

// kernel: kernel.30.cloned.1.call-start
scs
__scs_entry_jumppad:
0x0: {  	(pc) =	sbr.rel $0x88, $3  }
0x1: {  	(tag) =	ssettag $0x0;
	lr =	simm.s32 $0x1  }
0x2: {  	[smem:$0x3F79] =	sst lr;
	_ =	strace $0xD0000000  }
0x3: {  	_ = 	snop  }
0x4: {  	_ = 	snop  }
0x5: {  	_ = 	snop  }
0x6: {  	_ = 	snop  }
0x7: {  	_ = 	snop  }
__scs_overlays_trampoline_lowered:
0x8: {  	[smem:$0x3F88] =	sst s0  }
0x9: {  	[smem:$0x3F89] =	sst s1  }
0xa: {  	[smem:$0x3F8A] =	sst s2  }
0xb: {  	[smem:$0x3F8B] =	sst s3  }
0xc: {  	[smem:$0x3F8C] =	sst s4  }
0xd: {  	[smem:$0x3F8D] =	sst s5  }
0xe: {  	[smem:$0x3F8E] =	sst s6  }
0xf: {  	[smem:$0x3F8F] =	sst s7  }
0x10: {  	[smem:$0x3F90] =	sst s8  }
0x11: {  	[smem:$0x3F91] =	sst s9;
	s0 =	simm.s32 @!p0 $0x0  }
0x12: {  	s1 =	sld [smem:$0x3F77];
	s0 =	simm.s32 @p0 $0x1  }
0x13: {  	[smem:$0x3F92] =	sst s0;
	s0 =	simm.s32 @!p1 $0x0  }
0x14: {  	s2 =	sld [smem:$0x3F76];
	s0 =	simm.s32 @p1 $0x1  }
0x15: {  	[smem:$0x3F93] =	sst s0;
	s0 =	simm.s32 @!p2 $0x0  }
0x16: {  	s3 =	sld [smem:$0x3FDB];
	s0 =	simm.s32 @p2 $0x1  }
0x17: {  	s4 =	simm.s32 $0x1BF5;
	[smem:$0x3F95] =	sst s0  }
0x18: {  	s0 =	sld [smem:$0x3F78];
	_ =	swait.ge [sflag:s4], $0x0  }
0x19: {  	s7 =	sld [smem:$0x3F79]  }
0x1a: {  	s8 =	sadd.s32 $0xFFFFE003, lr  }
0x1b: {  	s9 =	sadd.s32 $0xFFFFFEF7, lr;
	s5 =	simm.s32 $0xFFFFFFFF;
	p2 =	slt.u32 s8, $0xFFFFF086  }
0x1c: {  	p1 =	slt.u32 s9, $0xF7A;
	s5 =	simm.s32 @!p2 $0x0  }
0x1d: {  	s5 =	simm.s32 @p1 $0x1;
	p0 =	seq.s32 s7, s2  }
0x1e: {  	s7 =	smul.u32 @!p0 $0xF7A, s2;
	p2 =	seq.s32 @!p0 s5, $0x0  }
0x1f: {  	s9 =	smul.u32 $0xF7A, s1;
	s8 =	simm.s32 @!p0 $0x1BF5;
	p2 =	por !p2, p0  }
0x20: {  	[sflag:s8] =	ssyncset.s32 @!p0 $0xFFFFF086;
	s6 =	sadd.s32 @!p0 s3, s7;
	s7 =	simm.s32 @!p0 $0x108  }
0x21: {  	s3 =	sadd.s32 s3, s9;
	s6 =	sadd.s32 @!p0 $0x88, s6;
	s7 =	simm.s32 @p2 $0x1082  }
0x22: {  	[simem:s7], [sflag:s8] =	dma.local @!p0 [hbm:s6], $0xF7A  }
0x23: {  	s9 =	sor.u32 $0xD0000000, s2;
	s6 =	simm.s32 $0x108;
	_ =	swait.ge @!p0 [sflag:s8], $0x0  }
0x24: {  	s3 =	sadd.s32 $0x88, s3;
	s6 =	simm.s32 @!p1 $0x1082;
	[sflag:s4] =	ssyncset.s32 $0xFFFFF086  }
0x25: {  	[simem:s6], [sflag:s4] =	dma.local [hbm:s3], $0xF7A  }
0x26: {  	[smem:$0x3F79] =	sst s1;
	(tag) =	ssettag s2;
	_ =	strace s9  }
0x27: {  	s1 =	sld [smem:$0x3F89]  }
0x28: {  	s2 =	sld [smem:$0x3F8A]  }
0x29: {  	s4 =	sld [smem:$0x3F8C]  }
0x2a: {  	p0 =	seq.s32 s5, $0x0;
	s5 =	sld [smem:$0x3F8D]  }
0x2b: {  	s6 =	sld [smem:$0x3F8E]  }
0x2c: {  	s7 =	sld [smem:$0x3F8F]  }
0x2d: {  	s3 =	simm.s32 $0x108;
	s8 =	sld [smem:$0x3F90]  }
0x2e: {  	s3 =	simm.s32 @!p0 $0x1082;
	s9 =	sld [smem:$0x3F91]  }
0x2f: {  	lr =	sadd.s32 s0, s3;
	s0 =	sld [smem:$0x3F88]  }
0x30: {  	s3 =	sld [smem:$0x3F8B]  }
0x31: {  	[smem:$0x3F94] =	sst s10  }
0x32: {  	s10 =	sld [smem:$0x3F92];
	_ =	sdelay $0x3  }
0x33: {  	p0 =	seq.s32 s10, $0x1;
	s10 =	sld [smem:$0x3F94];
	_ =	sdelay $0x3  }
0x34: {  	[smem:$0x3F94] =	sst s10  }
0x35: {  	s10 =	sld [smem:$0x3F93];
	_ =	sdelay $0x3  }
0x36: {  	p1 =	seq.s32 s10, $0x1;
	s10 =	sld [smem:$0x3F94];
	_ =	sdelay $0x3  }
0x37: {  	[smem:$0x3F94] =	sst s10  }
0x38: {  	s10 =	sld [smem:$0x3F95]  }
0x39: {  	_ = 	snop;
	(pc) =	sbr.ind lr, $3  }
0x3a: {  	_ = 	snop  }
0x3b: {  	_ = 	snop  }
0x3c: {  	p2 =	seq.s32 s10, $0x1;
	s10 =	sld [smem:$0x3F94]  }
0x3d: {  	_ =	shalt  }
0x3e: {  	_ =	shalt  }
0x3f: {  	_ =	shalt  }
0x40: {  	_ =	shalt  }
0x41: {  	_ =	shalt  }
0x42: {  	_ =	shalt  }
0x43: {  	_ =	shalt  }
0x44: {  	_ =	shalt  }
0x45: {  	_ =	shalt  }
0x46: {  	_ =	shalt  }
0x47: {  	_ =	shalt  }
0x48: {  	_ =	shalt  }
0x49: {  	_ =	shalt  }
0x4a: {  	_ =	shalt  }
0x4b: {  	_ =	shalt  }
0x4c: {  	_ =	shalt  }
0x4d: {  	_ =	shalt  }
0x4e: {  	_ =	shalt  }
0x4f: {  	_ =	shalt  }
0x50: {  	_ =	shalt  }
0x51: {  	_ =	shalt  }
0x52: {  	_ =	shalt  }
0x53: {  	_ =	shalt  }
0x54: {  	_ =	shalt  }
0x55: {  	_ =	shalt  }
0x56: {  	_ =	shalt  }
0x57: {  	_ =	shalt  }
0x58: {  	_ =	shalt  }
0x59: {  	_ =	shalt  }
0x5a: {  	_ =	shalt  }
0x5b: {  	_ =	shalt  }
0x5c: {  	_ =	shalt  }
0x5d: {  	_ =	shalt  }
0x5e: {  	_ =	shalt  }
0x5f: {  	_ =	shalt  }
0x60: {  	_ =	shalt  }
0x61: {  	_ =	shalt  }
0x62: {  	_ =	shalt  }
0x63: {  	_ =	shalt  }
0x64: {  	_ =	shalt  }
0x65: {  	_ =	shalt  }
0x66: {  	_ =	shalt  }
0x67: {  	_ =	shalt  }
0x68: {  	_ =	shalt  }
0x69: {  	_ =	shalt  }
0x6a: {  	_ =	shalt  }
0x6b: {  	_ =	shalt  }
0x6c: {  	_ =	shalt  }
0x6d: {  	_ =	shalt  }
0x6e: {  	_ =	shalt  }
0x6f: {  	_ =	shalt  }
0x70: {  	_ =	shalt  }
0x71: {  	_ =	shalt  }
0x72: {  	_ =	shalt  }
0x73: {  	_ =	shalt  }
0x74: {  	_ =	shalt  }
0x75: {  	_ =	shalt  }
0x76: {  	_ =	shalt  }
0x77: {  	_ =	shalt  }
0x78: {  	_ =	shalt  }
0x79: {  	_ =	shalt  }
0x7a: {  	_ =	shalt  }
0x7b: {  	_ =	shalt  }
0x7c: {  	_ =	shalt  }
0x7d: {  	_ =	shalt  }
0x7e: {  	_ =	shalt  }
0x7f: {  	_ =	shalt  }
0x80: {  	_ =	shalt  }
0x81: {  	_ =	shalt  }
0x82: {  	_ =	shalt  }
0x83: {  	_ =	shalt  }
0x84: {  	_ =	shalt  }
0x85: {  	_ =	shalt  }
0x86: {  	_ =	shalt  }
0x87: {  	_ =	shalt  }
.Lfunc_end0:
.L_simem_size_0:
called_computation.3_lowered:
.L_overlay_start_0:
0x88: {  	s2 =	sld [smem:$0x3FD9]  }
0x89: {  	s3 =	sld [smem:$0x3FFE];
	_ =	sdelay $0x1  }
0x8a: {  	s1 =	srdreg.scid  }
0x8b: {  	s0 =	sand.u32 $0x1, s1  }
0x8c: {  	s17 =	sshll.u32 s0, $0xA;
	s2 =	sadd.s32 s3, s2  }
0x8d: {  	s2 =	sadd.s32 s2, s17  }
0x8e: {  	[smem:$0x3FA0] =	sst s2  }
0x8f: {  	_ = 	snop  }
0x90: {  	(tm) =	ssettm $0x1  }
0x91: {  	s18 =	sld [smem:$0x3FFB];
	_ =	sdelay $0x3  }
0x92: {  	_ =	strace s18  }
0x93: {  	s2 =	sld [smem:$0x3FFC];
	_ =	sdelay $0x3  }
0x94: {  	_ =	strace s2  }
0x95: {  	s2 =	sld [smem:$0x3FFD];
	_ =	sdelay $0x3  }
0x96: {  	_ =	strace s2  }
0x97: {  	_ =	strace $0x8FFFFFFF  }
0x98: {  	s19 =	sld [smem:$0x3FDB];
	_ =	sdelay $0x1  }
0x99: {  	s20 =	simm.s32 $_scs_section_size  }
0x9a: {  	s4 =	simm.s32 $_size__tile_overlayer_lowered;
	s5 =	simm.s32 $_tile_overlayer_lowered  }
0x9b: {  	s6 =	simm.s32 $0x1BFF;
	s21 =	sshll.u32 s5, $0x1;
	s3 =	sadd.s32 s20, s19  }
0x9c: {  	s22 =	simm.s32 $0x0;
	s4 =	sshll.u32 s4, $0x1;
	s5 =	sadd.s32 s21, s3  }
0x9d: {  	[timem:s22], [sflag:s6] =	dma.local [hbm:s5], s4  }
0x9e: {  	_ =	swait.ge [sflag:s6], s4  }
0x9f: {  	s4 =	ssub.s32 $0x0, s4;
	[sflag:s6] =	ssyncset.done $0x0  }
0xa0: {  	[sflag:s6] =	ssyncadd.s32 s4;
	_ =	sdelay $0x1  }
0xa1: {  	s23 =	simm.s32 $0x1B8B  }
0xa2: {  	_ =	swait.ge [sflag:s23], $0x1  }
0xa3: {  	[sflag:s23] =	ssyncset.done $0x0  }
0xa4: {  	[sflag:s23] =	ssyncadd.s32 $0xFFFFFFFF  }
0xa5: {  	s4 =	sld [smem:$0x0]  }
0xa6: {  	s5 =	sand.u32 $0xFFFFFFFE, s1  }
0xa7: {  	p0 =	sne.s32 s1, s5  }
0xa8: {  	s5 =	sshll.u32 @p0 s5, $0xE  }
0xa9: {  	s5 =	sadd.s32 @p0 $0x11B8D, s5;
	s6 =	sshll.u32 @p0 s4, $0x11  }
0xaa: {  	s5 =	sor.u32 @p0 s6, s5  }
0xab: {  	[sflag:s5] =	ssyncadd.remote.s32 @p0 $0x1;
	_ =	sdelay $0x1  }
0xac: {  	s5 =	simm.s32 @p0 $0x1B8D  }
0xad: {  	_ =	swait.eq @p0 [sflag:s5], $0x1  }
0xae: {  	[sflag:s5] =	ssyncadd.s32 @p0 $0xFFFFFFFF  }
0xaf: {  	s6 =	sshll.u32 @!p0 s1, $0xE  }
0xb0: {  	s6 =	sor.u32 @!p0 $0x4000, s6;
	s5 =	simm.s32 @!p0 $0x1B8D  }
0xb1: {  	s4 =	sshll.u32 @!p0 s4, $0x11;
	s6 =	sadd.s32 @!p0 $0x11B8D, s6;
	_ =	swait.eq @!p0 [sflag:s5], $0x1  }
0xb2: {  	s4 =	sor.u32 @!p0 s4, s6;
	[sflag:s5] =	ssyncadd.s32 @!p0 $0xFFFFFFFF  }
0xb3: {  	s25 =	simm.s32 $0x1B8E;
	s24 =	sld [smem:$0x3FFE];
	[sflag:s4] =	ssyncadd.remote.s32 @!p0 $0x1  }
0xb4: {  	s26 =	simm.s32 $execute0_lowered;
	[smem:$0x3FD2] =	sst s25  }
0xb5: {  	s5 =	sshll.u32 s26, $0x1;
	_ =	strace $0x80000055;
	[dreg:$0x1] =	wrdreg $0xFFFFFFFF  }
0xb6: {  	s28 =	simm.s32 $_size_execute0_lowered;
	s3 =	sadd.s32 s3, s5;
	[dreg:$0x0] =	wrdreg $0x0  }
0xb7: {  	s5 =	sshll.u32 s28, $0x1;
	[dreg:$0x2] =	wrdreg s3  }
0xb8: {  	[dreg:$0x3] =	wrdreg s5  }
0xb9: {  	[dreg:$0x4] =	wrdreg $0xC0  }
0xba: {  	_ =	task [dreg:s22], $0x5FFFF  }
0xbb: {  	[dreg:$0x1] =	wrdreg $0xFFFFFFFF  }
0xbc: {  	[dreg:$0x0] =	wrdreg $0x60  }
0xbd: {  	[dreg:$0x2] =	wrdreg s24  }
0xbe: {  	[dreg:$0x3] =	wrdreg $0x49800  }
0xbf: {  	[dreg:$0x4] =	wrdreg $0x9  }
0xc0: {  	_ =	task.clear_ibuf [dreg:s22], $0x5FFFF;
	_ =	strace $0x90000055  }
0xc1: {  	s29 =	simm.s32 $0x9;
	_ =	strace $0x80000057  }
0xc2: {  	_ =	swait.ge [sflag:s29], $0x1  }
0xc3: {  	[sflag:s29] =	ssyncadd.s32 $0xFFFFFFFF  }
0xc4: {  	_ =	strace $0x90000057  }
0xc5: {  	_ =	sfence  }
0xc6: {  	s30 =	sld [smem:$0x0];
	_ =	sdelay $0x2  }
0xc7: {  	s31 =	sshll.u32 s1, $0xD;
	s1 =	sshrl.u32 s1, $0x2  }
0xc8: {  	s4 =	sand.u32 $0x4000, s31;
	s1 =	sadd.s32 s1, s30  }
0xc9: {  	s0 =	sor.u32 s4, s0;
	s1 =	sshll.u32 s1, $0x11  }
0xca: {  	s0 =	sor.u32 s1, s0  }
0xcb: {  	s0 =	sadd.s32 $0x8F2B, s0  }
0xcc: {  	[sflag:s0] =	ssyncadd.remote.s32 $0x1  }
0xcd: {  	_ =	sfence.sel $0xFFFF  }
0xce: {  	[dreg:$0x0] =	wrdreg $0xFFFFFFFF;
	(pc) =	sbr.abs _section_cstart, $3  }
0xcf: {  	[dreg:$0x1] =	wrdreg $0xFFFFFFFF  }
0xd0: {  	_ =	task.clear_ibuf [dreg:s22], $0x2FFFF;
	_ =	strace $0x9FFFFFFF  }
0xd1: {  	(tm) =	ssettm $0x7FFFFFFF  }
tec
execute0_lowered:
.L_overlay_start_1:
0x0: {  	(tag) =	ssettag $0x1  }
0x1: {  	s16 =	rddreg [dreg:$0x0]  }
0x2: {  	s2 =	rddreg [dreg:$0x1]  }
0x3: {  	s1 =	stileid.u32;
	s0 =	rddreg [dreg:$0x2];
	s3 =	simm.s32 $0x0  }
0x4: {  	s5 =	srdreg.scid;
	s7 =	simm.s32 $0x1;
	s4 =	smul.u32 $0x7800, s1  }
0x5: {  	[smem:$0x7FF] =	sst s3;
	s14 =	sand.u32 $0x1, s5;
	s28 =	sshll.u32 s1, $0x1  }
0x6: {  	s18 =	sshll.u32 s1, $0x6;
	_ =	strace $0x80000056;
	s17 =	sshrl.u32 s4, $0x3  }
0x7: {  	s8 =	sor.u32 s14, s28;
	s6 =	sadd.s32 s4, s2;
	s29 =	sadd.s32 s17, s16  }
0x8: {  	s5 =	sor.u32 $0x1C01, s18;
	s6 =	sshrl.u32 s6, $0x3;
	s4 =	sadd.s32 $0x17E00, s29  }
0x9: {  	[spmem:s6], [sflag:s5] =	dma.local [hbm:s4], $0xF00  }
0xa: {  	s9 =	smul.u32 $0x30, s8;
	_ =	swait.ge [sflag:s7], $0xF00  }
0xb: {  	[sflag:s7] =	ssyncset.done $0x0  }
0xc: {  	s10 =	smul.u32 $0x900, s8;
	s30 =	sadd.s32 s9, s16;
	[sflag:s7] =	ssyncadd.s32 $0xFFFFF100  }
0xd: {  	s8 =	simm.s32 $0x2;
	s9 =	sadd.s32 $0x5800, s30;
	[bflag:$0x0] =	sbarrier.arrive $0xFFFF  }
0xe: {  	[tilespmem:s3], [sflag:$0x2] =	stream.linear.gather [hbm4b:s9+s3], $0x180, $0x38;
	[tilespmem:$0xC180] =	vst v63  }
0xf: {  	_ =	swait.ge [sflag:s8], $0x180  }
0x10: {  	s10 =	sadd.s32 s10, s16;
	[sflag:s8] =	ssyncset.done $0x0  }
0x11: {  	s11 =	simm.s32 $0x180;
	s10 =	sadd.s32 $0x5E00, s10;
	[sflag:s8] =	ssyncadd.s32 $0xFFFFFE80  }
0x12: {  	[tilespmem:s11], [sflag:$0x2] =	stream.linear.gather [hbm4b:s10+s3], $0x4800, $0x38;
	[tilespmem:$0xC180] =	vst v63  }
0x13: {  	_ =	swait.ge [sflag:s8], $0x4800  }
0x14: {  	[sflag:s8] =	ssyncset.done $0x0  }
0x15: {  	s12 =	simm.s32 $0x80;
	[sflag:s8] =	ssyncadd.s32 $0xFFFFB800  }
0x16: {  	[spmem:s2] =	stream.indirect.scatter.add.f32 [tilespmem:s11], [sflag:$0x2], $0x30, s3, s12, $0xb8;
	[tilespmem:$0xC180] =	vst v63  }
0x17: {  	_ =	swait.ge [sflag:s8], $0x1800  }
0x18: {  	[sflag:s8] =	ssyncset.done $0x0  }
0x19: {  	s13 =	simm.s32 $0x1980;
	[sflag:s8] =	ssyncadd.s32 $0xFFFFE800  }
0x1a: {  	[spmem:s2] =	stream.indirect.scatter.add.f32 [tilespmem:s13], [sflag:$0x2], $0x30, s12, s12, $0xb8;
	[tilespmem:$0xC180] =	vst v63  }
0x1b: {  	s15 =	simm.s32 $0x3180;
	s20 =	ssub.s32 $0x2, s14;
	_ =	swait.ge [sflag:s8], $0x1800  }
0x1c: {  	s19 =	smul.u32 $0xF000, s14;
	s21 =	sshrl.u32 s20, $0x1;
	[sflag:s8] =	ssyncset.done $0x0  }
0x1d: {  	s14 =	simm.s32 $0x100;
	s31 =	ssub.s32 s20, s21;
	[sflag:s8] =	ssyncadd.s32 $0xFFFFE800  }
0x1e: {  	[spmem:s2] =	stream.indirect.scatter.add.f32 [tilespmem:s15], [sflag:$0x2], $0x30, s14, s12, $0xb8;
	[tilespmem:$0xC180] =	vst v63  }
0x1f: {  	s16 =	sadd.s32 s19, s16;
	s19 =	smax.u32 s31, $0x1;
	_ =	swait.ge [sflag:s8], $0x1800  }
0x20: {  	p0 =	sne.s32 s19, $0x1;
	[sflag:s8] =	ssyncset.done $0x0  }
.Ltmp0:
0x21: {  	s16 =	sadd.s32 $0x35E00, s16;
	[sflag:s8] =	ssyncadd.s32 $0xFFFFE800;
	(pc) =	sbr.rel @!p0 .LBB2_2-.Ltmp0, $4  }
0x22: {  	s16 =	sadd.s32 s17, s16;
	s17 =	sor.u32 $0x1C02, s18;
	[bflag:$0x0] =	sbarrier.arrive $0xFFFF  }
0x23: {  	[hbm:s16], [sflag:s17] =	dma.local [spmem:s6], $0xF00  }
0x24: {  	_ =	swait.ge [sflag:s8], $0xF00  }
0x25: {  	s18 =	sadd.s32 $0xFFFFFFFF, s19;
	[sflag:s8] =	ssyncset.done $0x0  }
.LBB2_1:
0x26: {  	p0 =	sne.s32 s18, $0x1;
	s18 =	sadd.s32 $0xFFFFFFFF, s18;
	[sflag:s8] =	ssyncadd.s32 $0xFFFFF100  }
0x27: {  	[spmem:s6], [sflag:s5] =	dma.local [hbm:s4], $0xF00  }
0x28: {  	_ =	swait.ge [sflag:s7], $0xF00  }
0x29: {  	[sflag:s7] =	ssyncset.done $0x0  }
0x2a: {  	[sflag:s7] =	ssyncadd.s32 $0xFFFFF100  }
0x2b: {  	[bflag:$0x0] =	sbarrier.arrive $0xFFFF  }
0x2c: {  	[tilespmem:s3], [sflag:$0x2] =	stream.linear.gather [hbm4b:s9+s3], $0x180, $0x38;
	[tilespmem:$0xC180] =	vst v63  }
0x2d: {  	_ =	swait.ge [sflag:s8], $0x180  }
0x2e: {  	[sflag:s8] =	ssyncset.done $0x0  }
0x2f: {  	[sflag:s8] =	ssyncadd.s32 $0xFFFFFE80  }
0x30: {  	[tilespmem:s11], [sflag:$0x2] =	stream.linear.gather [hbm4b:s10+s3], $0x4800, $0x38;
	[tilespmem:$0xC180] =	vst v63  }
0x31: {  	_ =	swait.ge [sflag:s8], $0x4800  }
0x32: {  	[sflag:s8] =	ssyncset.done $0x0  }
0x33: {  	[sflag:s8] =	ssyncadd.s32 $0xFFFFB800  }
0x34: {  	[spmem:s2] =	stream.indirect.scatter.add.f32 [tilespmem:s11], [sflag:$0x2], $0x30, s3, s12, $0xb8;
	[tilespmem:$0xC180] =	vst v63  }
0x35: {  	_ =	swait.ge [sflag:s8], $0x1800  }
0x36: {  	[sflag:s8] =	ssyncset.done $0x0  }
0x37: {  	[sflag:s8] =	ssyncadd.s32 $0xFFFFE800  }
0x38: {  	[spmem:s2] =	stream.indirect.scatter.add.f32 [tilespmem:s13], [sflag:$0x2], $0x30, s12, s12, $0xb8;
	[tilespmem:$0xC180] =	vst v63  }
0x39: {  	_ =	swait.ge [sflag:s8], $0x1800  }
0x3a: {  	[sflag:s8] =	ssyncset.done $0x0  }
0x3b: {  	[sflag:s8] =	ssyncadd.s32 $0xFFFFE800  }
0x3c: {  	[spmem:s2] =	stream.indirect.scatter.add.f32 [tilespmem:s15], [sflag:$0x2], $0x30, s14, s12, $0xb8;
	[tilespmem:$0xC180] =	vst v63  }
0x3d: {  	_ =	swait.ge [sflag:s8], $0x1800  }
0x3e: {  	[sflag:s8] =	ssyncset.done $0x0  }
.Ltmp1:
0x3f: {  	[sflag:s8] =	ssyncadd.s32 $0xFFFFE800;
	(pc) =	sbr.rel @p0 .LBB2_1-.Ltmp1, $4  }
0x40: {  	[bflag:$0x0] =	sbarrier.arrive $0xFFFF  }
0x41: {  	[hbm:s16], [sflag:s17] =	dma.local [spmem:s6], $0xF00  }
0x42: {  	_ =	swait.ge [sflag:s8], $0xF00  }
0x43: {  	[sflag:s8] =	ssyncset.done $0x0  }
.LBB2_2:
0x44: {  	[sflag:s8] =	ssyncadd.s32 $0xFFFFF100  }
0x45: {  	_ =	sfence.sel $0x180000  }
0x46: {  	[bflag:$0x0] =	sbarrier.arrive $0xFFFF  }
0x47: {  	p0 =	sne.s32 s1, $0x0;
	_ =	strace $0x90000056  }
0x48: {  	s0 =	sadd.s32 @!p0 $0x100000, s0;
	[bflag:$0x2] =	sbarrier.arrive $0xFFFF  }
0x49: {  	[sflag:s0] =	ssyncadd.tile.s32 @!p0 $0x1;
	_ =	shalt  }
.Lfunc_end2:
_tile_overlayer_lowered:
.L_overlay_start_2:
0x4a: {  	(tag) =	ssettag $0x2  }
0x4b: {  	s0 =	rddreg [dreg:$0x0];
	s2 =	stileid.u32  }
0x4c: {  	s1 =	rddreg [dreg:$0x1];
	p0 =	sne.s32 s2, $0x0  }
0x4d: {  	s3 =	rddreg [dreg:$0x2];
	[bflag:$0x3] =	sbarrier.arrive $0xFFFF;
	s2 =	simm.s32 @!p0 $0x1C02  }
0x4e: {  	[timem:s3], [sflag:s2] =	dma.local @!p0 [hbm:s0], s1  }
0x4f: {  	s0 =	simm.s32 @!p0 $0x2  }
0x50: {  	_ =	swait.ge @!p0 [sflag:s0], s1  }
0x51: {  	s1 =	ssub.s32 @!p0 $0x0, s1;
	[sflag:s0] =	ssyncset.done @!p0 $0x0  }
0x52: {  	[sflag:s0] =	ssyncadd.s32 @!p0 s1  }
0x53: {  	[bflag:$0x3] =	sbarrier.arrive $0xFFFF  }
0x54: {  	_ =	shalt  }

// kernel: kernel.33.cloned.1.call-start
scs
__scs_entry_jumppad:
0x0: {  	(pc) =	sbr.rel $0x88, $3  }
0x1: {  	(tag) =	ssettag $0x0;
	lr =	simm.s32 $0x1  }
0x2: {  	[smem:$0x3F79] =	sst lr;
	_ =	strace $0xD0000000  }
0x3: {  	_ = 	snop  }
0x4: {  	_ = 	snop  }
0x5: {  	_ = 	snop  }
0x6: {  	_ = 	snop  }
0x7: {  	_ = 	snop  }
__scs_overlays_trampoline_lowered:
0x8: {  	[smem:$0x3F88] =	sst s0  }
0x9: {  	[smem:$0x3F89] =	sst s1  }
0xa: {  	[smem:$0x3F8A] =	sst s2  }
0xb: {  	[smem:$0x3F8B] =	sst s3  }
0xc: {  	[smem:$0x3F8C] =	sst s4  }
0xd: {  	[smem:$0x3F8D] =	sst s5  }
0xe: {  	[smem:$0x3F8E] =	sst s6  }
0xf: {  	[smem:$0x3F8F] =	sst s7  }
0x10: {  	[smem:$0x3F90] =	sst s8  }
0x11: {  	[smem:$0x3F91] =	sst s9;
	s0 =	simm.s32 @!p0 $0x0  }
0x12: {  	s1 =	sld [smem:$0x3F77];
	s0 =	simm.s32 @p0 $0x1  }
0x13: {  	[smem:$0x3F92] =	sst s0;
	s0 =	simm.s32 @!p1 $0x0  }
0x14: {  	s2 =	sld [smem:$0x3F76];
	s0 =	simm.s32 @p1 $0x1  }
0x15: {  	[smem:$0x3F93] =	sst s0;
	s0 =	simm.s32 @!p2 $0x0  }
0x16: {  	s3 =	sld [smem:$0x3FDB];
	s0 =	simm.s32 @p2 $0x1  }
0x17: {  	s4 =	simm.s32 $0x1BF5;
	[smem:$0x3F95] =	sst s0  }
0x18: {  	s0 =	sld [smem:$0x3F78];
	_ =	swait.ge [sflag:s4], $0x0  }
0x19: {  	s7 =	sld [smem:$0x3F79]  }
0x1a: {  	s8 =	sadd.s32 $0xFFFFE003, lr  }
0x1b: {  	s9 =	sadd.s32 $0xFFFFFEF7, lr;
	s5 =	simm.s32 $0xFFFFFFFF;
	p2 =	slt.u32 s8, $0xFFFFF086  }
0x1c: {  	p1 =	slt.u32 s9, $0xF7A;
	s5 =	simm.s32 @!p2 $0x0  }
0x1d: {  	s5 =	simm.s32 @p1 $0x1;
	p0 =	seq.s32 s7, s2  }
0x1e: {  	s7 =	smul.u32 @!p0 $0xF7A, s2;
	p2 =	seq.s32 @!p0 s5, $0x0  }
0x1f: {  	s9 =	smul.u32 $0xF7A, s1;
	s8 =	simm.s32 @!p0 $0x1BF5;
	p2 =	por !p2, p0  }
0x20: {  	[sflag:s8] =	ssyncset.s32 @!p0 $0xFFFFF086;
	s6 =	sadd.s32 @!p0 s3, s7;
	s7 =	simm.s32 @!p0 $0x108  }
0x21: {  	s3 =	sadd.s32 s3, s9;
	s6 =	sadd.s32 @!p0 $0x88, s6;
	s7 =	simm.s32 @p2 $0x1082  }
0x22: {  	[simem:s7], [sflag:s8] =	dma.local @!p0 [hbm:s6], $0xF7A  }
0x23: {  	s9 =	sor.u32 $0xD0000000, s2;
	s6 =	simm.s32 $0x108;
	_ =	swait.ge @!p0 [sflag:s8], $0x0  }
0x24: {  	s3 =	sadd.s32 $0x88, s3;
	s6 =	simm.s32 @!p1 $0x1082;
	[sflag:s4] =	ssyncset.s32 $0xFFFFF086  }
0x25: {  	[simem:s6], [sflag:s4] =	dma.local [hbm:s3], $0xF7A  }
0x26: {  	[smem:$0x3F79] =	sst s1;
	(tag) =	ssettag s2;
	_ =	strace s9  }
0x27: {  	s1 =	sld [smem:$0x3F89]  }
0x28: {  	s2 =	sld [smem:$0x3F8A]  }
0x29: {  	s4 =	sld [smem:$0x3F8C]  }
0x2a: {  	p0 =	seq.s32 s5, $0x0;
	s5 =	sld [smem:$0x3F8D]  }
0x2b: {  	s6 =	sld [smem:$0x3F8E]  }
0x2c: {  	s7 =	sld [smem:$0x3F8F]  }
0x2d: {  	s3 =	simm.s32 $0x108;
	s8 =	sld [smem:$0x3F90]  }
0x2e: {  	s3 =	simm.s32 @!p0 $0x1082;
	s9 =	sld [smem:$0x3F91]  }
0x2f: {  	lr =	sadd.s32 s0, s3;
	s0 =	sld [smem:$0x3F88]  }
0x30: {  	s3 =	sld [smem:$0x3F8B]  }
0x31: {  	[smem:$0x3F94] =	sst s10  }
0x32: {  	s10 =	sld [smem:$0x3F92];
	_ =	sdelay $0x3  }
0x33: {  	p0 =	seq.s32 s10, $0x1;
	s10 =	sld [smem:$0x3F94];
	_ =	sdelay $0x3  }
0x34: {  	[smem:$0x3F94] =	sst s10  }
0x35: {  	s10 =	sld [smem:$0x3F93];
	_ =	sdelay $0x3  }
0x36: {  	p1 =	seq.s32 s10, $0x1;
	s10 =	sld [smem:$0x3F94];
	_ =	sdelay $0x3  }
0x37: {  	[smem:$0x3F94] =	sst s10  }
0x38: {  	s10 =	sld [smem:$0x3F95]  }
0x39: {  	_ = 	snop;
	(pc) =	sbr.ind lr, $3  }
0x3a: {  	_ = 	snop  }
0x3b: {  	_ = 	snop  }
0x3c: {  	p2 =	seq.s32 s10, $0x1;
	s10 =	sld [smem:$0x3F94]  }
0x3d: {  	_ =	shalt  }
0x3e: {  	_ =	shalt  }
0x3f: {  	_ =	shalt  }
0x40: {  	_ =	shalt  }
0x41: {  	_ =	shalt  }
0x42: {  	_ =	shalt  }
0x43: {  	_ =	shalt  }
0x44: {  	_ =	shalt  }
0x45: {  	_ =	shalt  }
0x46: {  	_ =	shalt  }
0x47: {  	_ =	shalt  }
0x48: {  	_ =	shalt  }
0x49: {  	_ =	shalt  }
0x4a: {  	_ =	shalt  }
0x4b: {  	_ =	shalt  }
0x4c: {  	_ =	shalt  }
0x4d: {  	_ =	shalt  }
0x4e: {  	_ =	shalt  }
0x4f: {  	_ =	shalt  }
0x50: {  	_ =	shalt  }
0x51: {  	_ =	shalt  }
0x52: {  	_ =	shalt  }
0x53: {  	_ =	shalt  }
0x54: {  	_ =	shalt  }
0x55: {  	_ =	shalt  }
0x56: {  	_ =	shalt  }
0x57: {  	_ =	shalt  }
0x58: {  	_ =	shalt  }
0x59: {  	_ =	shalt  }
0x5a: {  	_ =	shalt  }
0x5b: {  	_ =	shalt  }
0x5c: {  	_ =	shalt  }
0x5d: {  	_ =	shalt  }
0x5e: {  	_ =	shalt  }
0x5f: {  	_ =	shalt  }
0x60: {  	_ =	shalt  }
0x61: {  	_ =	shalt  }
0x62: {  	_ =	shalt  }
0x63: {  	_ =	shalt  }
0x64: {  	_ =	shalt  }
0x65: {  	_ =	shalt  }
0x66: {  	_ =	shalt  }
0x67: {  	_ =	shalt  }
0x68: {  	_ =	shalt  }
0x69: {  	_ =	shalt  }
0x6a: {  	_ =	shalt  }
0x6b: {  	_ =	shalt  }
0x6c: {  	_ =	shalt  }
0x6d: {  	_ =	shalt  }
0x6e: {  	_ =	shalt  }
0x6f: {  	_ =	shalt  }
0x70: {  	_ =	shalt  }
0x71: {  	_ =	shalt  }
0x72: {  	_ =	shalt  }
0x73: {  	_ =	shalt  }
0x74: {  	_ =	shalt  }
0x75: {  	_ =	shalt  }
0x76: {  	_ =	shalt  }
0x77: {  	_ =	shalt  }
0x78: {  	_ =	shalt  }
0x79: {  	_ =	shalt  }
0x7a: {  	_ =	shalt  }
0x7b: {  	_ =	shalt  }
0x7c: {  	_ =	shalt  }
0x7d: {  	_ =	shalt  }
0x7e: {  	_ =	shalt  }
0x7f: {  	_ =	shalt  }
0x80: {  	_ =	shalt  }
0x81: {  	_ =	shalt  }
0x82: {  	_ =	shalt  }
0x83: {  	_ =	shalt  }
0x84: {  	_ =	shalt  }
0x85: {  	_ =	shalt  }
0x86: {  	_ =	shalt  }
0x87: {  	_ =	shalt  }
.Lfunc_end0:
.L_simem_size_0:
called_computation.4_lowered:
.L_overlay_start_0:
0x88: {  	s2 =	sld [smem:$0x3FD9]  }
0x89: {  	s3 =	sld [smem:$0x3FFE];
	_ =	sdelay $0x1  }
0x8a: {  	s1 =	srdreg.scid  }
0x8b: {  	s0 =	sand.u32 $0x1, s1  }
0x8c: {  	s17 =	sshll.u32 s0, $0xA;
	s2 =	sadd.s32 s3, s2  }
0x8d: {  	s2 =	sadd.s32 s2, s17  }
0x8e: {  	[smem:$0x3FA0] =	sst s2  }
0x8f: {  	_ = 	snop  }
0x90: {  	(tm) =	ssettm $0x1  }
0x91: {  	s18 =	sld [smem:$0x3FFB];
	_ =	sdelay $0x3  }
0x92: {  	_ =	strace s18  }
0x93: {  	s2 =	sld [smem:$0x3FFC];
	_ =	sdelay $0x3  }
0x94: {  	_ =	strace s2  }
0x95: {  	s2 =	sld [smem:$0x3FFD];
	_ =	sdelay $0x3  }
0x96: {  	_ =	strace s2  }
0x97: {  	_ =	strace $0x8FFFFFFF  }
0x98: {  	s19 =	sld [smem:$0x3FDB];
	_ =	sdelay $0x1  }
0x99: {  	s20 =	simm.s32 $_scs_section_size  }
0x9a: {  	s4 =	simm.s32 $_size__tile_overlayer_lowered;
	s5 =	simm.s32 $_tile_overlayer_lowered  }
0x9b: {  	s6 =	simm.s32 $0x1BFF;
	s21 =	sshll.u32 s5, $0x1;
	s3 =	sadd.s32 s20, s19  }
0x9c: {  	s22 =	simm.s32 $0x0;
	s4 =	sshll.u32 s4, $0x1;
	s5 =	sadd.s32 s21, s3  }
0x9d: {  	[timem:s22], [sflag:s6] =	dma.local [hbm:s5], s4  }
0x9e: {  	_ =	swait.ge [sflag:s6], s4  }
0x9f: {  	s4 =	ssub.s32 $0x0, s4;
	[sflag:s6] =	ssyncset.done $0x0  }
0xa0: {  	[sflag:s6] =	ssyncadd.s32 s4;
	_ =	sdelay $0x1  }
0xa1: {  	s23 =	simm.s32 $0x1B8B  }
0xa2: {  	_ =	swait.ge [sflag:s23], $0x1  }
0xa3: {  	[sflag:s23] =	ssyncset.done $0x0  }
0xa4: {  	[sflag:s23] =	ssyncadd.s32 $0xFFFFFFFF  }
0xa5: {  	s4 =	sld [smem:$0x0]  }
0xa6: {  	s5 =	sand.u32 $0xFFFFFFFE, s1  }
0xa7: {  	p0 =	sne.s32 s1, s5  }
0xa8: {  	s5 =	sshll.u32 @p0 s5, $0xE  }
0xa9: {  	s5 =	sadd.s32 @p0 $0x11B8D, s5;
	s6 =	sshll.u32 @p0 s4, $0x11  }
0xaa: {  	s5 =	sor.u32 @p0 s6, s5  }
0xab: {  	[sflag:s5] =	ssyncadd.remote.s32 @p0 $0x1;
	_ =	sdelay $0x1  }
0xac: {  	s5 =	simm.s32 @p0 $0x1B8D  }
0xad: {  	_ =	swait.eq @p0 [sflag:s5], $0x1  }
0xae: {  	[sflag:s5] =	ssyncadd.s32 @p0 $0xFFFFFFFF  }
0xaf: {  	s6 =	sshll.u32 @!p0 s1, $0xE  }
0xb0: {  	s6 =	sor.u32 @!p0 $0x4000, s6;
	s5 =	simm.s32 @!p0 $0x1B8D  }
0xb1: {  	s4 =	sshll.u32 @!p0 s4, $0x11;
	s6 =	sadd.s32 @!p0 $0x11B8D, s6;
	_ =	swait.eq @!p0 [sflag:s5], $0x1  }
0xb2: {  	s4 =	sor.u32 @!p0 s4, s6;
	[sflag:s5] =	ssyncadd.s32 @!p0 $0xFFFFFFFF  }
0xb3: {  	s25 =	simm.s32 $0x1B8E;
	s24 =	sld [smem:$0x3FFE];
	[sflag:s4] =	ssyncadd.remote.s32 @!p0 $0x1  }
0xb4: {  	s26 =	simm.s32 $execute0_lowered;
	[smem:$0x3FD2] =	sst s25  }
0xb5: {  	s5 =	sshll.u32 s26, $0x1;
	_ =	strace $0x8000004C;
	[dreg:$0x1] =	wrdreg $0xFFFFFFFF  }
0xb6: {  	s28 =	simm.s32 $_size_execute0_lowered;
	s3 =	sadd.s32 s3, s5;
	[dreg:$0x0] =	wrdreg $0x0  }
0xb7: {  	s5 =	sshll.u32 s28, $0x1;
	[dreg:$0x2] =	wrdreg s3  }
0xb8: {  	[dreg:$0x3] =	wrdreg s5  }
0xb9: {  	[dreg:$0x4] =	wrdreg $0xC0  }
0xba: {  	_ =	task [dreg:s22], $0x5FFFF  }
0xbb: {  	[dreg:$0x1] =	wrdreg $0xFFFFFFFF  }
0xbc: {  	[dreg:$0x0] =	wrdreg $0x60  }
0xbd: {  	[dreg:$0x2] =	wrdreg s24  }
0xbe: {  	[dreg:$0x3] =	wrdreg $0xA  }
0xbf: {  	_ =	task.clear_ibuf [dreg:s22], $0x4FFFF;
	_ =	strace $0x9000004C  }
0xc0: {  	s29 =	simm.s32 $0xA;
	_ =	strace $0x8000004E  }
0xc1: {  	_ =	swait.ge [sflag:s29], $0x1  }
0xc2: {  	[sflag:s29] =	ssyncadd.s32 $0xFFFFFFFF  }
0xc3: {  	_ =	strace $0x9000004E  }
0xc4: {  	_ =	sfence  }
0xc5: {  	s30 =	sld [smem:$0x0];
	_ =	sdelay $0x2  }
0xc6: {  	s31 =	sshll.u32 s1, $0xD;
	s1 =	sshrl.u32 s1, $0x2  }
0xc7: {  	s4 =	sand.u32 $0x4000, s31;
	s1 =	sadd.s32 s1, s30  }
0xc8: {  	s0 =	sor.u32 s4, s0;
	s1 =	sshll.u32 s1, $0x11  }
0xc9: {  	s0 =	sor.u32 s1, s0  }
0xca: {  	s0 =	sadd.s32 $0x8F2B, s0  }
0xcb: {  	[sflag:s0] =	ssyncadd.remote.s32 $0x1  }
0xcc: {  	_ =	sfence.sel $0xFFFF  }
0xcd: {  	[dreg:$0x0] =	wrdreg $0xFFFFFFFF;
	(pc) =	sbr.abs _section_cstart, $3  }
0xce: {  	[dreg:$0x1] =	wrdreg $0xFFFFFFFF  }
0xcf: {  	_ =	task.clear_ibuf [dreg:s22], $0x2FFFF;
	_ =	strace $0x9FFFFFFF  }
0xd0: {  	(tm) =	ssettm $0x7FFFFFFF  }
0xd1: {  	_ =	shalt  }
tec
execute0_lowered:
.L_overlay_start_1:
0x0: {  	(tag) =	ssettag $0x1  }
0x1: {  	s4 =	rddreg [dreg:$0x0]  }
0x2: {  	s0 =	rddreg [dreg:$0x1]  }
0x3: {  	s3 =	srdreg.scid;
	s1 =	stileid.u32;
	s2 =	simm.s32 $0x0  }
0x4: {  	s11 =	simm.s32 $0x1;
	s12 =	simm.s32 $0x2;
	s13 =	simm.s32 $0x3  }
0x5: {  	s14 =	simm.s32 $0x0;
	s5 =	sand.u32 $0x1, s3;
	s28 =	sshll.u32 s1, $0x1  }
0x6: {  	[smem:$0x7FF] =	sst s2;
	s7 =	smul.u32 $0x12C00, s1;
	s3 =	sor.u32 s5, s28  }
0x7: {  	_ =	strace $0x8000004D;
	s8 =	ssub.s32 $0x2, s5;
	s10 =	smul.u32 $0x9600, s5  }
0x8: {  	s6 =	smul.u32 $0x1900, s3;
	s3 =	sadd.s32 $0x44E00, s4;
	s9 =	sshrl.u32 s8, $0x1  }
0x9: {  	s30 =	sadd.s32 s7, s4;
	s7 =	simm.s32 $0x4;
	s31 =	ssub.s32 s8, s9  }
0xa: {  	s8 =	simm.s32 $0x80;
	s9 =	simm.s32 $0x1900;
	s6 =	sshrl.u32 s6, $0x3  }
0xb: {  	s5 =	smax.u32 s31, $0x1;
	s29 =	sadd.s32 s6, s4;
	s6 =	sadd.s32 s10, s30  }
0xc: {  	s10 =	simm.s32 $0x3100;
	s4 =	sadd.s32 $0x53E00, s29;
	s6 =	sadd.s32 $0x5A200, s6  }
.LBB2_1:
0xd: {  	[tilespmem:s2], [sflag:$0x4] =	stream.linear.gather [hbm4b:s4+s2], $0x1900, $0x38;
	[tilespmem:$0x4900] =	vst v63  }
0xe: {  	_ =	swait.ge [sflag:s7], $0x1900  }
0xf: {  	[sflag:s7] =	ssyncset.done $0x0  }
0x10: {  	s15 =	simm.s32 $0x0;
	[sflag:s7] =	ssyncadd.s32 $0xFFFFE700  }
0x11: {  	[tilespmem:s9], [sflag:$0x1] =	stream.indirect.gather [hbm4b:s3+s8], $0x30, s15, s8, $0xb8;
	[tilespmem:$0x4900] =	vst v63  }
0x12: {  	s30 =	simm.s32 $0x80  }
0x13: {  	[tilespmem:s10], [sflag:$0x2] =	stream.indirect.gather [hbm4b:s3+s8], $0x30, s30, s8, $0xb8;
	[tilespmem:$0x4900] =	vst v63  }
0x14: {  	_ =	swait.ge [sflag:s11], $0x1800  }
0x15: {  	[sflag:s11] =	ssyncset.done $0x0  }
0x16: {  	[sflag:s11] =	ssyncadd.s32 $0xFFFFE800  }
0x17: {  	[hbm4b:s6+s2] =	stream.linear.scatter [tilespmem:s9], [sflag:$0x3], $0x1800, $0x38;
	[tilespmem:$0x4900] =	vst v63  }
0x18: {  	_ =	swait.ge [sflag:s12], $0x1800  }
0x19: {  	[sflag:s12] =	ssyncset.done $0x0  }
0x1a: {  	[sflag:s12] =	ssyncadd.s32 $0xFFFFE800  }
0x1b: {  	_ =	swait.ge [sflag:s13], $0x1800  }
0x1c: {  	[sflag:s13] =	ssyncset.done $0x0  }
0x1d: {  	s31 =	sadd.s32 $0x300, s6;
	[sflag:s13] =	ssyncadd.s32 $0xFFFFE800  }
0x1e: {  	[hbm4b:s31+s2] =	stream.linear.scatter [tilespmem:s10], [sflag:$0x3], $0x1800, $0x38;
	[tilespmem:$0x4900] =	vst v63  }
0x1f: {  	s16 =	simm.s32 $0x400;
	_ =	swait.ge [sflag:s13], $0x1800  }
0x20: {  	s17 =	simm.s32 $0x800;
	s15 =	sadd.s32 $0x600, s6;
	[sflag:s13] =	ssyncset.done $0x0  }
.LBB2_2:
0x21: {  	s18 =	sshra.s32 s16, $0x2  }
0x22: {  	[sflag:s13] =	ssyncadd.s32 $0xFFFFE800;
	s16 =	smov.u32 s17;
	s19 =	sadd.s32 $0x400, s17  }
0x23: {  	[tilespmem:s9], [sflag:$0x1] =	stream.indirect.gather [hbm4b:s3+s8], $0x30, s18, s8, $0xb8;
	[tilespmem:$0x4900] =	vst v63  }
0x24: {  	p0 =	sne.s32 s17, $0x6000;
	s17 =	sadd.s32 $0x80, s18  }
0x25: {  	[tilespmem:s10], [sflag:$0x2] =	stream.indirect.gather [hbm4b:s3+s8], $0x30, s17, s8, $0xb8;
	[tilespmem:$0x4900] =	vst v63  }
0x26: {  	_ =	swait.ge [sflag:s11], $0x1800  }
0x27: {  	[sflag:s11] =	ssyncset.done $0x0  }
0x28: {  	[sflag:s11] =	ssyncadd.s32 $0xFFFFE800  }
0x29: {  	[hbm4b:s15+s2] =	stream.linear.scatter [tilespmem:s9], [sflag:$0x3], $0x1800, $0x38;
	[tilespmem:$0x4900] =	vst v63  }
0x2a: {  	_ =	swait.ge [sflag:s12], $0x1800  }
0x2b: {  	[sflag:s12] =	ssyncset.done $0x0  }
0x2c: {  	[sflag:s12] =	ssyncadd.s32 $0xFFFFE800  }
0x2d: {  	_ =	swait.ge [sflag:s13], $0x1800  }
.Ltmp0:
0x2e: {  	[sflag:s13] =	ssyncset.done $0x0;
	(pc) =	sbr.rel @p0 .LBB2_2-.Ltmp0, $4  }
0x2f: {  	s17 =	sadd.s32 $0x300, s15;
	[sflag:s13] =	ssyncadd.s32 $0xFFFFE800  }
0x30: {  	[hbm4b:s17+s2] =	stream.linear.scatter [tilespmem:s10], [sflag:$0x3], $0x1800, $0x38;
	[tilespmem:$0x4900] =	vst v63  }
0x31: {  	_ =	swait.ge [sflag:s13], $0x1800  }
0x32: {  	s15 =	sadd.s32 $0x600, s15;
	s17 =	smov.u32 s19;
	[sflag:s13] =	ssyncset.done $0x0  }
0x33: {  	s16 =	sshra.s32 s16, $0x2;
	[sflag:s13] =	ssyncadd.s32 $0xFFFFE800  }
0x34: {  	[tilespmem:s9], [sflag:$0x1] =	stream.indirect.gather [hbm4b:s3+s8], $0x30, s16, s8, $0xb8;
	[tilespmem:$0x4900] =	vst v63  }
0x35: {  	s16 =	sadd.s32 $0x80, s16  }
0x36: {  	[tilespmem:s10], [sflag:$0x2] =	stream.indirect.gather [hbm4b:s3+s8], $0x30, s16, s8, $0xb8;
	[tilespmem:$0x4900] =	vst v63  }
0x37: {  	_ =	swait.ge [sflag:s11], $0x1800  }
0x38: {  	[sflag:s11] =	ssyncset.done $0x0  }
0x39: {  	[sflag:s11] =	ssyncadd.s32 $0xFFFFE800  }
0x3a: {  	[hbm4b:s15+s2] =	stream.linear.scatter [tilespmem:s9], [sflag:$0x3], $0x1800, $0x38;
	[tilespmem:$0x4900] =	vst v63  }
0x3b: {  	_ =	swait.ge [sflag:s12], $0x1800  }
0x3c: {  	[sflag:s12] =	ssyncset.done $0x0  }
0x3d: {  	[sflag:s12] =	ssyncadd.s32 $0xFFFFE800  }
0x3e: {  	s14 =	sadd.s32 $0x1, s14;
	_ =	swait.ge [sflag:s13], $0x1800  }
0x3f: {  	p0 =	sne.s32 s14, s5;
	[sflag:s13] =	ssyncset.done $0x0  }
.Ltmp1:
0x40: {  	s31 =	sadd.s32 $0x300, s15;
	[sflag:s13] =	ssyncadd.s32 $0xFFFFE800;
	(pc) =	sbr.rel @p0 .LBB2_1-.Ltmp1, $4  }
0x41: {  	[hbm4b:s31+s2] =	stream.linear.scatter [tilespmem:s10], [sflag:$0x3], $0x1800, $0x38;
	[tilespmem:$0x4900] =	vst v63  }
0x42: {  	_ =	swait.ge [sflag:s13], $0x1800  }
0x43: {  	[sflag:s13] =	ssyncset.done $0x0  }
0x44: {  	[sflag:s13] =	ssyncadd.s32 $0xFFFFE800  }
0x45: {  	_ =	sfence.sel $0x180000  }
0x46: {  	[bflag:$0x0] =	sbarrier.arrive $0xFFFF  }
0x47: {  	p0 =	sne.s32 s1, $0x0;
	_ =	strace $0x9000004D  }
0x48: {  	s0 =	sadd.s32 @!p0 $0x100000, s0;
	[bflag:$0x2] =	sbarrier.arrive $0xFFFF  }
0x49: {  	[sflag:s0] =	ssyncadd.tile.s32 @!p0 $0x1;
	_ =	shalt  }
.Lfunc_end2:
_tile_overlayer_lowered:
.L_overlay_start_2:
0x4a: {  	(tag) =	ssettag $0x2  }
0x4b: {  	s0 =	rddreg [dreg:$0x0];
	s2 =	stileid.u32  }
0x4c: {  	s1 =	rddreg [dreg:$0x1];
	p0 =	sne.s32 s2, $0x0  }
0x4d: {  	s3 =	rddreg [dreg:$0x2];
	[bflag:$0x3] =	sbarrier.arrive $0xFFFF;
	s2 =	simm.s32 @!p0 $0x1C04  }
0x4e: {  	[timem:s3], [sflag:s2] =	dma.local @!p0 [hbm:s0], s1  }
0x4f: {  	s0 =	simm.s32 @!p0 $0x4  }
0x50: {  	_ =	swait.ge @!p0 [sflag:s0], s1  }
0x51: {  	s1 =	ssub.s32 @!p0 $0x0, s1;
	[sflag:s0] =	ssyncset.done @!p0 $0x0  }
0x52: {  	[sflag:s0] =	ssyncadd.s32 @!p0 s1  }
0x53: {  	[bflag:$0x3] =	sbarrier.arrive $0xFFFF  }
0x54: {  	_ =	shalt  }

// kernel: kernel.36.cloned.1.call-start
scs
__scs_entry_jumppad:
0x0: {  	(pc) =	sbr.rel $0x88, $3  }
0x1: {  	(tag) =	ssettag $0x0;
	lr =	simm.s32 $0x1  }
0x2: {  	[smem:$0x3F79] =	sst lr;
	_ =	strace $0xD0000000  }
0x3: {  	_ = 	snop  }
0x4: {  	_ = 	snop  }
0x5: {  	_ = 	snop  }
0x6: {  	_ = 	snop  }
0x7: {  	_ = 	snop  }
__scs_overlays_trampoline_lowered:
0x8: {  	[smem:$0x3F88] =	sst s0  }
0x9: {  	[smem:$0x3F89] =	sst s1  }
0xa: {  	[smem:$0x3F8A] =	sst s2  }
0xb: {  	[smem:$0x3F8B] =	sst s3  }
0xc: {  	[smem:$0x3F8C] =	sst s4  }
0xd: {  	[smem:$0x3F8D] =	sst s5  }
0xe: {  	[smem:$0x3F8E] =	sst s6  }
0xf: {  	[smem:$0x3F8F] =	sst s7  }
0x10: {  	[smem:$0x3F90] =	sst s8  }
0x11: {  	[smem:$0x3F91] =	sst s9;
	s0 =	simm.s32 @!p0 $0x0  }
0x12: {  	s1 =	sld [smem:$0x3F77];
	s0 =	simm.s32 @p0 $0x1  }
0x13: {  	[smem:$0x3F92] =	sst s0;
	s0 =	simm.s32 @!p1 $0x0  }
0x14: {  	s2 =	sld [smem:$0x3F76];
	s0 =	simm.s32 @p1 $0x1  }
0x15: {  	[smem:$0x3F93] =	sst s0;
	s0 =	simm.s32 @!p2 $0x0  }
0x16: {  	s3 =	sld [smem:$0x3FDB];
	s0 =	simm.s32 @p2 $0x1  }
0x17: {  	s4 =	simm.s32 $0x1BF5;
	[smem:$0x3F95] =	sst s0  }
0x18: {  	s0 =	sld [smem:$0x3F78];
	_ =	swait.ge [sflag:s4], $0x0  }
0x19: {  	s7 =	sld [smem:$0x3F79]  }
0x1a: {  	s8 =	sadd.s32 $0xFFFFE003, lr  }
0x1b: {  	s9 =	sadd.s32 $0xFFFFFEF7, lr;
	s5 =	simm.s32 $0xFFFFFFFF;
	p2 =	slt.u32 s8, $0xFFFFF086  }
0x1c: {  	p1 =	slt.u32 s9, $0xF7A;
	s5 =	simm.s32 @!p2 $0x0  }
0x1d: {  	s5 =	simm.s32 @p1 $0x1;
	p0 =	seq.s32 s7, s2  }
0x1e: {  	s7 =	smul.u32 @!p0 $0xF7A, s2;
	p2 =	seq.s32 @!p0 s5, $0x0  }
0x1f: {  	s9 =	smul.u32 $0xF7A, s1;
	s8 =	simm.s32 @!p0 $0x1BF5;
	p2 =	por !p2, p0  }
0x20: {  	[sflag:s8] =	ssyncset.s32 @!p0 $0xFFFFF086;
	s6 =	sadd.s32 @!p0 s3, s7;
	s7 =	simm.s32 @!p0 $0x108  }
0x21: {  	s3 =	sadd.s32 s3, s9;
	s6 =	sadd.s32 @!p0 $0x88, s6;
	s7 =	simm.s32 @p2 $0x1082  }
0x22: {  	[simem:s7], [sflag:s8] =	dma.local @!p0 [hbm:s6], $0xF7A  }
0x23: {  	s9 =	sor.u32 $0xD0000000, s2;
	s6 =	simm.s32 $0x108;
	_ =	swait.ge @!p0 [sflag:s8], $0x0  }
0x24: {  	s3 =	sadd.s32 $0x88, s3;
	s6 =	simm.s32 @!p1 $0x1082;
	[sflag:s4] =	ssyncset.s32 $0xFFFFF086  }
0x25: {  	[simem:s6], [sflag:s4] =	dma.local [hbm:s3], $0xF7A  }
0x26: {  	[smem:$0x3F79] =	sst s1;
	(tag) =	ssettag s2;
	_ =	strace s9  }
0x27: {  	s1 =	sld [smem:$0x3F89]  }
0x28: {  	s2 =	sld [smem:$0x3F8A]  }
0x29: {  	s4 =	sld [smem:$0x3F8C]  }
0x2a: {  	p0 =	seq.s32 s5, $0x0;
	s5 =	sld [smem:$0x3F8D]  }
0x2b: {  	s6 =	sld [smem:$0x3F8E]  }
0x2c: {  	s7 =	sld [smem:$0x3F8F]  }
0x2d: {  	s3 =	simm.s32 $0x108;
	s8 =	sld [smem:$0x3F90]  }
0x2e: {  	s3 =	simm.s32 @!p0 $0x1082;
	s9 =	sld [smem:$0x3F91]  }
0x2f: {  	lr =	sadd.s32 s0, s3;
	s0 =	sld [smem:$0x3F88]  }
0x30: {  	s3 =	sld [smem:$0x3F8B]  }
0x31: {  	[smem:$0x3F94] =	sst s10  }
0x32: {  	s10 =	sld [smem:$0x3F92];
	_ =	sdelay $0x3  }
0x33: {  	p0 =	seq.s32 s10, $0x1;
	s10 =	sld [smem:$0x3F94];
	_ =	sdelay $0x3  }
0x34: {  	[smem:$0x3F94] =	sst s10  }
0x35: {  	s10 =	sld [smem:$0x3F93];
	_ =	sdelay $0x3  }
0x36: {  	p1 =	seq.s32 s10, $0x1;
	s10 =	sld [smem:$0x3F94];
	_ =	sdelay $0x3  }
0x37: {  	[smem:$0x3F94] =	sst s10  }
0x38: {  	s10 =	sld [smem:$0x3F95]  }
0x39: {  	_ = 	snop;
	(pc) =	sbr.ind lr, $3  }
0x3a: {  	_ = 	snop  }
0x3b: {  	_ = 	snop  }
0x3c: {  	p2 =	seq.s32 s10, $0x1;
	s10 =	sld [smem:$0x3F94]  }
0x3d: {  	_ =	shalt  }
0x3e: {  	_ =	shalt  }
0x3f: {  	_ =	shalt  }
0x40: {  	_ =	shalt  }
0x41: {  	_ =	shalt  }
0x42: {  	_ =	shalt  }
0x43: {  	_ =	shalt  }
0x44: {  	_ =	shalt  }
0x45: {  	_ =	shalt  }
0x46: {  	_ =	shalt  }
0x47: {  	_ =	shalt  }
0x48: {  	_ =	shalt  }
0x49: {  	_ =	shalt  }
0x4a: {  	_ =	shalt  }
0x4b: {  	_ =	shalt  }
0x4c: {  	_ =	shalt  }
0x4d: {  	_ =	shalt  }
0x4e: {  	_ =	shalt  }
0x4f: {  	_ =	shalt  }
0x50: {  	_ =	shalt  }
0x51: {  	_ =	shalt  }
0x52: {  	_ =	shalt  }
0x53: {  	_ =	shalt  }
0x54: {  	_ =	shalt  }
0x55: {  	_ =	shalt  }
0x56: {  	_ =	shalt  }
0x57: {  	_ =	shalt  }
0x58: {  	_ =	shalt  }
0x59: {  	_ =	shalt  }
0x5a: {  	_ =	shalt  }
0x5b: {  	_ =	shalt  }
0x5c: {  	_ =	shalt  }
0x5d: {  	_ =	shalt  }
0x5e: {  	_ =	shalt  }
0x5f: {  	_ =	shalt  }
0x60: {  	_ =	shalt  }
0x61: {  	_ =	shalt  }
0x62: {  	_ =	shalt  }
0x63: {  	_ =	shalt  }
0x64: {  	_ =	shalt  }
0x65: {  	_ =	shalt  }
0x66: {  	_ =	shalt  }
0x67: {  	_ =	shalt  }
0x68: {  	_ =	shalt  }
0x69: {  	_ =	shalt  }
0x6a: {  	_ =	shalt  }
0x6b: {  	_ =	shalt  }
0x6c: {  	_ =	shalt  }
0x6d: {  	_ =	shalt  }
0x6e: {  	_ =	shalt  }
0x6f: {  	_ =	shalt  }
0x70: {  	_ =	shalt  }
0x71: {  	_ =	shalt  }
0x72: {  	_ =	shalt  }
0x73: {  	_ =	shalt  }
0x74: {  	_ =	shalt  }
0x75: {  	_ =	shalt  }
0x76: {  	_ =	shalt  }
0x77: {  	_ =	shalt  }
0x78: {  	_ =	shalt  }
0x79: {  	_ =	shalt  }
0x7a: {  	_ =	shalt  }
0x7b: {  	_ =	shalt  }
0x7c: {  	_ =	shalt  }
0x7d: {  	_ =	shalt  }
0x7e: {  	_ =	shalt  }
0x7f: {  	_ =	shalt  }
0x80: {  	_ =	shalt  }
0x81: {  	_ =	shalt  }
0x82: {  	_ =	shalt  }
0x83: {  	_ =	shalt  }
0x84: {  	_ =	shalt  }
0x85: {  	_ =	shalt  }
0x86: {  	_ =	shalt  }
0x87: {  	_ =	shalt  }
.Lfunc_end0:
.L_simem_size_0:
called_computation.5_lowered:
.L_overlay_start_0:
0x88: {  	s2 =	sld [smem:$0x3FD9]  }
0x89: {  	s3 =	sld [smem:$0x3FFE];
	_ =	sdelay $0x1  }
0x8a: {  	s1 =	srdreg.scid  }
0x8b: {  	s0 =	sand.u32 $0x1, s1  }
0x8c: {  	s17 =	sshll.u32 s0, $0xA;
	s2 =	sadd.s32 s3, s2  }
0x8d: {  	s2 =	sadd.s32 s2, s17  }
0x8e: {  	[smem:$0x3FA0] =	sst s2  }
0x8f: {  	_ = 	snop  }
0x90: {  	(tm) =	ssettm $0x1  }
0x91: {  	s18 =	sld [smem:$0x3FFB];
	_ =	sdelay $0x3  }
0x92: {  	_ =	strace s18  }
0x93: {  	s2 =	sld [smem:$0x3FFC];
	_ =	sdelay $0x3  }
0x94: {  	_ =	strace s2  }
0x95: {  	s2 =	sld [smem:$0x3FFD];
	_ =	sdelay $0x3  }
0x96: {  	_ =	strace s2  }
0x97: {  	_ =	strace $0x8FFFFFFF  }
0x98: {  	s19 =	sld [smem:$0x3FDB];
	_ =	sdelay $0x1  }
0x99: {  	s20 =	simm.s32 $_scs_section_size  }
0x9a: {  	s4 =	simm.s32 $_size__tile_overlayer_lowered;
	s5 =	simm.s32 $_tile_overlayer_lowered  }
0x9b: {  	s6 =	simm.s32 $0x1BFF;
	s21 =	sshll.u32 s5, $0x1;
	s3 =	sadd.s32 s20, s19  }
0x9c: {  	s22 =	simm.s32 $0x0;
	s4 =	sshll.u32 s4, $0x1;
	s5 =	sadd.s32 s21, s3  }
0x9d: {  	[timem:s22], [sflag:s6] =	dma.local [hbm:s5], s4  }
0x9e: {  	_ =	swait.ge [sflag:s6], s4  }
0x9f: {  	s4 =	ssub.s32 $0x0, s4;
	[sflag:s6] =	ssyncset.done $0x0  }
0xa0: {  	[sflag:s6] =	ssyncadd.s32 s4;
	_ =	sdelay $0x1  }
0xa1: {  	s23 =	simm.s32 $0x1B8B  }
0xa2: {  	_ =	swait.ge [sflag:s23], $0x1  }
0xa3: {  	[sflag:s23] =	ssyncset.done $0x0  }
0xa4: {  	[sflag:s23] =	ssyncadd.s32 $0xFFFFFFFF  }
0xa5: {  	s4 =	sld [smem:$0x0]  }
0xa6: {  	s5 =	sand.u32 $0xFFFFFFFE, s1  }
0xa7: {  	p0 =	sne.s32 s1, s5  }
0xa8: {  	s5 =	sshll.u32 @p0 s5, $0xE  }
0xa9: {  	s5 =	sadd.s32 @p0 $0x11B8D, s5;
	s6 =	sshll.u32 @p0 s4, $0x11  }
0xaa: {  	s5 =	sor.u32 @p0 s6, s5  }
0xab: {  	[sflag:s5] =	ssyncadd.remote.s32 @p0 $0x1;
	_ =	sdelay $0x1  }
0xac: {  	s5 =	simm.s32 @p0 $0x1B8D  }
0xad: {  	_ =	swait.eq @p0 [sflag:s5], $0x1  }
0xae: {  	[sflag:s5] =	ssyncadd.s32 @p0 $0xFFFFFFFF  }
0xaf: {  	s6 =	sshll.u32 @!p0 s1, $0xE  }
0xb0: {  	s6 =	sor.u32 @!p0 $0x4000, s6;
	s5 =	simm.s32 @!p0 $0x1B8D  }
0xb1: {  	s4 =	sshll.u32 @!p0 s4, $0x11;
	s6 =	sadd.s32 @!p0 $0x11B8D, s6;
	_ =	swait.eq @!p0 [sflag:s5], $0x1  }
0xb2: {  	s4 =	sor.u32 @!p0 s4, s6;
	[sflag:s5] =	ssyncadd.s32 @!p0 $0xFFFFFFFF  }
0xb3: {  	s25 =	simm.s32 $0x1B8E;
	s24 =	sld [smem:$0x3FFE];
	[sflag:s4] =	ssyncadd.remote.s32 @!p0 $0x1  }
0xb4: {  	s26 =	simm.s32 $execute0_lowered;
	[smem:$0x3FD2] =	sst s25  }
0xb5: {  	s5 =	sshll.u32 s26, $0x1;
	_ =	strace $0x80000052;
	[dreg:$0x1] =	wrdreg $0xFFFFFFFF  }
0xb6: {  	s28 =	simm.s32 $_size_execute0_lowered;
	s3 =	sadd.s32 s3, s5;
	[dreg:$0x0] =	wrdreg $0x0  }
0xb7: {  	s5 =	sshll.u32 s28, $0x1;
	[dreg:$0x2] =	wrdreg s3  }
0xb8: {  	[dreg:$0x3] =	wrdreg s5  }
0xb9: {  	[dreg:$0x4] =	wrdreg $0xC0  }
0xba: {  	_ =	task [dreg:s22], $0x5FFFF  }
0xbb: {  	[dreg:$0x1] =	wrdreg $0xFFFFFFFF  }
0xbc: {  	[dreg:$0x0] =	wrdreg $0x60  }
0xbd: {  	[dreg:$0x2] =	wrdreg s24  }
0xbe: {  	[dreg:$0x3] =	wrdreg $0xA  }
0xbf: {  	_ =	task.clear_ibuf [dreg:s22], $0x4FFFF;
	_ =	strace $0x90000052  }
0xc0: {  	s29 =	simm.s32 $0xA;
	_ =	strace $0x80000054  }
0xc1: {  	_ =	swait.ge [sflag:s29], $0x1  }
0xc2: {  	[sflag:s29] =	ssyncadd.s32 $0xFFFFFFFF  }
0xc3: {  	_ =	strace $0x90000054  }
0xc4: {  	_ =	sfence  }
0xc5: {  	s30 =	sld [smem:$0x0];
	_ =	sdelay $0x2  }
0xc6: {  	s31 =	sshll.u32 s1, $0xD;
	s1 =	sshrl.u32 s1, $0x2  }
0xc7: {  	s4 =	sand.u32 $0x4000, s31;
	s1 =	sadd.s32 s1, s30  }
0xc8: {  	s0 =	sor.u32 s4, s0;
	s1 =	sshll.u32 s1, $0x11  }
0xc9: {  	s0 =	sor.u32 s1, s0  }
0xca: {  	s0 =	sadd.s32 $0x8F2B, s0  }
0xcb: {  	[sflag:s0] =	ssyncadd.remote.s32 $0x1  }
0xcc: {  	_ =	sfence.sel $0xFFFF  }
0xcd: {  	[dreg:$0x0] =	wrdreg $0xFFFFFFFF;
	(pc) =	sbr.abs _section_cstart, $3  }
0xce: {  	[dreg:$0x1] =	wrdreg $0xFFFFFFFF  }
0xcf: {  	_ =	task.clear_ibuf [dreg:s22], $0x2FFFF;
	_ =	strace $0x9FFFFFFF  }
0xd0: {  	(tm) =	ssettm $0x7FFFFFFF  }
0xd1: {  	_ =	shalt  }
tec
execute0_lowered:
.L_overlay_start_1:
0x0: {  	(tag) =	ssettag $0x1  }
0x1: {  	s4 =	rddreg [dreg:$0x0]  }
0x2: {  	s0 =	rddreg [dreg:$0x1]  }
0x3: {  	s3 =	srdreg.scid;
	s1 =	stileid.u32;
	s2 =	simm.s32 $0x0  }
0x4: {  	s11 =	simm.s32 $0x1;
	s12 =	simm.s32 $0x2;
	s13 =	simm.s32 $0x3  }
0x5: {  	s14 =	simm.s32 $0x0;
	s5 =	sand.u32 $0x1, s3;
	s28 =	sshll.u32 s1, $0x1  }
0x6: {  	[smem:$0x7FF] =	sst s2;
	s7 =	smul.u32 $0x12C00, s1;
	s3 =	sor.u32 s5, s28  }
0x7: {  	_ =	strace $0x80000053;
	s8 =	ssub.s32 $0x2, s5;
	s10 =	smul.u32 $0x9600, s5  }
0x8: {  	s6 =	smul.u32 $0x1900, s3;
	s3 =	sadd.s32 $0x26E00, s4;
	s9 =	sshrl.u32 s8, $0x1  }
0x9: {  	s30 =	sadd.s32 s7, s4;
	s7 =	simm.s32 $0x4;
	s31 =	ssub.s32 s8, s9  }
0xa: {  	s8 =	simm.s32 $0x80;
	s9 =	simm.s32 $0x1900;
	s6 =	sshrl.u32 s6, $0x3  }
0xb: {  	s5 =	smax.u32 s31, $0x1;
	s29 =	sadd.s32 s6, s4;
	s6 =	sadd.s32 s10, s30  }
0xc: {  	s10 =	simm.s32 $0x3100;
	s4 =	sadd.s32 $0x53E00, s29;
	s6 =	sadd.s32 $0x5A200, s6  }
.LBB2_1:
0xd: {  	[tilespmem:s2], [sflag:$0x4] =	stream.linear.gather [hbm4b:s4+s2], $0x1900, $0x38;
	[tilespmem:$0x4900] =	vst v63  }
0xe: {  	_ =	swait.ge [sflag:s7], $0x1900  }
0xf: {  	[sflag:s7] =	ssyncset.done $0x0  }
0x10: {  	s15 =	simm.s32 $0x0;
	[sflag:s7] =	ssyncadd.s32 $0xFFFFE700  }
0x11: {  	[tilespmem:s9], [sflag:$0x1] =	stream.indirect.gather [hbm4b:s3+s8], $0x30, s15, s8, $0xb8;
	[tilespmem:$0x4900] =	vst v63  }
0x12: {  	s30 =	simm.s32 $0x80  }
0x13: {  	[tilespmem:s10], [sflag:$0x2] =	stream.indirect.gather [hbm4b:s3+s8], $0x30, s30, s8, $0xb8;
	[tilespmem:$0x4900] =	vst v63  }
0x14: {  	_ =	swait.ge [sflag:s11], $0x1800  }
0x15: {  	[sflag:s11] =	ssyncset.done $0x0  }
0x16: {  	[sflag:s11] =	ssyncadd.s32 $0xFFFFE800  }
0x17: {  	[hbm4b:s6+s2] =	stream.linear.scatter [tilespmem:s9], [sflag:$0x3], $0x1800, $0x38;
	[tilespmem:$0x4900] =	vst v63  }
0x18: {  	_ =	swait.ge [sflag:s12], $0x1800  }
0x19: {  	[sflag:s12] =	ssyncset.done $0x0  }
0x1a: {  	[sflag:s12] =	ssyncadd.s32 $0xFFFFE800  }
0x1b: {  	_ =	swait.ge [sflag:s13], $0x1800  }
0x1c: {  	[sflag:s13] =	ssyncset.done $0x0  }
0x1d: {  	s31 =	sadd.s32 $0x300, s6;
	[sflag:s13] =	ssyncadd.s32 $0xFFFFE800  }
0x1e: {  	[hbm4b:s31+s2] =	stream.linear.scatter [tilespmem:s10], [sflag:$0x3], $0x1800, $0x38;
	[tilespmem:$0x4900] =	vst v63  }
0x1f: {  	s16 =	simm.s32 $0x400;
	_ =	swait.ge [sflag:s13], $0x1800  }
0x20: {  	s17 =	simm.s32 $0x800;
	s15 =	sadd.s32 $0x600, s6;
	[sflag:s13] =	ssyncset.done $0x0  }
.LBB2_2:
0x21: {  	s18 =	sshra.s32 s16, $0x2  }
0x22: {  	[sflag:s13] =	ssyncadd.s32 $0xFFFFE800;
	s16 =	smov.u32 s17;
	s19 =	sadd.s32 $0x400, s17  }
0x23: {  	[tilespmem:s9], [sflag:$0x1] =	stream.indirect.gather [hbm4b:s3+s8], $0x30, s18, s8, $0xb8;
	[tilespmem:$0x4900] =	vst v63  }
0x24: {  	p0 =	sne.s32 s17, $0x6000;
	s17 =	sadd.s32 $0x80, s18  }
0x25: {  	[tilespmem:s10], [sflag:$0x2] =	stream.indirect.gather [hbm4b:s3+s8], $0x30, s17, s8, $0xb8;
	[tilespmem:$0x4900] =	vst v63  }
0x26: {  	_ =	swait.ge [sflag:s11], $0x1800  }
0x27: {  	[sflag:s11] =	ssyncset.done $0x0  }
0x28: {  	[sflag:s11] =	ssyncadd.s32 $0xFFFFE800  }
0x29: {  	[hbm4b:s15+s2] =	stream.linear.scatter [tilespmem:s9], [sflag:$0x3], $0x1800, $0x38;
	[tilespmem:$0x4900] =	vst v63  }
0x2a: {  	_ =	swait.ge [sflag:s12], $0x1800  }
0x2b: {  	[sflag:s12] =	ssyncset.done $0x0  }
0x2c: {  	[sflag:s12] =	ssyncadd.s32 $0xFFFFE800  }
0x2d: {  	_ =	swait.ge [sflag:s13], $0x1800  }
.Ltmp0:
0x2e: {  	[sflag:s13] =	ssyncset.done $0x0;
	(pc) =	sbr.rel @p0 .LBB2_2-.Ltmp0, $4  }
0x2f: {  	s17 =	sadd.s32 $0x300, s15;
	[sflag:s13] =	ssyncadd.s32 $0xFFFFE800  }
0x30: {  	[hbm4b:s17+s2] =	stream.linear.scatter [tilespmem:s10], [sflag:$0x3], $0x1800, $0x38;
	[tilespmem:$0x4900] =	vst v63  }
0x31: {  	_ =	swait.ge [sflag:s13], $0x1800  }
0x32: {  	s15 =	sadd.s32 $0x600, s15;
	s17 =	smov.u32 s19;
	[sflag:s13] =	ssyncset.done $0x0  }
0x33: {  	s16 =	sshra.s32 s16, $0x2;
	[sflag:s13] =	ssyncadd.s32 $0xFFFFE800  }
0x34: {  	[tilespmem:s9], [sflag:$0x1] =	stream.indirect.gather [hbm4b:s3+s8], $0x30, s16, s8, $0xb8;
	[tilespmem:$0x4900] =	vst v63  }
0x35: {  	s16 =	sadd.s32 $0x80, s16  }
0x36: {  	[tilespmem:s10], [sflag:$0x2] =	stream.indirect.gather [hbm4b:s3+s8], $0x30, s16, s8, $0xb8;
	[tilespmem:$0x4900] =	vst v63  }
0x37: {  	_ =	swait.ge [sflag:s11], $0x1800  }
0x38: {  	[sflag:s11] =	ssyncset.done $0x0  }
0x39: {  	[sflag:s11] =	ssyncadd.s32 $0xFFFFE800  }
0x3a: {  	[hbm4b:s15+s2] =	stream.linear.scatter [tilespmem:s9], [sflag:$0x3], $0x1800, $0x38;
	[tilespmem:$0x4900] =	vst v63  }
0x3b: {  	_ =	swait.ge [sflag:s12], $0x1800  }
0x3c: {  	[sflag:s12] =	ssyncset.done $0x0  }
0x3d: {  	[sflag:s12] =	ssyncadd.s32 $0xFFFFE800  }
0x3e: {  	s14 =	sadd.s32 $0x1, s14;
	_ =	swait.ge [sflag:s13], $0x1800  }
0x3f: {  	p0 =	sne.s32 s14, s5;
	[sflag:s13] =	ssyncset.done $0x0  }
.Ltmp1:
0x40: {  	s31 =	sadd.s32 $0x300, s15;
	[sflag:s13] =	ssyncadd.s32 $0xFFFFE800;
	(pc) =	sbr.rel @p0 .LBB2_1-.Ltmp1, $4  }
0x41: {  	[hbm4b:s31+s2] =	stream.linear.scatter [tilespmem:s10], [sflag:$0x3], $0x1800, $0x38;
	[tilespmem:$0x4900] =	vst v63  }
0x42: {  	_ =	swait.ge [sflag:s13], $0x1800  }
0x43: {  	[sflag:s13] =	ssyncset.done $0x0  }
0x44: {  	[sflag:s13] =	ssyncadd.s32 $0xFFFFE800  }
0x45: {  	_ =	sfence.sel $0x180000  }
0x46: {  	[bflag:$0x0] =	sbarrier.arrive $0xFFFF  }
0x47: {  	p0 =	sne.s32 s1, $0x0;
	_ =	strace $0x90000053  }
0x48: {  	s0 =	sadd.s32 @!p0 $0x100000, s0;
	[bflag:$0x2] =	sbarrier.arrive $0xFFFF  }
0x49: {  	[sflag:s0] =	ssyncadd.tile.s32 @!p0 $0x1;
	_ =	shalt  }
.Lfunc_end2:
_tile_overlayer_lowered:
.L_overlay_start_2:
0x4a: {  	(tag) =	ssettag $0x2  }
0x4b: {  	s0 =	rddreg [dreg:$0x0];
	s2 =	stileid.u32  }
0x4c: {  	s1 =	rddreg [dreg:$0x1];
	p0 =	sne.s32 s2, $0x0  }
0x4d: {  	s3 =	rddreg [dreg:$0x2];
	[bflag:$0x3] =	sbarrier.arrive $0xFFFF;
	s2 =	simm.s32 @!p0 $0x1C04  }
0x4e: {  	[timem:s3], [sflag:s2] =	dma.local @!p0 [hbm:s0], s1  }
0x4f: {  	s0 =	simm.s32 @!p0 $0x4  }
0x50: {  	_ =	swait.ge @!p0 [sflag:s0], s1  }
0x51: {  	s1 =	ssub.s32 @!p0 $0x0, s1;
	[sflag:s0] =	ssyncset.done @!p0 $0x0  }
0x52: {  	[sflag:s0] =	ssyncadd.s32 @!p0 s1  }
0x53: {  	[bflag:$0x3] =	sbarrier.arrive $0xFFFF  }
0x54: {  	_ =	shalt  }

</sc_bundles>
